<compile_context>
chip_gen: v7x
topology: tpu7x:2x2x1
jax: 0.10.2.dev20260603
libtpu: 0.0.44.dev20260713+nightly
codegen_flags: <defaults>
</compile_context>

<pallas_src>
import functools

import jax
import jax.numpy as jnp
from jax import lax
from jax.experimental import pallas as pl
from jax.experimental.pallas import tpu as pltpu
from jax.experimental.pallas import tpu_sc as plsc

ROWS = 128
N = 32768
NBINS = 2048
K = 8
CHUNK = N // K
CHUNK_VREGS = CHUNK // 16
SIGN = -2147483648


def _keys(v_f32):
    b = plsc.bitcast(v_f32, jnp.int32)
    m = lax.shift_right_arithmetic(b, 31)
    return lax.bitwise_xor(b, lax.bitwise_or(m, jnp.int32(SIGN)))


def _chunk_prefixes(hs):
    t01 = hs[0] + hs[1]
    t23 = hs[2] + hs[3]
    t45 = hs[4] + hs[5]
    t67 = hs[6] + hs[7]
    pre4 = t01 + t23
    t4567 = t45 + t67
    pre = [
        None,
        hs[0],
        t01,
        t01 + hs[2],
        pre4,
        pre4 + hs[4],
        pre4 + t45,
        pre4 + t45 + hs[6],
    ]
    return pre, pre4 + t4567


def _scan_step(load_h, store_off, carry, zero_src):
    hs = [load_h(c) for c in range(K)]
    pre, total = _chunk_prefixes(hs)
    incl = plsc.cumsum(total)
    base = incl - total + carry
    store_off(0, base)
    for c in range(1, K):
        store_off(c, base + pre[c])
    if zero_src is not None:
        zeros = jnp.zeros((16,), jnp.int32)
        for c in range(K):
            zero_src(c, zeros)
    return carry + jnp.sum(total)


def _scan_ga_inplace(ga):

    def body(i, carry):
        for j in (4 * i, 4 * i + 1, 4 * i + 2, 4 * i + 3):
            sl = pl.ds(j * 16, 16)
            carry = _scan_step(
                lambda c: ga[c][sl],
                lambda c, v: ga[c].__setitem__(sl, v),
                carry,
                None,
            )
        return carry

    lax.fori_loop(0, NBINS // 64, body, jnp.int32(0))


def _transfer_scan(gb, ga):

    def body(i, carry):
        for j in (4 * i, 4 * i + 1, 4 * i + 2, 4 * i + 3):
            sl = pl.ds(j * 16, 16)

            def gbsl(c, j=j):
                return pl.ds(c * NBINS + j * 16, 16)

            carry = _scan_step(
                lambda c: gb[gbsl(c)],
                lambda c, v: ga[c].__setitem__(sl, v),
                carry,
                lambda c, z: gb.__setitem__(gbsl(c), z),
            )
        return carry

    lax.fori_loop(0, NBINS // 64, body, jnp.int32(0))


def _perm_sweep(src_digit_payload, dst, ga, gb, next_digit, cast_f32):
    ones = jnp.full((16,), 1, jnp.int32)

    def load_dp(i):
        dps = [src_digit_payload(c, i) for c in range(K)]
        return tuple(d for d, _p in dps) + tuple(p for _d, p in dps)

    def process(carry):
        ds, ps = carry[:K], carry[K:]
        scans = [plsc.scan_count(d) for d in ds]
        bases = [plsc.load_gather(ga[c], [ds[c]]) for c in range(K)]
        poss = [bases[c] + scans[c][0] - 1 for c in range(K)]
        for c in range(K):
            cnt, last = scans[c]
            val = plsc.bitcast(ps[c], jnp.float32) if cast_f32 else ps[c]
            plsc.store_scatter(dst, [poss[c]], val)
            plsc.addupdate_scatter(ga[c], [ds[c]], cnt, mask=last)
        if next_digit is not None:
            for c in range(K):
                nh = lax.bitwise_or(
                    lax.shift_left(lax.shift_right_logical(poss[c], 12), 11),
                    next_digit(ps[c]),
                )
                plsc.addupdate_scatter(gb, [nh], ones)

    def body(i, carry):
        nxt = load_dp(i + 1)
        process(carry)
        return nxt

    last_carry = lax.fori_loop(0, CHUNK_VREGS - 1, body, load_dp(0))
    process(last_carry)


def _d2(p):
    return lax.bitwise_and(p, jnp.int32(0x7FF))


def _d3(p):
    return lax.bitwise_and(p, jnp.int32(0x3FF))


def _body(x_hbm, out_hbm, xb, b, gb, in_sem, out_sem, *ga):
    ga = list(ga)
    cid = lax.axis_index("c")
    sid = lax.axis_index("s")
    wid = sid * 2 + cid

    zeros = jnp.zeros((16,), jnp.int32)

    @plsc.parallel_loop(0, K * NBINS // 16, unroll=8)
    def _zb_loop(i):
        gb[pl.ds(i * 16, 16)] = zeros

    pltpu.async_copy(x_hbm.at[wid * 4], xb, in_sem)

    def do_row(rr, _):
        row = wid * 4 + rr

        @plsc.parallel_loop(0, NBINS // 16, unroll=4)
        def _za_loop(i):
            sl = pl.ds(i * 16, 16)
            for c in range(K):
                ga[c][sl] = zeros

        pltpu.make_async_copy(x_hbm.at[row], xb, in_sem).wait()

        def src1(c, i):
            key = _keys(xb[pl.ds(c * CHUNK + i * 16, 16)])
            d = lax.bitwise_and(key, jnp.int32(0x7FF))
            p = lax.shift_right_logical(key, 11)
            if c < K // 2:
                p = lax.bitwise_or(p, jnp.int32(SIGN))
            return d, p

        def src2(c, i):
            w = b[pl.ds(c * CHUNK + i * 16, 16)]
            d = lax.bitwise_and(w, jnp.int32(0x7FF))
            p = lax.shift_right_logical(w, 11)
            return d, p

        def src3(c, i):
            w = plsc.bitcast(xb[pl.ds(c * CHUNK + i * 16, 16)], jnp.int32)
            d = lax.bitwise_and(w, jnp.int32(0x3FF))
            return d, lax.shift_right_logical(w, 20)

        ones = jnp.full((16,), 1, jnp.int32)

        @plsc.parallel_loop(0, CHUNK_VREGS, unroll=4)
        def _h1_loop(i):
            ds = [src1(c, i)[0] for c in range(K)]
            for c in range(K):
                plsc.addupdate_scatter(ga[c], [ds[c]], ones)
        _scan_ga_inplace(ga)

        @pl.when(rr > 0)
        def _():
            pltpu.make_async_copy(b, out_hbm.at[row], out_sem).wait()

        _perm_sweep(src1, b, ga, gb, _d2, cast_f32=False)

        _transfer_scan(gb, ga)
        _perm_sweep(src2, xb, ga, gb, _d3, cast_f32=True)

        _transfer_scan(gb, ga)
        _perm_sweep(src3, b, ga, None, None, cast_f32=False)

        pltpu.async_copy(b, out_hbm.at[row], out_sem)

        @pl.when(rr < ROWS // 32 - 1)
        def _():
            pltpu.async_copy(x_hbm.at[row + 1], xb, in_sem)

        return 0

    lax.fori_loop(0, ROWS // 32, do_row, 0)
    pltpu.make_async_copy(b, out_hbm.at[wid * 4 + ROWS // 32 - 1], out_sem).wait()


@jax.jit
def _feature_select(x):
    mesh = plsc.VectorSubcoreMesh(core_axis_name="c", subcore_axis_name="s")
    run = functools.partial(
        pl.kernel,
        out_type=jax.ShapeDtypeStruct((ROWS, N), jnp.int32),
        mesh=mesh,
        scratch_types=[
            pltpu.VMEM((N,), jnp.float32),
            pltpu.VMEM((N,), jnp.int32),
            pltpu.VMEM((K * NBINS,), jnp.int32),
            pltpu.SemaphoreType.DMA,
            pltpu.SemaphoreType.DMA,
        ]
        + [pltpu.VMEM((NBINS,), jnp.int32) for _ in range(K)],
        compiler_params=pltpu.CompilerParams(needs_layout_passes=False),
    )(_body)
    return run(x)


def kernel(x):
    return _feature_select(x)

# --- scband reference (transcript-rebuilt; emitter-appended) ---
"""Pipeline reference for scband-feature-select-1580547973607 (READ-ONLY COPY).

The authoritative reference and input builder live on the scoring server;
editing this copy changes nothing except your own understanding.
"""

import jax, jax.numpy as jnp
import numpy as np

IN_DIM = 32768
RATIO = 0.5
SELECT_DIM = int(IN_DIM * RATIO)

def setup_inputs(seed: int = 0) -> dict:
    key = jax.random.key(seed)
    x = jax.random.normal(key, (128, IN_DIM), dtype=jnp.float32)
    return {"x": x}

def reference(x):
    # idx = torch.argsort(x, dim=1)
    idx = jnp.argsort(x, axis=1)
    # idx[idx < select_dim] = 1 ; idx[idx >= select_dim] = 0
    # Net effect: v[b, j] = 1 if idx[b, j] < select_dim else 0
    v = (idx < SELECT_DIM).astype(jnp.int64)
    return v

if __name__ == "__main__":
    import jax
    _d = setup_inputs()
    print(jax.jit(kernel)(*tuple(_d.values())))

</pallas_src>

<mosaic_0001>
#map = affine_map<(d0, d1) -> (0, 0)>
module attributes {stable_mosaic.version = 14 : i64} {
  func.func @_body(%arg0: i32, %arg1: i32, %arg2: memref<128x32768xf32, #tpu.memory_space<hbm>>, %arg3: memref<128x32768xi32, #tpu.memory_space<hbm>>, %arg4: memref<32768xf32, #tpu.memory_space<vmem>>, %arg5: memref<32768xi32, #tpu.memory_space<vmem>>, %arg6: memref<16384xi32, #tpu.memory_space<vmem>>, %arg7: memref<!tpu.dma_semaphore, #tpu.memory_space<semaphore_mem>>, %arg8: memref<!tpu.dma_semaphore, #tpu.memory_space<semaphore_mem>>, %arg9: memref<2048xi32, #tpu.memory_space<vmem>>, %arg10: memref<2048xi32, #tpu.memory_space<vmem>>, %arg11: memref<2048xi32, #tpu.memory_space<vmem>>, %arg12: memref<2048xi32, #tpu.memory_space<vmem>>, %arg13: memref<2048xi32, #tpu.memory_space<vmem>>, %arg14: memref<2048xi32, #tpu.memory_space<vmem>>, %arg15: memref<2048xi32, #tpu.memory_space<vmem>>, %arg16: memref<2048xi32, #tpu.memory_space<vmem>>) attributes {dimension_semantics = [#tpu.dimension_semantics<core_parallel>, #tpu.dimension_semantics<subcore_parallel>], iteration_bounds = array<i64: 2, 16>, scalar_prefetch = 0 : i64, scratch_operands = 13 : i64, tpu.core_type = #tpu.core_type<sc_vector_subcore>, window_params = [{transform_indices = #map}, {transform_indices = #map}]} {
    %mul3A = arith.constant 2 : i32
    %mul3A_0 = arith.muli %arg1, %mul3A : i32
    %add3A = arith.addi %mul3A_0, %arg0 : i32
    %broadcast_in_dim3A = arith.constant 0 : i32
    %broadcast_in_dim3A_1 = vector.broadcast %broadcast_in_dim3A : i32 to vector<16xi32>
    %parallel_loop3A = arith.constant 0 : i32
    %parallel_loop3A_2 = arith.constant 1024 : i32
    %parallel_loop3A_3 = arith.constant 1 : i32
    scf.for %parallel_loop3A_27 = %parallel_loop3A to %parallel_loop3A_2 step %parallel_loop3A_3  : i32 {
      %parallel_loop3A_28 = arith.constant 16 : i32
      %parallel_loop3A_29 = arith.muli %parallel_loop3A_27, %parallel_loop3A_28 : i32
      %parallel_loop3A_30 = arith.index_cast %parallel_loop3A_29 : i32 to index
      %parallel_loop3A_31 = tpu.vector_load %arg6[%parallel_loop3A_30] {strides = array<i32>} : memref<16384xi32, #tpu.memory_space<vmem>>, vector<16xi32>,
      tpu.vector_store %arg6[%parallel_loop3A_30], %broadcast_in_dim3A_1 {strides = array<i32>} : memref<16384xi32, #tpu.memory_space<vmem>>, vector<16xi32>,
    } {sc.loop_unroll_factor = 8 : i64, sc.parallel_access}
    %mul3A_4 = arith.constant 4 : i32
    %mul3A_5 = arith.muli %add3A, %mul3A_4 : i32
    %dma_start3A = arith.constant 0 : i32
    %dma_start3A_6 = tpu.memref_slice %arg2[%mul3A_5, %dma_start3A] : memref<128x32768xf32, #tpu.memory_space<hbm>> -> memref<1x32768xf32, #tpu.memory_space<hbm>>
    %dma_start3A_7 = tpu.memref_squeeze %dma_start3A_6 : memref<1x32768xf32, #tpu.memory_space<hbm>> -> memref<32768xf32, #tpu.memory_space<hbm>>
    %dma_start3A_8 = arith.constant 0 : i32
    %dma_start3A_9 = tpu.memref_slice %arg2[%mul3A_5, %dma_start3A_8] : memref<128x32768xf32, #tpu.memory_space<hbm>> -> memref<1x32768xf32, #tpu.memory_space<hbm>>
    %dma_start3A_10 = tpu.memref_squeeze %dma_start3A_9 : memref<1x32768xf32, #tpu.memory_space<hbm>> -> memref<32768xf32, #tpu.memory_space<hbm>>
    tpu.enqueue_dma source(%dma_start3A_10 : memref<32768xf32, #tpu.memory_space<hbm>>) target(%arg4 : memref<32768xf32, #tpu.memory_space<vmem>>) target_semaphore(%arg7 : memref<!tpu.dma_semaphore, #tpu.memory_space<semaphore_mem>>)
    %scan3A = arith.constant 0 : i32
    %scan3A_11 = arith.constant 0 : i32
    %scan3A_12 = arith.constant 4 : i32
    %scan3A_13 = arith.addi %scan3A_11, %scan3A_12 : i32
    %scan3A_14 = arith.constant 1 : i32
    %scan3A_15 = scf.for %scan3A_27 = %scan3A_11 to %scan3A_13 step %scan3A_14 iter_args(%scan3A_28 = %scan3A) -> (i32)  : i32 {
      %mul3A_29 = arith.constant 4 : i32
      %mul3A_30 = arith.muli %add3A, %mul3A_29 : i32
      %add3A_31 = arith.addi %mul3A_30, %scan3A_27 : i32
      %parallel_loop3A_32 = arith.constant 0 : i32
      %parallel_loop3A_33 = arith.constant 128 : i32
      %parallel_loop3A_34 = arith.constant 1 : i32
      scf.for %parallel_loop3A_754 = %parallel_loop3A_32 to %parallel_loop3A_33 step %parallel_loop3A_34  : i32 {
        %parallel_loop3A_755 = arith.constant 16 : i32
        %parallel_loop3A_756 = arith.muli %parallel_loop3A_754, %parallel_loop3A_755 : i32
        %parallel_loop3A_757 = arith.index_cast %parallel_loop3A_756 : i32 to index
        %parallel_loop3A_758 = tpu.vector_load %arg9[%parallel_loop3A_757] {strides = array<i32>} : memref<2048xi32, #tpu.memory_space<vmem>>, vector<16xi32>,
        tpu.vector_store %arg9[%parallel_loop3A_757], %broadcast_in_dim3A_1 {strides = array<i32>} : memref<2048xi32, #tpu.memory_space<vmem>>, vector<16xi32>,
        %parallel_loop3A_759 = arith.index_cast %parallel_loop3A_756 : i32 to index
        %parallel_loop3A_760 = tpu.vector_load %arg10[%parallel_loop3A_759] {strides = array<i32>} : memref<2048xi32, #tpu.memory_space<vmem>>, vector<16xi32>,
        tpu.vector_store %arg10[%parallel_loop3A_759], %broadcast_in_dim3A_1 {strides = array<i32>} : memref<2048xi32, #tpu.memory_space<vmem>>, vector<16xi32>,
        %parallel_loop3A_761 = arith.index_cast %parallel_loop3A_756 : i32 to index
        %parallel_loop3A_762 = tpu.vector_load %arg11[%parallel_loop3A_761] {strides = array<i32>} : memref<2048xi32, #tpu.memory_space<vmem>>, vector<16xi32>,
        tpu.vector_store %arg11[%parallel_loop3A_761], %broadcast_in_dim3A_1 {strides = array<i32>} : memref<2048xi32, #tpu.memory_space<vmem>>, vector<16xi32>,
        %parallel_loop3A_763 = arith.index_cast %parallel_loop3A_756 : i32 to index
        %parallel_loop3A_764 = tpu.vector_load %arg12[%parallel_loop3A_763] {strides = array<i32>} : memref<2048xi32, #tpu.memory_space<vmem>>, vector<16xi32>,
        tpu.vector_store %arg12[%parallel_loop3A_763], %broadcast_in_dim3A_1 {strides = array<i32>} : memref<2048xi32, #tpu.memory_space<vmem>>, vector<16xi32>,
        %parallel_loop3A_765 = arith.index_cast %parallel_loop3A_756 : i32 to index
        %parallel_loop3A_766 = tpu.vector_load %arg13[%parallel_loop3A_765] {strides = array<i32>} : memref<2048xi32, #tpu.memory_space<vmem>>, vector<16xi32>,
        tpu.vector_store %arg13[%parallel_loop3A_765], %broadcast_in_dim3A_1 {strides = array<i32>} : memref<2048xi32, #tpu.memory_space<vmem>>, vector<16xi32>,
        %parallel_loop3A_767 = arith.index_cast %parallel_loop3A_756 : i32 to index
        %parallel_loop3A_768 = tpu.vector_load %arg14[%parallel_loop3A_767] {strides = array<i32>} : memref<2048xi32, #tpu.memory_space<vmem>>, vector<16xi32>,
        tpu.vector_store %arg14[%parallel_loop3A_767], %broadcast_in_dim3A_1 {strides = array<i32>} : memref<2048xi32, #tpu.memory_space<vmem>>, vector<16xi32>,
        %parallel_loop3A_769 = arith.index_cast %parallel_loop3A_756 : i32 to index
        %parallel_loop3A_770 = tpu.vector_load %arg15[%parallel_loop3A_769] {strides = array<i32>} : memref<2048xi32, #tpu.memory_space<vmem>>, vector<16xi32>,
        tpu.vector_store %arg15[%parallel_loop3A_769], %broadcast_in_dim3A_1 {strides = array<i32>} : memref<2048xi32, #tpu.memory_space<vmem>>, vector<16xi32>,
        %parallel_loop3A_771 = arith.index_cast %parallel_loop3A_756 : i32 to index
        %parallel_loop3A_772 = tpu.vector_load %arg16[%parallel_loop3A_771] {strides = array<i32>} : memref<2048xi32, #tpu.memory_space<vmem>>, vector<16xi32>,
        tpu.vector_store %arg16[%parallel_loop3A_771], %broadcast_in_dim3A_1 {strides = array<i32>} : memref<2048xi32, #tpu.memory_space<vmem>>, vector<16xi32>,
      } {sc.loop_unroll_factor = 4 : i64, sc.parallel_access}
      %dma_wait3A_35 = arith.constant 0 : i32
      %dma_wait3A_36 = tpu.memref_slice %arg2[%add3A_31, %dma_wait3A_35] : memref<128x32768xf32, #tpu.memory_space<hbm>> -> memref<1x32768xf32, #tpu.memory_space<hbm>>
      %dma_wait3A_37 = tpu.memref_squeeze %dma_wait3A_36 : memref<1x32768xf32, #tpu.memory_space<hbm>> -> memref<32768xf32, #tpu.memory_space<hbm>>
      %dma_wait3A_38 = arith.constant 0 : i32
      %dma_wait3A_39 = tpu.memref_slice %arg2[%add3A_31, %dma_wait3A_38] : memref<128x32768xf32, #tpu.memory_space<hbm>> -> memref<1x32768xf32, #tpu.memory_space<hbm>>
      %dma_wait3A_40 = tpu.memref_squeeze %dma_wait3A_39 : memref<1x32768xf32, #tpu.memory_space<hbm>> -> memref<32768xf32, #tpu.memory_space<hbm>>
      tpu.wait_dma2 semaphore(%arg7 : memref<!tpu.dma_semaphore, #tpu.memory_space<semaphore_mem>>) src(%dma_wait3A_40 : memref<32768xf32, #tpu.memory_space<hbm>>) dst(%arg4 : memref<32768xf32, #tpu.memory_space<vmem>>)
      %broadcast_in_dim3A_41 = arith.constant 1 : i32
      %broadcast_in_dim3A_42 = vector.broadcast %broadcast_in_dim3A_41 : i32 to vector<16xi32>
      %parallel_loop3A_43 = arith.constant 0 : i32
      %parallel_loop3A_44 = arith.constant 256 : i32
      %parallel_loop3A_45 = arith.constant 1 : i32
      scf.for %parallel_loop3A_754 = %parallel_loop3A_43 to %parallel_loop3A_44 step %parallel_loop3A_45  : i32 {
        %parallel_loop3A_755 = arith.constant 16 : i32
        %parallel_loop3A_756 = arith.muli %parallel_loop3A_754, %parallel_loop3A_755 : i32
        %parallel_loop3A_757 = arith.constant 0 : i32
        %parallel_loop3A_758 = arith.addi %parallel_loop3A_757, %parallel_loop3A_756 : i32
        %parallel_loop3A_759 = arith.index_cast %parallel_loop3A_758 : i32 to index
        %parallel_loop3A_760 = tpu.vector_load %arg4[%parallel_loop3A_759] {strides = array<i32>} : memref<32768xf32, #tpu.memory_space<vmem>>, vector<16xf32>,
        %parallel_loop3A_761 = vector.bitcast %parallel_loop3A_760 : vector<16xf32> to vector<16xi32>
        %parallel_loop3A_762 = arith.constant 31 : i32
        %parallel_loop3A_763 = vector.broadcast %parallel_loop3A_762 : i32 to vector<16xi32>
        %parallel_loop3A_764 = arith.shrsi %parallel_loop3A_761, %parallel_loop3A_763 : vector<16xi32>
        %parallel_loop3A_765 = arith.constant -2147483648 : i32
        %parallel_loop3A_766 = vector.broadcast %parallel_loop3A_765 : i32 to vector<16xi32>
        %parallel_loop3A_767 = arith.ori %parallel_loop3A_764, %parallel_loop3A_766 : vector<16xi32>
        %parallel_loop3A_768 = arith.xori %parallel_loop3A_761, %parallel_loop3A_767 : vector<16xi32>
        %parallel_loop3A_769 = arith.constant 2047 : i32
        %parallel_loop3A_770 = vector.broadcast %parallel_loop3A_769 : i32 to vector<16xi32>
        %parallel_loop3A_771 = arith.andi %parallel_loop3A_768, %parallel_loop3A_770 : vector<16xi32>
        %parallel_loop3A_772 = arith.constant 11 : i32
        %parallel_loop3A_773 = vector.broadcast %parallel_loop3A_772 : i32 to vector<16xi32>
        %parallel_loop3A_774 = arith.shrui %parallel_loop3A_768, %parallel_loop3A_773 : vector<16xi32>
        %parallel_loop3A_775 = arith.constant -2147483648 : i32
        %parallel_loop3A_776 = vector.broadcast %parallel_loop3A_775 : i32 to vector<16xi32>
        %parallel_loop3A_777 = arith.ori %parallel_loop3A_774, %parallel_loop3A_776 : vector<16xi32>
        %parallel_loop3A_778 = arith.constant 16 : i32
        %parallel_loop3A_779 = arith.muli %parallel_loop3A_754, %parallel_loop3A_778 : i32
        %parallel_loop3A_780 = arith.constant 4096 : i32
        %parallel_loop3A_781 = arith.addi %parallel_loop3A_780, %parallel_loop3A_779 : i32
        %parallel_loop3A_782 = arith.index_cast %parallel_loop3A_781 : i32 to index
        %parallel_loop3A_783 = tpu.vector_load %arg4[%parallel_loop3A_782] {strides = array<i32>} : memref<32768xf32, #tpu.memory_space<vmem>>, vector<16xf32>,
        %parallel_loop3A_784 = vector.bitcast %parallel_loop3A_783 : vector<16xf32> to vector<16xi32>
        %parallel_loop3A_785 = arith.constant 31 : i32
        %parallel_loop3A_786 = vector.broadcast %parallel_loop3A_785 : i32 to vector<16xi32>
        %parallel_loop3A_787 = arith.shrsi %parallel_loop3A_784, %parallel_loop3A_786 : vector<16xi32>
        %parallel_loop3A_788 = arith.constant -2147483648 : i32
        %parallel_loop3A_789 = vector.broadcast %parallel_loop3A_788 : i32 to vector<16xi32>
        %parallel_loop3A_790 = arith.ori %parallel_loop3A_787, %parallel_loop3A_789 : vector<16xi32>
        %parallel_loop3A_791 = arith.xori %parallel_loop3A_784, %parallel_loop3A_790 : vector<16xi32>
        %parallel_loop3A_792 = arith.constant 2047 : i32
        %parallel_loop3A_793 = vector.broadcast %parallel_loop3A_792 : i32 to vector<16xi32>
        %parallel_loop3A_794 = arith.andi %parallel_loop3A_791, %parallel_loop3A_793 : vector<16xi32>
        %parallel_loop3A_795 = arith.constant 11 : i32
        %parallel_loop3A_796 = vector.broadcast %parallel_loop3A_795 : i32 to vector<16xi32>
        %parallel_loop3A_797 = arith.shrui %parallel_loop3A_791, %parallel_loop3A_796 : vector<16xi32>
        %parallel_loop3A_798 = arith.constant -2147483648 : i32
        %parallel_loop3A_799 = vector.broadcast %parallel_loop3A_798 : i32 to vector<16xi32>
        %parallel_loop3A_800 = arith.ori %parallel_loop3A_797, %parallel_loop3A_799 : vector<16xi32>
        %parallel_loop3A_801 = arith.constant 16 : i32
        %parallel_loop3A_802 = arith.muli %parallel_loop3A_754, %parallel_loop3A_801 : i32
        %parallel_loop3A_803 = arith.constant 8192 : i32
        %parallel_loop3A_804 = arith.addi %parallel_loop3A_803, %parallel_loop3A_802 : i32
        %parallel_loop3A_805 = arith.index_cast %parallel_loop3A_804 : i32 to index
        %parallel_loop3A_806 = tpu.vector_load %arg4[%parallel_loop3A_805] {strides = array<i32>} : memref<32768xf32, #tpu.memory_space<vmem>>, vector<16xf32>,
        %parallel_loop3A_807 = vector.bitcast %parallel_loop3A_806 : vector<16xf32> to vector<16xi32>
        %parallel_loop3A_808 = arith.constant 31 : i32
        %parallel_loop3A_809 = vector.broadcast %parallel_loop3A_808 : i32 to vector<16xi32>
        %parallel_loop3A_810 = arith.shrsi %parallel_loop3A_807, %parallel_loop3A_809 : vector<16xi32>
        %parallel_loop3A_811 = arith.constant -2147483648 : i32
        %parallel_loop3A_812 = vector.broadcast %parallel_loop3A_811 : i32 to vector<16xi32>
        %parallel_loop3A_813 = arith.ori %parallel_loop3A_810, %parallel_loop3A_812 : vector<16xi32>
        %parallel_loop3A_814 = arith.xori %parallel_loop3A_807, %parallel_loop3A_813 : vector<16xi32>
        %parallel_loop3A_815 = arith.constant 2047 : i32
        %parallel_loop3A_816 = vector.broadcast %parallel_loop3A_815 : i32 to vector<16xi32>
        %parallel_loop3A_817 = arith.andi %parallel_loop3A_814, %parallel_loop3A_816 : vector<16xi32>
        %parallel_loop3A_818 = arith.constant 11 : i32
        %parallel_loop3A_819 = vector.broadcast %parallel_loop3A_818 : i32 to vector<16xi32>
        %parallel_loop3A_820 = arith.shrui %parallel_loop3A_814, %parallel_loop3A_819 : vector<16xi32>
        %parallel_loop3A_821 = arith.constant -2147483648 : i32
        %parallel_loop3A_822 = vector.broadcast %parallel_loop3A_821 : i32 to vector<16xi32>
        %parallel_loop3A_823 = arith.ori %parallel_loop3A_820, %parallel_loop3A_822 : vector<16xi32>
        %parallel_loop3A_824 = arith.constant 16 : i32
        %parallel_loop3A_825 = arith.muli %parallel_loop3A_754, %parallel_loop3A_824 : i32
        %parallel_loop3A_826 = arith.constant 12288 : i32
        %parallel_loop3A_827 = arith.addi %parallel_loop3A_826, %parallel_loop3A_825 : i32
        %parallel_loop3A_828 = arith.index_cast %parallel_loop3A_827 : i32 to index
        %parallel_loop3A_829 = tpu.vector_load %arg4[%parallel_loop3A_828] {strides = array<i32>} : memref<32768xf32, #tpu.memory_space<vmem>>, vector<16xf32>,
        %parallel_loop3A_830 = vector.bitcast %parallel_loop3A_829 : vector<16xf32> to vector<16xi32>
        %parallel_loop3A_831 = arith.constant 31 : i32
        %parallel_loop3A_832 = vector.broadcast %parallel_loop3A_831 : i32 to vector<16xi32>
        %parallel_loop3A_833 = arith.shrsi %parallel_loop3A_830, %parallel_loop3A_832 : vector<16xi32>
        %parallel_loop3A_834 = arith.constant -2147483648 : i32
        %parallel_loop3A_835 = vector.broadcast %parallel_loop3A_834 : i32 to vector<16xi32>
        %parallel_loop3A_836 = arith.ori %parallel_loop3A_833, %parallel_loop3A_835 : vector<16xi32>
        %parallel_loop3A_837 = arith.xori %parallel_loop3A_830, %parallel_loop3A_836 : vector<16xi32>
        %parallel_loop3A_838 = arith.constant 2047 : i32
        %parallel_loop3A_839 = vector.broadcast %parallel_loop3A_838 : i32 to vector<16xi32>
        %parallel_loop3A_840 = arith.andi %parallel_loop3A_837, %parallel_loop3A_839 : vector<16xi32>
        %parallel_loop3A_841 = arith.constant 11 : i32
        %parallel_loop3A_842 = vector.broadcast %parallel_loop3A_841 : i32 to vector<16xi32>
        %parallel_loop3A_843 = arith.shrui %parallel_loop3A_837, %parallel_loop3A_842 : vector<16xi32>
        %parallel_loop3A_844 = arith.constant -2147483648 : i32
        %parallel_loop3A_845 = vector.broadcast %parallel_loop3A_844 : i32 to vector<16xi32>
        %parallel_loop3A_846 = arith.ori %parallel_loop3A_843, %parallel_loop3A_845 : vector<16xi32>
        %parallel_loop3A_847 = arith.constant 16 : i32
        %parallel_loop3A_848 = arith.muli %parallel_loop3A_754, %parallel_loop3A_847 : i32
        %parallel_loop3A_849 = arith.constant 16384 : i32
        %parallel_loop3A_850 = arith.addi %parallel_loop3A_849, %parallel_loop3A_848 : i32
        %parallel_loop3A_851 = arith.index_cast %parallel_loop3A_850 : i32 to index
        %parallel_loop3A_852 = tpu.vector_load %arg4[%parallel_loop3A_851] {strides = array<i32>} : memref<32768xf32, #tpu.memory_space<vmem>>, vector<16xf32>,
        %parallel_loop3A_853 = vector.bitcast %parallel_loop3A_852 : vector<16xf32> to vector<16xi32>
        %parallel_loop3A_854 = arith.constant 31 : i32
        %parallel_loop3A_855 = vector.broadcast %parallel_loop3A_854 : i32 to vector<16xi32>
        %parallel_loop3A_856 = arith.shrsi %parallel_loop3A_853, %parallel_loop3A_855 : vector<16xi32>
        %parallel_loop3A_857 = arith.constant -2147483648 : i32
        %parallel_loop3A_858 = vector.broadcast %parallel_loop3A_857 : i32 to vector<16xi32>
        %parallel_loop3A_859 = arith.ori %parallel_loop3A_856, %parallel_loop3A_858 : vector<16xi32>
        %parallel_loop3A_860 = arith.xori %parallel_loop3A_853, %parallel_loop3A_859 : vector<16xi32>
        %parallel_loop3A_861 = arith.constant 2047 : i32
        %parallel_loop3A_862 = vector.broadcast %parallel_loop3A_861 : i32 to vector<16xi32>
        %parallel_loop3A_863 = arith.andi %parallel_loop3A_860, %parallel_loop3A_862 : vector<16xi32>
        %parallel_loop3A_864 = arith.constant 11 : i32
        %parallel_loop3A_865 = vector.broadcast %parallel_loop3A_864 : i32 to vector<16xi32>
        %parallel_loop3A_866 = arith.shrui %parallel_loop3A_860, %parallel_loop3A_865 : vector<16xi32>
        %parallel_loop3A_867 = arith.constant 16 : i32
        %parallel_loop3A_868 = arith.muli %parallel_loop3A_754, %parallel_loop3A_867 : i32
        %parallel_loop3A_869 = arith.constant 20480 : i32
        %parallel_loop3A_870 = arith.addi %parallel_loop3A_869, %parallel_loop3A_868 : i32
        %parallel_loop3A_871 = arith.index_cast %parallel_loop3A_870 : i32 to index
        %parallel_loop3A_872 = tpu.vector_load %arg4[%parallel_loop3A_871] {strides = array<i32>} : memref<32768xf32, #tpu.memory_space<vmem>>, vector<16xf32>,
        %parallel_loop3A_873 = vector.bitcast %parallel_loop3A_872 : vector<16xf32> to vector<16xi32>
        %parallel_loop3A_874 = arith.constant 31 : i32
        %parallel_loop3A_875 = vector.broadcast %parallel_loop3A_874 : i32 to vector<16xi32>
        %parallel_loop3A_876 = arith.shrsi %parallel_loop3A_873, %parallel_loop3A_875 : vector<16xi32>
        %parallel_loop3A_877 = arith.constant -2147483648 : i32
        %parallel_loop3A_878 = vector.broadcast %parallel_loop3A_877 : i32 to vector<16xi32>
        %parallel_loop3A_879 = arith.ori %parallel_loop3A_876, %parallel_loop3A_878 : vector<16xi32>
        %parallel_loop3A_880 = arith.xori %parallel_loop3A_873, %parallel_loop3A_879 : vector<16xi32>
        %parallel_loop3A_881 = arith.constant 2047 : i32
        %parallel_loop3A_882 = vector.broadcast %parallel_loop3A_881 : i32 to vector<16xi32>
        %parallel_loop3A_883 = arith.andi %parallel_loop3A_880, %parallel_loop3A_882 : vector<16xi32>
        %parallel_loop3A_884 = arith.constant 11 : i32
        %parallel_loop3A_885 = vector.broadcast %parallel_loop3A_884 : i32 to vector<16xi32>
        %parallel_loop3A_886 = arith.shrui %parallel_loop3A_880, %parallel_loop3A_885 : vector<16xi32>
        %parallel_loop3A_887 = arith.constant 16 : i32
        %parallel_loop3A_888 = arith.muli %parallel_loop3A_754, %parallel_loop3A_887 : i32
        %parallel_loop3A_889 = arith.constant 24576 : i32
        %parallel_loop3A_890 = arith.addi %parallel_loop3A_889, %parallel_loop3A_888 : i32
        %parallel_loop3A_891 = arith.index_cast %parallel_loop3A_890 : i32 to index
        %parallel_loop3A_892 = tpu.vector_load %arg4[%parallel_loop3A_891] {strides = array<i32>} : memref<32768xf32, #tpu.memory_space<vmem>>, vector<16xf32>,
        %parallel_loop3A_893 = vector.bitcast %parallel_loop3A_892 : vector<16xf32> to vector<16xi32>
        %parallel_loop3A_894 = arith.constant 31 : i32
        %parallel_loop3A_895 = vector.broadcast %parallel_loop3A_894 : i32 to vector<16xi32>
        %parallel_loop3A_896 = arith.shrsi %parallel_loop3A_893, %parallel_loop3A_895 : vector<16xi32>
        %parallel_loop3A_897 = arith.constant -2147483648 : i32
        %parallel_loop3A_898 = vector.broadcast %parallel_loop3A_897 : i32 to vector<16xi32>
        %parallel_loop3A_899 = arith.ori %parallel_loop3A_896, %parallel_loop3A_898 : vector<16xi32>
        %parallel_loop3A_900 = arith.xori %parallel_loop3A_893, %parallel_loop3A_899 : vector<16xi32>
        %parallel_loop3A_901 = arith.constant 2047 : i32
        %parallel_loop3A_902 = vector.broadcast %parallel_loop3A_901 : i32 to vector<16xi32>
        %parallel_loop3A_903 = arith.andi %parallel_loop3A_900, %parallel_loop3A_902 : vector<16xi32>
        %parallel_loop3A_904 = arith.constant 11 : i32
        %parallel_loop3A_905 = vector.broadcast %parallel_loop3A_904 : i32 to vector<16xi32>
        %parallel_loop3A_906 = arith.shrui %parallel_loop3A_900, %parallel_loop3A_905 : vector<16xi32>
        %parallel_loop3A_907 = arith.constant 16 : i32
        %parallel_loop3A_908 = arith.muli %parallel_loop3A_754, %parallel_loop3A_907 : i32
        %parallel_loop3A_909 = arith.constant 28672 : i32
        %parallel_loop3A_910 = arith.addi %parallel_loop3A_909, %parallel_loop3A_908 : i32
        %parallel_loop3A_911 = arith.index_cast %parallel_loop3A_910 : i32 to index
        %parallel_loop3A_912 = tpu.vector_load %arg4[%parallel_loop3A_911] {strides = array<i32>} : memref<32768xf32, #tpu.memory_space<vmem>>, vector<16xf32>,
        %parallel_loop3A_913 = vector.bitcast %parallel_loop3A_912 : vector<16xf32> to vector<16xi32>
        %parallel_loop3A_914 = arith.constant 31 : i32
        %parallel_loop3A_915 = vector.broadcast %parallel_loop3A_914 : i32 to vector<16xi32>
        %parallel_loop3A_916 = arith.shrsi %parallel_loop3A_913, %parallel_loop3A_915 : vector<16xi32>
        %parallel_loop3A_917 = arith.constant -2147483648 : i32
        %parallel_loop3A_918 = vector.broadcast %parallel_loop3A_917 : i32 to vector<16xi32>
        %parallel_loop3A_919 = arith.ori %parallel_loop3A_916, %parallel_loop3A_918 : vector<16xi32>
        %parallel_loop3A_920 = arith.xori %parallel_loop3A_913, %parallel_loop3A_919 : vector<16xi32>
        %parallel_loop3A_921 = arith.constant 2047 : i32
        %parallel_loop3A_922 = vector.broadcast %parallel_loop3A_921 : i32 to vector<16xi32>
        %parallel_loop3A_923 = arith.andi %parallel_loop3A_920, %parallel_loop3A_922 : vector<16xi32>
        %parallel_loop3A_924 = arith.constant 11 : i32
        %parallel_loop3A_925 = vector.broadcast %parallel_loop3A_924 : i32 to vector<16xi32>
        %parallel_loop3A_926 = arith.shrui %parallel_loop3A_920, %parallel_loop3A_925 : vector<16xi32>
        tpu.vector_store_idx %arg9[%parallel_loop3A_771], %broadcast_in_dim3A_42 {add = true} : memref<2048xi32, #tpu.memory_space<vmem>>[vector<16xi32>], vector<16xi32>,
        tpu.vector_store_idx %arg10[%parallel_loop3A_794], %broadcast_in_dim3A_42 {add = true} : memref<2048xi32, #tpu.memory_space<vmem>>[vector<16xi32>], vector<16xi32>,
        tpu.vector_store_idx %arg11[%parallel_loop3A_817], %broadcast_in_dim3A_42 {add = true} : memref<2048xi32, #tpu.memory_space<vmem>>[vector<16xi32>], vector<16xi32>,
        tpu.vector_store_idx %arg12[%parallel_loop3A_840], %broadcast_in_dim3A_42 {add = true} : memref<2048xi32, #tpu.memory_space<vmem>>[vector<16xi32>], vector<16xi32>,
        tpu.vector_store_idx %arg13[%parallel_loop3A_863], %broadcast_in_dim3A_42 {add = true} : memref<2048xi32, #tpu.memory_space<vmem>>[vector<16xi32>], vector<16xi32>,
        tpu.vector_store_idx %arg14[%parallel_loop3A_883], %broadcast_in_dim3A_42 {add = true} : memref<2048xi32, #tpu.memory_space<vmem>>[vector<16xi32>], vector<16xi32>,
        tpu.vector_store_idx %arg15[%parallel_loop3A_903], %broadcast_in_dim3A_42 {add = true} : memref<2048xi32, #tpu.memory_space<vmem>>[vector<16xi32>], vector<16xi32>,
        tpu.vector_store_idx %arg16[%parallel_loop3A_923], %broadcast_in_dim3A_42 {add = true} : memref<2048xi32, #tpu.memory_space<vmem>>[vector<16xi32>], vector<16xi32>,
      } {sc.loop_unroll_factor = 4 : i64, sc.parallel_access}
      %scan3A_46 = arith.constant 0 : i32
      %scan3A_47 = arith.constant 0 : i32
      %scan3A_48 = arith.constant 32 : i32
      %scan3A_49 = arith.addi %scan3A_47, %scan3A_48 : i32
      %scan3A_50 = arith.constant 1 : i32
      %scan3A_51 = scf.for %scan3A_754 = %scan3A_47 to %scan3A_49 step %scan3A_50 iter_args(%scan3A_755 = %scan3A_46) -> (i32)  : i32 {
        %mul3A_756 = arith.constant 4 : i32
        %mul3A_757 = arith.muli %mul3A_756, %scan3A_754 : i32
        %mul3A_758 = arith.constant 4 : i32
        %mul3A_759 = arith.muli %mul3A_758, %scan3A_754 : i32
        %add3A_760 = arith.constant 1 : i32
        %add3A_761 = arith.addi %mul3A_759, %add3A_760 : i32
        %mul3A_762 = arith.constant 4 : i32
        %mul3A_763 = arith.muli %mul3A_762, %scan3A_754 : i32
        %add3A_764 = arith.constant 2 : i32
        %add3A_765 = arith.addi %mul3A_763, %add3A_764 : i32
        %mul3A_766 = arith.constant 4 : i32
        %mul3A_767 = arith.muli %mul3A_766, %scan3A_754 : i32
        %add3A_768 = arith.constant 3 : i32
        %add3A_769 = arith.addi %mul3A_767, %add3A_768 : i32
        %mul3A_770 = arith.constant 16 : i32
        %mul3A_771 = arith.muli %mul3A_757, %mul3A_770 : i32
        %get3A_772 = arith.index_cast %mul3A_771 : i32 to index
        %get3A_773 = tpu.vector_load %arg9[%get3A_772] {strides = array<i32>} : memref<2048xi32, #tpu.memory_space<vmem>>, vector<16xi32>,
        %get3A_774 = arith.index_cast %mul3A_771 : i32 to index
        %get3A_775 = tpu.vector_load %arg10[%get3A_774] {strides = array<i32>} : memref<2048xi32, #tpu.memory_space<vmem>>, vector<16xi32>,
        %get3A_776 = arith.index_cast %mul3A_771 : i32 to index
        %get3A_777 = tpu.vector_load %arg11[%get3A_776] {strides = array<i32>} : memref<2048xi32, #tpu.memory_space<vmem>>, vector<16xi32>,
        %get3A_778 = arith.index_cast %mul3A_771 : i32 to index
        %get3A_779 = tpu.vector_load %arg12[%get3A_778] {strides = array<i32>} : memref<2048xi32, #tpu.memory_space<vmem>>, vector<16xi32>,
        %get3A_780 = arith.index_cast %mul3A_771 : i32 to index
        %get3A_781 = tpu.vector_load %arg13[%get3A_780] {strides = array<i32>} : memref<2048xi32, #tpu.memory_space<vmem>>, vector<16xi32>,
        %get3A_782 = arith.index_cast %mul3A_771 : i32 to index
        %get3A_783 = tpu.vector_load %arg14[%get3A_782] {strides = array<i32>} : memref<2048xi32, #tpu.memory_space<vmem>>, vector<16xi32>,
        %get3A_784 = arith.index_cast %mul3A_771 : i32 to index
        %get3A_785 = tpu.vector_load %arg15[%get3A_784] {strides = array<i32>} : memref<2048xi32, #tpu.memory_space<vmem>>, vector<16xi32>,
        %get3A_786 = arith.index_cast %mul3A_771 : i32 to index
        %get3A_787 = tpu.vector_load %arg16[%get3A_786] {strides = array<i32>} : memref<2048xi32, #tpu.memory_space<vmem>>, vector<16xi32>,
        %add3A_788 = arith.addi %get3A_773, %get3A_775 : vector<16xi32>
        %add3A_789 = arith.addi %get3A_777, %get3A_779 : vector<16xi32>
        %add3A_790 = arith.addi %get3A_781, %get3A_783 : vector<16xi32>
        %add3A_791 = arith.addi %get3A_785, %get3A_787 : vector<16xi32>
        %add3A_792 = arith.addi %add3A_788, %add3A_789 : vector<16xi32>
        %add3A_793 = arith.addi %add3A_790, %add3A_791 : vector<16xi32>
        %add3A_794 = arith.addi %add3A_788, %get3A_777 : vector<16xi32>
        %add3A_795 = arith.addi %add3A_792, %get3A_781 : vector<16xi32>
        %add3A_796 = arith.addi %add3A_792, %add3A_790 : vector<16xi32>
        %add3A_797 = arith.addi %add3A_792, %add3A_790 : vector<16xi32>
        %add3A_798 = arith.addi %add3A_797, %get3A_785 : vector<16xi32>
        %add3A_799 = arith.addi %add3A_792, %add3A_793 : vector<16xi32>
        %broadcast_in_dim3A_800 = arith.constant true
        %broadcast_in_dim3A_801 = vector.broadcast %broadcast_in_dim3A_800 : i1 to vector<16xi1>
        %masked_cumsum3A = tpu.scan <sum>, %add3A_799 masked %broadcast_in_dim3A_801 : vector<16xi32>, vector<16xi1> -> vector<16xi32>
        %sub3A_802 = arith.subi %masked_cumsum3A, %add3A_799 : vector<16xi32>
        %add3A_803 = vector.broadcast %scan3A_755 : i32 to vector<16xi32>
        %add3A_804 = arith.addi %sub3A_802, %add3A_803 : vector<16xi32>
        %swap3A = arith.index_cast %mul3A_771 : i32 to index
        %swap3A_805 = tpu.vector_load %arg9[%swap3A] {strides = array<i32>} : memref<2048xi32, #tpu.memory_space<vmem>>, vector<16xi32>,
        tpu.vector_store %arg9[%swap3A], %add3A_804 {strides = array<i32>} : memref<2048xi32, #tpu.memory_space<vmem>>, vector<16xi32>,
        %add3A_806 = arith.addi %add3A_804, %get3A_773 : vector<16xi32>
        %swap3A_807 = arith.index_cast %mul3A_771 : i32 to index
        %swap3A_808 = tpu.vector_load %arg10[%swap3A_807] {strides = array<i32>} : memref<2048xi32, #tpu.memory_space<vmem>>, vector<16xi32>,
        tpu.vector_store %arg10[%swap3A_807], %add3A_806 {strides = array<i32>} : memref<2048xi32, #tpu.memory_space<vmem>>, vector<16xi32>,
        %add3A_809 = arith.addi %add3A_804, %add3A_788 : vector<16xi32>
        %swap3A_810 = arith.index_cast %mul3A_771 : i32 to index
        %swap3A_811 = tpu.vector_load %arg11[%swap3A_810] {strides = array<i32>} : memref<2048xi32, #tpu.memory_space<vmem>>, vector<16xi32>,
        tpu.vector_store %arg11[%swap3A_810], %add3A_809 {strides = array<i32>} : memref<2048xi32, #tpu.memory_space<vmem>>, vector<16xi32>,
        %add3A_812 = arith.addi %add3A_804, %add3A_794 : vector<16xi32>
        %swap3A_813 = arith.index_cast %mul3A_771 : i32 to index
        %swap3A_814 = tpu.vector_load %arg12[%swap3A_813] {strides = array<i32>} : memref<2048xi32, #tpu.memory_space<vmem>>, vector<16xi32>,
        tpu.vector_store %arg12[%swap3A_813], %add3A_812 {strides = array<i32>} : memref<2048xi32, #tpu.memory_space<vmem>>, vector<16xi32>,
        %add3A_815 = arith.addi %add3A_804, %add3A_792 : vector<16xi32>
        %swap3A_816 = arith.index_cast %mul3A_771 : i32 to index
        %swap3A_817 = tpu.vector_load %arg13[%swap3A_816] {strides = array<i32>} : memref<2048xi32, #tpu.memory_space<vmem>>, vector<16xi32>,
        tpu.vector_store %arg13[%swap3A_816], %add3A_815 {strides = array<i32>} : memref<2048xi32, #tpu.memory_space<vmem>>, vector<16xi32>,
        %add3A_818 = arith.addi %add3A_804, %add3A_795 : vector<16xi32>
        %swap3A_819 = arith.index_cast %mul3A_771 : i32 to index
        %swap3A_820 = tpu.vector_load %arg14[%swap3A_819] {strides = array<i32>} : memref<2048xi32, #tpu.memory_space<vmem>>, vector<16xi32>,
        tpu.vector_store %arg14[%swap3A_819], %add3A_818 {strides = array<i32>} : memref<2048xi32, #tpu.memory_space<vmem>>, vector<16xi32>,
        %add3A_821 = arith.addi %add3A_804, %add3A_796 : vector<16xi32>
        %swap3A_822 = arith.index_cast %mul3A_771 : i32 to index
        %swap3A_823 = tpu.vector_load %arg15[%swap3A_822] {strides = array<i32>} : memref<2048xi32, #tpu.memory_space<vmem>>, vector<16xi32>,
        tpu.vector_store %arg15[%swap3A_822], %add3A_821 {strides = array<i32>} : memref<2048xi32, #tpu.memory_space<vmem>>, vector<16xi32>,
        %add3A_824 = arith.addi %add3A_804, %add3A_798 : vector<16xi32>
        %swap3A_825 = arith.index_cast %mul3A_771 : i32 to index
        %swap3A_826 = tpu.vector_load %arg16[%swap3A_825] {strides = array<i32>} : memref<2048xi32, #tpu.memory_space<vmem>>, vector<16xi32>,
        tpu.vector_store %arg16[%swap3A_825], %add3A_824 {strides = array<i32>} : memref<2048xi32, #tpu.memory_space<vmem>>, vector<16xi32>,
        %reduce_sum3A = arith.constant true
        %reduce_sum3A_827 = vector.broadcast %reduce_sum3A : i1 to vector<16xi1>
        %reduce_sum3A_828 = tpu.scan <sum>, %add3A_799 masked %reduce_sum3A_827 : vector<16xi32>, vector<16xi1> -> vector<16xi32>
        %reduce_sum3A_829 = vector.extract %reduce_sum3A_828[15] : i32 from vector<16xi32>
        %add3A_830 = arith.addi %scan3A_755, %reduce_sum3A_829 : i32
        %mul3A_831 = arith.constant 16 : i32
        %mul3A_832 = arith.muli %add3A_761, %mul3A_831 : i32
        %get3A_833 = arith.index_cast %mul3A_832 : i32 to index
        %get3A_834 = tpu.vector_load %arg9[%get3A_833] {strides = array<i32>} : memref<2048xi32, #tpu.memory_space<vmem>>, vector<16xi32>,
        %get3A_835 = arith.index_cast %mul3A_832 : i32 to index
        %get3A_836 = tpu.vector_load %arg10[%get3A_835] {strides = array<i32>} : memref<2048xi32, #tpu.memory_space<vmem>>, vector<16xi32>,
        %get3A_837 = arith.index_cast %mul3A_832 : i32 to index
        %get3A_838 = tpu.vector_load %arg11[%get3A_837] {strides = array<i32>} : memref<2048xi32, #tpu.memory_space<vmem>>, vector<16xi32>,
        %get3A_839 = arith.index_cast %mul3A_832 : i32 to index
        %get3A_840 = tpu.vector_load %arg12[%get3A_839] {strides = array<i32>} : memref<2048xi32, #tpu.memory_space<vmem>>, vector<16xi32>,
        %get3A_841 = arith.index_cast %mul3A_832 : i32 to index
        %get3A_842 = tpu.vector_load %arg13[%get3A_841] {strides = array<i32>} : memref<2048xi32, #tpu.memory_space<vmem>>, vector<16xi32>,
        %get3A_843 = arith.index_cast %mul3A_832 : i32 to index
        %get3A_844 = tpu.vector_load %arg14[%get3A_843] {strides = array<i32>} : memref<2048xi32, #tpu.memory_space<vmem>>, vector<16xi32>,
        %get3A_845 = arith.index_cast %mul3A_832 : i32 to index
        %get3A_846 = tpu.vector_load %arg15[%get3A_845] {strides = array<i32>} : memref<2048xi32, #tpu.memory_space<vmem>>, vector<16xi32>,
        %get3A_847 = arith.index_cast %mul3A_832 : i32 to index
        %get3A_848 = tpu.vector_load %arg16[%get3A_847] {strides = array<i32>} : memref<2048xi32, #tpu.memory_space<vmem>>, vector<16xi32>,
        %add3A_849 = arith.addi %get3A_834, %get3A_836 : vector<16xi32>
        %add3A_850 = arith.addi %get3A_838, %get3A_840 : vector<16xi32>
        %add3A_851 = arith.addi %get3A_842, %get3A_844 : vector<16xi32>
        %add3A_852 = arith.addi %get3A_846, %get3A_848 : vector<16xi32>
        %add3A_853 = arith.addi %add3A_849, %add3A_850 : vector<16xi32>
        %add3A_854 = arith.addi %add3A_851, %add3A_852 : vector<16xi32>
        %add3A_855 = arith.addi %add3A_849, %get3A_838 : vector<16xi32>
        %add3A_856 = arith.addi %add3A_853, %get3A_842 : vector<16xi32>
        %add3A_857 = arith.addi %add3A_853, %add3A_851 : vector<16xi32>
        %add3A_858 = arith.addi %add3A_853, %add3A_851 : vector<16xi32>
        %add3A_859 = arith.addi %add3A_858, %get3A_846 : vector<16xi32>
        %add3A_860 = arith.addi %add3A_853, %add3A_854 : vector<16xi32>
        %broadcast_in_dim3A_861 = arith.constant true
        %broadcast_in_dim3A_862 = vector.broadcast %broadcast_in_dim3A_861 : i1 to vector<16xi1>
        %masked_cumsum3A_863 = tpu.scan <sum>, %add3A_860 masked %broadcast_in_dim3A_862 : vector<16xi32>, vector<16xi1> -> vector<16xi32>
        %sub3A_864 = arith.subi %masked_cumsum3A_863, %add3A_860 : vector<16xi32>
        %add3A_865 = vector.broadcast %add3A_830 : i32 to vector<16xi32>
        %add3A_866 = arith.addi %sub3A_864, %add3A_865 : vector<16xi32>
        %swap3A_867 = arith.index_cast %mul3A_832 : i32 to index
        %swap3A_868 = tpu.vector_load %arg9[%swap3A_867] {strides = array<i32>} : memref<2048xi32, #tpu.memory_space<vmem>>, vector<16xi32>,
        tpu.vector_store %arg9[%swap3A_867], %add3A_866 {strides = array<i32>} : memref<2048xi32, #tpu.memory_space<vmem>>, vector<16xi32>,
        %add3A_869 = arith.addi %add3A_866, %get3A_834 : vector<16xi32>
        %swap3A_870 = arith.index_cast %mul3A_832 : i32 to index
        %swap3A_871 = tpu.vector_load %arg10[%swap3A_870] {strides = array<i32>} : memref<2048xi32, #tpu.memory_space<vmem>>, vector<16xi32>,
        tpu.vector_store %arg10[%swap3A_870], %add3A_869 {strides = array<i32>} : memref<2048xi32, #tpu.memory_space<vmem>>, vector<16xi32>,
        %add3A_872 = arith.addi %add3A_866, %add3A_849 : vector<16xi32>
        %swap3A_873 = arith.index_cast %mul3A_832 : i32 to index
        %swap3A_874 = tpu.vector_load %arg11[%swap3A_873] {strides = array<i32>} : memref<2048xi32, #tpu.memory_space<vmem>>, vector<16xi32>,
        tpu.vector_store %arg11[%swap3A_873], %add3A_872 {strides = array<i32>} : memref<2048xi32, #tpu.memory_space<vmem>>, vector<16xi32>,
        %add3A_875 = arith.addi %add3A_866, %add3A_855 : vector<16xi32>
        %swap3A_876 = arith.index_cast %mul3A_832 : i32 to index
        %swap3A_877 = tpu.vector_load %arg12[%swap3A_876] {strides = array<i32>} : memref<2048xi32, #tpu.memory_space<vmem>>, vector<16xi32>,
        tpu.vector_store %arg12[%swap3A_876], %add3A_875 {strides = array<i32>} : memref<2048xi32, #tpu.memory_space<vmem>>, vector<16xi32>,
        %add3A_878 = arith.addi %add3A_866, %add3A_853 : vector<16xi32>
        %swap3A_879 = arith.index_cast %mul3A_832 : i32 to index
        %swap3A_880 = tpu.vector_load %arg13[%swap3A_879] {strides = array<i32>} : memref<2048xi32, #tpu.memory_space<vmem>>, vector<16xi32>,
        tpu.vector_store %arg13[%swap3A_879], %add3A_878 {strides = array<i32>} : memref<2048xi32, #tpu.memory_space<vmem>>, vector<16xi32>,
        %add3A_881 = arith.addi %add3A_866, %add3A_856 : vector<16xi32>
        %swap3A_882 = arith.index_cast %mul3A_832 : i32 to index
        %swap3A_883 = tpu.vector_load %arg14[%swap3A_882] {strides = array<i32>} : memref<2048xi32, #tpu.memory_space<vmem>>, vector<16xi32>,
        tpu.vector_store %arg14[%swap3A_882], %add3A_881 {strides = array<i32>} : memref<2048xi32, #tpu.memory_space<vmem>>, vector<16xi32>,
        %add3A_884 = arith.addi %add3A_866, %add3A_857 : vector<16xi32>
        %swap3A_885 = arith.index_cast %mul3A_832 : i32 to index
        %swap3A_886 = tpu.vector_load %arg15[%swap3A_885] {strides = array<i32>} : memref<2048xi32, #tpu.memory_space<vmem>>, vector<16xi32>,
        tpu.vector_store %arg15[%swap3A_885], %add3A_884 {strides = array<i32>} : memref<2048xi32, #tpu.memory_space<vmem>>, vector<16xi32>,
        %add3A_887 = arith.addi %add3A_866, %add3A_859 : vector<16xi32>
        %swap3A_888 = arith.index_cast %mul3A_832 : i32 to index
        %swap3A_889 = tpu.vector_load %arg16[%swap3A_888] {strides = array<i32>} : memref<2048xi32, #tpu.memory_space<vmem>>, vector<16xi32>,
        tpu.vector_store %arg16[%swap3A_888], %add3A_887 {strides = array<i32>} : memref<2048xi32, #tpu.memory_space<vmem>>, vector<16xi32>,
        %reduce_sum3A_890 = arith.constant true
        %reduce_sum3A_891 = vector.broadcast %reduce_sum3A_890 : i1 to vector<16xi1>
        %reduce_sum3A_892 = tpu.scan <sum>, %add3A_860 masked %reduce_sum3A_891 : vector<16xi32>, vector<16xi1> -> vector<16xi32>
        %reduce_sum3A_893 = vector.extract %reduce_sum3A_892[15] : i32 from vector<16xi32>
        %add3A_894 = arith.addi %add3A_830, %reduce_sum3A_893 : i32
        %mul3A_895 = arith.constant 16 : i32
        %mul3A_896 = arith.muli %add3A_765, %mul3A_895 : i32
        %get3A_897 = arith.index_cast %mul3A_896 : i32 to index
        %get3A_898 = tpu.vector_load %arg9[%get3A_897] {strides = array<i32>} : memref<2048xi32, #tpu.memory_space<vmem>>, vector<16xi32>,
        %get3A_899 = arith.index_cast %mul3A_896 : i32 to index
        %get3A_900 = tpu.vector_load %arg10[%get3A_899] {strides = array<i32>} : memref<2048xi32, #tpu.memory_space<vmem>>, vector<16xi32>,
        %get3A_901 = arith.index_cast %mul3A_896 : i32 to index
        %get3A_902 = tpu.vector_load %arg11[%get3A_901] {strides = array<i32>} : memref<2048xi32, #tpu.memory_space<vmem>>, vector<16xi32>,
        %get3A_903 = arith.index_cast %mul3A_896 : i32 to index
        %get3A_904 = tpu.vector_load %arg12[%get3A_903] {strides = array<i32>} : memref<2048xi32, #tpu.memory_space<vmem>>, vector<16xi32>,
        %get3A_905 = arith.index_cast %mul3A_896 : i32 to index
        %get3A_906 = tpu.vector_load %arg13[%get3A_905] {strides = array<i32>} : memref<2048xi32, #tpu.memory_space<vmem>>, vector<16xi32>,
        %get3A_907 = arith.index_cast %mul3A_896 : i32 to index
        %get3A_908 = tpu.vector_load %arg14[%get3A_907] {strides = array<i32>} : memref<2048xi32, #tpu.memory_space<vmem>>, vector<16xi32>,
        %get3A_909 = arith.index_cast %mul3A_896 : i32 to index
        %get3A_910 = tpu.vector_load %arg15[%get3A_909] {strides = array<i32>} : memref<2048xi32, #tpu.memory_space<vmem>>, vector<16xi32>,
        %get3A_911 = arith.index_cast %mul3A_896 : i32 to index
        %get3A_912 = tpu.vector_load %arg16[%get3A_911] {strides = array<i32>} : memref<2048xi32, #tpu.memory_space<vmem>>, vector<16xi32>,
        %add3A_913 = arith.addi %get3A_898, %get3A_900 : vector<16xi32>
        %add3A_914 = arith.addi %get3A_902, %get3A_904 : vector<16xi32>
        %add3A_915 = arith.addi %get3A_906, %get3A_908 : vector<16xi32>
        %add3A_916 = arith.addi %get3A_910, %get3A_912 : vector<16xi32>
        %add3A_917 = arith.addi %add3A_913, %add3A_914 : vector<16xi32>
        %add3A_918 = arith.addi %add3A_915, %add3A_916 : vector<16xi32>
        %add3A_919 = arith.addi %add3A_913, %get3A_902 : vector<16xi32>
        %add3A_920 = arith.addi %add3A_917, %get3A_906 : vector<16xi32>
        %add3A_921 = arith.addi %add3A_917, %add3A_915 : vector<16xi32>
        %add3A_922 = arith.addi %add3A_917, %add3A_915 : vector<16xi32>
        %add3A_923 = arith.addi %add3A_922, %get3A_910 : vector<16xi32>
        %add3A_924 = arith.addi %add3A_917, %add3A_918 : vector<16xi32>
        %broadcast_in_dim3A_925 = arith.constant true
        %broadcast_in_dim3A_926 = vector.broadcast %broadcast_in_dim3A_925 : i1 to vector<16xi1>
        %masked_cumsum3A_927 = tpu.scan <sum>, %add3A_924 masked %broadcast_in_dim3A_926 : vector<16xi32>, vector<16xi1> -> vector<16xi32>
        %sub3A_928 = arith.subi %masked_cumsum3A_927, %add3A_924 : vector<16xi32>
        %add3A_929 = vector.broadcast %add3A_894 : i32 to vector<16xi32>
        %add3A_930 = arith.addi %sub3A_928, %add3A_929 : vector<16xi32>
        %swap3A_931 = arith.index_cast %mul3A_896 : i32 to index
        %swap3A_932 = tpu.vector_load %arg9[%swap3A_931] {strides = array<i32>} : memref<2048xi32, #tpu.memory_space<vmem>>, vector<16xi32>,
        tpu.vector_store %arg9[%swap3A_931], %add3A_930 {strides = array<i32>} : memref<2048xi32, #tpu.memory_space<vmem>>, vector<16xi32>,
        %add3A_933 = arith.addi %add3A_930, %get3A_898 : vector<16xi32>
        %swap3A_934 = arith.index_cast %mul3A_896 : i32 to index
        %swap3A_935 = tpu.vector_load %arg10[%swap3A_934] {strides = array<i32>} : memref<2048xi32, #tpu.memory_space<vmem>>, vector<16xi32>,
        tpu.vector_store %arg10[%swap3A_934], %add3A_933 {strides = array<i32>} : memref<2048xi32, #tpu.memory_space<vmem>>, vector<16xi32>,
        %add3A_936 = arith.addi %add3A_930, %add3A_913 : vector<16xi32>
        %swap3A_937 = arith.index_cast %mul3A_896 : i32 to index
        %swap3A_938 = tpu.vector_load %arg11[%swap3A_937] {strides = array<i32>} : memref<2048xi32, #tpu.memory_space<vmem>>, vector<16xi32>,
        tpu.vector_store %arg11[%swap3A_937], %add3A_936 {strides = array<i32>} : memref<2048xi32, #tpu.memory_space<vmem>>, vector<16xi32>,
        %add3A_939 = arith.addi %add3A_930, %add3A_919 : vector<16xi32>
        %swap3A_940 = arith.index_cast %mul3A_896 : i32 to index
        %swap3A_941 = tpu.vector_load %arg12[%swap3A_940] {strides = array<i32>} : memref<2048xi32, #tpu.memory_space<vmem>>, vector<16xi32>,
        tpu.vector_store %arg12[%swap3A_940], %add3A_939 {strides = array<i32>} : memref<2048xi32, #tpu.memory_space<vmem>>, vector<16xi32>,
        %add3A_942 = arith.addi %add3A_930, %add3A_917 : vector<16xi32>
        %swap3A_943 = arith.index_cast %mul3A_896 : i32 to index
        %swap3A_944 = tpu.vector_load %arg13[%swap3A_943] {strides = array<i32>} : memref<2048xi32, #tpu.memory_space<vmem>>, vector<16xi32>,
        tpu.vector_store %arg13[%swap3A_943], %add3A_942 {strides = array<i32>} : memref<2048xi32, #tpu.memory_space<vmem>>, vector<16xi32>,
        %add3A_945 = arith.addi %add3A_930, %add3A_920 : vector<16xi32>
        %swap3A_946 = arith.index_cast %mul3A_896 : i32 to index
        %swap3A_947 = tpu.vector_load %arg14[%swap3A_946] {strides = array<i32>} : memref<2048xi32, #tpu.memory_space<vmem>>, vector<16xi32>,
        tpu.vector_store %arg14[%swap3A_946], %add3A_945 {strides = array<i32>} : memref<2048xi32, #tpu.memory_space<vmem>>, vector<16xi32>,
        %add3A_948 = arith.addi %add3A_930, %add3A_921 : vector<16xi32>
        %swap3A_949 = arith.index_cast %mul3A_896 : i32 to index
        %swap3A_950 = tpu.vector_load %arg15[%swap3A_949] {strides = array<i32>} : memref<2048xi32, #tpu.memory_space<vmem>>, vector<16xi32>,
        tpu.vector_store %arg15[%swap3A_949], %add3A_948 {strides = array<i32>} : memref<2048xi32, #tpu.memory_space<vmem>>, vector<16xi32>,
        %add3A_951 = arith.addi %add3A_930, %add3A_923 : vector<16xi32>
        %swap3A_952 = arith.index_cast %mul3A_896 : i32 to index
        %swap3A_953 = tpu.vector_load %arg16[%swap3A_952] {strides = array<i32>} : memref<2048xi32, #tpu.memory_space<vmem>>, vector<16xi32>,
        tpu.vector_store %arg16[%swap3A_952], %add3A_951 {strides = array<i32>} : memref<2048xi32, #tpu.memory_space<vmem>>, vector<16xi32>,
        %reduce_sum3A_954 = arith.constant true
        %reduce_sum3A_955 = vector.broadcast %reduce_sum3A_954 : i1 to vector<16xi1>
        %reduce_sum3A_956 = tpu.scan <sum>, %add3A_924 masked %reduce_sum3A_955 : vector<16xi32>, vector<16xi1> -> vector<16xi32>
        %reduce_sum3A_957 = vector.extract %reduce_sum3A_956[15] : i32 from vector<16xi32>
        %add3A_958 = arith.addi %add3A_894, %reduce_sum3A_957 : i32
        %mul3A_959 = arith.constant 16 : i32
        %mul3A_960 = arith.muli %add3A_769, %mul3A_959 : i32
        %get3A_961 = arith.index_cast %mul3A_960 : i32 to index
        %get3A_962 = tpu.vector_load %arg9[%get3A_961] {strides = array<i32>} : memref<2048xi32, #tpu.memory_space<vmem>>, vector<16xi32>,
        %get3A_963 = arith.index_cast %mul3A_960 : i32 to index
        %get3A_964 = tpu.vector_load %arg10[%get3A_963] {strides = array<i32>} : memref<2048xi32, #tpu.memory_space<vmem>>, vector<16xi32>,
        %get3A_965 = arith.index_cast %mul3A_960 : i32 to index
        %get3A_966 = tpu.vector_load %arg11[%get3A_965] {strides = array<i32>} : memref<2048xi32, #tpu.memory_space<vmem>>, vector<16xi32>,
        %get3A_967 = arith.index_cast %mul3A_960 : i32 to index
        %get3A_968 = tpu.vector_load %arg12[%get3A_967] {strides = array<i32>} : memref<2048xi32, #tpu.memory_space<vmem>>, vector<16xi32>,
        %get3A_969 = arith.index_cast %mul3A_960 : i32 to index
        %get3A_970 = tpu.vector_load %arg13[%get3A_969] {strides = array<i32>} : memref<2048xi32, #tpu.memory_space<vmem>>, vector<16xi32>,
        %get3A_971 = arith.index_cast %mul3A_960 : i32 to index
        %get3A_972 = tpu.vector_load %arg14[%get3A_971] {strides = array<i32>} : memref<2048xi32, #tpu.memory_space<vmem>>, vector<16xi32>,
        %get3A_973 = arith.index_cast %mul3A_960 : i32 to index
        %get3A_974 = tpu.vector_load %arg15[%get3A_973] {strides = array<i32>} : memref<2048xi32, #tpu.memory_space<vmem>>, vector<16xi32>,
        %get3A_975 = arith.index_cast %mul3A_960 : i32 to index
        %get3A_976 = tpu.vector_load %arg16[%get3A_975] {strides = array<i32>} : memref<2048xi32, #tpu.memory_space<vmem>>, vector<16xi32>,
        %add3A_977 = arith.addi %get3A_962, %get3A_964 : vector<16xi32>
        %add3A_978 = arith.addi %get3A_966, %get3A_968 : vector<16xi32>
        %add3A_979 = arith.addi %get3A_970, %get3A_972 : vector<16xi32>
        %add3A_980 = arith.addi %get3A_974, %get3A_976 : vector<16xi32>
        %add3A_981 = arith.addi %add3A_977, %add3A_978 : vector<16xi32>
        %add3A_982 = arith.addi %add3A_979, %add3A_980 : vector<16xi32>
        %add3A_983 = arith.addi %add3A_977, %get3A_966 : vector<16xi32>
        %add3A_984 = arith.addi %add3A_981, %get3A_970 : vector<16xi32>
        %add3A_985 = arith.addi %add3A_981, %add3A_979 : vector<16xi32>
        %add3A_986 = arith.addi %add3A_981, %add3A_979 : vector<16xi32>
        %add3A_987 = arith.addi %add3A_986, %get3A_974 : vector<16xi32>
        %add3A_988 = arith.addi %add3A_981, %add3A_982 : vector<16xi32>
        %broadcast_in_dim3A_989 = arith.constant true
        %broadcast_in_dim3A_990 = vector.broadcast %broadcast_in_dim3A_989 : i1 to vector<16xi1>
        %masked_cumsum3A_991 = tpu.scan <sum>, %add3A_988 masked %broadcast_in_dim3A_990 : vector<16xi32>, vector<16xi1> -> vector<16xi32>
        %sub3A_992 = arith.subi %masked_cumsum3A_991, %add3A_988 : vector<16xi32>
        %add3A_993 = vector.broadcast %add3A_958 : i32 to vector<16xi32>
        %add3A_994 = arith.addi %sub3A_992, %add3A_993 : vector<16xi32>
        %swap3A_995 = arith.index_cast %mul3A_960 : i32 to index
        %swap3A_996 = tpu.vector_load %arg9[%swap3A_995] {strides = array<i32>} : memref<2048xi32, #tpu.memory_space<vmem>>, vector<16xi32>,
        tpu.vector_store %arg9[%swap3A_995], %add3A_994 {strides = array<i32>} : memref<2048xi32, #tpu.memory_space<vmem>>, vector<16xi32>,
        %add3A_997 = arith.addi %add3A_994, %get3A_962 : vector<16xi32>
        %swap3A_998 = arith.index_cast %mul3A_960 : i32 to index
        %swap3A_999 = tpu.vector_load %arg10[%swap3A_998] {strides = array<i32>} : memref<2048xi32, #tpu.memory_space<vmem>>, vector<16xi32>,
        tpu.vector_store %arg10[%swap3A_998], %add3A_997 {strides = array<i32>} : memref<2048xi32, #tpu.memory_space<vmem>>, vector<16xi32>,
        %add3A_1000 = arith.addi %add3A_994, %add3A_977 : vector<16xi32>
        %swap3A_1001 = arith.index_cast %mul3A_960 : i32 to index
        %swap3A_1002 = tpu.vector_load %arg11[%swap3A_1001] {strides = array<i32>} : memref<2048xi32, #tpu.memory_space<vmem>>, vector<16xi32>,
        tpu.vector_store %arg11[%swap3A_1001], %add3A_1000 {strides = array<i32>} : memref<2048xi32, #tpu.memory_space<vmem>>, vector<16xi32>,
        %add3A_1003 = arith.addi %add3A_994, %add3A_983 : vector<16xi32>
        %swap3A_1004 = arith.index_cast %mul3A_960 : i32 to index
        %swap3A_1005 = tpu.vector_load %arg12[%swap3A_1004] {strides = array<i32>} : memref<2048xi32, #tpu.memory_space<vmem>>, vector<16xi32>,
        tpu.vector_store %arg12[%swap3A_1004], %add3A_1003 {strides = array<i32>} : memref<2048xi32, #tpu.memory_space<vmem>>, vector<16xi32>,
        %add3A_1006 = arith.addi %add3A_994, %add3A_981 : vector<16xi32>
        %swap3A_1007 = arith.index_cast %mul3A_960 : i32 to index
        %swap3A_1008 = tpu.vector_load %arg13[%swap3A_1007] {strides = array<i32>} : memref<2048xi32, #tpu.memory_space<vmem>>, vector<16xi32>,
        tpu.vector_store %arg13[%swap3A_1007], %add3A_1006 {strides = array<i32>} : memref<2048xi32, #tpu.memory_space<vmem>>, vector<16xi32>,
        %add3A_1009 = arith.addi %add3A_994, %add3A_984 : vector<16xi32>
        %swap3A_1010 = arith.index_cast %mul3A_960 : i32 to index
        %swap3A_1011 = tpu.vector_load %arg14[%swap3A_1010] {strides = array<i32>} : memref<2048xi32, #tpu.memory_space<vmem>>, vector<16xi32>,
        tpu.vector_store %arg14[%swap3A_1010], %add3A_1009 {strides = array<i32>} : memref<2048xi32, #tpu.memory_space<vmem>>, vector<16xi32>,
        %add3A_1012 = arith.addi %add3A_994, %add3A_985 : vector<16xi32>
        %swap3A_1013 = arith.index_cast %mul3A_960 : i32 to index
        %swap3A_1014 = tpu.vector_load %arg15[%swap3A_1013] {strides = array<i32>} : memref<2048xi32, #tpu.memory_space<vmem>>, vector<16xi32>,
        tpu.vector_store %arg15[%swap3A_1013], %add3A_1012 {strides = array<i32>} : memref<2048xi32, #tpu.memory_space<vmem>>, vector<16xi32>,
        %add3A_1015 = arith.addi %add3A_994, %add3A_987 : vector<16xi32>
        %swap3A_1016 = arith.index_cast %mul3A_960 : i32 to index
        %swap3A_1017 = tpu.vector_load %arg16[%swap3A_1016] {strides = array<i32>} : memref<2048xi32, #tpu.memory_space<vmem>>, vector<16xi32>,
        tpu.vector_store %arg16[%swap3A_1016], %add3A_1015 {strides = array<i32>} : memref<2048xi32, #tpu.memory_space<vmem>>, vector<16xi32>,
        %reduce_sum3A_1018 = arith.constant true
        %reduce_sum3A_1019 = vector.broadcast %reduce_sum3A_1018 : i1 to vector<16xi1>
        %reduce_sum3A_1020 = tpu.scan <sum>, %add3A_988 masked %reduce_sum3A_1019 : vector<16xi32>, vector<16xi1> -> vector<16xi32>
        %reduce_sum3A_1021 = vector.extract %reduce_sum3A_1020[15] : i32 from vector<16xi32>
        %add3A_1022 = arith.addi %add3A_958, %reduce_sum3A_1021 : i32
        scf.yield %add3A_1022 : i32
      }
      %scan3A_52 = arith.constant 32 : i32
      %gt3A = arith.constant 0 : i32
      %gt3A_53 = arith.cmpi sgt, %scan3A_27, %gt3A : i32
      %convert_element_type3A = arith.extui %gt3A_53 : i1 to i32
      %cond3A = arith.constant 0 : i32
      %cond3A_54 = arith.cmpi ne, %convert_element_type3A, %cond3A : i32
      scf.if %cond3A_54 {
        %dma_wait3A_754 = arith.constant 0 : i32
        %dma_wait3A_755 = tpu.memref_slice %arg3[%add3A_31, %dma_wait3A_754] : memref<128x32768xi32, #tpu.memory_space<hbm>> -> memref<1x32768xi32, #tpu.memory_space<hbm>>
        %dma_wait3A_756 = tpu.memref_squeeze %dma_wait3A_755 : memref<1x32768xi32, #tpu.memory_space<hbm>> -> memref<32768xi32, #tpu.memory_space<hbm>>
        %dma_wait3A_757 = arith.constant 0 : i32
        %dma_wait3A_758 = tpu.memref_slice %arg3[%add3A_31, %dma_wait3A_757] : memref<128x32768xi32, #tpu.memory_space<hbm>> -> memref<1x32768xi32, #tpu.memory_space<hbm>>
        %dma_wait3A_759 = tpu.memref_squeeze %dma_wait3A_758 : memref<1x32768xi32, #tpu.memory_space<hbm>> -> memref<32768xi32, #tpu.memory_space<hbm>>
        tpu.wait_dma2 semaphore(%arg8 : memref<!tpu.dma_semaphore, #tpu.memory_space<semaphore_mem>>) src(%arg5 : memref<32768xi32, #tpu.memory_space<vmem>>) dst(%dma_wait3A_759 : memref<32768xi32, #tpu.memory_space<hbm>>)
      } else {
      }
      %broadcast_in_dim3A_55 = arith.constant 1 : i32
      %broadcast_in_dim3A_56 = vector.broadcast %broadcast_in_dim3A_55 : i32 to vector<16xi32>
      %get3A = arith.constant 0 : index
      %get3A_57 = tpu.vector_load %arg4[%get3A] {strides = array<i32>} : memref<32768xf32, #tpu.memory_space<vmem>>, vector<16xf32>,
      %bitcast3A = vector.bitcast %get3A_57 : vector<16xf32> to vector<16xi32>
      %shift_right_arithmetic3A = arith.constant 31 : i32
      %shift_right_arithmetic3A_58 = vector.broadcast %shift_right_arithmetic3A : i32 to vector<16xi32>
      %shift_right_arithmetic3A_59 = arith.shrsi %bitcast3A, %shift_right_arithmetic3A_58 : vector<16xi32>
      %or3A = arith.constant -2147483648 : i32
      %or3A_60 = vector.broadcast %or3A : i32 to vector<16xi32>
      %or3A_61 = arith.ori %shift_right_arithmetic3A_59, %or3A_60 : vector<16xi32>
      %xor3A = arith.xori %bitcast3A, %or3A_61 : vector<16xi32>
      %and3A = arith.constant 2047 : i32
      %and3A_62 = vector.broadcast %and3A : i32 to vector<16xi32>
      %and3A_63 = arith.andi %xor3A, %and3A_62 : vector<16xi32>
      %shift_right_logical3A = arith.constant 11 : i32
      %shift_right_logical3A_64 = vector.broadcast %shift_right_logical3A : i32 to vector<16xi32>
      %shift_right_logical3A_65 = arith.shrui %xor3A, %shift_right_logical3A_64 : vector<16xi32>
      %or3A_66 = arith.constant -2147483648 : i32
      %or3A_67 = vector.broadcast %or3A_66 : i32 to vector<16xi32>
      %or3A_68 = arith.ori %shift_right_logical3A_65, %or3A_67 : vector<16xi32>
      %get3A_69 = arith.constant 4096 : index
      %get3A_70 = tpu.vector_load %arg4[%get3A_69] {strides = array<i32>} : memref<32768xf32, #tpu.memory_space<vmem>>, vector<16xf32>,
      %bitcast3A_71 = vector.bitcast %get3A_70 : vector<16xf32> to vector<16xi32>
      %shift_right_arithmetic3A_72 = arith.constant 31 : i32
      %shift_right_arithmetic3A_73 = vector.broadcast %shift_right_arithmetic3A_72 : i32 to vector<16xi32>
      %shift_right_arithmetic3A_74 = arith.shrsi %bitcast3A_71, %shift_right_arithmetic3A_73 : vector<16xi32>
      %or3A_75 = arith.constant -2147483648 : i32
      %or3A_76 = vector.broadcast %or3A_75 : i32 to vector<16xi32>
      %or3A_77 = arith.ori %shift_right_arithmetic3A_74, %or3A_76 : vector<16xi32>
      %xor3A_78 = arith.xori %bitcast3A_71, %or3A_77 : vector<16xi32>
      %and3A_79 = arith.constant 2047 : i32
      %and3A_80 = vector.broadcast %and3A_79 : i32 to vector<16xi32>
      %and3A_81 = arith.andi %xor3A_78, %and3A_80 : vector<16xi32>
      %shift_right_logical3A_82 = arith.constant 11 : i32
      %shift_right_logical3A_83 = vector.broadcast %shift_right_logical3A_82 : i32 to vector<16xi32>
      %shift_right_logical3A_84 = arith.shrui %xor3A_78, %shift_right_logical3A_83 : vector<16xi32>
      %or3A_85 = arith.constant -2147483648 : i32
      %or3A_86 = vector.broadcast %or3A_85 : i32 to vector<16xi32>
      %or3A_87 = arith.ori %shift_right_logical3A_84, %or3A_86 : vector<16xi32>
      %get3A_88 = arith.constant 8192 : index
      %get3A_89 = tpu.vector_load %arg4[%get3A_88] {strides = array<i32>} : memref<32768xf32, #tpu.memory_space<vmem>>, vector<16xf32>,
      %bitcast3A_90 = vector.bitcast %get3A_89 : vector<16xf32> to vector<16xi32>
      %shift_right_arithmetic3A_91 = arith.constant 31 : i32
      %shift_right_arithmetic3A_92 = vector.broadcast %shift_right_arithmetic3A_91 : i32 to vector<16xi32>
      %shift_right_arithmetic3A_93 = arith.shrsi %bitcast3A_90, %shift_right_arithmetic3A_92 : vector<16xi32>
      %or3A_94 = arith.constant -2147483648 : i32
      %or3A_95 = vector.broadcast %or3A_94 : i32 to vector<16xi32>
      %or3A_96 = arith.ori %shift_right_arithmetic3A_93, %or3A_95 : vector<16xi32>
      %xor3A_97 = arith.xori %bitcast3A_90, %or3A_96 : vector<16xi32>
      %and3A_98 = arith.constant 2047 : i32
      %and3A_99 = vector.broadcast %and3A_98 : i32 to vector<16xi32>
      %and3A_100 = arith.andi %xor3A_97, %and3A_99 : vector<16xi32>
      %shift_right_logical3A_101 = arith.constant 11 : i32
      %shift_right_logical3A_102 = vector.broadcast %shift_right_logical3A_101 : i32 to vector<16xi32>
      %shift_right_logical3A_103 = arith.shrui %xor3A_97, %shift_right_logical3A_102 : vector<16xi32>
      %or3A_104 = arith.constant -2147483648 : i32
      %or3A_105 = vector.broadcast %or3A_104 : i32 to vector<16xi32>
      %or3A_106 = arith.ori %shift_right_logical3A_103, %or3A_105 : vector<16xi32>
      %get3A_107 = arith.constant 12288 : index
      %get3A_108 = tpu.vector_load %arg4[%get3A_107] {strides = array<i32>} : memref<32768xf32, #tpu.memory_space<vmem>>, vector<16xf32>,
      %bitcast3A_109 = vector.bitcast %get3A_108 : vector<16xf32> to vector<16xi32>
      %shift_right_arithmetic3A_110 = arith.constant 31 : i32
      %shift_right_arithmetic3A_111 = vector.broadcast %shift_right_arithmetic3A_110 : i32 to vector<16xi32>
      %shift_right_arithmetic3A_112 = arith.shrsi %bitcast3A_109, %shift_right_arithmetic3A_111 : vector<16xi32>
      %or3A_113 = arith.constant -2147483648 : i32
      %or3A_114 = vector.broadcast %or3A_113 : i32 to vector<16xi32>
      %or3A_115 = arith.ori %shift_right_arithmetic3A_112, %or3A_114 : vector<16xi32>
      %xor3A_116 = arith.xori %bitcast3A_109, %or3A_115 : vector<16xi32>
      %and3A_117 = arith.constant 2047 : i32
      %and3A_118 = vector.broadcast %and3A_117 : i32 to vector<16xi32>
      %and3A_119 = arith.andi %xor3A_116, %and3A_118 : vector<16xi32>
      %shift_right_logical3A_120 = arith.constant 11 : i32
      %shift_right_logical3A_121 = vector.broadcast %shift_right_logical3A_120 : i32 to vector<16xi32>
      %shift_right_logical3A_122 = arith.shrui %xor3A_116, %shift_right_logical3A_121 : vector<16xi32>
      %or3A_123 = arith.constant -2147483648 : i32
      %or3A_124 = vector.broadcast %or3A_123 : i32 to vector<16xi32>
      %or3A_125 = arith.ori %shift_right_logical3A_122, %or3A_124 : vector<16xi32>
      %get3A_126 = arith.constant 16384 : index
      %get3A_127 = tpu.vector_load %arg4[%get3A_126] {strides = array<i32>} : memref<32768xf32, #tpu.memory_space<vmem>>, vector<16xf32>,
      %bitcast3A_128 = vector.bitcast %get3A_127 : vector<16xf32> to vector<16xi32>
      %shift_right_arithmetic3A_129 = arith.constant 31 : i32
      %shift_right_arithmetic3A_130 = vector.broadcast %shift_right_arithmetic3A_129 : i32 to vector<16xi32>
      %shift_right_arithmetic3A_131 = arith.shrsi %bitcast3A_128, %shift_right_arithmetic3A_130 : vector<16xi32>
      %or3A_132 = arith.constant -2147483648 : i32
      %or3A_133 = vector.broadcast %or3A_132 : i32 to vector<16xi32>
      %or3A_134 = arith.ori %shift_right_arithmetic3A_131, %or3A_133 : vector<16xi32>
      %xor3A_135 = arith.xori %bitcast3A_128, %or3A_134 : vector<16xi32>
      %and3A_136 = arith.constant 2047 : i32
      %and3A_137 = vector.broadcast %and3A_136 : i32 to vector<16xi32>
      %and3A_138 = arith.andi %xor3A_135, %and3A_137 : vector<16xi32>
      %shift_right_logical3A_139 = arith.constant 11 : i32
      %shift_right_logical3A_140 = vector.broadcast %shift_right_logical3A_139 : i32 to vector<16xi32>
      %shift_right_logical3A_141 = arith.shrui %xor3A_135, %shift_right_logical3A_140 : vector<16xi32>
      %get3A_142 = arith.constant 20480 : index
      %get3A_143 = tpu.vector_load %arg4[%get3A_142] {strides = array<i32>} : memref<32768xf32, #tpu.memory_space<vmem>>, vector<16xf32>,
      %bitcast3A_144 = vector.bitcast %get3A_143 : vector<16xf32> to vector<16xi32>
      %shift_right_arithmetic3A_145 = arith.constant 31 : i32
      %shift_right_arithmetic3A_146 = vector.broadcast %shift_right_arithmetic3A_145 : i32 to vector<16xi32>
      %shift_right_arithmetic3A_147 = arith.shrsi %bitcast3A_144, %shift_right_arithmetic3A_146 : vector<16xi32>
      %or3A_148 = arith.constant -2147483648 : i32
      %or3A_149 = vector.broadcast %or3A_148 : i32 to vector<16xi32>
      %or3A_150 = arith.ori %shift_right_arithmetic3A_147, %or3A_149 : vector<16xi32>
      %xor3A_151 = arith.xori %bitcast3A_144, %or3A_150 : vector<16xi32>
      %and3A_152 = arith.constant 2047 : i32
      %and3A_153 = vector.broadcast %and3A_152 : i32 to vector<16xi32>
      %and3A_154 = arith.andi %xor3A_151, %and3A_153 : vector<16xi32>
      %shift_right_logical3A_155 = arith.constant 11 : i32
      %shift_right_logical3A_156 = vector.broadcast %shift_right_logical3A_155 : i32 to vector<16xi32>
      %shift_right_logical3A_157 = arith.shrui %xor3A_151, %shift_right_logical3A_156 : vector<16xi32>
      %get3A_158 = arith.constant 24576 : index
      %get3A_159 = tpu.vector_load %arg4[%get3A_158] {strides = array<i32>} : memref<32768xf32, #tpu.memory_space<vmem>>, vector<16xf32>,
      %bitcast3A_160 = vector.bitcast %get3A_159 : vector<16xf32> to vector<16xi32>
      %shift_right_arithmetic3A_161 = arith.constant 31 : i32
      %shift_right_arithmetic3A_162 = vector.broadcast %shift_right_arithmetic3A_161 : i32 to vector<16xi32>
      %shift_right_arithmetic3A_163 = arith.shrsi %bitcast3A_160, %shift_right_arithmetic3A_162 : vector<16xi32>
      %or3A_164 = arith.constant -2147483648 : i32
      %or3A_165 = vector.broadcast %or3A_164 : i32 to vector<16xi32>
      %or3A_166 = arith.ori %shift_right_arithmetic3A_163, %or3A_165 : vector<16xi32>
      %xor3A_167 = arith.xori %bitcast3A_160, %or3A_166 : vector<16xi32>
      %and3A_168 = arith.constant 2047 : i32
      %and3A_169 = vector.broadcast %and3A_168 : i32 to vector<16xi32>
      %and3A_170 = arith.andi %xor3A_167, %and3A_169 : vector<16xi32>
      %shift_right_logical3A_171 = arith.constant 11 : i32
      %shift_right_logical3A_172 = vector.broadcast %shift_right_logical3A_171 : i32 to vector<16xi32>
      %shift_right_logical3A_173 = arith.shrui %xor3A_167, %shift_right_logical3A_172 : vector<16xi32>
      %get3A_174 = arith.constant 28672 : index
      %get3A_175 = tpu.vector_load %arg4[%get3A_174] {strides = array<i32>} : memref<32768xf32, #tpu.memory_space<vmem>>, vector<16xf32>,
      %bitcast3A_176 = vector.bitcast %get3A_175 : vector<16xf32> to vector<16xi32>
      %shift_right_arithmetic3A_177 = arith.constant 31 : i32
      %shift_right_arithmetic3A_178 = vector.broadcast %shift_right_arithmetic3A_177 : i32 to vector<16xi32>
      %shift_right_arithmetic3A_179 = arith.shrsi %bitcast3A_176, %shift_right_arithmetic3A_178 : vector<16xi32>
      %or3A_180 = arith.constant -2147483648 : i32
      %or3A_181 = vector.broadcast %or3A_180 : i32 to vector<16xi32>
      %or3A_182 = arith.ori %shift_right_arithmetic3A_179, %or3A_181 : vector<16xi32>
      %xor3A_183 = arith.xori %bitcast3A_176, %or3A_182 : vector<16xi32>
      %and3A_184 = arith.constant 2047 : i32
      %and3A_185 = vector.broadcast %and3A_184 : i32 to vector<16xi32>
      %and3A_186 = arith.andi %xor3A_183, %and3A_185 : vector<16xi32>
      %shift_right_logical3A_187 = arith.constant 11 : i32
      %shift_right_logical3A_188 = vector.broadcast %shift_right_logical3A_187 : i32 to vector<16xi32>
      %shift_right_logical3A_189 = arith.shrui %xor3A_183, %shift_right_logical3A_188 : vector<16xi32>
      %scan3A_190 = arith.constant 0 : i32
      %scan3A_191 = arith.constant 255 : i32
      %scan3A_192 = arith.addi %scan3A_190, %scan3A_191 : i32
      %scan3A_193 = arith.constant 1 : i32
      %scan3A_194:16 = scf.for %scan3A_754 = %scan3A_190 to %scan3A_192 step %scan3A_193 iter_args(%scan3A_755 = %and3A_63, %scan3A_756 = %and3A_81, %scan3A_757 = %and3A_100, %scan3A_758 = %and3A_119, %scan3A_759 = %and3A_138, %scan3A_760 = %and3A_154, %scan3A_761 = %and3A_170, %scan3A_762 = %and3A_186, %scan3A_763 = %or3A_68, %scan3A_764 = %or3A_87, %scan3A_765 = %or3A_106, %scan3A_766 = %or3A_125, %scan3A_767 = %shift_right_logical3A_141, %scan3A_768 = %shift_right_logical3A_157, %scan3A_769 = %shift_right_logical3A_173, %scan3A_770 = %shift_right_logical3A_189) -> (vector<16xi32>, vector<16xi32>, vector<16xi32>, vector<16xi32>, vector<16xi32>, vector<16xi32>, vector<16xi32>, vector<16xi32>, vector<16xi32>, vector<16xi32>, vector<16xi32>, vector<16xi32>, vector<16xi32>, vector<16xi32>, vector<16xi32>, vector<16xi32>)  : i32 {
        %add3A_771 = arith.constant 1 : i32
        %add3A_772 = arith.addi %scan3A_754, %add3A_771 : i32
        %mul3A_773 = arith.constant 16 : i32
        %mul3A_774 = arith.muli %add3A_772, %mul3A_773 : i32
        %add3A_775 = arith.constant 0 : i32
        %add3A_776 = arith.addi %add3A_775, %mul3A_774 : i32
        %get3A_777 = arith.index_cast %add3A_776 : i32 to index
        %get3A_778 = tpu.vector_load %arg4[%get3A_777] {strides = array<i32>} : memref<32768xf32, #tpu.memory_space<vmem>>, vector<16xf32>,
        %bitcast3A_779 = vector.bitcast %get3A_778 : vector<16xf32> to vector<16xi32>
        %shift_right_arithmetic3A_780 = arith.constant 31 : i32
        %shift_right_arithmetic3A_781 = vector.broadcast %shift_right_arithmetic3A_780 : i32 to vector<16xi32>
        %shift_right_arithmetic3A_782 = arith.shrsi %bitcast3A_779, %shift_right_arithmetic3A_781 : vector<16xi32>
        %or3A_783 = arith.constant -2147483648 : i32
        %or3A_784 = vector.broadcast %or3A_783 : i32 to vector<16xi32>
        %or3A_785 = arith.ori %shift_right_arithmetic3A_782, %or3A_784 : vector<16xi32>
        %xor3A_786 = arith.xori %bitcast3A_779, %or3A_785 : vector<16xi32>
        %and3A_787 = arith.constant 2047 : i32
        %and3A_788 = vector.broadcast %and3A_787 : i32 to vector<16xi32>
        %and3A_789 = arith.andi %xor3A_786, %and3A_788 : vector<16xi32>
        %shift_right_logical3A_790 = arith.constant 11 : i32
        %shift_right_logical3A_791 = vector.broadcast %shift_right_logical3A_790 : i32 to vector<16xi32>
        %shift_right_logical3A_792 = arith.shrui %xor3A_786, %shift_right_logical3A_791 : vector<16xi32>
        %or3A_793 = arith.constant -2147483648 : i32
        %or3A_794 = vector.broadcast %or3A_793 : i32 to vector<16xi32>
        %or3A_795 = arith.ori %shift_right_logical3A_792, %or3A_794 : vector<16xi32>
        %mul3A_796 = arith.constant 16 : i32
        %mul3A_797 = arith.muli %add3A_772, %mul3A_796 : i32
        %add3A_798 = arith.constant 4096 : i32
        %add3A_799 = arith.addi %add3A_798, %mul3A_797 : i32
        %get3A_800 = arith.index_cast %add3A_799 : i32 to index
        %get3A_801 = tpu.vector_load %arg4[%get3A_800] {strides = array<i32>} : memref<32768xf32, #tpu.memory_space<vmem>>, vector<16xf32>,
        %bitcast3A_802 = vector.bitcast %get3A_801 : vector<16xf32> to vector<16xi32>
        %shift_right_arithmetic3A_803 = arith.constant 31 : i32
        %shift_right_arithmetic3A_804 = vector.broadcast %shift_right_arithmetic3A_803 : i32 to vector<16xi32>
        %shift_right_arithmetic3A_805 = arith.shrsi %bitcast3A_802, %shift_right_arithmetic3A_804 : vector<16xi32>
        %or3A_806 = arith.constant -2147483648 : i32
        %or3A_807 = vector.broadcast %or3A_806 : i32 to vector<16xi32>
        %or3A_808 = arith.ori %shift_right_arithmetic3A_805, %or3A_807 : vector<16xi32>
        %xor3A_809 = arith.xori %bitcast3A_802, %or3A_808 : vector<16xi32>
        %and3A_810 = arith.constant 2047 : i32
        %and3A_811 = vector.broadcast %and3A_810 : i32 to vector<16xi32>
        %and3A_812 = arith.andi %xor3A_809, %and3A_811 : vector<16xi32>
        %shift_right_logical3A_813 = arith.constant 11 : i32
        %shift_right_logical3A_814 = vector.broadcast %shift_right_logical3A_813 : i32 to vector<16xi32>
        %shift_right_logical3A_815 = arith.shrui %xor3A_809, %shift_right_logical3A_814 : vector<16xi32>
        %or3A_816 = arith.constant -2147483648 : i32
        %or3A_817 = vector.broadcast %or3A_816 : i32 to vector<16xi32>
        %or3A_818 = arith.ori %shift_right_logical3A_815, %or3A_817 : vector<16xi32>
        %mul3A_819 = arith.constant 16 : i32
        %mul3A_820 = arith.muli %add3A_772, %mul3A_819 : i32
        %add3A_821 = arith.constant 8192 : i32
        %add3A_822 = arith.addi %add3A_821, %mul3A_820 : i32
        %get3A_823 = arith.index_cast %add3A_822 : i32 to index
        %get3A_824 = tpu.vector_load %arg4[%get3A_823] {strides = array<i32>} : memref<32768xf32, #tpu.memory_space<vmem>>, vector<16xf32>,
        %bitcast3A_825 = vector.bitcast %get3A_824 : vector<16xf32> to vector<16xi32>
        %shift_right_arithmetic3A_826 = arith.constant 31 : i32
        %shift_right_arithmetic3A_827 = vector.broadcast %shift_right_arithmetic3A_826 : i32 to vector<16xi32>
        %shift_right_arithmetic3A_828 = arith.shrsi %bitcast3A_825, %shift_right_arithmetic3A_827 : vector<16xi32>
        %or3A_829 = arith.constant -2147483648 : i32
        %or3A_830 = vector.broadcast %or3A_829 : i32 to vector<16xi32>
        %or3A_831 = arith.ori %shift_right_arithmetic3A_828, %or3A_830 : vector<16xi32>
        %xor3A_832 = arith.xori %bitcast3A_825, %or3A_831 : vector<16xi32>
        %and3A_833 = arith.constant 2047 : i32
        %and3A_834 = vector.broadcast %and3A_833 : i32 to vector<16xi32>
        %and3A_835 = arith.andi %xor3A_832, %and3A_834 : vector<16xi32>
        %shift_right_logical3A_836 = arith.constant 11 : i32
        %shift_right_logical3A_837 = vector.broadcast %shift_right_logical3A_836 : i32 to vector<16xi32>
        %shift_right_logical3A_838 = arith.shrui %xor3A_832, %shift_right_logical3A_837 : vector<16xi32>
        %or3A_839 = arith.constant -2147483648 : i32
        %or3A_840 = vector.broadcast %or3A_839 : i32 to vector<16xi32>
        %or3A_841 = arith.ori %shift_right_logical3A_838, %or3A_840 : vector<16xi32>
        %mul3A_842 = arith.constant 16 : i32
        %mul3A_843 = arith.muli %add3A_772, %mul3A_842 : i32
        %add3A_844 = arith.constant 12288 : i32
        %add3A_845 = arith.addi %add3A_844, %mul3A_843 : i32
        %get3A_846 = arith.index_cast %add3A_845 : i32 to index
        %get3A_847 = tpu.vector_load %arg4[%get3A_846] {strides = array<i32>} : memref<32768xf32, #tpu.memory_space<vmem>>, vector<16xf32>,
        %bitcast3A_848 = vector.bitcast %get3A_847 : vector<16xf32> to vector<16xi32>
        %shift_right_arithmetic3A_849 = arith.constant 31 : i32
        %shift_right_arithmetic3A_850 = vector.broadcast %shift_right_arithmetic3A_849 : i32 to vector<16xi32>
        %shift_right_arithmetic3A_851 = arith.shrsi %bitcast3A_848, %shift_right_arithmetic3A_850 : vector<16xi32>
        %or3A_852 = arith.constant -2147483648 : i32
        %or3A_853 = vector.broadcast %or3A_852 : i32 to vector<16xi32>
        %or3A_854 = arith.ori %shift_right_arithmetic3A_851, %or3A_853 : vector<16xi32>
        %xor3A_855 = arith.xori %bitcast3A_848, %or3A_854 : vector<16xi32>
        %and3A_856 = arith.constant 2047 : i32
        %and3A_857 = vector.broadcast %and3A_856 : i32 to vector<16xi32>
        %and3A_858 = arith.andi %xor3A_855, %and3A_857 : vector<16xi32>
        %shift_right_logical3A_859 = arith.constant 11 : i32
        %shift_right_logical3A_860 = vector.broadcast %shift_right_logical3A_859 : i32 to vector<16xi32>
        %shift_right_logical3A_861 = arith.shrui %xor3A_855, %shift_right_logical3A_860 : vector<16xi32>
        %or3A_862 = arith.constant -2147483648 : i32
        %or3A_863 = vector.broadcast %or3A_862 : i32 to vector<16xi32>
        %or3A_864 = arith.ori %shift_right_logical3A_861, %or3A_863 : vector<16xi32>
        %mul3A_865 = arith.constant 16 : i32
        %mul3A_866 = arith.muli %add3A_772, %mul3A_865 : i32
        %add3A_867 = arith.constant 16384 : i32
        %add3A_868 = arith.addi %add3A_867, %mul3A_866 : i32
        %get3A_869 = arith.index_cast %add3A_868 : i32 to index
        %get3A_870 = tpu.vector_load %arg4[%get3A_869] {strides = array<i32>} : memref<32768xf32, #tpu.memory_space<vmem>>, vector<16xf32>,
        %bitcast3A_871 = vector.bitcast %get3A_870 : vector<16xf32> to vector<16xi32>
        %shift_right_arithmetic3A_872 = arith.constant 31 : i32
        %shift_right_arithmetic3A_873 = vector.broadcast %shift_right_arithmetic3A_872 : i32 to vector<16xi32>
        %shift_right_arithmetic3A_874 = arith.shrsi %bitcast3A_871, %shift_right_arithmetic3A_873 : vector<16xi32>
        %or3A_875 = arith.constant -2147483648 : i32
        %or3A_876 = vector.broadcast %or3A_875 : i32 to vector<16xi32>
        %or3A_877 = arith.ori %shift_right_arithmetic3A_874, %or3A_876 : vector<16xi32>
        %xor3A_878 = arith.xori %bitcast3A_871, %or3A_877 : vector<16xi32>
        %and3A_879 = arith.constant 2047 : i32
        %and3A_880 = vector.broadcast %and3A_879 : i32 to vector<16xi32>
        %and3A_881 = arith.andi %xor3A_878, %and3A_880 : vector<16xi32>
        %shift_right_logical3A_882 = arith.constant 11 : i32
        %shift_right_logical3A_883 = vector.broadcast %shift_right_logical3A_882 : i32 to vector<16xi32>
        %shift_right_logical3A_884 = arith.shrui %xor3A_878, %shift_right_logical3A_883 : vector<16xi32>
        %mul3A_885 = arith.constant 16 : i32
        %mul3A_886 = arith.muli %add3A_772, %mul3A_885 : i32
        %add3A_887 = arith.constant 20480 : i32
        %add3A_888 = arith.addi %add3A_887, %mul3A_886 : i32
        %get3A_889 = arith.index_cast %add3A_888 : i32 to index
        %get3A_890 = tpu.vector_load %arg4[%get3A_889] {strides = array<i32>} : memref<32768xf32, #tpu.memory_space<vmem>>, vector<16xf32>,
        %bitcast3A_891 = vector.bitcast %get3A_890 : vector<16xf32> to vector<16xi32>
        %shift_right_arithmetic3A_892 = arith.constant 31 : i32
        %shift_right_arithmetic3A_893 = vector.broadcast %shift_right_arithmetic3A_892 : i32 to vector<16xi32>
        %shift_right_arithmetic3A_894 = arith.shrsi %bitcast3A_891, %shift_right_arithmetic3A_893 : vector<16xi32>
        %or3A_895 = arith.constant -2147483648 : i32
        %or3A_896 = vector.broadcast %or3A_895 : i32 to vector<16xi32>
        %or3A_897 = arith.ori %shift_right_arithmetic3A_894, %or3A_896 : vector<16xi32>
        %xor3A_898 = arith.xori %bitcast3A_891, %or3A_897 : vector<16xi32>
        %and3A_899 = arith.constant 2047 : i32
        %and3A_900 = vector.broadcast %and3A_899 : i32 to vector<16xi32>
        %and3A_901 = arith.andi %xor3A_898, %and3A_900 : vector<16xi32>
        %shift_right_logical3A_902 = arith.constant 11 : i32
        %shift_right_logical3A_903 = vector.broadcast %shift_right_logical3A_902 : i32 to vector<16xi32>
        %shift_right_logical3A_904 = arith.shrui %xor3A_898, %shift_right_logical3A_903 : vector<16xi32>
        %mul3A_905 = arith.constant 16 : i32
        %mul3A_906 = arith.muli %add3A_772, %mul3A_905 : i32
        %add3A_907 = arith.constant 24576 : i32
        %add3A_908 = arith.addi %add3A_907, %mul3A_906 : i32
        %get3A_909 = arith.index_cast %add3A_908 : i32 to index
        %get3A_910 = tpu.vector_load %arg4[%get3A_909] {strides = array<i32>} : memref<32768xf32, #tpu.memory_space<vmem>>, vector<16xf32>,
        %bitcast3A_911 = vector.bitcast %get3A_910 : vector<16xf32> to vector<16xi32>
        %shift_right_arithmetic3A_912 = arith.constant 31 : i32
        %shift_right_arithmetic3A_913 = vector.broadcast %shift_right_arithmetic3A_912 : i32 to vector<16xi32>
        %shift_right_arithmetic3A_914 = arith.shrsi %bitcast3A_911, %shift_right_arithmetic3A_913 : vector<16xi32>
        %or3A_915 = arith.constant -2147483648 : i32
        %or3A_916 = vector.broadcast %or3A_915 : i32 to vector<16xi32>
        %or3A_917 = arith.ori %shift_right_arithmetic3A_914, %or3A_916 : vector<16xi32>
        %xor3A_918 = arith.xori %bitcast3A_911, %or3A_917 : vector<16xi32>
        %and3A_919 = arith.constant 2047 : i32
        %and3A_920 = vector.broadcast %and3A_919 : i32 to vector<16xi32>
        %and3A_921 = arith.andi %xor3A_918, %and3A_920 : vector<16xi32>
        %shift_right_logical3A_922 = arith.constant 11 : i32
        %shift_right_logical3A_923 = vector.broadcast %shift_right_logical3A_922 : i32 to vector<16xi32>
        %shift_right_logical3A_924 = arith.shrui %xor3A_918, %shift_right_logical3A_923 : vector<16xi32>
        %mul3A_925 = arith.constant 16 : i32
        %mul3A_926 = arith.muli %add3A_772, %mul3A_925 : i32
        %add3A_927 = arith.constant 28672 : i32
        %add3A_928 = arith.addi %add3A_927, %mul3A_926 : i32
        %get3A_929 = arith.index_cast %add3A_928 : i32 to index
        %get3A_930 = tpu.vector_load %arg4[%get3A_929] {strides = array<i32>} : memref<32768xf32, #tpu.memory_space<vmem>>, vector<16xf32>,
        %bitcast3A_931 = vector.bitcast %get3A_930 : vector<16xf32> to vector<16xi32>
        %shift_right_arithmetic3A_932 = arith.constant 31 : i32
        %shift_right_arithmetic3A_933 = vector.broadcast %shift_right_arithmetic3A_932 : i32 to vector<16xi32>
        %shift_right_arithmetic3A_934 = arith.shrsi %bitcast3A_931, %shift_right_arithmetic3A_933 : vector<16xi32>
        %or3A_935 = arith.constant -2147483648 : i32
        %or3A_936 = vector.broadcast %or3A_935 : i32 to vector<16xi32>
        %or3A_937 = arith.ori %shift_right_arithmetic3A_934, %or3A_936 : vector<16xi32>
        %xor3A_938 = arith.xori %bitcast3A_931, %or3A_937 : vector<16xi32>
        %and3A_939 = arith.constant 2047 : i32
        %and3A_940 = vector.broadcast %and3A_939 : i32 to vector<16xi32>
        %and3A_941 = arith.andi %xor3A_938, %and3A_940 : vector<16xi32>
        %shift_right_logical3A_942 = arith.constant 11 : i32
        %shift_right_logical3A_943 = vector.broadcast %shift_right_logical3A_942 : i32 to vector<16xi32>
        %shift_right_logical3A_944 = arith.shrui %xor3A_938, %shift_right_logical3A_943 : vector<16xi32>
        %broadcast_in_dim3A_945 = arith.constant true
        %broadcast_in_dim3A_946 = vector.broadcast %broadcast_in_dim3A_945 : i1 to vector<16xi1>
        %unique3A_947, %unique3A_948 = tpu.scan_count mask(%broadcast_in_dim3A_946 : vector<16xi1>) value(%scan3A_755 : vector<16xi32>) : vector<16xi1>, vector<16xi32>
        %broadcast_in_dim3A_949 = arith.constant true
        %broadcast_in_dim3A_950 = vector.broadcast %broadcast_in_dim3A_949 : i1 to vector<16xi1>
        %unique3A_951, %unique3A_952 = tpu.scan_count mask(%broadcast_in_dim3A_950 : vector<16xi1>) value(%scan3A_756 : vector<16xi32>) : vector<16xi1>, vector<16xi32>
        %broadcast_in_dim3A_953 = arith.constant true
        %broadcast_in_dim3A_954 = vector.broadcast %broadcast_in_dim3A_953 : i1 to vector<16xi1>
        %unique3A_955, %unique3A_956 = tpu.scan_count mask(%broadcast_in_dim3A_954 : vector<16xi1>) value(%scan3A_757 : vector<16xi32>) : vector<16xi1>, vector<16xi32>
        %broadcast_in_dim3A_957 = arith.constant true
        %broadcast_in_dim3A_958 = vector.broadcast %broadcast_in_dim3A_957 : i1 to vector<16xi1>
        %unique3A_959, %unique3A_960 = tpu.scan_count mask(%broadcast_in_dim3A_958 : vector<16xi1>) value(%scan3A_758 : vector<16xi32>) : vector<16xi1>, vector<16xi32>
        %broadcast_in_dim3A_961 = arith.constant true
        %broadcast_in_dim3A_962 = vector.broadcast %broadcast_in_dim3A_961 : i1 to vector<16xi1>
        %unique3A_963, %unique3A_964 = tpu.scan_count mask(%broadcast_in_dim3A_962 : vector<16xi1>) value(%scan3A_759 : vector<16xi32>) : vector<16xi1>, vector<16xi32>
        %broadcast_in_dim3A_965 = arith.constant true
        %broadcast_in_dim3A_966 = vector.broadcast %broadcast_in_dim3A_965 : i1 to vector<16xi1>
        %unique3A_967, %unique3A_968 = tpu.scan_count mask(%broadcast_in_dim3A_966 : vector<16xi1>) value(%scan3A_760 : vector<16xi32>) : vector<16xi1>, vector<16xi32>
        %broadcast_in_dim3A_969 = arith.constant true
        %broadcast_in_dim3A_970 = vector.broadcast %broadcast_in_dim3A_969 : i1 to vector<16xi1>
        %unique3A_971, %unique3A_972 = tpu.scan_count mask(%broadcast_in_dim3A_970 : vector<16xi1>) value(%scan3A_761 : vector<16xi32>) : vector<16xi1>, vector<16xi32>
        %broadcast_in_dim3A_973 = arith.constant true
        %broadcast_in_dim3A_974 = vector.broadcast %broadcast_in_dim3A_973 : i1 to vector<16xi1>
        %unique3A_975, %unique3A_976 = tpu.scan_count mask(%broadcast_in_dim3A_974 : vector<16xi1>) value(%scan3A_762 : vector<16xi32>) : vector<16xi1>, vector<16xi32>
        %gather3A_977 = tpu.vector_load_idx %arg9[%scan3A_755] : memref<2048xi32, #tpu.memory_space<vmem>>[vector<16xi32>], vector<16xi32>,
        %gather3A_978 = tpu.vector_load_idx %arg10[%scan3A_756] : memref<2048xi32, #tpu.memory_space<vmem>>[vector<16xi32>], vector<16xi32>,
        %gather3A_979 = tpu.vector_load_idx %arg11[%scan3A_757] : memref<2048xi32, #tpu.memory_space<vmem>>[vector<16xi32>], vector<16xi32>,
        %gather3A_980 = tpu.vector_load_idx %arg12[%scan3A_758] : memref<2048xi32, #tpu.memory_space<vmem>>[vector<16xi32>], vector<16xi32>,
        %gather3A_981 = tpu.vector_load_idx %arg13[%scan3A_759] : memref<2048xi32, #tpu.memory_space<vmem>>[vector<16xi32>], vector<16xi32>,
        %gather3A_982 = tpu.vector_load_idx %arg14[%scan3A_760] : memref<2048xi32, #tpu.memory_space<vmem>>[vector<16xi32>], vector<16xi32>,
        %gather3A_983 = tpu.vector_load_idx %arg15[%scan3A_761] : memref<2048xi32, #tpu.memory_space<vmem>>[vector<16xi32>], vector<16xi32>,
        %gather3A_984 = tpu.vector_load_idx %arg16[%scan3A_762] : memref<2048xi32, #tpu.memory_space<vmem>>[vector<16xi32>], vector<16xi32>,
        %add3A_985 = arith.addi %gather3A_977, %unique3A_948 : vector<16xi32>
        %sub3A_986 = arith.constant 1 : i32
        %sub3A_987 = vector.broadcast %sub3A_986 : i32 to vector<16xi32>
        %sub3A_988 = arith.subi %add3A_985, %sub3A_987 : vector<16xi32>
        %add3A_989 = arith.addi %gather3A_978, %unique3A_952 : vector<16xi32>
        %sub3A_990 = arith.constant 1 : i32
        %sub3A_991 = vector.broadcast %sub3A_990 : i32 to vector<16xi32>
        %sub3A_992 = arith.subi %add3A_989, %sub3A_991 : vector<16xi32>
        %add3A_993 = arith.addi %gather3A_979, %unique3A_956 : vector<16xi32>
        %sub3A_994 = arith.constant 1 : i32
        %sub3A_995 = vector.broadcast %sub3A_994 : i32 to vector<16xi32>
        %sub3A_996 = arith.subi %add3A_993, %sub3A_995 : vector<16xi32>
        %add3A_997 = arith.addi %gather3A_980, %unique3A_960 : vector<16xi32>
        %sub3A_998 = arith.constant 1 : i32
        %sub3A_999 = vector.broadcast %sub3A_998 : i32 to vector<16xi32>
        %sub3A_1000 = arith.subi %add3A_997, %sub3A_999 : vector<16xi32>
        %add3A_1001 = arith.addi %gather3A_981, %unique3A_964 : vector<16xi32>
        %sub3A_1002 = arith.constant 1 : i32
        %sub3A_1003 = vector.broadcast %sub3A_1002 : i32 to vector<16xi32>
        %sub3A_1004 = arith.subi %add3A_1001, %sub3A_1003 : vector<16xi32>
        %add3A_1005 = arith.addi %gather3A_982, %unique3A_968 : vector<16xi32>
        %sub3A_1006 = arith.constant 1 : i32
        %sub3A_1007 = vector.broadcast %sub3A_1006 : i32 to vector<16xi32>
        %sub3A_1008 = arith.subi %add3A_1005, %sub3A_1007 : vector<16xi32>
        %add3A_1009 = arith.addi %gather3A_983, %unique3A_972 : vector<16xi32>
        %sub3A_1010 = arith.constant 1 : i32
        %sub3A_1011 = vector.broadcast %sub3A_1010 : i32 to vector<16xi32>
        %sub3A_1012 = arith.subi %add3A_1009, %sub3A_1011 : vector<16xi32>
        %add3A_1013 = arith.addi %gather3A_984, %unique3A_976 : vector<16xi32>
        %sub3A_1014 = arith.constant 1 : i32
        %sub3A_1015 = vector.broadcast %sub3A_1014 : i32 to vector<16xi32>
        %sub3A_1016 = arith.subi %add3A_1013, %sub3A_1015 : vector<16xi32>
        tpu.vector_store_idx %arg5[%sub3A_988], %scan3A_763 : memref<32768xi32, #tpu.memory_space<vmem>>[vector<16xi32>], vector<16xi32>,
        tpu.vector_store_idx %arg9[%scan3A_755], %unique3A_948 masked %unique3A_947 {add = true} : memref<2048xi32, #tpu.memory_space<vmem>>[vector<16xi32>], vector<16xi32>, vector<16xi1>
        tpu.vector_store_idx %arg5[%sub3A_992], %scan3A_764 : memref<32768xi32, #tpu.memory_space<vmem>>[vector<16xi32>], vector<16xi32>,
        tpu.vector_store_idx %arg10[%scan3A_756], %unique3A_952 masked %unique3A_951 {add = true} : memref<2048xi32, #tpu.memory_space<vmem>>[vector<16xi32>], vector<16xi32>, vector<16xi1>
        tpu.vector_store_idx %arg5[%sub3A_996], %scan3A_765 : memref<32768xi32, #tpu.memory_space<vmem>>[vector<16xi32>], vector<16xi32>,
        tpu.vector_store_idx %arg11[%scan3A_757], %unique3A_956 masked %unique3A_955 {add = true} : memref<2048xi32, #tpu.memory_space<vmem>>[vector<16xi32>], vector<16xi32>, vector<16xi1>
        tpu.vector_store_idx %arg5[%sub3A_1000], %scan3A_766 : memref<32768xi32, #tpu.memory_space<vmem>>[vector<16xi32>], vector<16xi32>,
        tpu.vector_store_idx %arg12[%scan3A_758], %unique3A_960 masked %unique3A_959 {add = true} : memref<2048xi32, #tpu.memory_space<vmem>>[vector<16xi32>], vector<16xi32>, vector<16xi1>
        tpu.vector_store_idx %arg5[%sub3A_1004], %scan3A_767 : memref<32768xi32, #tpu.memory_space<vmem>>[vector<16xi32>], vector<16xi32>,
        tpu.vector_store_idx %arg13[%scan3A_759], %unique3A_964 masked %unique3A_963 {add = true} : memref<2048xi32, #tpu.memory_space<vmem>>[vector<16xi32>], vector<16xi32>, vector<16xi1>
        tpu.vector_store_idx %arg5[%sub3A_1008], %scan3A_768 : memref<32768xi32, #tpu.memory_space<vmem>>[vector<16xi32>], vector<16xi32>,
        tpu.vector_store_idx %arg14[%scan3A_760], %unique3A_968 masked %unique3A_967 {add = true} : memref<2048xi32, #tpu.memory_space<vmem>>[vector<16xi32>], vector<16xi32>, vector<16xi1>
        tpu.vector_store_idx %arg5[%sub3A_1012], %scan3A_769 : memref<32768xi32, #tpu.memory_space<vmem>>[vector<16xi32>], vector<16xi32>,
        tpu.vector_store_idx %arg15[%scan3A_761], %unique3A_972 masked %unique3A_971 {add = true} : memref<2048xi32, #tpu.memory_space<vmem>>[vector<16xi32>], vector<16xi32>, vector<16xi1>
        tpu.vector_store_idx %arg5[%sub3A_1016], %scan3A_770 : memref<32768xi32, #tpu.memory_space<vmem>>[vector<16xi32>], vector<16xi32>,
        tpu.vector_store_idx %arg16[%scan3A_762], %unique3A_976 masked %unique3A_975 {add = true} : memref<2048xi32, #tpu.memory_space<vmem>>[vector<16xi32>], vector<16xi32>, vector<16xi1>
        %shift_right_logical3A_1017 = arith.constant 12 : i32
        %shift_right_logical3A_1018 = vector.broadcast %shift_right_logical3A_1017 : i32 to vector<16xi32>
        %shift_right_logical3A_1019 = arith.shrui %sub3A_988, %shift_right_logical3A_1018 : vector<16xi32>
        %shift_left3A_1020 = arith.constant 11 : i32
        %shift_left3A_1021 = vector.broadcast %shift_left3A_1020 : i32 to vector<16xi32>
        %shift_left3A_1022 = arith.shli %shift_right_logical3A_1019, %shift_left3A_1021 : vector<16xi32>
        %and3A_1023 = arith.constant 2047 : i32
        %and3A_1024 = vector.broadcast %and3A_1023 : i32 to vector<16xi32>
        %and3A_1025 = arith.andi %scan3A_763, %and3A_1024 : vector<16xi32>
        %or3A_1026 = arith.ori %shift_left3A_1022, %and3A_1025 : vector<16xi32>
        tpu.vector_store_idx %arg6[%or3A_1026], %broadcast_in_dim3A_56 {add = true} : memref<16384xi32, #tpu.memory_space<vmem>>[vector<16xi32>], vector<16xi32>,
        %shift_right_logical3A_1027 = arith.constant 12 : i32
        %shift_right_logical3A_1028 = vector.broadcast %shift_right_logical3A_1027 : i32 to vector<16xi32>
        %shift_right_logical3A_1029 = arith.shrui %sub3A_992, %shift_right_logical3A_1028 : vector<16xi32>
        %shift_left3A_1030 = arith.constant 11 : i32
        %shift_left3A_1031 = vector.broadcast %shift_left3A_1030 : i32 to vector<16xi32>
        %shift_left3A_1032 = arith.shli %shift_right_logical3A_1029, %shift_left3A_1031 : vector<16xi32>
        %and3A_1033 = arith.constant 2047 : i32
        %and3A_1034 = vector.broadcast %and3A_1033 : i32 to vector<16xi32>
        %and3A_1035 = arith.andi %scan3A_764, %and3A_1034 : vector<16xi32>
        %or3A_1036 = arith.ori %shift_left3A_1032, %and3A_1035 : vector<16xi32>
        tpu.vector_store_idx %arg6[%or3A_1036], %broadcast_in_dim3A_56 {add = true} : memref<16384xi32, #tpu.memory_space<vmem>>[vector<16xi32>], vector<16xi32>,
        %shift_right_logical3A_1037 = arith.constant 12 : i32
        %shift_right_logical3A_1038 = vector.broadcast %shift_right_logical3A_1037 : i32 to vector<16xi32>
        %shift_right_logical3A_1039 = arith.shrui %sub3A_996, %shift_right_logical3A_1038 : vector<16xi32>
        %shift_left3A_1040 = arith.constant 11 : i32
        %shift_left3A_1041 = vector.broadcast %shift_left3A_1040 : i32 to vector<16xi32>
        %shift_left3A_1042 = arith.shli %shift_right_logical3A_1039, %shift_left3A_1041 : vector<16xi32>
        %and3A_1043 = arith.constant 2047 : i32
        %and3A_1044 = vector.broadcast %and3A_1043 : i32 to vector<16xi32>
        %and3A_1045 = arith.andi %scan3A_765, %and3A_1044 : vector<16xi32>
        %or3A_1046 = arith.ori %shift_left3A_1042, %and3A_1045 : vector<16xi32>
        tpu.vector_store_idx %arg6[%or3A_1046], %broadcast_in_dim3A_56 {add = true} : memref<16384xi32, #tpu.memory_space<vmem>>[vector<16xi32>], vector<16xi32>,
        %shift_right_logical3A_1047 = arith.constant 12 : i32
        %shift_right_logical3A_1048 = vector.broadcast %shift_right_logical3A_1047 : i32 to vector<16xi32>
        %shift_right_logical3A_1049 = arith.shrui %sub3A_1000, %shift_right_logical3A_1048 : vector<16xi32>
        %shift_left3A_1050 = arith.constant 11 : i32
        %shift_left3A_1051 = vector.broadcast %shift_left3A_1050 : i32 to vector<16xi32>
        %shift_left3A_1052 = arith.shli %shift_right_logical3A_1049, %shift_left3A_1051 : vector<16xi32>
        %and3A_1053 = arith.constant 2047 : i32
        %and3A_1054 = vector.broadcast %and3A_1053 : i32 to vector<16xi32>
        %and3A_1055 = arith.andi %scan3A_766, %and3A_1054 : vector<16xi32>
        %or3A_1056 = arith.ori %shift_left3A_1052, %and3A_1055 : vector<16xi32>
        tpu.vector_store_idx %arg6[%or3A_1056], %broadcast_in_dim3A_56 {add = true} : memref<16384xi32, #tpu.memory_space<vmem>>[vector<16xi32>], vector<16xi32>,
        %shift_right_logical3A_1057 = arith.constant 12 : i32
        %shift_right_logical3A_1058 = vector.broadcast %shift_right_logical3A_1057 : i32 to vector<16xi32>
        %shift_right_logical3A_1059 = arith.shrui %sub3A_1004, %shift_right_logical3A_1058 : vector<16xi32>
        %shift_left3A_1060 = arith.constant 11 : i32
        %shift_left3A_1061 = vector.broadcast %shift_left3A_1060 : i32 to vector<16xi32>
        %shift_left3A_1062 = arith.shli %shift_right_logical3A_1059, %shift_left3A_1061 : vector<16xi32>
        %and3A_1063 = arith.constant 2047 : i32
        %and3A_1064 = vector.broadcast %and3A_1063 : i32 to vector<16xi32>
        %and3A_1065 = arith.andi %scan3A_767, %and3A_1064 : vector<16xi32>
        %or3A_1066 = arith.ori %shift_left3A_1062, %and3A_1065 : vector<16xi32>
        tpu.vector_store_idx %arg6[%or3A_1066], %broadcast_in_dim3A_56 {add = true} : memref<16384xi32, #tpu.memory_space<vmem>>[vector<16xi32>], vector<16xi32>,
        %shift_right_logical3A_1067 = arith.constant 12 : i32
        %shift_right_logical3A_1068 = vector.broadcast %shift_right_logical3A_1067 : i32 to vector<16xi32>
        %shift_right_logical3A_1069 = arith.shrui %sub3A_1008, %shift_right_logical3A_1068 : vector<16xi32>
        %shift_left3A_1070 = arith.constant 11 : i32
        %shift_left3A_1071 = vector.broadcast %shift_left3A_1070 : i32 to vector<16xi32>
        %shift_left3A_1072 = arith.shli %shift_right_logical3A_1069, %shift_left3A_1071 : vector<16xi32>
        %and3A_1073 = arith.constant 2047 : i32
        %and3A_1074 = vector.broadcast %and3A_1073 : i32 to vector<16xi32>
        %and3A_1075 = arith.andi %scan3A_768, %and3A_1074 : vector<16xi32>
        %or3A_1076 = arith.ori %shift_left3A_1072, %and3A_1075 : vector<16xi32>
        tpu.vector_store_idx %arg6[%or3A_1076], %broadcast_in_dim3A_56 {add = true} : memref<16384xi32, #tpu.memory_space<vmem>>[vector<16xi32>], vector<16xi32>,
        %shift_right_logical3A_1077 = arith.constant 12 : i32
        %shift_right_logical3A_1078 = vector.broadcast %shift_right_logical3A_1077 : i32 to vector<16xi32>
        %shift_right_logical3A_1079 = arith.shrui %sub3A_1012, %shift_right_logical3A_1078 : vector<16xi32>
        %shift_left3A_1080 = arith.constant 11 : i32
        %shift_left3A_1081 = vector.broadcast %shift_left3A_1080 : i32 to vector<16xi32>
        %shift_left3A_1082 = arith.shli %shift_right_logical3A_1079, %shift_left3A_1081 : vector<16xi32>
        %and3A_1083 = arith.constant 2047 : i32
        %and3A_1084 = vector.broadcast %and3A_1083 : i32 to vector<16xi32>
        %and3A_1085 = arith.andi %scan3A_769, %and3A_1084 : vector<16xi32>
        %or3A_1086 = arith.ori %shift_left3A_1082, %and3A_1085 : vector<16xi32>
        tpu.vector_store_idx %arg6[%or3A_1086], %broadcast_in_dim3A_56 {add = true} : memref<16384xi32, #tpu.memory_space<vmem>>[vector<16xi32>], vector<16xi32>,
        %shift_right_logical3A_1087 = arith.constant 12 : i32
        %shift_right_logical3A_1088 = vector.broadcast %shift_right_logical3A_1087 : i32 to vector<16xi32>
        %shift_right_logical3A_1089 = arith.shrui %sub3A_1016, %shift_right_logical3A_1088 : vector<16xi32>
        %shift_left3A_1090 = arith.constant 11 : i32
        %shift_left3A_1091 = vector.broadcast %shift_left3A_1090 : i32 to vector<16xi32>
        %shift_left3A_1092 = arith.shli %shift_right_logical3A_1089, %shift_left3A_1091 : vector<16xi32>
        %and3A_1093 = arith.constant 2047 : i32
        %and3A_1094 = vector.broadcast %and3A_1093 : i32 to vector<16xi32>
        %and3A_1095 = arith.andi %scan3A_770, %and3A_1094 : vector<16xi32>
        %or3A_1096 = arith.ori %shift_left3A_1092, %and3A_1095 : vector<16xi32>
        tpu.vector_store_idx %arg6[%or3A_1096], %broadcast_in_dim3A_56 {add = true} : memref<16384xi32, #tpu.memory_space<vmem>>[vector<16xi32>], vector<16xi32>,
        scf.yield %and3A_789, %and3A_812, %and3A_835, %and3A_858, %and3A_881, %and3A_901, %and3A_921, %and3A_941, %or3A_795, %or3A_818, %or3A_841, %or3A_864, %shift_right_logical3A_884, %shift_right_logical3A_904, %shift_right_logical3A_924, %shift_right_logical3A_944 : vector<16xi32>, vector<16xi32>, vector<16xi32>, vector<16xi32>, vector<16xi32>, vector<16xi32>, vector<16xi32>, vector<16xi32>, vector<16xi32>, vector<16xi32>, vector<16xi32>, vector<16xi32>, vector<16xi32>, vector<16xi32>, vector<16xi32>, vector<16xi32>
      }
      %scan3A_195 = arith.constant 255 : i32
      %broadcast_in_dim3A_196 = arith.constant true
      %broadcast_in_dim3A_197 = vector.broadcast %broadcast_in_dim3A_196 : i1 to vector<16xi1>
      %unique3A, %unique3A_198 = tpu.scan_count mask(%broadcast_in_dim3A_197 : vector<16xi1>) value(%scan3A_194#0 : vector<16xi32>) : vector<16xi1>, vector<16xi32>
      %broadcast_in_dim3A_199 = arith.constant true
      %broadcast_in_dim3A_200 = vector.broadcast %broadcast_in_dim3A_199 : i1 to vector<16xi1>
      %unique3A_201, %unique3A_202 = tpu.scan_count mask(%broadcast_in_dim3A_200 : vector<16xi1>) value(%scan3A_194#1 : vector<16xi32>) : vector<16xi1>, vector<16xi32>
      %broadcast_in_dim3A_203 = arith.constant true
      %broadcast_in_dim3A_204 = vector.broadcast %broadcast_in_dim3A_203 : i1 to vector<16xi1>
      %unique3A_205, %unique3A_206 = tpu.scan_count mask(%broadcast_in_dim3A_204 : vector<16xi1>) value(%scan3A_194#2 : vector<16xi32>) : vector<16xi1>, vector<16xi32>
      %broadcast_in_dim3A_207 = arith.constant true
      %broadcast_in_dim3A_208 = vector.broadcast %broadcast_in_dim3A_207 : i1 to vector<16xi1>
      %unique3A_209, %unique3A_210 = tpu.scan_count mask(%broadcast_in_dim3A_208 : vector<16xi1>) value(%scan3A_194#3 : vector<16xi32>) : vector<16xi1>, vector<16xi32>
      %broadcast_in_dim3A_211 = arith.constant true
      %broadcast_in_dim3A_212 = vector.broadcast %broadcast_in_dim3A_211 : i1 to vector<16xi1>
      %unique3A_213, %unique3A_214 = tpu.scan_count mask(%broadcast_in_dim3A_212 : vector<16xi1>) value(%scan3A_194#4 : vector<16xi32>) : vector<16xi1>, vector<16xi32>
      %broadcast_in_dim3A_215 = arith.constant true
      %broadcast_in_dim3A_216 = vector.broadcast %broadcast_in_dim3A_215 : i1 to vector<16xi1>
      %unique3A_217, %unique3A_218 = tpu.scan_count mask(%broadcast_in_dim3A_216 : vector<16xi1>) value(%scan3A_194#5 : vector<16xi32>) : vector<16xi1>, vector<16xi32>
      %broadcast_in_dim3A_219 = arith.constant true
      %broadcast_in_dim3A_220 = vector.broadcast %broadcast_in_dim3A_219 : i1 to vector<16xi1>
      %unique3A_221, %unique3A_222 = tpu.scan_count mask(%broadcast_in_dim3A_220 : vector<16xi1>) value(%scan3A_194#6 : vector<16xi32>) : vector<16xi1>, vector<16xi32>
      %broadcast_in_dim3A_223 = arith.constant true
      %broadcast_in_dim3A_224 = vector.broadcast %broadcast_in_dim3A_223 : i1 to vector<16xi1>
      %unique3A_225, %unique3A_226 = tpu.scan_count mask(%broadcast_in_dim3A_224 : vector<16xi1>) value(%scan3A_194#7 : vector<16xi32>) : vector<16xi1>, vector<16xi32>
      %gather3A = tpu.vector_load_idx %arg9[%scan3A_194#0] : memref<2048xi32, #tpu.memory_space<vmem>>[vector<16xi32>], vector<16xi32>,
      %gather3A_227 = tpu.vector_load_idx %arg10[%scan3A_194#1] : memref<2048xi32, #tpu.memory_space<vmem>>[vector<16xi32>], vector<16xi32>,
      %gather3A_228 = tpu.vector_load_idx %arg11[%scan3A_194#2] : memref<2048xi32, #tpu.memory_space<vmem>>[vector<16xi32>], vector<16xi32>,
      %gather3A_229 = tpu.vector_load_idx %arg12[%scan3A_194#3] : memref<2048xi32, #tpu.memory_space<vmem>>[vector<16xi32>], vector<16xi32>,
      %gather3A_230 = tpu.vector_load_idx %arg13[%scan3A_194#4] : memref<2048xi32, #tpu.memory_space<vmem>>[vector<16xi32>], vector<16xi32>,
      %gather3A_231 = tpu.vector_load_idx %arg14[%scan3A_194#5] : memref<2048xi32, #tpu.memory_space<vmem>>[vector<16xi32>], vector<16xi32>,
      %gather3A_232 = tpu.vector_load_idx %arg15[%scan3A_194#6] : memref<2048xi32, #tpu.memory_space<vmem>>[vector<16xi32>], vector<16xi32>,
      %gather3A_233 = tpu.vector_load_idx %arg16[%scan3A_194#7] : memref<2048xi32, #tpu.memory_space<vmem>>[vector<16xi32>], vector<16xi32>,
      %add3A_234 = arith.addi %gather3A, %unique3A_198 : vector<16xi32>
      %sub3A_235 = arith.constant 1 : i32
      %sub3A_236 = vector.broadcast %sub3A_235 : i32 to vector<16xi32>
      %sub3A_237 = arith.subi %add3A_234, %sub3A_236 : vector<16xi32>
      %add3A_238 = arith.addi %gather3A_227, %unique3A_202 : vector<16xi32>
      %sub3A_239 = arith.constant 1 : i32
      %sub3A_240 = vector.broadcast %sub3A_239 : i32 to vector<16xi32>
      %sub3A_241 = arith.subi %add3A_238, %sub3A_240 : vector<16xi32>
      %add3A_242 = arith.addi %gather3A_228, %unique3A_206 : vector<16xi32>
      %sub3A_243 = arith.constant 1 : i32
      %sub3A_244 = vector.broadcast %sub3A_243 : i32 to vector<16xi32>
      %sub3A_245 = arith.subi %add3A_242, %sub3A_244 : vector<16xi32>
      %add3A_246 = arith.addi %gather3A_229, %unique3A_210 : vector<16xi32>
      %sub3A_247 = arith.constant 1 : i32
      %sub3A_248 = vector.broadcast %sub3A_247 : i32 to vector<16xi32>
      %sub3A_249 = arith.subi %add3A_246, %sub3A_248 : vector<16xi32>
      %add3A_250 = arith.addi %gather3A_230, %unique3A_214 : vector<16xi32>
      %sub3A_251 = arith.constant 1 : i32
      %sub3A_252 = vector.broadcast %sub3A_251 : i32 to vector<16xi32>
      %sub3A_253 = arith.subi %add3A_250, %sub3A_252 : vector<16xi32>
      %add3A_254 = arith.addi %gather3A_231, %unique3A_218 : vector<16xi32>
      %sub3A_255 = arith.constant 1 : i32
      %sub3A_256 = vector.broadcast %sub3A_255 : i32 to vector<16xi32>
      %sub3A_257 = arith.subi %add3A_254, %sub3A_256 : vector<16xi32>
      %add3A_258 = arith.addi %gather3A_232, %unique3A_222 : vector<16xi32>
      %sub3A_259 = arith.constant 1 : i32
      %sub3A_260 = vector.broadcast %sub3A_259 : i32 to vector<16xi32>
      %sub3A_261 = arith.subi %add3A_258, %sub3A_260 : vector<16xi32>
      %add3A_262 = arith.addi %gather3A_233, %unique3A_226 : vector<16xi32>
      %sub3A_263 = arith.constant 1 : i32
      %sub3A_264 = vector.broadcast %sub3A_263 : i32 to vector<16xi32>
      %sub3A_265 = arith.subi %add3A_262, %sub3A_264 : vector<16xi32>
      tpu.vector_store_idx %arg5[%sub3A_237], %scan3A_194#8 : memref<32768xi32, #tpu.memory_space<vmem>>[vector<16xi32>], vector<16xi32>,
      tpu.vector_store_idx %arg9[%scan3A_194#0], %unique3A_198 masked %unique3A {add = true} : memref<2048xi32, #tpu.memory_space<vmem>>[vector<16xi32>], vector<16xi32>, vector<16xi1>
      tpu.vector_store_idx %arg5[%sub3A_241], %scan3A_194#9 : memref<32768xi32, #tpu.memory_space<vmem>>[vector<16xi32>], vector<16xi32>,
      tpu.vector_store_idx %arg10[%scan3A_194#1], %unique3A_202 masked %unique3A_201 {add = true} : memref<2048xi32, #tpu.memory_space<vmem>>[vector<16xi32>], vector<16xi32>, vector<16xi1>
      tpu.vector_store_idx %arg5[%sub3A_245], %scan3A_194#10 : memref<32768xi32, #tpu.memory_space<vmem>>[vector<16xi32>], vector<16xi32>,
      tpu.vector_store_idx %arg11[%scan3A_194#2], %unique3A_206 masked %unique3A_205 {add = true} : memref<2048xi32, #tpu.memory_space<vmem>>[vector<16xi32>], vector<16xi32>, vector<16xi1>
      tpu.vector_store_idx %arg5[%sub3A_249], %scan3A_194#11 : memref<32768xi32, #tpu.memory_space<vmem>>[vector<16xi32>], vector<16xi32>,
      tpu.vector_store_idx %arg12[%scan3A_194#3], %unique3A_210 masked %unique3A_209 {add = true} : memref<2048xi32, #tpu.memory_space<vmem>>[vector<16xi32>], vector<16xi32>, vector<16xi1>
      tpu.vector_store_idx %arg5[%sub3A_253], %scan3A_194#12 : memref<32768xi32, #tpu.memory_space<vmem>>[vector<16xi32>], vector<16xi32>,
      tpu.vector_store_idx %arg13[%scan3A_194#4], %unique3A_214 masked %unique3A_213 {add = true} : memref<2048xi32, #tpu.memory_space<vmem>>[vector<16xi32>], vector<16xi32>, vector<16xi1>
      tpu.vector_store_idx %arg5[%sub3A_257], %scan3A_194#13 : memref<32768xi32, #tpu.memory_space<vmem>>[vector<16xi32>], vector<16xi32>,
      tpu.vector_store_idx %arg14[%scan3A_194#5], %unique3A_218 masked %unique3A_217 {add = true} : memref<2048xi32, #tpu.memory_space<vmem>>[vector<16xi32>], vector<16xi32>, vector<16xi1>
      tpu.vector_store_idx %arg5[%sub3A_261], %scan3A_194#14 : memref<32768xi32, #tpu.memory_space<vmem>>[vector<16xi32>], vector<16xi32>,
      tpu.vector_store_idx %arg15[%scan3A_194#6], %unique3A_222 masked %unique3A_221 {add = true} : memref<2048xi32, #tpu.memory_space<vmem>>[vector<16xi32>], vector<16xi32>, vector<16xi1>
      tpu.vector_store_idx %arg5[%sub3A_265], %scan3A_194#15 : memref<32768xi32, #tpu.memory_space<vmem>>[vector<16xi32>], vector<16xi32>,
      tpu.vector_store_idx %arg16[%scan3A_194#7], %unique3A_226 masked %unique3A_225 {add = true} : memref<2048xi32, #tpu.memory_space<vmem>>[vector<16xi32>], vector<16xi32>, vector<16xi1>
      %shift_right_logical3A_266 = arith.constant 12 : i32
      %shift_right_logical3A_267 = vector.broadcast %shift_right_logical3A_266 : i32 to vector<16xi32>
      %shift_right_logical3A_268 = arith.shrui %sub3A_237, %shift_right_logical3A_267 : vector<16xi32>
      %shift_left3A = arith.constant 11 : i32
      %shift_left3A_269 = vector.broadcast %shift_left3A : i32 to vector<16xi32>
      %shift_left3A_270 = arith.shli %shift_right_logical3A_268, %shift_left3A_269 : vector<16xi32>
      %and3A_271 = arith.constant 2047 : i32
      %and3A_272 = vector.broadcast %and3A_271 : i32 to vector<16xi32>
      %and3A_273 = arith.andi %scan3A_194#8, %and3A_272 : vector<16xi32>
      %or3A_274 = arith.ori %shift_left3A_270, %and3A_273 : vector<16xi32>
      tpu.vector_store_idx %arg6[%or3A_274], %broadcast_in_dim3A_56 {add = true} : memref<16384xi32, #tpu.memory_space<vmem>>[vector<16xi32>], vector<16xi32>,
      %shift_right_logical3A_275 = arith.constant 12 : i32
      %shift_right_logical3A_276 = vector.broadcast %shift_right_logical3A_275 : i32 to vector<16xi32>
      %shift_right_logical3A_277 = arith.shrui %sub3A_241, %shift_right_logical3A_276 : vector<16xi32>
      %shift_left3A_278 = arith.constant 11 : i32
      %shift_left3A_279 = vector.broadcast %shift_left3A_278 : i32 to vector<16xi32>
      %shift_left3A_280 = arith.shli %shift_right_logical3A_277, %shift_left3A_279 : vector<16xi32>
      %and3A_281 = arith.constant 2047 : i32
      %and3A_282 = vector.broadcast %and3A_281 : i32 to vector<16xi32>
      %and3A_283 = arith.andi %scan3A_194#9, %and3A_282 : vector<16xi32>
      %or3A_284 = arith.ori %shift_left3A_280, %and3A_283 : vector<16xi32>
      tpu.vector_store_idx %arg6[%or3A_284], %broadcast_in_dim3A_56 {add = true} : memref<16384xi32, #tpu.memory_space<vmem>>[vector<16xi32>], vector<16xi32>,
      %shift_right_logical3A_285 = arith.constant 12 : i32
      %shift_right_logical3A_286 = vector.broadcast %shift_right_logical3A_285 : i32 to vector<16xi32>
      %shift_right_logical3A_287 = arith.shrui %sub3A_245, %shift_right_logical3A_286 : vector<16xi32>
      %shift_left3A_288 = arith.constant 11 : i32
      %shift_left3A_289 = vector.broadcast %shift_left3A_288 : i32 to vector<16xi32>
      %shift_left3A_290 = arith.shli %shift_right_logical3A_287, %shift_left3A_289 : vector<16xi32>
      %and3A_291 = arith.constant 2047 : i32
      %and3A_292 = vector.broadcast %and3A_291 : i32 to vector<16xi32>
      %and3A_293 = arith.andi %scan3A_194#10, %and3A_292 : vector<16xi32>
      %or3A_294 = arith.ori %shift_left3A_290, %and3A_293 : vector<16xi32>
      tpu.vector_store_idx %arg6[%or3A_294], %broadcast_in_dim3A_56 {add = true} : memref<16384xi32, #tpu.memory_space<vmem>>[vector<16xi32>], vector<16xi32>,
      %shift_right_logical3A_295 = arith.constant 12 : i32
      %shift_right_logical3A_296 = vector.broadcast %shift_right_logical3A_295 : i32 to vector<16xi32>
      %shift_right_logical3A_297 = arith.shrui %sub3A_249, %shift_right_logical3A_296 : vector<16xi32>
      %shift_left3A_298 = arith.constant 11 : i32
      %shift_left3A_299 = vector.broadcast %shift_left3A_298 : i32 to vector<16xi32>
      %shift_left3A_300 = arith.shli %shift_right_logical3A_297, %shift_left3A_299 : vector<16xi32>
      %and3A_301 = arith.constant 2047 : i32
      %and3A_302 = vector.broadcast %and3A_301 : i32 to vector<16xi32>
      %and3A_303 = arith.andi %scan3A_194#11, %and3A_302 : vector<16xi32>
      %or3A_304 = arith.ori %shift_left3A_300, %and3A_303 : vector<16xi32>
      tpu.vector_store_idx %arg6[%or3A_304], %broadcast_in_dim3A_56 {add = true} : memref<16384xi32, #tpu.memory_space<vmem>>[vector<16xi32>], vector<16xi32>,
      %shift_right_logical3A_305 = arith.constant 12 : i32
      %shift_right_logical3A_306 = vector.broadcast %shift_right_logical3A_305 : i32 to vector<16xi32>
      %shift_right_logical3A_307 = arith.shrui %sub3A_253, %shift_right_logical3A_306 : vector<16xi32>
      %shift_left3A_308 = arith.constant 11 : i32
      %shift_left3A_309 = vector.broadcast %shift_left3A_308 : i32 to vector<16xi32>
      %shift_left3A_310 = arith.shli %shift_right_logical3A_307, %shift_left3A_309 : vector<16xi32>
      %and3A_311 = arith.constant 2047 : i32
      %and3A_312 = vector.broadcast %and3A_311 : i32 to vector<16xi32>
      %and3A_313 = arith.andi %scan3A_194#12, %and3A_312 : vector<16xi32>
      %or3A_314 = arith.ori %shift_left3A_310, %and3A_313 : vector<16xi32>
      tpu.vector_store_idx %arg6[%or3A_314], %broadcast_in_dim3A_56 {add = true} : memref<16384xi32, #tpu.memory_space<vmem>>[vector<16xi32>], vector<16xi32>,
      %shift_right_logical3A_315 = arith.constant 12 : i32
      %shift_right_logical3A_316 = vector.broadcast %shift_right_logical3A_315 : i32 to vector<16xi32>
      %shift_right_logical3A_317 = arith.shrui %sub3A_257, %shift_right_logical3A_316 : vector<16xi32>
      %shift_left3A_318 = arith.constant 11 : i32
      %shift_left3A_319 = vector.broadcast %shift_left3A_318 : i32 to vector<16xi32>
      %shift_left3A_320 = arith.shli %shift_right_logical3A_317, %shift_left3A_319 : vector<16xi32>
      %and3A_321 = arith.constant 2047 : i32
      %and3A_322 = vector.broadcast %and3A_321 : i32 to vector<16xi32>
      %and3A_323 = arith.andi %scan3A_194#13, %and3A_322 : vector<16xi32>
      %or3A_324 = arith.ori %shift_left3A_320, %and3A_323 : vector<16xi32>
      tpu.vector_store_idx %arg6[%or3A_324], %broadcast_in_dim3A_56 {add = true} : memref<16384xi32, #tpu.memory_space<vmem>>[vector<16xi32>], vector<16xi32>,
      %shift_right_logical3A_325 = arith.constant 12 : i32
      %shift_right_logical3A_326 = vector.broadcast %shift_right_logical3A_325 : i32 to vector<16xi32>
      %shift_right_logical3A_327 = arith.shrui %sub3A_261, %shift_right_logical3A_326 : vector<16xi32>
      %shift_left3A_328 = arith.constant 11 : i32
      %shift_left3A_329 = vector.broadcast %shift_left3A_328 : i32 to vector<16xi32>
      %shift_left3A_330 = arith.shli %shift_right_logical3A_327, %shift_left3A_329 : vector<16xi32>
      %and3A_331 = arith.constant 2047 : i32
      %and3A_332 = vector.broadcast %and3A_331 : i32 to vector<16xi32>
      %and3A_333 = arith.andi %scan3A_194#14, %and3A_332 : vector<16xi32>
      %or3A_334 = arith.ori %shift_left3A_330, %and3A_333 : vector<16xi32>
      tpu.vector_store_idx %arg6[%or3A_334], %broadcast_in_dim3A_56 {add = true} : memref<16384xi32, #tpu.memory_space<vmem>>[vector<16xi32>], vector<16xi32>,
      %shift_right_logical3A_335 = arith.constant 12 : i32
      %shift_right_logical3A_336 = vector.broadcast %shift_right_logical3A_335 : i32 to vector<16xi32>
      %shift_right_logical3A_337 = arith.shrui %sub3A_265, %shift_right_logical3A_336 : vector<16xi32>
      %shift_left3A_338 = arith.constant 11 : i32
      %shift_left3A_339 = vector.broadcast %shift_left3A_338 : i32 to vector<16xi32>
      %shift_left3A_340 = arith.shli %shift_right_logical3A_337, %shift_left3A_339 : vector<16xi32>
      %and3A_341 = arith.constant 2047 : i32
      %and3A_342 = vector.broadcast %and3A_341 : i32 to vector<16xi32>
      %and3A_343 = arith.andi %scan3A_194#15, %and3A_342 : vector<16xi32>
      %or3A_344 = arith.ori %shift_left3A_340, %and3A_343 : vector<16xi32>
      tpu.vector_store_idx %arg6[%or3A_344], %broadcast_in_dim3A_56 {add = true} : memref<16384xi32, #tpu.memory_space<vmem>>[vector<16xi32>], vector<16xi32>,
      %scan3A_345 = arith.constant 0 : i32
      %scan3A_346 = arith.constant 0 : i32
      %scan3A_347 = arith.constant 32 : i32
      %scan3A_348 = arith.addi %scan3A_346, %scan3A_347 : i32
      %scan3A_349 = arith.constant 1 : i32
      %scan3A_350 = scf.for %scan3A_754 = %scan3A_346 to %scan3A_348 step %scan3A_349 iter_args(%scan3A_755 = %scan3A_345) -> (i32)  : i32 {
        %mul3A_756 = arith.constant 4 : i32
        %mul3A_757 = arith.muli %mul3A_756, %scan3A_754 : i32
        %mul3A_758 = arith.constant 4 : i32
        %mul3A_759 = arith.muli %mul3A_758, %scan3A_754 : i32
        %add3A_760 = arith.constant 1 : i32
        %add3A_761 = arith.addi %mul3A_759, %add3A_760 : i32
        %mul3A_762 = arith.constant 4 : i32
        %mul3A_763 = arith.muli %mul3A_762, %scan3A_754 : i32
        %add3A_764 = arith.constant 2 : i32
        %add3A_765 = arith.addi %mul3A_763, %add3A_764 : i32
        %mul3A_766 = arith.constant 4 : i32
        %mul3A_767 = arith.muli %mul3A_766, %scan3A_754 : i32
        %add3A_768 = arith.constant 3 : i32
        %add3A_769 = arith.addi %mul3A_767, %add3A_768 : i32
        %mul3A_770 = arith.constant 16 : i32
        %mul3A_771 = arith.muli %mul3A_757, %mul3A_770 : i32
        %mul3A_772 = arith.constant 16 : i32
        %mul3A_773 = arith.muli %mul3A_757, %mul3A_772 : i32
        %add3A_774 = arith.constant 0 : i32
        %add3A_775 = arith.addi %add3A_774, %mul3A_773 : i32
        %get3A_776 = arith.index_cast %add3A_775 : i32 to index
        %get3A_777 = tpu.vector_load %arg6[%get3A_776] {strides = array<i32>} : memref<16384xi32, #tpu.memory_space<vmem>>, vector<16xi32>,
        %mul3A_778 = arith.constant 16 : i32
        %mul3A_779 = arith.muli %mul3A_757, %mul3A_778 : i32
        %add3A_780 = arith.constant 2048 : i32
        %add3A_781 = arith.addi %add3A_780, %mul3A_779 : i32
        %get3A_782 = arith.index_cast %add3A_781 : i32 to index
        %get3A_783 = tpu.vector_load %arg6[%get3A_782] {strides = array<i32>} : memref<16384xi32, #tpu.memory_space<vmem>>, vector<16xi32>,
        %mul3A_784 = arith.constant 16 : i32
        %mul3A_785 = arith.muli %mul3A_757, %mul3A_784 : i32
        %add3A_786 = arith.constant 4096 : i32
        %add3A_787 = arith.addi %add3A_786, %mul3A_785 : i32
        %get3A_788 = arith.index_cast %add3A_787 : i32 to index
        %get3A_789 = tpu.vector_load %arg6[%get3A_788] {strides = array<i32>} : memref<16384xi32, #tpu.memory_space<vmem>>, vector<16xi32>,
        %mul3A_790 = arith.constant 16 : i32
        %mul3A_791 = arith.muli %mul3A_757, %mul3A_790 : i32
        %add3A_792 = arith.constant 6144 : i32
        %add3A_793 = arith.addi %add3A_792, %mul3A_791 : i32
        %get3A_794 = arith.index_cast %add3A_793 : i32 to index
        %get3A_795 = tpu.vector_load %arg6[%get3A_794] {strides = array<i32>} : memref<16384xi32, #tpu.memory_space<vmem>>, vector<16xi32>,
        %mul3A_796 = arith.constant 16 : i32
        %mul3A_797 = arith.muli %mul3A_757, %mul3A_796 : i32
        %add3A_798 = arith.constant 8192 : i32
        %add3A_799 = arith.addi %add3A_798, %mul3A_797 : i32
        %get3A_800 = arith.index_cast %add3A_799 : i32 to index
        %get3A_801 = tpu.vector_load %arg6[%get3A_800] {strides = array<i32>} : memref<16384xi32, #tpu.memory_space<vmem>>, vector<16xi32>,
        %mul3A_802 = arith.constant 16 : i32
        %mul3A_803 = arith.muli %mul3A_757, %mul3A_802 : i32
        %add3A_804 = arith.constant 10240 : i32
        %add3A_805 = arith.addi %add3A_804, %mul3A_803 : i32
        %get3A_806 = arith.index_cast %add3A_805 : i32 to index
        %get3A_807 = tpu.vector_load %arg6[%get3A_806] {strides = array<i32>} : memref<16384xi32, #tpu.memory_space<vmem>>, vector<16xi32>,
        %mul3A_808 = arith.constant 16 : i32
        %mul3A_809 = arith.muli %mul3A_757, %mul3A_808 : i32
        %add3A_810 = arith.constant 12288 : i32
        %add3A_811 = arith.addi %add3A_810, %mul3A_809 : i32
        %get3A_812 = arith.index_cast %add3A_811 : i32 to index
        %get3A_813 = tpu.vector_load %arg6[%get3A_812] {strides = array<i32>} : memref<16384xi32, #tpu.memory_space<vmem>>, vector<16xi32>,
        %mul3A_814 = arith.constant 16 : i32
        %mul3A_815 = arith.muli %mul3A_757, %mul3A_814 : i32
        %add3A_816 = arith.constant 14336 : i32
        %add3A_817 = arith.addi %add3A_816, %mul3A_815 : i32
        %get3A_818 = arith.index_cast %add3A_817 : i32 to index
        %get3A_819 = tpu.vector_load %arg6[%get3A_818] {strides = array<i32>} : memref<16384xi32, #tpu.memory_space<vmem>>, vector<16xi32>,
        %add3A_820 = arith.addi %get3A_777, %get3A_783 : vector<16xi32>
        %add3A_821 = arith.addi %get3A_789, %get3A_795 : vector<16xi32>
        %add3A_822 = arith.addi %get3A_801, %get3A_807 : vector<16xi32>
        %add3A_823 = arith.addi %get3A_813, %get3A_819 : vector<16xi32>
        %add3A_824 = arith.addi %add3A_820, %add3A_821 : vector<16xi32>
        %add3A_825 = arith.addi %add3A_822, %add3A_823 : vector<16xi32>
        %add3A_826 = arith.addi %add3A_820, %get3A_789 : vector<16xi32>
        %add3A_827 = arith.addi %add3A_824, %get3A_801 : vector<16xi32>
        %add3A_828 = arith.addi %add3A_824, %add3A_822 : vector<16xi32>
        %add3A_829 = arith.addi %add3A_824, %add3A_822 : vector<16xi32>
        %add3A_830 = arith.addi %add3A_829, %get3A_813 : vector<16xi32>
        %add3A_831 = arith.addi %add3A_824, %add3A_825 : vector<16xi32>
        %broadcast_in_dim3A_832 = arith.constant true
        %broadcast_in_dim3A_833 = vector.broadcast %broadcast_in_dim3A_832 : i1 to vector<16xi1>
        %masked_cumsum3A = tpu.scan <sum>, %add3A_831 masked %broadcast_in_dim3A_833 : vector<16xi32>, vector<16xi1> -> vector<16xi32>
        %sub3A_834 = arith.subi %masked_cumsum3A, %add3A_831 : vector<16xi32>
        %add3A_835 = vector.broadcast %scan3A_755 : i32 to vector<16xi32>
        %add3A_836 = arith.addi %sub3A_834, %add3A_835 : vector<16xi32>
        %swap3A = arith.index_cast %mul3A_771 : i32 to index
        %swap3A_837 = tpu.vector_load %arg9[%swap3A] {strides = array<i32>} : memref<2048xi32, #tpu.memory_space<vmem>>, vector<16xi32>,
        tpu.vector_store %arg9[%swap3A], %add3A_836 {strides = array<i32>} : memref<2048xi32, #tpu.memory_space<vmem>>, vector<16xi32>,
        %add3A_838 = arith.addi %add3A_836, %get3A_777 : vector<16xi32>
        %swap3A_839 = arith.index_cast %mul3A_771 : i32 to index
        %swap3A_840 = tpu.vector_load %arg10[%swap3A_839] {strides = array<i32>} : memref<2048xi32, #tpu.memory_space<vmem>>, vector<16xi32>,
        tpu.vector_store %arg10[%swap3A_839], %add3A_838 {strides = array<i32>} : memref<2048xi32, #tpu.memory_space<vmem>>, vector<16xi32>,
        %add3A_841 = arith.addi %add3A_836, %add3A_820 : vector<16xi32>
        %swap3A_842 = arith.index_cast %mul3A_771 : i32 to index
        %swap3A_843 = tpu.vector_load %arg11[%swap3A_842] {strides = array<i32>} : memref<2048xi32, #tpu.memory_space<vmem>>, vector<16xi32>,
        tpu.vector_store %arg11[%swap3A_842], %add3A_841 {strides = array<i32>} : memref<2048xi32, #tpu.memory_space<vmem>>, vector<16xi32>,
        %add3A_844 = arith.addi %add3A_836, %add3A_826 : vector<16xi32>
        %swap3A_845 = arith.index_cast %mul3A_771 : i32 to index
        %swap3A_846 = tpu.vector_load %arg12[%swap3A_845] {strides = array<i32>} : memref<2048xi32, #tpu.memory_space<vmem>>, vector<16xi32>,
        tpu.vector_store %arg12[%swap3A_845], %add3A_844 {strides = array<i32>} : memref<2048xi32, #tpu.memory_space<vmem>>, vector<16xi32>,
        %add3A_847 = arith.addi %add3A_836, %add3A_824 : vector<16xi32>
        %swap3A_848 = arith.index_cast %mul3A_771 : i32 to index
        %swap3A_849 = tpu.vector_load %arg13[%swap3A_848] {strides = array<i32>} : memref<2048xi32, #tpu.memory_space<vmem>>, vector<16xi32>,
        tpu.vector_store %arg13[%swap3A_848], %add3A_847 {strides = array<i32>} : memref<2048xi32, #tpu.memory_space<vmem>>, vector<16xi32>,
        %add3A_850 = arith.addi %add3A_836, %add3A_827 : vector<16xi32>
        %swap3A_851 = arith.index_cast %mul3A_771 : i32 to index
        %swap3A_852 = tpu.vector_load %arg14[%swap3A_851] {strides = array<i32>} : memref<2048xi32, #tpu.memory_space<vmem>>, vector<16xi32>,
        tpu.vector_store %arg14[%swap3A_851], %add3A_850 {strides = array<i32>} : memref<2048xi32, #tpu.memory_space<vmem>>, vector<16xi32>,
        %add3A_853 = arith.addi %add3A_836, %add3A_828 : vector<16xi32>
        %swap3A_854 = arith.index_cast %mul3A_771 : i32 to index
        %swap3A_855 = tpu.vector_load %arg15[%swap3A_854] {strides = array<i32>} : memref<2048xi32, #tpu.memory_space<vmem>>, vector<16xi32>,
        tpu.vector_store %arg15[%swap3A_854], %add3A_853 {strides = array<i32>} : memref<2048xi32, #tpu.memory_space<vmem>>, vector<16xi32>,
        %add3A_856 = arith.addi %add3A_836, %add3A_830 : vector<16xi32>
        %swap3A_857 = arith.index_cast %mul3A_771 : i32 to index
        %swap3A_858 = tpu.vector_load %arg16[%swap3A_857] {strides = array<i32>} : memref<2048xi32, #tpu.memory_space<vmem>>, vector<16xi32>,
        tpu.vector_store %arg16[%swap3A_857], %add3A_856 {strides = array<i32>} : memref<2048xi32, #tpu.memory_space<vmem>>, vector<16xi32>,
        %broadcast_in_dim3A_859 = arith.constant 0 : i32
        %broadcast_in_dim3A_860 = vector.broadcast %broadcast_in_dim3A_859 : i32 to vector<16xi32>
        %mul3A_861 = arith.constant 16 : i32
        %mul3A_862 = arith.muli %mul3A_757, %mul3A_861 : i32
        %add3A_863 = arith.constant 0 : i32
        %add3A_864 = arith.addi %add3A_863, %mul3A_862 : i32
        %swap3A_865 = arith.index_cast %add3A_864 : i32 to index
        %swap3A_866 = tpu.vector_load %arg6[%swap3A_865] {strides = array<i32>} : memref<16384xi32, #tpu.memory_space<vmem>>, vector<16xi32>,
        tpu.vector_store %arg6[%swap3A_865], %broadcast_in_dim3A_860 {strides = array<i32>} : memref<16384xi32, #tpu.memory_space<vmem>>, vector<16xi32>,
        %mul3A_867 = arith.constant 16 : i32
        %mul3A_868 = arith.muli %mul3A_757, %mul3A_867 : i32
        %add3A_869 = arith.constant 2048 : i32
        %add3A_870 = arith.addi %add3A_869, %mul3A_868 : i32
        %swap3A_871 = arith.index_cast %add3A_870 : i32 to index
        %swap3A_872 = tpu.vector_load %arg6[%swap3A_871] {strides = array<i32>} : memref<16384xi32, #tpu.memory_space<vmem>>, vector<16xi32>,
        tpu.vector_store %arg6[%swap3A_871], %broadcast_in_dim3A_860 {strides = array<i32>} : memref<16384xi32, #tpu.memory_space<vmem>>, vector<16xi32>,
        %mul3A_873 = arith.constant 16 : i32
        %mul3A_874 = arith.muli %mul3A_757, %mul3A_873 : i32
        %add3A_875 = arith.constant 4096 : i32
        %add3A_876 = arith.addi %add3A_875, %mul3A_874 : i32
        %swap3A_877 = arith.index_cast %add3A_876 : i32 to index
        %swap3A_878 = tpu.vector_load %arg6[%swap3A_877] {strides = array<i32>} : memref<16384xi32, #tpu.memory_space<vmem>>, vector<16xi32>,
        tpu.vector_store %arg6[%swap3A_877], %broadcast_in_dim3A_860 {strides = array<i32>} : memref<16384xi32, #tpu.memory_space<vmem>>, vector<16xi32>,
        %mul3A_879 = arith.constant 16 : i32
        %mul3A_880 = arith.muli %mul3A_757, %mul3A_879 : i32
        %add3A_881 = arith.constant 6144 : i32
        %add3A_882 = arith.addi %add3A_881, %mul3A_880 : i32
        %swap3A_883 = arith.index_cast %add3A_882 : i32 to index
        %swap3A_884 = tpu.vector_load %arg6[%swap3A_883] {strides = array<i32>} : memref<16384xi32, #tpu.memory_space<vmem>>, vector<16xi32>,
        tpu.vector_store %arg6[%swap3A_883], %broadcast_in_dim3A_860 {strides = array<i32>} : memref<16384xi32, #tpu.memory_space<vmem>>, vector<16xi32>,
        %mul3A_885 = arith.constant 16 : i32
        %mul3A_886 = arith.muli %mul3A_757, %mul3A_885 : i32
        %add3A_887 = arith.constant 8192 : i32
        %add3A_888 = arith.addi %add3A_887, %mul3A_886 : i32
        %swap3A_889 = arith.index_cast %add3A_888 : i32 to index
        %swap3A_890 = tpu.vector_load %arg6[%swap3A_889] {strides = array<i32>} : memref<16384xi32, #tpu.memory_space<vmem>>, vector<16xi32>,
        tpu.vector_store %arg6[%swap3A_889], %broadcast_in_dim3A_860 {strides = array<i32>} : memref<16384xi32, #tpu.memory_space<vmem>>, vector<16xi32>,
        %mul3A_891 = arith.constant 16 : i32
        %mul3A_892 = arith.muli %mul3A_757, %mul3A_891 : i32
        %add3A_893 = arith.constant 10240 : i32
        %add3A_894 = arith.addi %add3A_893, %mul3A_892 : i32
        %swap3A_895 = arith.index_cast %add3A_894 : i32 to index
        %swap3A_896 = tpu.vector_load %arg6[%swap3A_895] {strides = array<i32>} : memref<16384xi32, #tpu.memory_space<vmem>>, vector<16xi32>,
        tpu.vector_store %arg6[%swap3A_895], %broadcast_in_dim3A_860 {strides = array<i32>} : memref<16384xi32, #tpu.memory_space<vmem>>, vector<16xi32>,
        %mul3A_897 = arith.constant 16 : i32
        %mul3A_898 = arith.muli %mul3A_757, %mul3A_897 : i32
        %add3A_899 = arith.constant 12288 : i32
        %add3A_900 = arith.addi %add3A_899, %mul3A_898 : i32
        %swap3A_901 = arith.index_cast %add3A_900 : i32 to index
        %swap3A_902 = tpu.vector_load %arg6[%swap3A_901] {strides = array<i32>} : memref<16384xi32, #tpu.memory_space<vmem>>, vector<16xi32>,
        tpu.vector_store %arg6[%swap3A_901], %broadcast_in_dim3A_860 {strides = array<i32>} : memref<16384xi32, #tpu.memory_space<vmem>>, vector<16xi32>,
        %mul3A_903 = arith.constant 16 : i32
        %mul3A_904 = arith.muli %mul3A_757, %mul3A_903 : i32
        %add3A_905 = arith.constant 14336 : i32
        %add3A_906 = arith.addi %add3A_905, %mul3A_904 : i32
        %swap3A_907 = arith.index_cast %add3A_906 : i32 to index
        %swap3A_908 = tpu.vector_load %arg6[%swap3A_907] {strides = array<i32>} : memref<16384xi32, #tpu.memory_space<vmem>>, vector<16xi32>,
        tpu.vector_store %arg6[%swap3A_907], %broadcast_in_dim3A_860 {strides = array<i32>} : memref<16384xi32, #tpu.memory_space<vmem>>, vector<16xi32>,
        %reduce_sum3A = arith.constant true
        %reduce_sum3A_909 = vector.broadcast %reduce_sum3A : i1 to vector<16xi1>
        %reduce_sum3A_910 = tpu.scan <sum>, %add3A_831 masked %reduce_sum3A_909 : vector<16xi32>, vector<16xi1> -> vector<16xi32>
        %reduce_sum3A_911 = vector.extract %reduce_sum3A_910[15] : i32 from vector<16xi32>
        %add3A_912 = arith.addi %scan3A_755, %reduce_sum3A_911 : i32
        %mul3A_913 = arith.constant 16 : i32
        %mul3A_914 = arith.muli %add3A_761, %mul3A_913 : i32
        %mul3A_915 = arith.constant 16 : i32
        %mul3A_916 = arith.muli %add3A_761, %mul3A_915 : i32
        %add3A_917 = arith.constant 0 : i32
        %add3A_918 = arith.addi %add3A_917, %mul3A_916 : i32
        %get3A_919 = arith.index_cast %add3A_918 : i32 to index
        %get3A_920 = tpu.vector_load %arg6[%get3A_919] {strides = array<i32>} : memref<16384xi32, #tpu.memory_space<vmem>>, vector<16xi32>,
        %mul3A_921 = arith.constant 16 : i32
        %mul3A_922 = arith.muli %add3A_761, %mul3A_921 : i32
        %add3A_923 = arith.constant 2048 : i32
        %add3A_924 = arith.addi %add3A_923, %mul3A_922 : i32
        %get3A_925 = arith.index_cast %add3A_924 : i32 to index
        %get3A_926 = tpu.vector_load %arg6[%get3A_925] {strides = array<i32>} : memref<16384xi32, #tpu.memory_space<vmem>>, vector<16xi32>,
        %mul3A_927 = arith.constant 16 : i32
        %mul3A_928 = arith.muli %add3A_761, %mul3A_927 : i32
        %add3A_929 = arith.constant 4096 : i32
        %add3A_930 = arith.addi %add3A_929, %mul3A_928 : i32
        %get3A_931 = arith.index_cast %add3A_930 : i32 to index
        %get3A_932 = tpu.vector_load %arg6[%get3A_931] {strides = array<i32>} : memref<16384xi32, #tpu.memory_space<vmem>>, vector<16xi32>,
        %mul3A_933 = arith.constant 16 : i32
        %mul3A_934 = arith.muli %add3A_761, %mul3A_933 : i32
        %add3A_935 = arith.constant 6144 : i32
        %add3A_936 = arith.addi %add3A_935, %mul3A_934 : i32
        %get3A_937 = arith.index_cast %add3A_936 : i32 to index
        %get3A_938 = tpu.vector_load %arg6[%get3A_937] {strides = array<i32>} : memref<16384xi32, #tpu.memory_space<vmem>>, vector<16xi32>,
        %mul3A_939 = arith.constant 16 : i32
        %mul3A_940 = arith.muli %add3A_761, %mul3A_939 : i32
        %add3A_941 = arith.constant 8192 : i32
        %add3A_942 = arith.addi %add3A_941, %mul3A_940 : i32
        %get3A_943 = arith.index_cast %add3A_942 : i32 to index
        %get3A_944 = tpu.vector_load %arg6[%get3A_943] {strides = array<i32>} : memref<16384xi32, #tpu.memory_space<vmem>>, vector<16xi32>,
        %mul3A_945 = arith.constant 16 : i32
        %mul3A_946 = arith.muli %add3A_761, %mul3A_945 : i32
        %add3A_947 = arith.constant 10240 : i32
        %add3A_948 = arith.addi %add3A_947, %mul3A_946 : i32
        %get3A_949 = arith.index_cast %add3A_948 : i32 to index
        %get3A_950 = tpu.vector_load %arg6[%get3A_949] {strides = array<i32>} : memref<16384xi32, #tpu.memory_space<vmem>>, vector<16xi32>,
        %mul3A_951 = arith.constant 16 : i32
        %mul3A_952 = arith.muli %add3A_761, %mul3A_951 : i32
        %add3A_953 = arith.constant 12288 : i32
        %add3A_954 = arith.addi %add3A_953, %mul3A_952 : i32
        %get3A_955 = arith.index_cast %add3A_954 : i32 to index
        %get3A_956 = tpu.vector_load %arg6[%get3A_955] {strides = array<i32>} : memref<16384xi32, #tpu.memory_space<vmem>>, vector<16xi32>,
        %mul3A_957 = arith.constant 16 : i32
        %mul3A_958 = arith.muli %add3A_761, %mul3A_957 : i32
        %add3A_959 = arith.constant 14336 : i32
        %add3A_960 = arith.addi %add3A_959, %mul3A_958 : i32
        %get3A_961 = arith.index_cast %add3A_960 : i32 to index
        %get3A_962 = tpu.vector_load %arg6[%get3A_961] {strides = array<i32>} : memref<16384xi32, #tpu.memory_space<vmem>>, vector<16xi32>,
        %add3A_963 = arith.addi %get3A_920, %get3A_926 : vector<16xi32>
        %add3A_964 = arith.addi %get3A_932, %get3A_938 : vector<16xi32>
        %add3A_965 = arith.addi %get3A_944, %get3A_950 : vector<16xi32>
        %add3A_966 = arith.addi %get3A_956, %get3A_962 : vector<16xi32>
        %add3A_967 = arith.addi %add3A_963, %add3A_964 : vector<16xi32>
        %add3A_968 = arith.addi %add3A_965, %add3A_966 : vector<16xi32>
        %add3A_969 = arith.addi %add3A_963, %get3A_932 : vector<16xi32>
        %add3A_970 = arith.addi %add3A_967, %get3A_944 : vector<16xi32>
        %add3A_971 = arith.addi %add3A_967, %add3A_965 : vector<16xi32>
        %add3A_972 = arith.addi %add3A_967, %add3A_965 : vector<16xi32>
        %add3A_973 = arith.addi %add3A_972, %get3A_956 : vector<16xi32>
        %add3A_974 = arith.addi %add3A_967, %add3A_968 : vector<16xi32>
        %broadcast_in_dim3A_975 = arith.constant true
        %broadcast_in_dim3A_976 = vector.broadcast %broadcast_in_dim3A_975 : i1 to vector<16xi1>
        %masked_cumsum3A_977 = tpu.scan <sum>, %add3A_974 masked %broadcast_in_dim3A_976 : vector<16xi32>, vector<16xi1> -> vector<16xi32>
        %sub3A_978 = arith.subi %masked_cumsum3A_977, %add3A_974 : vector<16xi32>
        %add3A_979 = vector.broadcast %add3A_912 : i32 to vector<16xi32>
        %add3A_980 = arith.addi %sub3A_978, %add3A_979 : vector<16xi32>
        %swap3A_981 = arith.index_cast %mul3A_914 : i32 to index
        %swap3A_982 = tpu.vector_load %arg9[%swap3A_981] {strides = array<i32>} : memref<2048xi32, #tpu.memory_space<vmem>>, vector<16xi32>,
        tpu.vector_store %arg9[%swap3A_981], %add3A_980 {strides = array<i32>} : memref<2048xi32, #tpu.memory_space<vmem>>, vector<16xi32>,
        %add3A_983 = arith.addi %add3A_980, %get3A_920 : vector<16xi32>
        %swap3A_984 = arith.index_cast %mul3A_914 : i32 to index
        %swap3A_985 = tpu.vector_load %arg10[%swap3A_984] {strides = array<i32>} : memref<2048xi32, #tpu.memory_space<vmem>>, vector<16xi32>,
        tpu.vector_store %arg10[%swap3A_984], %add3A_983 {strides = array<i32>} : memref<2048xi32, #tpu.memory_space<vmem>>, vector<16xi32>,
        %add3A_986 = arith.addi %add3A_980, %add3A_963 : vector<16xi32>
        %swap3A_987 = arith.index_cast %mul3A_914 : i32 to index
        %swap3A_988 = tpu.vector_load %arg11[%swap3A_987] {strides = array<i32>} : memref<2048xi32, #tpu.memory_space<vmem>>, vector<16xi32>,
        tpu.vector_store %arg11[%swap3A_987], %add3A_986 {strides = array<i32>} : memref<2048xi32, #tpu.memory_space<vmem>>, vector<16xi32>,
        %add3A_989 = arith.addi %add3A_980, %add3A_969 : vector<16xi32>
        %swap3A_990 = arith.index_cast %mul3A_914 : i32 to index
        %swap3A_991 = tpu.vector_load %arg12[%swap3A_990] {strides = array<i32>} : memref<2048xi32, #tpu.memory_space<vmem>>, vector<16xi32>,
        tpu.vector_store %arg12[%swap3A_990], %add3A_989 {strides = array<i32>} : memref<2048xi32, #tpu.memory_space<vmem>>, vector<16xi32>,
        %add3A_992 = arith.addi %add3A_980, %add3A_967 : vector<16xi32>
        %swap3A_993 = arith.index_cast %mul3A_914 : i32 to index
        %swap3A_994 = tpu.vector_load %arg13[%swap3A_993] {strides = array<i32>} : memref<2048xi32, #tpu.memory_space<vmem>>, vector<16xi32>,
        tpu.vector_store %arg13[%swap3A_993], %add3A_992 {strides = array<i32>} : memref<2048xi32, #tpu.memory_space<vmem>>, vector<16xi32>,
        %add3A_995 = arith.addi %add3A_980, %add3A_970 : vector<16xi32>
        %swap3A_996 = arith.index_cast %mul3A_914 : i32 to index
        %swap3A_997 = tpu.vector_load %arg14[%swap3A_996] {strides = array<i32>} : memref<2048xi32, #tpu.memory_space<vmem>>, vector<16xi32>,
        tpu.vector_store %arg14[%swap3A_996], %add3A_995 {strides = array<i32>} : memref<2048xi32, #tpu.memory_space<vmem>>, vector<16xi32>,
        %add3A_998 = arith.addi %add3A_980, %add3A_971 : vector<16xi32>
        %swap3A_999 = arith.index_cast %mul3A_914 : i32 to index
        %swap3A_1000 = tpu.vector_load %arg15[%swap3A_999] {strides = array<i32>} : memref<2048xi32, #tpu.memory_space<vmem>>, vector<16xi32>,
        tpu.vector_store %arg15[%swap3A_999], %add3A_998 {strides = array<i32>} : memref<2048xi32, #tpu.memory_space<vmem>>, vector<16xi32>,
        %add3A_1001 = arith.addi %add3A_980, %add3A_973 : vector<16xi32>
        %swap3A_1002 = arith.index_cast %mul3A_914 : i32 to index
        %swap3A_1003 = tpu.vector_load %arg16[%swap3A_1002] {strides = array<i32>} : memref<2048xi32, #tpu.memory_space<vmem>>, vector<16xi32>,
        tpu.vector_store %arg16[%swap3A_1002], %add3A_1001 {strides = array<i32>} : memref<2048xi32, #tpu.memory_space<vmem>>, vector<16xi32>,
        %broadcast_in_dim3A_1004 = arith.constant 0 : i32
        %broadcast_in_dim3A_1005 = vector.broadcast %broadcast_in_dim3A_1004 : i32 to vector<16xi32>
        %mul3A_1006 = arith.constant 16 : i32
        %mul3A_1007 = arith.muli %add3A_761, %mul3A_1006 : i32
        %add3A_1008 = arith.constant 0 : i32
        %add3A_1009 = arith.addi %add3A_1008, %mul3A_1007 : i32
        %swap3A_1010 = arith.index_cast %add3A_1009 : i32 to index
        %swap3A_1011 = tpu.vector_load %arg6[%swap3A_1010] {strides = array<i32>} : memref<16384xi32, #tpu.memory_space<vmem>>, vector<16xi32>,
        tpu.vector_store %arg6[%swap3A_1010], %broadcast_in_dim3A_1005 {strides = array<i32>} : memref<16384xi32, #tpu.memory_space<vmem>>, vector<16xi32>,
        %mul3A_1012 = arith.constant 16 : i32
        %mul3A_1013 = arith.muli %add3A_761, %mul3A_1012 : i32
        %add3A_1014 = arith.constant 2048 : i32
        %add3A_1015 = arith.addi %add3A_1014, %mul3A_1013 : i32
        %swap3A_1016 = arith.index_cast %add3A_1015 : i32 to index
        %swap3A_1017 = tpu.vector_load %arg6[%swap3A_1016] {strides = array<i32>} : memref<16384xi32, #tpu.memory_space<vmem>>, vector<16xi32>,
        tpu.vector_store %arg6[%swap3A_1016], %broadcast_in_dim3A_1005 {strides = array<i32>} : memref<16384xi32, #tpu.memory_space<vmem>>, vector<16xi32>,
        %mul3A_1018 = arith.constant 16 : i32
        %mul3A_1019 = arith.muli %add3A_761, %mul3A_1018 : i32
        %add3A_1020 = arith.constant 4096 : i32
        %add3A_1021 = arith.addi %add3A_1020, %mul3A_1019 : i32
        %swap3A_1022 = arith.index_cast %add3A_1021 : i32 to index
        %swap3A_1023 = tpu.vector_load %arg6[%swap3A_1022] {strides = array<i32>} : memref<16384xi32, #tpu.memory_space<vmem>>, vector<16xi32>,
        tpu.vector_store %arg6[%swap3A_1022], %broadcast_in_dim3A_1005 {strides = array<i32>} : memref<16384xi32, #tpu.memory_space<vmem>>, vector<16xi32>,
        %mul3A_1024 = arith.constant 16 : i32
        %mul3A_1025 = arith.muli %add3A_761, %mul3A_1024 : i32
        %add3A_1026 = arith.constant 6144 : i32
        %add3A_1027 = arith.addi %add3A_1026, %mul3A_1025 : i32
        %swap3A_1028 = arith.index_cast %add3A_1027 : i32 to index
        %swap3A_1029 = tpu.vector_load %arg6[%swap3A_1028] {strides = array<i32>} : memref<16384xi32, #tpu.memory_space<vmem>>, vector<16xi32>,
        tpu.vector_store %arg6[%swap3A_1028], %broadcast_in_dim3A_1005 {strides = array<i32>} : memref<16384xi32, #tpu.memory_space<vmem>>, vector<16xi32>,
        %mul3A_1030 = arith.constant 16 : i32
        %mul3A_1031 = arith.muli %add3A_761, %mul3A_1030 : i32
        %add3A_1032 = arith.constant 8192 : i32
        %add3A_1033 = arith.addi %add3A_1032, %mul3A_1031 : i32
        %swap3A_1034 = arith.index_cast %add3A_1033 : i32 to index
        %swap3A_1035 = tpu.vector_load %arg6[%swap3A_1034] {strides = array<i32>} : memref<16384xi32, #tpu.memory_space<vmem>>, vector<16xi32>,
        tpu.vector_store %arg6[%swap3A_1034], %broadcast_in_dim3A_1005 {strides = array<i32>} : memref<16384xi32, #tpu.memory_space<vmem>>, vector<16xi32>,
        %mul3A_1036 = arith.constant 16 : i32
        %mul3A_1037 = arith.muli %add3A_761, %mul3A_1036 : i32
        %add3A_1038 = arith.constant 10240 : i32
        %add3A_1039 = arith.addi %add3A_1038, %mul3A_1037 : i32
        %swap3A_1040 = arith.index_cast %add3A_1039 : i32 to index
        %swap3A_1041 = tpu.vector_load %arg6[%swap3A_1040] {strides = array<i32>} : memref<16384xi32, #tpu.memory_space<vmem>>, vector<16xi32>,
        tpu.vector_store %arg6[%swap3A_1040], %broadcast_in_dim3A_1005 {strides = array<i32>} : memref<16384xi32, #tpu.memory_space<vmem>>, vector<16xi32>,
        %mul3A_1042 = arith.constant 16 : i32
        %mul3A_1043 = arith.muli %add3A_761, %mul3A_1042 : i32
        %add3A_1044 = arith.constant 12288 : i32
        %add3A_1045 = arith.addi %add3A_1044, %mul3A_1043 : i32
        %swap3A_1046 = arith.index_cast %add3A_1045 : i32 to index
        %swap3A_1047 = tpu.vector_load %arg6[%swap3A_1046] {strides = array<i32>} : memref<16384xi32, #tpu.memory_space<vmem>>, vector<16xi32>,
        tpu.vector_store %arg6[%swap3A_1046], %broadcast_in_dim3A_1005 {strides = array<i32>} : memref<16384xi32, #tpu.memory_space<vmem>>, vector<16xi32>,
        %mul3A_1048 = arith.constant 16 : i32
        %mul3A_1049 = arith.muli %add3A_761, %mul3A_1048 : i32
        %add3A_1050 = arith.constant 14336 : i32
        %add3A_1051 = arith.addi %add3A_1050, %mul3A_1049 : i32
        %swap3A_1052 = arith.index_cast %add3A_1051 : i32 to index
        %swap3A_1053 = tpu.vector_load %arg6[%swap3A_1052] {strides = array<i32>} : memref<16384xi32, #tpu.memory_space<vmem>>, vector<16xi32>,
        tpu.vector_store %arg6[%swap3A_1052], %broadcast_in_dim3A_1005 {strides = array<i32>} : memref<16384xi32, #tpu.memory_space<vmem>>, vector<16xi32>,
        %reduce_sum3A_1054 = arith.constant true
        %reduce_sum3A_1055 = vector.broadcast %reduce_sum3A_1054 : i1 to vector<16xi1>
        %reduce_sum3A_1056 = tpu.scan <sum>, %add3A_974 masked %reduce_sum3A_1055 : vector<16xi32>, vector<16xi1> -> vector<16xi32>
        %reduce_sum3A_1057 = vector.extract %reduce_sum3A_1056[15] : i32 from vector<16xi32>
        %add3A_1058 = arith.addi %add3A_912, %reduce_sum3A_1057 : i32
        %mul3A_1059 = arith.constant 16 : i32
        %mul3A_1060 = arith.muli %add3A_765, %mul3A_1059 : i32
        %mul3A_1061 = arith.constant 16 : i32
        %mul3A_1062 = arith.muli %add3A_765, %mul3A_1061 : i32
        %add3A_1063 = arith.constant 0 : i32
        %add3A_1064 = arith.addi %add3A_1063, %mul3A_1062 : i32
        %get3A_1065 = arith.index_cast %add3A_1064 : i32 to index
        %get3A_1066 = tpu.vector_load %arg6[%get3A_1065] {strides = array<i32>} : memref<16384xi32, #tpu.memory_space<vmem>>, vector<16xi32>,
        %mul3A_1067 = arith.constant 16 : i32
        %mul3A_1068 = arith.muli %add3A_765, %mul3A_1067 : i32
        %add3A_1069 = arith.constant 2048 : i32
        %add3A_1070 = arith.addi %add3A_1069, %mul3A_1068 : i32
        %get3A_1071 = arith.index_cast %add3A_1070 : i32 to index
        %get3A_1072 = tpu.vector_load %arg6[%get3A_1071] {strides = array<i32>} : memref<16384xi32, #tpu.memory_space<vmem>>, vector<16xi32>,
        %mul3A_1073 = arith.constant 16 : i32
        %mul3A_1074 = arith.muli %add3A_765, %mul3A_1073 : i32
        %add3A_1075 = arith.constant 4096 : i32
        %add3A_1076 = arith.addi %add3A_1075, %mul3A_1074 : i32
        %get3A_1077 = arith.index_cast %add3A_1076 : i32 to index
        %get3A_1078 = tpu.vector_load %arg6[%get3A_1077] {strides = array<i32>} : memref<16384xi32, #tpu.memory_space<vmem>>, vector<16xi32>,
        %mul3A_1079 = arith.constant 16 : i32
        %mul3A_1080 = arith.muli %add3A_765, %mul3A_1079 : i32
        %add3A_1081 = arith.constant 6144 : i32
        %add3A_1082 = arith.addi %add3A_1081, %mul3A_1080 : i32
        %get3A_1083 = arith.index_cast %add3A_1082 : i32 to index
        %get3A_1084 = tpu.vector_load %arg6[%get3A_1083] {strides = array<i32>} : memref<16384xi32, #tpu.memory_space<vmem>>, vector<16xi32>,
        %mul3A_1085 = arith.constant 16 : i32
        %mul3A_1086 = arith.muli %add3A_765, %mul3A_1085 : i32
        %add3A_1087 = arith.constant 8192 : i32
        %add3A_1088 = arith.addi %add3A_1087, %mul3A_1086 : i32
        %get3A_1089 = arith.index_cast %add3A_1088 : i32 to index
        %get3A_1090 = tpu.vector_load %arg6[%get3A_1089] {strides = array<i32>} : memref<16384xi32, #tpu.memory_space<vmem>>, vector<16xi32>,
        %mul3A_1091 = arith.constant 16 : i32
        %mul3A_1092 = arith.muli %add3A_765, %mul3A_1091 : i32
        %add3A_1093 = arith.constant 10240 : i32
        %add3A_1094 = arith.addi %add3A_1093, %mul3A_1092 : i32
        %get3A_1095 = arith.index_cast %add3A_1094 : i32 to index
        %get3A_1096 = tpu.vector_load %arg6[%get3A_1095] {strides = array<i32>} : memref<16384xi32, #tpu.memory_space<vmem>>, vector<16xi32>,
        %mul3A_1097 = arith.constant 16 : i32
        %mul3A_1098 = arith.muli %add3A_765, %mul3A_1097 : i32
        %add3A_1099 = arith.constant 12288 : i32
        %add3A_1100 = arith.addi %add3A_1099, %mul3A_1098 : i32
        %get3A_1101 = arith.index_cast %add3A_1100 : i32 to index
        %get3A_1102 = tpu.vector_load %arg6[%get3A_1101] {strides = array<i32>} : memref<16384xi32, #tpu.memory_space<vmem>>, vector<16xi32>,
        %mul3A_1103 = arith.constant 16 : i32
        %mul3A_1104 = arith.muli %add3A_765, %mul3A_1103 : i32
        %add3A_1105 = arith.constant 14336 : i32
        %add3A_1106 = arith.addi %add3A_1105, %mul3A_1104 : i32
        %get3A_1107 = arith.index_cast %add3A_1106 : i32 to index
        %get3A_1108 = tpu.vector_load %arg6[%get3A_1107] {strides = array<i32>} : memref<16384xi32, #tpu.memory_space<vmem>>, vector<16xi32>,
        %add3A_1109 = arith.addi %get3A_1066, %get3A_1072 : vector<16xi32>
        %add3A_1110 = arith.addi %get3A_1078, %get3A_1084 : vector<16xi32>
        %add3A_1111 = arith.addi %get3A_1090, %get3A_1096 : vector<16xi32>
        %add3A_1112 = arith.addi %get3A_1102, %get3A_1108 : vector<16xi32>
        %add3A_1113 = arith.addi %add3A_1109, %add3A_1110 : vector<16xi32>
        %add3A_1114 = arith.addi %add3A_1111, %add3A_1112 : vector<16xi32>
        %add3A_1115 = arith.addi %add3A_1109, %get3A_1078 : vector<16xi32>
        %add3A_1116 = arith.addi %add3A_1113, %get3A_1090 : vector<16xi32>
        %add3A_1117 = arith.addi %add3A_1113, %add3A_1111 : vector<16xi32>
        %add3A_1118 = arith.addi %add3A_1113, %add3A_1111 : vector<16xi32>
        %add3A_1119 = arith.addi %add3A_1118, %get3A_1102 : vector<16xi32>
        %add3A_1120 = arith.addi %add3A_1113, %add3A_1114 : vector<16xi32>
        %broadcast_in_dim3A_1121 = arith.constant true
        %broadcast_in_dim3A_1122 = vector.broadcast %broadcast_in_dim3A_1121 : i1 to vector<16xi1>
        %masked_cumsum3A_1123 = tpu.scan <sum>, %add3A_1120 masked %broadcast_in_dim3A_1122 : vector<16xi32>, vector<16xi1> -> vector<16xi32>
        %sub3A_1124 = arith.subi %masked_cumsum3A_1123, %add3A_1120 : vector<16xi32>
        %add3A_1125 = vector.broadcast %add3A_1058 : i32 to vector<16xi32>
        %add3A_1126 = arith.addi %sub3A_1124, %add3A_1125 : vector<16xi32>
        %swap3A_1127 = arith.index_cast %mul3A_1060 : i32 to index
        %swap3A_1128 = tpu.vector_load %arg9[%swap3A_1127] {strides = array<i32>} : memref<2048xi32, #tpu.memory_space<vmem>>, vector<16xi32>,
        tpu.vector_store %arg9[%swap3A_1127], %add3A_1126 {strides = array<i32>} : memref<2048xi32, #tpu.memory_space<vmem>>, vector<16xi32>,
        %add3A_1129 = arith.addi %add3A_1126, %get3A_1066 : vector<16xi32>
        %swap3A_1130 = arith.index_cast %mul3A_1060 : i32 to index
        %swap3A_1131 = tpu.vector_load %arg10[%swap3A_1130] {strides = array<i32>} : memref<2048xi32, #tpu.memory_space<vmem>>, vector<16xi32>,
        tpu.vector_store %arg10[%swap3A_1130], %add3A_1129 {strides = array<i32>} : memref<2048xi32, #tpu.memory_space<vmem>>, vector<16xi32>,
        %add3A_1132 = arith.addi %add3A_1126, %add3A_1109 : vector<16xi32>
        %swap3A_1133 = arith.index_cast %mul3A_1060 : i32 to index
        %swap3A_1134 = tpu.vector_load %arg11[%swap3A_1133] {strides = array<i32>} : memref<2048xi32, #tpu.memory_space<vmem>>, vector<16xi32>,
        tpu.vector_store %arg11[%swap3A_1133], %add3A_1132 {strides = array<i32>} : memref<2048xi32, #tpu.memory_space<vmem>>, vector<16xi32>,
        %add3A_1135 = arith.addi %add3A_1126, %add3A_1115 : vector<16xi32>
        %swap3A_1136 = arith.index_cast %mul3A_1060 : i32 to index
        %swap3A_1137 = tpu.vector_load %arg12[%swap3A_1136] {strides = array<i32>} : memref<2048xi32, #tpu.memory_space<vmem>>, vector<16xi32>,
        tpu.vector_store %arg12[%swap3A_1136], %add3A_1135 {strides = array<i32>} : memref<2048xi32, #tpu.memory_space<vmem>>, vector<16xi32>,
        %add3A_1138 = arith.addi %add3A_1126, %add3A_1113 : vector<16xi32>
        %swap3A_1139 = arith.index_cast %mul3A_1060 : i32 to index
        %swap3A_1140 = tpu.vector_load %arg13[%swap3A_1139] {strides = array<i32>} : memref<2048xi32, #tpu.memory_space<vmem>>, vector<16xi32>,
        tpu.vector_store %arg13[%swap3A_1139], %add3A_1138 {strides = array<i32>} : memref<2048xi32, #tpu.memory_space<vmem>>, vector<16xi32>,
        %add3A_1141 = arith.addi %add3A_1126, %add3A_1116 : vector<16xi32>
        %swap3A_1142 = arith.index_cast %mul3A_1060 : i32 to index
        %swap3A_1143 = tpu.vector_load %arg14[%swap3A_1142] {strides = array<i32>} : memref<2048xi32, #tpu.memory_space<vmem>>, vector<16xi32>,
        tpu.vector_store %arg14[%swap3A_1142], %add3A_1141 {strides = array<i32>} : memref<2048xi32, #tpu.memory_space<vmem>>, vector<16xi32>,
        %add3A_1144 = arith.addi %add3A_1126, %add3A_1117 : vector<16xi32>
        %swap3A_1145 = arith.index_cast %mul3A_1060 : i32 to index
        %swap3A_1146 = tpu.vector_load %arg15[%swap3A_1145] {strides = array<i32>} : memref<2048xi32, #tpu.memory_space<vmem>>, vector<16xi32>,
        tpu.vector_store %arg15[%swap3A_1145], %add3A_1144 {strides = array<i32>} : memref<2048xi32, #tpu.memory_space<vmem>>, vector<16xi32>,
        %add3A_1147 = arith.addi %add3A_1126, %add3A_1119 : vector<16xi32>
        %swap3A_1148 = arith.index_cast %mul3A_1060 : i32 to index
        %swap3A_1149 = tpu.vector_load %arg16[%swap3A_1148] {strides = array<i32>} : memref<2048xi32, #tpu.memory_space<vmem>>, vector<16xi32>,
        tpu.vector_store %arg16[%swap3A_1148], %add3A_1147 {strides = array<i32>} : memref<2048xi32, #tpu.memory_space<vmem>>, vector<16xi32>,
        %broadcast_in_dim3A_1150 = arith.constant 0 : i32
        %broadcast_in_dim3A_1151 = vector.broadcast %broadcast_in_dim3A_1150 : i32 to vector<16xi32>
        %mul3A_1152 = arith.constant 16 : i32
        %mul3A_1153 = arith.muli %add3A_765, %mul3A_1152 : i32
        %add3A_1154 = arith.constant 0 : i32
        %add3A_1155 = arith.addi %add3A_1154, %mul3A_1153 : i32
        %swap3A_1156 = arith.index_cast %add3A_1155 : i32 to index
        %swap3A_1157 = tpu.vector_load %arg6[%swap3A_1156] {strides = array<i32>} : memref<16384xi32, #tpu.memory_space<vmem>>, vector<16xi32>,
        tpu.vector_store %arg6[%swap3A_1156], %broadcast_in_dim3A_1151 {strides = array<i32>} : memref<16384xi32, #tpu.memory_space<vmem>>, vector<16xi32>,
        %mul3A_1158 = arith.constant 16 : i32
        %mul3A_1159 = arith.muli %add3A_765, %mul3A_1158 : i32
        %add3A_1160 = arith.constant 2048 : i32
        %add3A_1161 = arith.addi %add3A_1160, %mul3A_1159 : i32
        %swap3A_1162 = arith.index_cast %add3A_1161 : i32 to index
        %swap3A_1163 = tpu.vector_load %arg6[%swap3A_1162] {strides = array<i32>} : memref<16384xi32, #tpu.memory_space<vmem>>, vector<16xi32>,
        tpu.vector_store %arg6[%swap3A_1162], %broadcast_in_dim3A_1151 {strides = array<i32>} : memref<16384xi32, #tpu.memory_space<vmem>>, vector<16xi32>,
        %mul3A_1164 = arith.constant 16 : i32
        %mul3A_1165 = arith.muli %add3A_765, %mul3A_1164 : i32
        %add3A_1166 = arith.constant 4096 : i32
        %add3A_1167 = arith.addi %add3A_1166, %mul3A_1165 : i32
        %swap3A_1168 = arith.index_cast %add3A_1167 : i32 to index
        %swap3A_1169 = tpu.vector_load %arg6[%swap3A_1168] {strides = array<i32>} : memref<16384xi32, #tpu.memory_space<vmem>>, vector<16xi32>,
        tpu.vector_store %arg6[%swap3A_1168], %broadcast_in_dim3A_1151 {strides = array<i32>} : memref<16384xi32, #tpu.memory_space<vmem>>, vector<16xi32>,
        %mul3A_1170 = arith.constant 16 : i32
        %mul3A_1171 = arith.muli %add3A_765, %mul3A_1170 : i32
        %add3A_1172 = arith.constant 6144 : i32
        %add3A_1173 = arith.addi %add3A_1172, %mul3A_1171 : i32
        %swap3A_1174 = arith.index_cast %add3A_1173 : i32 to index
        %swap3A_1175 = tpu.vector_load %arg6[%swap3A_1174] {strides = array<i32>} : memref<16384xi32, #tpu.memory_space<vmem>>, vector<16xi32>,
        tpu.vector_store %arg6[%swap3A_1174], %broadcast_in_dim3A_1151 {strides = array<i32>} : memref<16384xi32, #tpu.memory_space<vmem>>, vector<16xi32>,
        %mul3A_1176 = arith.constant 16 : i32
        %mul3A_1177 = arith.muli %add3A_765, %mul3A_1176 : i32
        %add3A_1178 = arith.constant 8192 : i32
        %add3A_1179 = arith.addi %add3A_1178, %mul3A_1177 : i32
        %swap3A_1180 = arith.index_cast %add3A_1179 : i32 to index
        %swap3A_1181 = tpu.vector_load %arg6[%swap3A_1180] {strides = array<i32>} : memref<16384xi32, #tpu.memory_space<vmem>>, vector<16xi32>,
        tpu.vector_store %arg6[%swap3A_1180], %broadcast_in_dim3A_1151 {strides = array<i32>} : memref<16384xi32, #tpu.memory_space<vmem>>, vector<16xi32>,
        %mul3A_1182 = arith.constant 16 : i32
        %mul3A_1183 = arith.muli %add3A_765, %mul3A_1182 : i32
        %add3A_1184 = arith.constant 10240 : i32
        %add3A_1185 = arith.addi %add3A_1184, %mul3A_1183 : i32
        %swap3A_1186 = arith.index_cast %add3A_1185 : i32 to index
        %swap3A_1187 = tpu.vector_load %arg6[%swap3A_1186] {strides = array<i32>} : memref<16384xi32, #tpu.memory_space<vmem>>, vector<16xi32>,
        tpu.vector_store %arg6[%swap3A_1186], %broadcast_in_dim3A_1151 {strides = array<i32>} : memref<16384xi32, #tpu.memory_space<vmem>>, vector<16xi32>,
        %mul3A_1188 = arith.constant 16 : i32
        %mul3A_1189 = arith.muli %add3A_765, %mul3A_1188 : i32
        %add3A_1190 = arith.constant 12288 : i32
        %add3A_1191 = arith.addi %add3A_1190, %mul3A_1189 : i32
        %swap3A_1192 = arith.index_cast %add3A_1191 : i32 to index
        %swap3A_1193 = tpu.vector_load %arg6[%swap3A_1192] {strides = array<i32>} : memref<16384xi32, #tpu.memory_space<vmem>>, vector<16xi32>,
        tpu.vector_store %arg6[%swap3A_1192], %broadcast_in_dim3A_1151 {strides = array<i32>} : memref<16384xi32, #tpu.memory_space<vmem>>, vector<16xi32>,
        %mul3A_1194 = arith.constant 16 : i32
        %mul3A_1195 = arith.muli %add3A_765, %mul3A_1194 : i32
        %add3A_1196 = arith.constant 14336 : i32
        %add3A_1197 = arith.addi %add3A_1196, %mul3A_1195 : i32
        %swap3A_1198 = arith.index_cast %add3A_1197 : i32 to index
        %swap3A_1199 = tpu.vector_load %arg6[%swap3A_1198] {strides = array<i32>} : memref<16384xi32, #tpu.memory_space<vmem>>, vector<16xi32>,
        tpu.vector_store %arg6[%swap3A_1198], %broadcast_in_dim3A_1151 {strides = array<i32>} : memref<16384xi32, #tpu.memory_space<vmem>>, vector<16xi32>,
        %reduce_sum3A_1200 = arith.constant true
        %reduce_sum3A_1201 = vector.broadcast %reduce_sum3A_1200 : i1 to vector<16xi1>
        %reduce_sum3A_1202 = tpu.scan <sum>, %add3A_1120 masked %reduce_sum3A_1201 : vector<16xi32>, vector<16xi1> -> vector<16xi32>
        %reduce_sum3A_1203 = vector.extract %reduce_sum3A_1202[15] : i32 from vector<16xi32>
        %add3A_1204 = arith.addi %add3A_1058, %reduce_sum3A_1203 : i32
        %mul3A_1205 = arith.constant 16 : i32
        %mul3A_1206 = arith.muli %add3A_769, %mul3A_1205 : i32
        %mul3A_1207 = arith.constant 16 : i32
        %mul3A_1208 = arith.muli %add3A_769, %mul3A_1207 : i32
        %add3A_1209 = arith.constant 0 : i32
        %add3A_1210 = arith.addi %add3A_1209, %mul3A_1208 : i32
        %get3A_1211 = arith.index_cast %add3A_1210 : i32 to index
        %get3A_1212 = tpu.vector_load %arg6[%get3A_1211] {strides = array<i32>} : memref<16384xi32, #tpu.memory_space<vmem>>, vector<16xi32>,
        %mul3A_1213 = arith.constant 16 : i32
        %mul3A_1214 = arith.muli %add3A_769, %mul3A_1213 : i32
        %add3A_1215 = arith.constant 2048 : i32
        %add3A_1216 = arith.addi %add3A_1215, %mul3A_1214 : i32
        %get3A_1217 = arith.index_cast %add3A_1216 : i32 to index
        %get3A_1218 = tpu.vector_load %arg6[%get3A_1217] {strides = array<i32>} : memref<16384xi32, #tpu.memory_space<vmem>>, vector<16xi32>,
        %mul3A_1219 = arith.constant 16 : i32
        %mul3A_1220 = arith.muli %add3A_769, %mul3A_1219 : i32
        %add3A_1221 = arith.constant 4096 : i32
        %add3A_1222 = arith.addi %add3A_1221, %mul3A_1220 : i32
        %get3A_1223 = arith.index_cast %add3A_1222 : i32 to index
        %get3A_1224 = tpu.vector_load %arg6[%get3A_1223] {strides = array<i32>} : memref<16384xi32, #tpu.memory_space<vmem>>, vector<16xi32>,
        %mul3A_1225 = arith.constant 16 : i32
        %mul3A_1226 = arith.muli %add3A_769, %mul3A_1225 : i32
        %add3A_1227 = arith.constant 6144 : i32
        %add3A_1228 = arith.addi %add3A_1227, %mul3A_1226 : i32
        %get3A_1229 = arith.index_cast %add3A_1228 : i32 to index
        %get3A_1230 = tpu.vector_load %arg6[%get3A_1229] {strides = array<i32>} : memref<16384xi32, #tpu.memory_space<vmem>>, vector<16xi32>,
        %mul3A_1231 = arith.constant 16 : i32
        %mul3A_1232 = arith.muli %add3A_769, %mul3A_1231 : i32
        %add3A_1233 = arith.constant 8192 : i32
        %add3A_1234 = arith.addi %add3A_1233, %mul3A_1232 : i32
        %get3A_1235 = arith.index_cast %add3A_1234 : i32 to index
        %get3A_1236 = tpu.vector_load %arg6[%get3A_1235] {strides = array<i32>} : memref<16384xi32, #tpu.memory_space<vmem>>, vector<16xi32>,
        %mul3A_1237 = arith.constant 16 : i32
        %mul3A_1238 = arith.muli %add3A_769, %mul3A_1237 : i32
        %add3A_1239 = arith.constant 10240 : i32
        %add3A_1240 = arith.addi %add3A_1239, %mul3A_1238 : i32
        %get3A_1241 = arith.index_cast %add3A_1240 : i32 to index
        %get3A_1242 = tpu.vector_load %arg6[%get3A_1241] {strides = array<i32>} : memref<16384xi32, #tpu.memory_space<vmem>>, vector<16xi32>,
        %mul3A_1243 = arith.constant 16 : i32
        %mul3A_1244 = arith.muli %add3A_769, %mul3A_1243 : i32
        %add3A_1245 = arith.constant 12288 : i32
        %add3A_1246 = arith.addi %add3A_1245, %mul3A_1244 : i32
        %get3A_1247 = arith.index_cast %add3A_1246 : i32 to index
        %get3A_1248 = tpu.vector_load %arg6[%get3A_1247] {strides = array<i32>} : memref<16384xi32, #tpu.memory_space<vmem>>, vector<16xi32>,
        %mul3A_1249 = arith.constant 16 : i32
        %mul3A_1250 = arith.muli %add3A_769, %mul3A_1249 : i32
        %add3A_1251 = arith.constant 14336 : i32
        %add3A_1252 = arith.addi %add3A_1251, %mul3A_1250 : i32
        %get3A_1253 = arith.index_cast %add3A_1252 : i32 to index
        %get3A_1254 = tpu.vector_load %arg6[%get3A_1253] {strides = array<i32>} : memref<16384xi32, #tpu.memory_space<vmem>>, vector<16xi32>,
        %add3A_1255 = arith.addi %get3A_1212, %get3A_1218 : vector<16xi32>
        %add3A_1256 = arith.addi %get3A_1224, %get3A_1230 : vector<16xi32>
        %add3A_1257 = arith.addi %get3A_1236, %get3A_1242 : vector<16xi32>
        %add3A_1258 = arith.addi %get3A_1248, %get3A_1254 : vector<16xi32>
        %add3A_1259 = arith.addi %add3A_1255, %add3A_1256 : vector<16xi32>
        %add3A_1260 = arith.addi %add3A_1257, %add3A_1258 : vector<16xi32>
        %add3A_1261 = arith.addi %add3A_1255, %get3A_1224 : vector<16xi32>
        %add3A_1262 = arith.addi %add3A_1259, %get3A_1236 : vector<16xi32>
        %add3A_1263 = arith.addi %add3A_1259, %add3A_1257 : vector<16xi32>
        %add3A_1264 = arith.addi %add3A_1259, %add3A_1257 : vector<16xi32>
        %add3A_1265 = arith.addi %add3A_1264, %get3A_1248 : vector<16xi32>
        %add3A_1266 = arith.addi %add3A_1259, %add3A_1260 : vector<16xi32>
        %broadcast_in_dim3A_1267 = arith.constant true
        %broadcast_in_dim3A_1268 = vector.broadcast %broadcast_in_dim3A_1267 : i1 to vector<16xi1>
        %masked_cumsum3A_1269 = tpu.scan <sum>, %add3A_1266 masked %broadcast_in_dim3A_1268 : vector<16xi32>, vector<16xi1> -> vector<16xi32>
        %sub3A_1270 = arith.subi %masked_cumsum3A_1269, %add3A_1266 : vector<16xi32>
        %add3A_1271 = vector.broadcast %add3A_1204 : i32 to vector<16xi32>
        %add3A_1272 = arith.addi %sub3A_1270, %add3A_1271 : vector<16xi32>
        %swap3A_1273 = arith.index_cast %mul3A_1206 : i32 to index
        %swap3A_1274 = tpu.vector_load %arg9[%swap3A_1273] {strides = array<i32>} : memref<2048xi32, #tpu.memory_space<vmem>>, vector<16xi32>,
        tpu.vector_store %arg9[%swap3A_1273], %add3A_1272 {strides = array<i32>} : memref<2048xi32, #tpu.memory_space<vmem>>, vector<16xi32>,
        %add3A_1275 = arith.addi %add3A_1272, %get3A_1212 : vector<16xi32>
        %swap3A_1276 = arith.index_cast %mul3A_1206 : i32 to index
        %swap3A_1277 = tpu.vector_load %arg10[%swap3A_1276] {strides = array<i32>} : memref<2048xi32, #tpu.memory_space<vmem>>, vector<16xi32>,
        tpu.vector_store %arg10[%swap3A_1276], %add3A_1275 {strides = array<i32>} : memref<2048xi32, #tpu.memory_space<vmem>>, vector<16xi32>,
        %add3A_1278 = arith.addi %add3A_1272, %add3A_1255 : vector<16xi32>
        %swap3A_1279 = arith.index_cast %mul3A_1206 : i32 to index
        %swap3A_1280 = tpu.vector_load %arg11[%swap3A_1279] {strides = array<i32>} : memref<2048xi32, #tpu.memory_space<vmem>>, vector<16xi32>,
        tpu.vector_store %arg11[%swap3A_1279], %add3A_1278 {strides = array<i32>} : memref<2048xi32, #tpu.memory_space<vmem>>, vector<16xi32>,
        %add3A_1281 = arith.addi %add3A_1272, %add3A_1261 : vector<16xi32>
        %swap3A_1282 = arith.index_cast %mul3A_1206 : i32 to index
        %swap3A_1283 = tpu.vector_load %arg12[%swap3A_1282] {strides = array<i32>} : memref<2048xi32, #tpu.memory_space<vmem>>, vector<16xi32>,
        tpu.vector_store %arg12[%swap3A_1282], %add3A_1281 {strides = array<i32>} : memref<2048xi32, #tpu.memory_space<vmem>>, vector<16xi32>,
        %add3A_1284 = arith.addi %add3A_1272, %add3A_1259 : vector<16xi32>
        %swap3A_1285 = arith.index_cast %mul3A_1206 : i32 to index
        %swap3A_1286 = tpu.vector_load %arg13[%swap3A_1285] {strides = array<i32>} : memref<2048xi32, #tpu.memory_space<vmem>>, vector<16xi32>,
        tpu.vector_store %arg13[%swap3A_1285], %add3A_1284 {strides = array<i32>} : memref<2048xi32, #tpu.memory_space<vmem>>, vector<16xi32>,
        %add3A_1287 = arith.addi %add3A_1272, %add3A_1262 : vector<16xi32>
        %swap3A_1288 = arith.index_cast %mul3A_1206 : i32 to index
        %swap3A_1289 = tpu.vector_load %arg14[%swap3A_1288] {strides = array<i32>} : memref<2048xi32, #tpu.memory_space<vmem>>, vector<16xi32>,
        tpu.vector_store %arg14[%swap3A_1288], %add3A_1287 {strides = array<i32>} : memref<2048xi32, #tpu.memory_space<vmem>>, vector<16xi32>,
        %add3A_1290 = arith.addi %add3A_1272, %add3A_1263 : vector<16xi32>
        %swap3A_1291 = arith.index_cast %mul3A_1206 : i32 to index
        %swap3A_1292 = tpu.vector_load %arg15[%swap3A_1291] {strides = array<i32>} : memref<2048xi32, #tpu.memory_space<vmem>>, vector<16xi32>,
        tpu.vector_store %arg15[%swap3A_1291], %add3A_1290 {strides = array<i32>} : memref<2048xi32, #tpu.memory_space<vmem>>, vector<16xi32>,
        %add3A_1293 = arith.addi %add3A_1272, %add3A_1265 : vector<16xi32>
        %swap3A_1294 = arith.index_cast %mul3A_1206 : i32 to index
        %swap3A_1295 = tpu.vector_load %arg16[%swap3A_1294] {strides = array<i32>} : memref<2048xi32, #tpu.memory_space<vmem>>, vector<16xi32>,
        tpu.vector_store %arg16[%swap3A_1294], %add3A_1293 {strides = array<i32>} : memref<2048xi32, #tpu.memory_space<vmem>>, vector<16xi32>,
        %broadcast_in_dim3A_1296 = arith.constant 0 : i32
        %broadcast_in_dim3A_1297 = vector.broadcast %broadcast_in_dim3A_1296 : i32 to vector<16xi32>
        %mul3A_1298 = arith.constant 16 : i32
        %mul3A_1299 = arith.muli %add3A_769, %mul3A_1298 : i32
        %add3A_1300 = arith.constant 0 : i32
        %add3A_1301 = arith.addi %add3A_1300, %mul3A_1299 : i32
        %swap3A_1302 = arith.index_cast %add3A_1301 : i32 to index
        %swap3A_1303 = tpu.vector_load %arg6[%swap3A_1302] {strides = array<i32>} : memref<16384xi32, #tpu.memory_space<vmem>>, vector<16xi32>,
        tpu.vector_store %arg6[%swap3A_1302], %broadcast_in_dim3A_1297 {strides = array<i32>} : memref<16384xi32, #tpu.memory_space<vmem>>, vector<16xi32>,
        %mul3A_1304 = arith.constant 16 : i32
        %mul3A_1305 = arith.muli %add3A_769, %mul3A_1304 : i32
        %add3A_1306 = arith.constant 2048 : i32
        %add3A_1307 = arith.addi %add3A_1306, %mul3A_1305 : i32
        %swap3A_1308 = arith.index_cast %add3A_1307 : i32 to index
        %swap3A_1309 = tpu.vector_load %arg6[%swap3A_1308] {strides = array<i32>} : memref<16384xi32, #tpu.memory_space<vmem>>, vector<16xi32>,
        tpu.vector_store %arg6[%swap3A_1308], %broadcast_in_dim3A_1297 {strides = array<i32>} : memref<16384xi32, #tpu.memory_space<vmem>>, vector<16xi32>,
        %mul3A_1310 = arith.constant 16 : i32
        %mul3A_1311 = arith.muli %add3A_769, %mul3A_1310 : i32
        %add3A_1312 = arith.constant 4096 : i32
        %add3A_1313 = arith.addi %add3A_1312, %mul3A_1311 : i32
        %swap3A_1314 = arith.index_cast %add3A_1313 : i32 to index
        %swap3A_1315 = tpu.vector_load %arg6[%swap3A_1314] {strides = array<i32>} : memref<16384xi32, #tpu.memory_space<vmem>>, vector<16xi32>,
        tpu.vector_store %arg6[%swap3A_1314], %broadcast_in_dim3A_1297 {strides = array<i32>} : memref<16384xi32, #tpu.memory_space<vmem>>, vector<16xi32>,
        %mul3A_1316 = arith.constant 16 : i32
        %mul3A_1317 = arith.muli %add3A_769, %mul3A_1316 : i32
        %add3A_1318 = arith.constant 6144 : i32
        %add3A_1319 = arith.addi %add3A_1318, %mul3A_1317 : i32
        %swap3A_1320 = arith.index_cast %add3A_1319 : i32 to index
        %swap3A_1321 = tpu.vector_load %arg6[%swap3A_1320] {strides = array<i32>} : memref<16384xi32, #tpu.memory_space<vmem>>, vector<16xi32>,
        tpu.vector_store %arg6[%swap3A_1320], %broadcast_in_dim3A_1297 {strides = array<i32>} : memref<16384xi32, #tpu.memory_space<vmem>>, vector<16xi32>,
        %mul3A_1322 = arith.constant 16 : i32
        %mul3A_1323 = arith.muli %add3A_769, %mul3A_1322 : i32
        %add3A_1324 = arith.constant 8192 : i32
        %add3A_1325 = arith.addi %add3A_1324, %mul3A_1323 : i32
        %swap3A_1326 = arith.index_cast %add3A_1325 : i32 to index
        %swap3A_1327 = tpu.vector_load %arg6[%swap3A_1326] {strides = array<i32>} : memref<16384xi32, #tpu.memory_space<vmem>>, vector<16xi32>,
        tpu.vector_store %arg6[%swap3A_1326], %broadcast_in_dim3A_1297 {strides = array<i32>} : memref<16384xi32, #tpu.memory_space<vmem>>, vector<16xi32>,
        %mul3A_1328 = arith.constant 16 : i32
        %mul3A_1329 = arith.muli %add3A_769, %mul3A_1328 : i32
        %add3A_1330 = arith.constant 10240 : i32
        %add3A_1331 = arith.addi %add3A_1330, %mul3A_1329 : i32
        %swap3A_1332 = arith.index_cast %add3A_1331 : i32 to index
        %swap3A_1333 = tpu.vector_load %arg6[%swap3A_1332] {strides = array<i32>} : memref<16384xi32, #tpu.memory_space<vmem>>, vector<16xi32>,
        tpu.vector_store %arg6[%swap3A_1332], %broadcast_in_dim3A_1297 {strides = array<i32>} : memref<16384xi32, #tpu.memory_space<vmem>>, vector<16xi32>,
        %mul3A_1334 = arith.constant 16 : i32
        %mul3A_1335 = arith.muli %add3A_769, %mul3A_1334 : i32
        %add3A_1336 = arith.constant 12288 : i32
        %add3A_1337 = arith.addi %add3A_1336, %mul3A_1335 : i32
        %swap3A_1338 = arith.index_cast %add3A_1337 : i32 to index
        %swap3A_1339 = tpu.vector_load %arg6[%swap3A_1338] {strides = array<i32>} : memref<16384xi32, #tpu.memory_space<vmem>>, vector<16xi32>,
        tpu.vector_store %arg6[%swap3A_1338], %broadcast_in_dim3A_1297 {strides = array<i32>} : memref<16384xi32, #tpu.memory_space<vmem>>, vector<16xi32>,
        %mul3A_1340 = arith.constant 16 : i32
        %mul3A_1341 = arith.muli %add3A_769, %mul3A_1340 : i32
        %add3A_1342 = arith.constant 14336 : i32
        %add3A_1343 = arith.addi %add3A_1342, %mul3A_1341 : i32
        %swap3A_1344 = arith.index_cast %add3A_1343 : i32 to index
        %swap3A_1345 = tpu.vector_load %arg6[%swap3A_1344] {strides = array<i32>} : memref<16384xi32, #tpu.memory_space<vmem>>, vector<16xi32>,
        tpu.vector_store %arg6[%swap3A_1344], %broadcast_in_dim3A_1297 {strides = array<i32>} : memref<16384xi32, #tpu.memory_space<vmem>>, vector<16xi32>,
        %reduce_sum3A_1346 = arith.constant true
        %reduce_sum3A_1347 = vector.broadcast %reduce_sum3A_1346 : i1 to vector<16xi1>
        %reduce_sum3A_1348 = tpu.scan <sum>, %add3A_1266 masked %reduce_sum3A_1347 : vector<16xi32>, vector<16xi1> -> vector<16xi32>
        %reduce_sum3A_1349 = vector.extract %reduce_sum3A_1348[15] : i32 from vector<16xi32>
        %add3A_1350 = arith.addi %add3A_1204, %reduce_sum3A_1349 : i32
        scf.yield %add3A_1350 : i32
      }
      %scan3A_351 = arith.constant 32 : i32
      %broadcast_in_dim3A_352 = arith.constant 1 : i32
      %broadcast_in_dim3A_353 = vector.broadcast %broadcast_in_dim3A_352 : i32 to vector<16xi32>
      %get3A_354 = arith.constant 0 : index
      %get3A_355 = tpu.vector_load %arg5[%get3A_354] {strides = array<i32>} : memref<32768xi32, #tpu.memory_space<vmem>>, vector<16xi32>,
      %and3A_356 = arith.constant 2047 : i32
      %and3A_357 = vector.broadcast %and3A_356 : i32 to vector<16xi32>
      %and3A_358 = arith.andi %get3A_355, %and3A_357 : vector<16xi32>
      %shift_right_logical3A_359 = arith.constant 11 : i32
      %shift_right_logical3A_360 = vector.broadcast %shift_right_logical3A_359 : i32 to vector<16xi32>
      %shift_right_logical3A_361 = arith.shrui %get3A_355, %shift_right_logical3A_360 : vector<16xi32>
      %get3A_362 = arith.constant 4096 : index
      %get3A_363 = tpu.vector_load %arg5[%get3A_362] {strides = array<i32>} : memref<32768xi32, #tpu.memory_space<vmem>>, vector<16xi32>,
      %and3A_364 = arith.constant 2047 : i32
      %and3A_365 = vector.broadcast %and3A_364 : i32 to vector<16xi32>
      %and3A_366 = arith.andi %get3A_363, %and3A_365 : vector<16xi32>
      %shift_right_logical3A_367 = arith.constant 11 : i32
      %shift_right_logical3A_368 = vector.broadcast %shift_right_logical3A_367 : i32 to vector<16xi32>
      %shift_right_logical3A_369 = arith.shrui %get3A_363, %shift_right_logical3A_368 : vector<16xi32>
      %get3A_370 = arith.constant 8192 : index
      %get3A_371 = tpu.vector_load %arg5[%get3A_370] {strides = array<i32>} : memref<32768xi32, #tpu.memory_space<vmem>>, vector<16xi32>,
      %and3A_372 = arith.constant 2047 : i32
      %and3A_373 = vector.broadcast %and3A_372 : i32 to vector<16xi32>
      %and3A_374 = arith.andi %get3A_371, %and3A_373 : vector<16xi32>
      %shift_right_logical3A_375 = arith.constant 11 : i32
      %shift_right_logical3A_376 = vector.broadcast %shift_right_logical3A_375 : i32 to vector<16xi32>
      %shift_right_logical3A_377 = arith.shrui %get3A_371, %shift_right_logical3A_376 : vector<16xi32>
      %get3A_378 = arith.constant 12288 : index
      %get3A_379 = tpu.vector_load %arg5[%get3A_378] {strides = array<i32>} : memref<32768xi32, #tpu.memory_space<vmem>>, vector<16xi32>,
      %and3A_380 = arith.constant 2047 : i32
      %and3A_381 = vector.broadcast %and3A_380 : i32 to vector<16xi32>
      %and3A_382 = arith.andi %get3A_379, %and3A_381 : vector<16xi32>
      %shift_right_logical3A_383 = arith.constant 11 : i32
      %shift_right_logical3A_384 = vector.broadcast %shift_right_logical3A_383 : i32 to vector<16xi32>
      %shift_right_logical3A_385 = arith.shrui %get3A_379, %shift_right_logical3A_384 : vector<16xi32>
      %get3A_386 = arith.constant 16384 : index
      %get3A_387 = tpu.vector_load %arg5[%get3A_386] {strides = array<i32>} : memref<32768xi32, #tpu.memory_space<vmem>>, vector<16xi32>,
      %and3A_388 = arith.constant 2047 : i32
      %and3A_389 = vector.broadcast %and3A_388 : i32 to vector<16xi32>
      %and3A_390 = arith.andi %get3A_387, %and3A_389 : vector<16xi32>
      %shift_right_logical3A_391 = arith.constant 11 : i32
      %shift_right_logical3A_392 = vector.broadcast %shift_right_logical3A_391 : i32 to vector<16xi32>
      %shift_right_logical3A_393 = arith.shrui %get3A_387, %shift_right_logical3A_392 : vector<16xi32>
      %get3A_394 = arith.constant 20480 : index
      %get3A_395 = tpu.vector_load %arg5[%get3A_394] {strides = array<i32>} : memref<32768xi32, #tpu.memory_space<vmem>>, vector<16xi32>,
      %and3A_396 = arith.constant 2047 : i32
      %and3A_397 = vector.broadcast %and3A_396 : i32 to vector<16xi32>
      %and3A_398 = arith.andi %get3A_395, %and3A_397 : vector<16xi32>
      %shift_right_logical3A_399 = arith.constant 11 : i32
      %shift_right_logical3A_400 = vector.broadcast %shift_right_logical3A_399 : i32 to vector<16xi32>
      %shift_right_logical3A_401 = arith.shrui %get3A_395, %shift_right_logical3A_400 : vector<16xi32>
      %get3A_402 = arith.constant 24576 : index
      %get3A_403 = tpu.vector_load %arg5[%get3A_402] {strides = array<i32>} : memref<32768xi32, #tpu.memory_space<vmem>>, vector<16xi32>,
      %and3A_404 = arith.constant 2047 : i32
      %and3A_405 = vector.broadcast %and3A_404 : i32 to vector<16xi32>
      %and3A_406 = arith.andi %get3A_403, %and3A_405 : vector<16xi32>
      %shift_right_logical3A_407 = arith.constant 11 : i32
      %shift_right_logical3A_408 = vector.broadcast %shift_right_logical3A_407 : i32 to vector<16xi32>
      %shift_right_logical3A_409 = arith.shrui %get3A_403, %shift_right_logical3A_408 : vector<16xi32>
      %get3A_410 = arith.constant 28672 : index
      %get3A_411 = tpu.vector_load %arg5[%get3A_410] {strides = array<i32>} : memref<32768xi32, #tpu.memory_space<vmem>>, vector<16xi32>,
      %and3A_412 = arith.constant 2047 : i32
      %and3A_413 = vector.broadcast %and3A_412 : i32 to vector<16xi32>
      %and3A_414 = arith.andi %get3A_411, %and3A_413 : vector<16xi32>
      %shift_right_logical3A_415 = arith.constant 11 : i32
      %shift_right_logical3A_416 = vector.broadcast %shift_right_logical3A_415 : i32 to vector<16xi32>
      %shift_right_logical3A_417 = arith.shrui %get3A_411, %shift_right_logical3A_416 : vector<16xi32>
      %scan3A_418 = arith.constant 0 : i32
      %scan3A_419 = arith.constant 255 : i32
      %scan3A_420 = arith.addi %scan3A_418, %scan3A_419 : i32
      %scan3A_421 = arith.constant 1 : i32
      %scan3A_422:16 = scf.for %scan3A_754 = %scan3A_418 to %scan3A_420 step %scan3A_421 iter_args(%scan3A_755 = %and3A_358, %scan3A_756 = %and3A_366, %scan3A_757 = %and3A_374, %scan3A_758 = %and3A_382, %scan3A_759 = %and3A_390, %scan3A_760 = %and3A_398, %scan3A_761 = %and3A_406, %scan3A_762 = %and3A_414, %scan3A_763 = %shift_right_logical3A_361, %scan3A_764 = %shift_right_logical3A_369, %scan3A_765 = %shift_right_logical3A_377, %scan3A_766 = %shift_right_logical3A_385, %scan3A_767 = %shift_right_logical3A_393, %scan3A_768 = %shift_right_logical3A_401, %scan3A_769 = %shift_right_logical3A_409, %scan3A_770 = %shift_right_logical3A_417) -> (vector<16xi32>, vector<16xi32>, vector<16xi32>, vector<16xi32>, vector<16xi32>, vector<16xi32>, vector<16xi32>, vector<16xi32>, vector<16xi32>, vector<16xi32>, vector<16xi32>, vector<16xi32>, vector<16xi32>, vector<16xi32>, vector<16xi32>, vector<16xi32>)  : i32 {
        %add3A_771 = arith.constant 1 : i32
        %add3A_772 = arith.addi %scan3A_754, %add3A_771 : i32
        %mul3A_773 = arith.constant 16 : i32
        %mul3A_774 = arith.muli %add3A_772, %mul3A_773 : i32
        %add3A_775 = arith.constant 0 : i32
        %add3A_776 = arith.addi %add3A_775, %mul3A_774 : i32
        %get3A_777 = arith.index_cast %add3A_776 : i32 to index
        %get3A_778 = tpu.vector_load %arg5[%get3A_777] {strides = array<i32>} : memref<32768xi32, #tpu.memory_space<vmem>>, vector<16xi32>,
        %and3A_779 = arith.constant 2047 : i32
        %and3A_780 = vector.broadcast %and3A_779 : i32 to vector<16xi32>
        %and3A_781 = arith.andi %get3A_778, %and3A_780 : vector<16xi32>
        %shift_right_logical3A_782 = arith.constant 11 : i32
        %shift_right_logical3A_783 = vector.broadcast %shift_right_logical3A_782 : i32 to vector<16xi32>
        %shift_right_logical3A_784 = arith.shrui %get3A_778, %shift_right_logical3A_783 : vector<16xi32>
        %mul3A_785 = arith.constant 16 : i32
        %mul3A_786 = arith.muli %add3A_772, %mul3A_785 : i32
        %add3A_787 = arith.constant 4096 : i32
        %add3A_788 = arith.addi %add3A_787, %mul3A_786 : i32
        %get3A_789 = arith.index_cast %add3A_788 : i32 to index
        %get3A_790 = tpu.vector_load %arg5[%get3A_789] {strides = array<i32>} : memref<32768xi32, #tpu.memory_space<vmem>>, vector<16xi32>,
        %and3A_791 = arith.constant 2047 : i32
        %and3A_792 = vector.broadcast %and3A_791 : i32 to vector<16xi32>
        %and3A_793 = arith.andi %get3A_790, %and3A_792 : vector<16xi32>
        %shift_right_logical3A_794 = arith.constant 11 : i32
        %shift_right_logical3A_795 = vector.broadcast %shift_right_logical3A_794 : i32 to vector<16xi32>
        %shift_right_logical3A_796 = arith.shrui %get3A_790, %shift_right_logical3A_795 : vector<16xi32>
        %mul3A_797 = arith.constant 16 : i32
        %mul3A_798 = arith.muli %add3A_772, %mul3A_797 : i32
        %add3A_799 = arith.constant 8192 : i32
        %add3A_800 = arith.addi %add3A_799, %mul3A_798 : i32
        %get3A_801 = arith.index_cast %add3A_800 : i32 to index
        %get3A_802 = tpu.vector_load %arg5[%get3A_801] {strides = array<i32>} : memref<32768xi32, #tpu.memory_space<vmem>>, vector<16xi32>,
        %and3A_803 = arith.constant 2047 : i32
        %and3A_804 = vector.broadcast %and3A_803 : i32 to vector<16xi32>
        %and3A_805 = arith.andi %get3A_802, %and3A_804 : vector<16xi32>
        %shift_right_logical3A_806 = arith.constant 11 : i32
        %shift_right_logical3A_807 = vector.broadcast %shift_right_logical3A_806 : i32 to vector<16xi32>
        %shift_right_logical3A_808 = arith.shrui %get3A_802, %shift_right_logical3A_807 : vector<16xi32>
        %mul3A_809 = arith.constant 16 : i32
        %mul3A_810 = arith.muli %add3A_772, %mul3A_809 : i32
        %add3A_811 = arith.constant 12288 : i32
        %add3A_812 = arith.addi %add3A_811, %mul3A_810 : i32
        %get3A_813 = arith.index_cast %add3A_812 : i32 to index
        %get3A_814 = tpu.vector_load %arg5[%get3A_813] {strides = array<i32>} : memref<32768xi32, #tpu.memory_space<vmem>>, vector<16xi32>,
        %and3A_815 = arith.constant 2047 : i32
        %and3A_816 = vector.broadcast %and3A_815 : i32 to vector<16xi32>
        %and3A_817 = arith.andi %get3A_814, %and3A_816 : vector<16xi32>
        %shift_right_logical3A_818 = arith.constant 11 : i32
        %shift_right_logical3A_819 = vector.broadcast %shift_right_logical3A_818 : i32 to vector<16xi32>
        %shift_right_logical3A_820 = arith.shrui %get3A_814, %shift_right_logical3A_819 : vector<16xi32>
        %mul3A_821 = arith.constant 16 : i32
        %mul3A_822 = arith.muli %add3A_772, %mul3A_821 : i32
        %add3A_823 = arith.constant 16384 : i32
        %add3A_824 = arith.addi %add3A_823, %mul3A_822 : i32
        %get3A_825 = arith.index_cast %add3A_824 : i32 to index
        %get3A_826 = tpu.vector_load %arg5[%get3A_825] {strides = array<i32>} : memref<32768xi32, #tpu.memory_space<vmem>>, vector<16xi32>,
        %and3A_827 = arith.constant 2047 : i32
        %and3A_828 = vector.broadcast %and3A_827 : i32 to vector<16xi32>
        %and3A_829 = arith.andi %get3A_826, %and3A_828 : vector<16xi32>
        %shift_right_logical3A_830 = arith.constant 11 : i32
        %shift_right_logical3A_831 = vector.broadcast %shift_right_logical3A_830 : i32 to vector<16xi32>
        %shift_right_logical3A_832 = arith.shrui %get3A_826, %shift_right_logical3A_831 : vector<16xi32>
        %mul3A_833 = arith.constant 16 : i32
        %mul3A_834 = arith.muli %add3A_772, %mul3A_833 : i32
        %add3A_835 = arith.constant 20480 : i32
        %add3A_836 = arith.addi %add3A_835, %mul3A_834 : i32
        %get3A_837 = arith.index_cast %add3A_836 : i32 to index
        %get3A_838 = tpu.vector_load %arg5[%get3A_837] {strides = array<i32>} : memref<32768xi32, #tpu.memory_space<vmem>>, vector<16xi32>,
        %and3A_839 = arith.constant 2047 : i32
        %and3A_840 = vector.broadcast %and3A_839 : i32 to vector<16xi32>
        %and3A_841 = arith.andi %get3A_838, %and3A_840 : vector<16xi32>
        %shift_right_logical3A_842 = arith.constant 11 : i32
        %shift_right_logical3A_843 = vector.broadcast %shift_right_logical3A_842 : i32 to vector<16xi32>
        %shift_right_logical3A_844 = arith.shrui %get3A_838, %shift_right_logical3A_843 : vector<16xi32>
        %mul3A_845 = arith.constant 16 : i32
        %mul3A_846 = arith.muli %add3A_772, %mul3A_845 : i32
        %add3A_847 = arith.constant 24576 : i32
        %add3A_848 = arith.addi %add3A_847, %mul3A_846 : i32
        %get3A_849 = arith.index_cast %add3A_848 : i32 to index
        %get3A_850 = tpu.vector_load %arg5[%get3A_849] {strides = array<i32>} : memref<32768xi32, #tpu.memory_space<vmem>>, vector<16xi32>,
        %and3A_851 = arith.constant 2047 : i32
        %and3A_852 = vector.broadcast %and3A_851 : i32 to vector<16xi32>
        %and3A_853 = arith.andi %get3A_850, %and3A_852 : vector<16xi32>
        %shift_right_logical3A_854 = arith.constant 11 : i32
        %shift_right_logical3A_855 = vector.broadcast %shift_right_logical3A_854 : i32 to vector<16xi32>
        %shift_right_logical3A_856 = arith.shrui %get3A_850, %shift_right_logical3A_855 : vector<16xi32>
        %mul3A_857 = arith.constant 16 : i32
        %mul3A_858 = arith.muli %add3A_772, %mul3A_857 : i32
        %add3A_859 = arith.constant 28672 : i32
        %add3A_860 = arith.addi %add3A_859, %mul3A_858 : i32
        %get3A_861 = arith.index_cast %add3A_860 : i32 to index
        %get3A_862 = tpu.vector_load %arg5[%get3A_861] {strides = array<i32>} : memref<32768xi32, #tpu.memory_space<vmem>>, vector<16xi32>,
        %and3A_863 = arith.constant 2047 : i32
        %and3A_864 = vector.broadcast %and3A_863 : i32 to vector<16xi32>
        %and3A_865 = arith.andi %get3A_862, %and3A_864 : vector<16xi32>
        %shift_right_logical3A_866 = arith.constant 11 : i32
        %shift_right_logical3A_867 = vector.broadcast %shift_right_logical3A_866 : i32 to vector<16xi32>
        %shift_right_logical3A_868 = arith.shrui %get3A_862, %shift_right_logical3A_867 : vector<16xi32>
        %broadcast_in_dim3A_869 = arith.constant true
        %broadcast_in_dim3A_870 = vector.broadcast %broadcast_in_dim3A_869 : i1 to vector<16xi1>
        %unique3A_871, %unique3A_872 = tpu.scan_count mask(%broadcast_in_dim3A_870 : vector<16xi1>) value(%scan3A_755 : vector<16xi32>) : vector<16xi1>, vector<16xi32>
        %broadcast_in_dim3A_873 = arith.constant true
        %broadcast_in_dim3A_874 = vector.broadcast %broadcast_in_dim3A_873 : i1 to vector<16xi1>
        %unique3A_875, %unique3A_876 = tpu.scan_count mask(%broadcast_in_dim3A_874 : vector<16xi1>) value(%scan3A_756 : vector<16xi32>) : vector<16xi1>, vector<16xi32>
        %broadcast_in_dim3A_877 = arith.constant true
        %broadcast_in_dim3A_878 = vector.broadcast %broadcast_in_dim3A_877 : i1 to vector<16xi1>
        %unique3A_879, %unique3A_880 = tpu.scan_count mask(%broadcast_in_dim3A_878 : vector<16xi1>) value(%scan3A_757 : vector<16xi32>) : vector<16xi1>, vector<16xi32>
        %broadcast_in_dim3A_881 = arith.constant true
        %broadcast_in_dim3A_882 = vector.broadcast %broadcast_in_dim3A_881 : i1 to vector<16xi1>
        %unique3A_883, %unique3A_884 = tpu.scan_count mask(%broadcast_in_dim3A_882 : vector<16xi1>) value(%scan3A_758 : vector<16xi32>) : vector<16xi1>, vector<16xi32>
        %broadcast_in_dim3A_885 = arith.constant true
        %broadcast_in_dim3A_886 = vector.broadcast %broadcast_in_dim3A_885 : i1 to vector<16xi1>
        %unique3A_887, %unique3A_888 = tpu.scan_count mask(%broadcast_in_dim3A_886 : vector<16xi1>) value(%scan3A_759 : vector<16xi32>) : vector<16xi1>, vector<16xi32>
        %broadcast_in_dim3A_889 = arith.constant true
        %broadcast_in_dim3A_890 = vector.broadcast %broadcast_in_dim3A_889 : i1 to vector<16xi1>
        %unique3A_891, %unique3A_892 = tpu.scan_count mask(%broadcast_in_dim3A_890 : vector<16xi1>) value(%scan3A_760 : vector<16xi32>) : vector<16xi1>, vector<16xi32>
        %broadcast_in_dim3A_893 = arith.constant true
        %broadcast_in_dim3A_894 = vector.broadcast %broadcast_in_dim3A_893 : i1 to vector<16xi1>
        %unique3A_895, %unique3A_896 = tpu.scan_count mask(%broadcast_in_dim3A_894 : vector<16xi1>) value(%scan3A_761 : vector<16xi32>) : vector<16xi1>, vector<16xi32>
        %broadcast_in_dim3A_897 = arith.constant true
        %broadcast_in_dim3A_898 = vector.broadcast %broadcast_in_dim3A_897 : i1 to vector<16xi1>
        %unique3A_899, %unique3A_900 = tpu.scan_count mask(%broadcast_in_dim3A_898 : vector<16xi1>) value(%scan3A_762 : vector<16xi32>) : vector<16xi1>, vector<16xi32>
        %gather3A_901 = tpu.vector_load_idx %arg9[%scan3A_755] : memref<2048xi32, #tpu.memory_space<vmem>>[vector<16xi32>], vector<16xi32>,
        %gather3A_902 = tpu.vector_load_idx %arg10[%scan3A_756] : memref<2048xi32, #tpu.memory_space<vmem>>[vector<16xi32>], vector<16xi32>,
        %gather3A_903 = tpu.vector_load_idx %arg11[%scan3A_757] : memref<2048xi32, #tpu.memory_space<vmem>>[vector<16xi32>], vector<16xi32>,
        %gather3A_904 = tpu.vector_load_idx %arg12[%scan3A_758] : memref<2048xi32, #tpu.memory_space<vmem>>[vector<16xi32>], vector<16xi32>,
        %gather3A_905 = tpu.vector_load_idx %arg13[%scan3A_759] : memref<2048xi32, #tpu.memory_space<vmem>>[vector<16xi32>], vector<16xi32>,
        %gather3A_906 = tpu.vector_load_idx %arg14[%scan3A_760] : memref<2048xi32, #tpu.memory_space<vmem>>[vector<16xi32>], vector<16xi32>,
        %gather3A_907 = tpu.vector_load_idx %arg15[%scan3A_761] : memref<2048xi32, #tpu.memory_space<vmem>>[vector<16xi32>], vector<16xi32>,
        %gather3A_908 = tpu.vector_load_idx %arg16[%scan3A_762] : memref<2048xi32, #tpu.memory_space<vmem>>[vector<16xi32>], vector<16xi32>,
        %add3A_909 = arith.addi %gather3A_901, %unique3A_872 : vector<16xi32>
        %sub3A_910 = arith.constant 1 : i32
        %sub3A_911 = vector.broadcast %sub3A_910 : i32 to vector<16xi32>
        %sub3A_912 = arith.subi %add3A_909, %sub3A_911 : vector<16xi32>
        %add3A_913 = arith.addi %gather3A_902, %unique3A_876 : vector<16xi32>
        %sub3A_914 = arith.constant 1 : i32
        %sub3A_915 = vector.broadcast %sub3A_914 : i32 to vector<16xi32>
        %sub3A_916 = arith.subi %add3A_913, %sub3A_915 : vector<16xi32>
        %add3A_917 = arith.addi %gather3A_903, %unique3A_880 : vector<16xi32>
        %sub3A_918 = arith.constant 1 : i32
        %sub3A_919 = vector.broadcast %sub3A_918 : i32 to vector<16xi32>
        %sub3A_920 = arith.subi %add3A_917, %sub3A_919 : vector<16xi32>
        %add3A_921 = arith.addi %gather3A_904, %unique3A_884 : vector<16xi32>
        %sub3A_922 = arith.constant 1 : i32
        %sub3A_923 = vector.broadcast %sub3A_922 : i32 to vector<16xi32>
        %sub3A_924 = arith.subi %add3A_921, %sub3A_923 : vector<16xi32>
        %add3A_925 = arith.addi %gather3A_905, %unique3A_888 : vector<16xi32>
        %sub3A_926 = arith.constant 1 : i32
        %sub3A_927 = vector.broadcast %sub3A_926 : i32 to vector<16xi32>
        %sub3A_928 = arith.subi %add3A_925, %sub3A_927 : vector<16xi32>
        %add3A_929 = arith.addi %gather3A_906, %unique3A_892 : vector<16xi32>
        %sub3A_930 = arith.constant 1 : i32
        %sub3A_931 = vector.broadcast %sub3A_930 : i32 to vector<16xi32>
        %sub3A_932 = arith.subi %add3A_929, %sub3A_931 : vector<16xi32>
        %add3A_933 = arith.addi %gather3A_907, %unique3A_896 : vector<16xi32>
        %sub3A_934 = arith.constant 1 : i32
        %sub3A_935 = vector.broadcast %sub3A_934 : i32 to vector<16xi32>
        %sub3A_936 = arith.subi %add3A_933, %sub3A_935 : vector<16xi32>
        %add3A_937 = arith.addi %gather3A_908, %unique3A_900 : vector<16xi32>
        %sub3A_938 = arith.constant 1 : i32
        %sub3A_939 = vector.broadcast %sub3A_938 : i32 to vector<16xi32>
        %sub3A_940 = arith.subi %add3A_937, %sub3A_939 : vector<16xi32>
        %bitcast3A_941 = vector.bitcast %scan3A_763 : vector<16xi32> to vector<16xf32>
        tpu.vector_store_idx %arg4[%sub3A_912], %bitcast3A_941 : memref<32768xf32, #tpu.memory_space<vmem>>[vector<16xi32>], vector<16xf32>,
        tpu.vector_store_idx %arg9[%scan3A_755], %unique3A_872 masked %unique3A_871 {add = true} : memref<2048xi32, #tpu.memory_space<vmem>>[vector<16xi32>], vector<16xi32>, vector<16xi1>
        %bitcast3A_942 = vector.bitcast %scan3A_764 : vector<16xi32> to vector<16xf32>
        tpu.vector_store_idx %arg4[%sub3A_916], %bitcast3A_942 : memref<32768xf32, #tpu.memory_space<vmem>>[vector<16xi32>], vector<16xf32>,
        tpu.vector_store_idx %arg10[%scan3A_756], %unique3A_876 masked %unique3A_875 {add = true} : memref<2048xi32, #tpu.memory_space<vmem>>[vector<16xi32>], vector<16xi32>, vector<16xi1>
        %bitcast3A_943 = vector.bitcast %scan3A_765 : vector<16xi32> to vector<16xf32>
        tpu.vector_store_idx %arg4[%sub3A_920], %bitcast3A_943 : memref<32768xf32, #tpu.memory_space<vmem>>[vector<16xi32>], vector<16xf32>,
        tpu.vector_store_idx %arg11[%scan3A_757], %unique3A_880 masked %unique3A_879 {add = true} : memref<2048xi32, #tpu.memory_space<vmem>>[vector<16xi32>], vector<16xi32>, vector<16xi1>
        %bitcast3A_944 = vector.bitcast %scan3A_766 : vector<16xi32> to vector<16xf32>
        tpu.vector_store_idx %arg4[%sub3A_924], %bitcast3A_944 : memref<32768xf32, #tpu.memory_space<vmem>>[vector<16xi32>], vector<16xf32>,
        tpu.vector_store_idx %arg12[%scan3A_758], %unique3A_884 masked %unique3A_883 {add = true} : memref<2048xi32, #tpu.memory_space<vmem>>[vector<16xi32>], vector<16xi32>, vector<16xi1>
        %bitcast3A_945 = vector.bitcast %scan3A_767 : vector<16xi32> to vector<16xf32>
        tpu.vector_store_idx %arg4[%sub3A_928], %bitcast3A_945 : memref<32768xf32, #tpu.memory_space<vmem>>[vector<16xi32>], vector<16xf32>,
        tpu.vector_store_idx %arg13[%scan3A_759], %unique3A_888 masked %unique3A_887 {add = true} : memref<2048xi32, #tpu.memory_space<vmem>>[vector<16xi32>], vector<16xi32>, vector<16xi1>
        %bitcast3A_946 = vector.bitcast %scan3A_768 : vector<16xi32> to vector<16xf32>
        tpu.vector_store_idx %arg4[%sub3A_932], %bitcast3A_946 : memref<32768xf32, #tpu.memory_space<vmem>>[vector<16xi32>], vector<16xf32>,
        tpu.vector_store_idx %arg14[%scan3A_760], %unique3A_892 masked %unique3A_891 {add = true} : memref<2048xi32, #tpu.memory_space<vmem>>[vector<16xi32>], vector<16xi32>, vector<16xi1>
        %bitcast3A_947 = vector.bitcast %scan3A_769 : vector<16xi32> to vector<16xf32>
        tpu.vector_store_idx %arg4[%sub3A_936], %bitcast3A_947 : memref<32768xf32, #tpu.memory_space<vmem>>[vector<16xi32>], vector<16xf32>,
        tpu.vector_store_idx %arg15[%scan3A_761], %unique3A_896 masked %unique3A_895 {add = true} : memref<2048xi32, #tpu.memory_space<vmem>>[vector<16xi32>], vector<16xi32>, vector<16xi1>
        %bitcast3A_948 = vector.bitcast %scan3A_770 : vector<16xi32> to vector<16xf32>
        tpu.vector_store_idx %arg4[%sub3A_940], %bitcast3A_948 : memref<32768xf32, #tpu.memory_space<vmem>>[vector<16xi32>], vector<16xf32>,
        tpu.vector_store_idx %arg16[%scan3A_762], %unique3A_900 masked %unique3A_899 {add = true} : memref<2048xi32, #tpu.memory_space<vmem>>[vector<16xi32>], vector<16xi32>, vector<16xi1>
        %shift_right_logical3A_949 = arith.constant 12 : i32
        %shift_right_logical3A_950 = vector.broadcast %shift_right_logical3A_949 : i32 to vector<16xi32>
        %shift_right_logical3A_951 = arith.shrui %sub3A_912, %shift_right_logical3A_950 : vector<16xi32>
        %shift_left3A_952 = arith.constant 11 : i32
        %shift_left3A_953 = vector.broadcast %shift_left3A_952 : i32 to vector<16xi32>
        %shift_left3A_954 = arith.shli %shift_right_logical3A_951, %shift_left3A_953 : vector<16xi32>
        %and3A_955 = arith.constant 1023 : i32
        %and3A_956 = vector.broadcast %and3A_955 : i32 to vector<16xi32>
        %and3A_957 = arith.andi %scan3A_763, %and3A_956 : vector<16xi32>
        %or3A_958 = arith.ori %shift_left3A_954, %and3A_957 : vector<16xi32>
        tpu.vector_store_idx %arg6[%or3A_958], %broadcast_in_dim3A_353 {add = true} : memref<16384xi32, #tpu.memory_space<vmem>>[vector<16xi32>], vector<16xi32>,
        %shift_right_logical3A_959 = arith.constant 12 : i32
        %shift_right_logical3A_960 = vector.broadcast %shift_right_logical3A_959 : i32 to vector<16xi32>
        %shift_right_logical3A_961 = arith.shrui %sub3A_916, %shift_right_logical3A_960 : vector<16xi32>
        %shift_left3A_962 = arith.constant 11 : i32
        %shift_left3A_963 = vector.broadcast %shift_left3A_962 : i32 to vector<16xi32>
        %shift_left3A_964 = arith.shli %shift_right_logical3A_961, %shift_left3A_963 : vector<16xi32>
        %and3A_965 = arith.constant 1023 : i32
        %and3A_966 = vector.broadcast %and3A_965 : i32 to vector<16xi32>
        %and3A_967 = arith.andi %scan3A_764, %and3A_966 : vector<16xi32>
        %or3A_968 = arith.ori %shift_left3A_964, %and3A_967 : vector<16xi32>
        tpu.vector_store_idx %arg6[%or3A_968], %broadcast_in_dim3A_353 {add = true} : memref<16384xi32, #tpu.memory_space<vmem>>[vector<16xi32>], vector<16xi32>,
        %shift_right_logical3A_969 = arith.constant 12 : i32
        %shift_right_logical3A_970 = vector.broadcast %shift_right_logical3A_969 : i32 to vector<16xi32>
        %shift_right_logical3A_971 = arith.shrui %sub3A_920, %shift_right_logical3A_970 : vector<16xi32>
        %shift_left3A_972 = arith.constant 11 : i32
        %shift_left3A_973 = vector.broadcast %shift_left3A_972 : i32 to vector<16xi32>
        %shift_left3A_974 = arith.shli %shift_right_logical3A_971, %shift_left3A_973 : vector<16xi32>
        %and3A_975 = arith.constant 1023 : i32
        %and3A_976 = vector.broadcast %and3A_975 : i32 to vector<16xi32>
        %and3A_977 = arith.andi %scan3A_765, %and3A_976 : vector<16xi32>
        %or3A_978 = arith.ori %shift_left3A_974, %and3A_977 : vector<16xi32>
        tpu.vector_store_idx %arg6[%or3A_978], %broadcast_in_dim3A_353 {add = true} : memref<16384xi32, #tpu.memory_space<vmem>>[vector<16xi32>], vector<16xi32>,
        %shift_right_logical3A_979 = arith.constant 12 : i32
        %shift_right_logical3A_980 = vector.broadcast %shift_right_logical3A_979 : i32 to vector<16xi32>
        %shift_right_logical3A_981 = arith.shrui %sub3A_924, %shift_right_logical3A_980 : vector<16xi32>
        %shift_left3A_982 = arith.constant 11 : i32
        %shift_left3A_983 = vector.broadcast %shift_left3A_982 : i32 to vector<16xi32>
        %shift_left3A_984 = arith.shli %shift_right_logical3A_981, %shift_left3A_983 : vector<16xi32>
        %and3A_985 = arith.constant 1023 : i32
        %and3A_986 = vector.broadcast %and3A_985 : i32 to vector<16xi32>
        %and3A_987 = arith.andi %scan3A_766, %and3A_986 : vector<16xi32>
        %or3A_988 = arith.ori %shift_left3A_984, %and3A_987 : vector<16xi32>
        tpu.vector_store_idx %arg6[%or3A_988], %broadcast_in_dim3A_353 {add = true} : memref<16384xi32, #tpu.memory_space<vmem>>[vector<16xi32>], vector<16xi32>,
        %shift_right_logical3A_989 = arith.constant 12 : i32
        %shift_right_logical3A_990 = vector.broadcast %shift_right_logical3A_989 : i32 to vector<16xi32>
        %shift_right_logical3A_991 = arith.shrui %sub3A_928, %shift_right_logical3A_990 : vector<16xi32>
        %shift_left3A_992 = arith.constant 11 : i32
        %shift_left3A_993 = vector.broadcast %shift_left3A_992 : i32 to vector<16xi32>
        %shift_left3A_994 = arith.shli %shift_right_logical3A_991, %shift_left3A_993 : vector<16xi32>
        %and3A_995 = arith.constant 1023 : i32
        %and3A_996 = vector.broadcast %and3A_995 : i32 to vector<16xi32>
        %and3A_997 = arith.andi %scan3A_767, %and3A_996 : vector<16xi32>
        %or3A_998 = arith.ori %shift_left3A_994, %and3A_997 : vector<16xi32>
        tpu.vector_store_idx %arg6[%or3A_998], %broadcast_in_dim3A_353 {add = true} : memref<16384xi32, #tpu.memory_space<vmem>>[vector<16xi32>], vector<16xi32>,
        %shift_right_logical3A_999 = arith.constant 12 : i32
        %shift_right_logical3A_1000 = vector.broadcast %shift_right_logical3A_999 : i32 to vector<16xi32>
        %shift_right_logical3A_1001 = arith.shrui %sub3A_932, %shift_right_logical3A_1000 : vector<16xi32>
        %shift_left3A_1002 = arith.constant 11 : i32
        %shift_left3A_1003 = vector.broadcast %shift_left3A_1002 : i32 to vector<16xi32>
        %shift_left3A_1004 = arith.shli %shift_right_logical3A_1001, %shift_left3A_1003 : vector<16xi32>
        %and3A_1005 = arith.constant 1023 : i32
        %and3A_1006 = vector.broadcast %and3A_1005 : i32 to vector<16xi32>
        %and3A_1007 = arith.andi %scan3A_768, %and3A_1006 : vector<16xi32>
        %or3A_1008 = arith.ori %shift_left3A_1004, %and3A_1007 : vector<16xi32>
        tpu.vector_store_idx %arg6[%or3A_1008], %broadcast_in_dim3A_353 {add = true} : memref<16384xi32, #tpu.memory_space<vmem>>[vector<16xi32>], vector<16xi32>,
        %shift_right_logical3A_1009 = arith.constant 12 : i32
        %shift_right_logical3A_1010 = vector.broadcast %shift_right_logical3A_1009 : i32 to vector<16xi32>
        %shift_right_logical3A_1011 = arith.shrui %sub3A_936, %shift_right_logical3A_1010 : vector<16xi32>
        %shift_left3A_1012 = arith.constant 11 : i32
        %shift_left3A_1013 = vector.broadcast %shift_left3A_1012 : i32 to vector<16xi32>
        %shift_left3A_1014 = arith.shli %shift_right_logical3A_1011, %shift_left3A_1013 : vector<16xi32>
        %and3A_1015 = arith.constant 1023 : i32
        %and3A_1016 = vector.broadcast %and3A_1015 : i32 to vector<16xi32>
        %and3A_1017 = arith.andi %scan3A_769, %and3A_1016 : vector<16xi32>
        %or3A_1018 = arith.ori %shift_left3A_1014, %and3A_1017 : vector<16xi32>
        tpu.vector_store_idx %arg6[%or3A_1018], %broadcast_in_dim3A_353 {add = true} : memref<16384xi32, #tpu.memory_space<vmem>>[vector<16xi32>], vector<16xi32>,
        %shift_right_logical3A_1019 = arith.constant 12 : i32
        %shift_right_logical3A_1020 = vector.broadcast %shift_right_logical3A_1019 : i32 to vector<16xi32>
        %shift_right_logical3A_1021 = arith.shrui %sub3A_940, %shift_right_logical3A_1020 : vector<16xi32>
        %shift_left3A_1022 = arith.constant 11 : i32
        %shift_left3A_1023 = vector.broadcast %shift_left3A_1022 : i32 to vector<16xi32>
        %shift_left3A_1024 = arith.shli %shift_right_logical3A_1021, %shift_left3A_1023 : vector<16xi32>
        %and3A_1025 = arith.constant 1023 : i32
        %and3A_1026 = vector.broadcast %and3A_1025 : i32 to vector<16xi32>
        %and3A_1027 = arith.andi %scan3A_770, %and3A_1026 : vector<16xi32>
        %or3A_1028 = arith.ori %shift_left3A_1024, %and3A_1027 : vector<16xi32>
        tpu.vector_store_idx %arg6[%or3A_1028], %broadcast_in_dim3A_353 {add = true} : memref<16384xi32, #tpu.memory_space<vmem>>[vector<16xi32>], vector<16xi32>,
        scf.yield %and3A_781, %and3A_793, %and3A_805, %and3A_817, %and3A_829, %and3A_841, %and3A_853, %and3A_865, %shift_right_logical3A_784, %shift_right_logical3A_796, %shift_right_logical3A_808, %shift_right_logical3A_820, %shift_right_logical3A_832, %shift_right_logical3A_844, %shift_right_logical3A_856, %shift_right_logical3A_868 : vector<16xi32>, vector<16xi32>, vector<16xi32>, vector<16xi32>, vector<16xi32>, vector<16xi32>, vector<16xi32>, vector<16xi32>, vector<16xi32>, vector<16xi32>, vector<16xi32>, vector<16xi32>, vector<16xi32>, vector<16xi32>, vector<16xi32>, vector<16xi32>
      }
      %scan3A_423 = arith.constant 255 : i32
      %broadcast_in_dim3A_424 = arith.constant true
      %broadcast_in_dim3A_425 = vector.broadcast %broadcast_in_dim3A_424 : i1 to vector<16xi1>
      %unique3A_426, %unique3A_427 = tpu.scan_count mask(%broadcast_in_dim3A_425 : vector<16xi1>) value(%scan3A_422#0 : vector<16xi32>) : vector<16xi1>, vector<16xi32>
      %broadcast_in_dim3A_428 = arith.constant true
      %broadcast_in_dim3A_429 = vector.broadcast %broadcast_in_dim3A_428 : i1 to vector<16xi1>
      %unique3A_430, %unique3A_431 = tpu.scan_count mask(%broadcast_in_dim3A_429 : vector<16xi1>) value(%scan3A_422#1 : vector<16xi32>) : vector<16xi1>, vector<16xi32>
      %broadcast_in_dim3A_432 = arith.constant true
      %broadcast_in_dim3A_433 = vector.broadcast %broadcast_in_dim3A_432 : i1 to vector<16xi1>
      %unique3A_434, %unique3A_435 = tpu.scan_count mask(%broadcast_in_dim3A_433 : vector<16xi1>) value(%scan3A_422#2 : vector<16xi32>) : vector<16xi1>, vector<16xi32>
      %broadcast_in_dim3A_436 = arith.constant true
      %broadcast_in_dim3A_437 = vector.broadcast %broadcast_in_dim3A_436 : i1 to vector<16xi1>
      %unique3A_438, %unique3A_439 = tpu.scan_count mask(%broadcast_in_dim3A_437 : vector<16xi1>) value(%scan3A_422#3 : vector<16xi32>) : vector<16xi1>, vector<16xi32>
      %broadcast_in_dim3A_440 = arith.constant true
      %broadcast_in_dim3A_441 = vector.broadcast %broadcast_in_dim3A_440 : i1 to vector<16xi1>
      %unique3A_442, %unique3A_443 = tpu.scan_count mask(%broadcast_in_dim3A_441 : vector<16xi1>) value(%scan3A_422#4 : vector<16xi32>) : vector<16xi1>, vector<16xi32>
      %broadcast_in_dim3A_444 = arith.constant true
      %broadcast_in_dim3A_445 = vector.broadcast %broadcast_in_dim3A_444 : i1 to vector<16xi1>
      %unique3A_446, %unique3A_447 = tpu.scan_count mask(%broadcast_in_dim3A_445 : vector<16xi1>) value(%scan3A_422#5 : vector<16xi32>) : vector<16xi1>, vector<16xi32>
      %broadcast_in_dim3A_448 = arith.constant true
      %broadcast_in_dim3A_449 = vector.broadcast %broadcast_in_dim3A_448 : i1 to vector<16xi1>
      %unique3A_450, %unique3A_451 = tpu.scan_count mask(%broadcast_in_dim3A_449 : vector<16xi1>) value(%scan3A_422#6 : vector<16xi32>) : vector<16xi1>, vector<16xi32>
      %broadcast_in_dim3A_452 = arith.constant true
      %broadcast_in_dim3A_453 = vector.broadcast %broadcast_in_dim3A_452 : i1 to vector<16xi1>
      %unique3A_454, %unique3A_455 = tpu.scan_count mask(%broadcast_in_dim3A_453 : vector<16xi1>) value(%scan3A_422#7 : vector<16xi32>) : vector<16xi1>, vector<16xi32>
      %gather3A_456 = tpu.vector_load_idx %arg9[%scan3A_422#0] : memref<2048xi32, #tpu.memory_space<vmem>>[vector<16xi32>], vector<16xi32>,
      %gather3A_457 = tpu.vector_load_idx %arg10[%scan3A_422#1] : memref<2048xi32, #tpu.memory_space<vmem>>[vector<16xi32>], vector<16xi32>,
      %gather3A_458 = tpu.vector_load_idx %arg11[%scan3A_422#2] : memref<2048xi32, #tpu.memory_space<vmem>>[vector<16xi32>], vector<16xi32>,
      %gather3A_459 = tpu.vector_load_idx %arg12[%scan3A_422#3] : memref<2048xi32, #tpu.memory_space<vmem>>[vector<16xi32>], vector<16xi32>,
      %gather3A_460 = tpu.vector_load_idx %arg13[%scan3A_422#4] : memref<2048xi32, #tpu.memory_space<vmem>>[vector<16xi32>], vector<16xi32>,
      %gather3A_461 = tpu.vector_load_idx %arg14[%scan3A_422#5] : memref<2048xi32, #tpu.memory_space<vmem>>[vector<16xi32>], vector<16xi32>,
      %gather3A_462 = tpu.vector_load_idx %arg15[%scan3A_422#6] : memref<2048xi32, #tpu.memory_space<vmem>>[vector<16xi32>], vector<16xi32>,
      %gather3A_463 = tpu.vector_load_idx %arg16[%scan3A_422#7] : memref<2048xi32, #tpu.memory_space<vmem>>[vector<16xi32>], vector<16xi32>,
      %add3A_464 = arith.addi %gather3A_456, %unique3A_427 : vector<16xi32>
      %sub3A_465 = arith.constant 1 : i32
      %sub3A_466 = vector.broadcast %sub3A_465 : i32 to vector<16xi32>
      %sub3A_467 = arith.subi %add3A_464, %sub3A_466 : vector<16xi32>
      %add3A_468 = arith.addi %gather3A_457, %unique3A_431 : vector<16xi32>
      %sub3A_469 = arith.constant 1 : i32
      %sub3A_470 = vector.broadcast %sub3A_469 : i32 to vector<16xi32>
      %sub3A_471 = arith.subi %add3A_468, %sub3A_470 : vector<16xi32>
      %add3A_472 = arith.addi %gather3A_458, %unique3A_435 : vector<16xi32>
      %sub3A_473 = arith.constant 1 : i32
      %sub3A_474 = vector.broadcast %sub3A_473 : i32 to vector<16xi32>
      %sub3A_475 = arith.subi %add3A_472, %sub3A_474 : vector<16xi32>
      %add3A_476 = arith.addi %gather3A_459, %unique3A_439 : vector<16xi32>
      %sub3A_477 = arith.constant 1 : i32
      %sub3A_478 = vector.broadcast %sub3A_477 : i32 to vector<16xi32>
      %sub3A_479 = arith.subi %add3A_476, %sub3A_478 : vector<16xi32>
      %add3A_480 = arith.addi %gather3A_460, %unique3A_443 : vector<16xi32>
      %sub3A_481 = arith.constant 1 : i32
      %sub3A_482 = vector.broadcast %sub3A_481 : i32 to vector<16xi32>
      %sub3A_483 = arith.subi %add3A_480, %sub3A_482 : vector<16xi32>
      %add3A_484 = arith.addi %gather3A_461, %unique3A_447 : vector<16xi32>
      %sub3A_485 = arith.constant 1 : i32
      %sub3A_486 = vector.broadcast %sub3A_485 : i32 to vector<16xi32>
      %sub3A_487 = arith.subi %add3A_484, %sub3A_486 : vector<16xi32>
      %add3A_488 = arith.addi %gather3A_462, %unique3A_451 : vector<16xi32>
      %sub3A_489 = arith.constant 1 : i32
      %sub3A_490 = vector.broadcast %sub3A_489 : i32 to vector<16xi32>
      %sub3A_491 = arith.subi %add3A_488, %sub3A_490 : vector<16xi32>
      %add3A_492 = arith.addi %gather3A_463, %unique3A_455 : vector<16xi32>
      %sub3A_493 = arith.constant 1 : i32
      %sub3A_494 = vector.broadcast %sub3A_493 : i32 to vector<16xi32>
      %sub3A_495 = arith.subi %add3A_492, %sub3A_494 : vector<16xi32>
      %bitcast3A_496 = vector.bitcast %scan3A_422#8 : vector<16xi32> to vector<16xf32>
      tpu.vector_store_idx %arg4[%sub3A_467], %bitcast3A_496 : memref<32768xf32, #tpu.memory_space<vmem>>[vector<16xi32>], vector<16xf32>,
      tpu.vector_store_idx %arg9[%scan3A_422#0], %unique3A_427 masked %unique3A_426 {add = true} : memref<2048xi32, #tpu.memory_space<vmem>>[vector<16xi32>], vector<16xi32>, vector<16xi1>
      %bitcast3A_497 = vector.bitcast %scan3A_422#9 : vector<16xi32> to vector<16xf32>
      tpu.vector_store_idx %arg4[%sub3A_471], %bitcast3A_497 : memref<32768xf32, #tpu.memory_space<vmem>>[vector<16xi32>], vector<16xf32>,
      tpu.vector_store_idx %arg10[%scan3A_422#1], %unique3A_431 masked %unique3A_430 {add = true} : memref<2048xi32, #tpu.memory_space<vmem>>[vector<16xi32>], vector<16xi32>, vector<16xi1>
      %bitcast3A_498 = vector.bitcast %scan3A_422#10 : vector<16xi32> to vector<16xf32>
      tpu.vector_store_idx %arg4[%sub3A_475], %bitcast3A_498 : memref<32768xf32, #tpu.memory_space<vmem>>[vector<16xi32>], vector<16xf32>,
      tpu.vector_store_idx %arg11[%scan3A_422#2], %unique3A_435 masked %unique3A_434 {add = true} : memref<2048xi32, #tpu.memory_space<vmem>>[vector<16xi32>], vector<16xi32>, vector<16xi1>
      %bitcast3A_499 = vector.bitcast %scan3A_422#11 : vector<16xi32> to vector<16xf32>
      tpu.vector_store_idx %arg4[%sub3A_479], %bitcast3A_499 : memref<32768xf32, #tpu.memory_space<vmem>>[vector<16xi32>], vector<16xf32>,
      tpu.vector_store_idx %arg12[%scan3A_422#3], %unique3A_439 masked %unique3A_438 {add = true} : memref<2048xi32, #tpu.memory_space<vmem>>[vector<16xi32>], vector<16xi32>, vector<16xi1>
      %bitcast3A_500 = vector.bitcast %scan3A_422#12 : vector<16xi32> to vector<16xf32>
      tpu.vector_store_idx %arg4[%sub3A_483], %bitcast3A_500 : memref<32768xf32, #tpu.memory_space<vmem>>[vector<16xi32>], vector<16xf32>,
      tpu.vector_store_idx %arg13[%scan3A_422#4], %unique3A_443 masked %unique3A_442 {add = true} : memref<2048xi32, #tpu.memory_space<vmem>>[vector<16xi32>], vector<16xi32>, vector<16xi1>
      %bitcast3A_501 = vector.bitcast %scan3A_422#13 : vector<16xi32> to vector<16xf32>
      tpu.vector_store_idx %arg4[%sub3A_487], %bitcast3A_501 : memref<32768xf32, #tpu.memory_space<vmem>>[vector<16xi32>], vector<16xf32>,
      tpu.vector_store_idx %arg14[%scan3A_422#5], %unique3A_447 masked %unique3A_446 {add = true} : memref<2048xi32, #tpu.memory_space<vmem>>[vector<16xi32>], vector<16xi32>, vector<16xi1>
      %bitcast3A_502 = vector.bitcast %scan3A_422#14 : vector<16xi32> to vector<16xf32>
      tpu.vector_store_idx %arg4[%sub3A_491], %bitcast3A_502 : memref<32768xf32, #tpu.memory_space<vmem>>[vector<16xi32>], vector<16xf32>,
      tpu.vector_store_idx %arg15[%scan3A_422#6], %unique3A_451 masked %unique3A_450 {add = true} : memref<2048xi32, #tpu.memory_space<vmem>>[vector<16xi32>], vector<16xi32>, vector<16xi1>
      %bitcast3A_503 = vector.bitcast %scan3A_422#15 : vector<16xi32> to vector<16xf32>
      tpu.vector_store_idx %arg4[%sub3A_495], %bitcast3A_503 : memref<32768xf32, #tpu.memory_space<vmem>>[vector<16xi32>], vector<16xf32>,
      tpu.vector_store_idx %arg16[%scan3A_422#7], %unique3A_455 masked %unique3A_454 {add = true} : memref<2048xi32, #tpu.memory_space<vmem>>[vector<16xi32>], vector<16xi32>, vector<16xi1>
      %shift_right_logical3A_504 = arith.constant 12 : i32
      %shift_right_logical3A_505 = vector.broadcast %shift_right_logical3A_504 : i32 to vector<16xi32>
      %shift_right_logical3A_506 = arith.shrui %sub3A_467, %shift_right_logical3A_505 : vector<16xi32>
      %shift_left3A_507 = arith.constant 11 : i32
      %shift_left3A_508 = vector.broadcast %shift_left3A_507 : i32 to vector<16xi32>
      %shift_left3A_509 = arith.shli %shift_right_logical3A_506, %shift_left3A_508 : vector<16xi32>
      %and3A_510 = arith.constant 1023 : i32
      %and3A_511 = vector.broadcast %and3A_510 : i32 to vector<16xi32>
      %and3A_512 = arith.andi %scan3A_422#8, %and3A_511 : vector<16xi32>
      %or3A_513 = arith.ori %shift_left3A_509, %and3A_512 : vector<16xi32>
      tpu.vector_store_idx %arg6[%or3A_513], %broadcast_in_dim3A_353 {add = true} : memref<16384xi32, #tpu.memory_space<vmem>>[vector<16xi32>], vector<16xi32>,
      %shift_right_logical3A_514 = arith.constant 12 : i32
      %shift_right_logical3A_515 = vector.broadcast %shift_right_logical3A_514 : i32 to vector<16xi32>
      %shift_right_logical3A_516 = arith.shrui %sub3A_471, %shift_right_logical3A_515 : vector<16xi32>
      %shift_left3A_517 = arith.constant 11 : i32
      %shift_left3A_518 = vector.broadcast %shift_left3A_517 : i32 to vector<16xi32>
      %shift_left3A_519 = arith.shli %shift_right_logical3A_516, %shift_left3A_518 : vector<16xi32>
      %and3A_520 = arith.constant 1023 : i32
      %and3A_521 = vector.broadcast %and3A_520 : i32 to vector<16xi32>
      %and3A_522 = arith.andi %scan3A_422#9, %and3A_521 : vector<16xi32>
      %or3A_523 = arith.ori %shift_left3A_519, %and3A_522 : vector<16xi32>
      tpu.vector_store_idx %arg6[%or3A_523], %broadcast_in_dim3A_353 {add = true} : memref<16384xi32, #tpu.memory_space<vmem>>[vector<16xi32>], vector<16xi32>,
      %shift_right_logical3A_524 = arith.constant 12 : i32
      %shift_right_logical3A_525 = vector.broadcast %shift_right_logical3A_524 : i32 to vector<16xi32>
      %shift_right_logical3A_526 = arith.shrui %sub3A_475, %shift_right_logical3A_525 : vector<16xi32>
      %shift_left3A_527 = arith.constant 11 : i32
      %shift_left3A_528 = vector.broadcast %shift_left3A_527 : i32 to vector<16xi32>
      %shift_left3A_529 = arith.shli %shift_right_logical3A_526, %shift_left3A_528 : vector<16xi32>
      %and3A_530 = arith.constant 1023 : i32
      %and3A_531 = vector.broadcast %and3A_530 : i32 to vector<16xi32>
      %and3A_532 = arith.andi %scan3A_422#10, %and3A_531 : vector<16xi32>
      %or3A_533 = arith.ori %shift_left3A_529, %and3A_532 : vector<16xi32>
      tpu.vector_store_idx %arg6[%or3A_533], %broadcast_in_dim3A_353 {add = true} : memref<16384xi32, #tpu.memory_space<vmem>>[vector<16xi32>], vector<16xi32>,
      %shift_right_logical3A_534 = arith.constant 12 : i32
      %shift_right_logical3A_535 = vector.broadcast %shift_right_logical3A_534 : i32 to vector<16xi32>
      %shift_right_logical3A_536 = arith.shrui %sub3A_479, %shift_right_logical3A_535 : vector<16xi32>
      %shift_left3A_537 = arith.constant 11 : i32
      %shift_left3A_538 = vector.broadcast %shift_left3A_537 : i32 to vector<16xi32>
      %shift_left3A_539 = arith.shli %shift_right_logical3A_536, %shift_left3A_538 : vector<16xi32>
      %and3A_540 = arith.constant 1023 : i32
      %and3A_541 = vector.broadcast %and3A_540 : i32 to vector<16xi32>
      %and3A_542 = arith.andi %scan3A_422#11, %and3A_541 : vector<16xi32>
      %or3A_543 = arith.ori %shift_left3A_539, %and3A_542 : vector<16xi32>
      tpu.vector_store_idx %arg6[%or3A_543], %broadcast_in_dim3A_353 {add = true} : memref<16384xi32, #tpu.memory_space<vmem>>[vector<16xi32>], vector<16xi32>,
      %shift_right_logical3A_544 = arith.constant 12 : i32
      %shift_right_logical3A_545 = vector.broadcast %shift_right_logical3A_544 : i32 to vector<16xi32>
      %shift_right_logical3A_546 = arith.shrui %sub3A_483, %shift_right_logical3A_545 : vector<16xi32>
      %shift_left3A_547 = arith.constant 11 : i32
      %shift_left3A_548 = vector.broadcast %shift_left3A_547 : i32 to vector<16xi32>
      %shift_left3A_549 = arith.shli %shift_right_logical3A_546, %shift_left3A_548 : vector<16xi32>
      %and3A_550 = arith.constant 1023 : i32
      %and3A_551 = vector.broadcast %and3A_550 : i32 to vector<16xi32>
      %and3A_552 = arith.andi %scan3A_422#12, %and3A_551 : vector<16xi32>
      %or3A_553 = arith.ori %shift_left3A_549, %and3A_552 : vector<16xi32>
      tpu.vector_store_idx %arg6[%or3A_553], %broadcast_in_dim3A_353 {add = true} : memref<16384xi32, #tpu.memory_space<vmem>>[vector<16xi32>], vector<16xi32>,
      %shift_right_logical3A_554 = arith.constant 12 : i32
      %shift_right_logical3A_555 = vector.broadcast %shift_right_logical3A_554 : i32 to vector<16xi32>
      %shift_right_logical3A_556 = arith.shrui %sub3A_487, %shift_right_logical3A_555 : vector<16xi32>
      %shift_left3A_557 = arith.constant 11 : i32
      %shift_left3A_558 = vector.broadcast %shift_left3A_557 : i32 to vector<16xi32>
      %shift_left3A_559 = arith.shli %shift_right_logical3A_556, %shift_left3A_558 : vector<16xi32>
      %and3A_560 = arith.constant 1023 : i32
      %and3A_561 = vector.broadcast %and3A_560 : i32 to vector<16xi32>
      %and3A_562 = arith.andi %scan3A_422#13, %and3A_561 : vector<16xi32>
      %or3A_563 = arith.ori %shift_left3A_559, %and3A_562 : vector<16xi32>
      tpu.vector_store_idx %arg6[%or3A_563], %broadcast_in_dim3A_353 {add = true} : memref<16384xi32, #tpu.memory_space<vmem>>[vector<16xi32>], vector<16xi32>,
      %shift_right_logical3A_564 = arith.constant 12 : i32
      %shift_right_logical3A_565 = vector.broadcast %shift_right_logical3A_564 : i32 to vector<16xi32>
      %shift_right_logical3A_566 = arith.shrui %sub3A_491, %shift_right_logical3A_565 : vector<16xi32>
      %shift_left3A_567 = arith.constant 11 : i32
      %shift_left3A_568 = vector.broadcast %shift_left3A_567 : i32 to vector<16xi32>
      %shift_left3A_569 = arith.shli %shift_right_logical3A_566, %shift_left3A_568 : vector<16xi32>
      %and3A_570 = arith.constant 1023 : i32
      %and3A_571 = vector.broadcast %and3A_570 : i32 to vector<16xi32>
      %and3A_572 = arith.andi %scan3A_422#14, %and3A_571 : vector<16xi32>
      %or3A_573 = arith.ori %shift_left3A_569, %and3A_572 : vector<16xi32>
      tpu.vector_store_idx %arg6[%or3A_573], %broadcast_in_dim3A_353 {add = true} : memref<16384xi32, #tpu.memory_space<vmem>>[vector<16xi32>], vector<16xi32>,
      %shift_right_logical3A_574 = arith.constant 12 : i32
      %shift_right_logical3A_575 = vector.broadcast %shift_right_logical3A_574 : i32 to vector<16xi32>
      %shift_right_logical3A_576 = arith.shrui %sub3A_495, %shift_right_logical3A_575 : vector<16xi32>
      %shift_left3A_577 = arith.constant 11 : i32
      %shift_left3A_578 = vector.broadcast %shift_left3A_577 : i32 to vector<16xi32>
      %shift_left3A_579 = arith.shli %shift_right_logical3A_576, %shift_left3A_578 : vector<16xi32>
      %and3A_580 = arith.constant 1023 : i32
      %and3A_581 = vector.broadcast %and3A_580 : i32 to vector<16xi32>
      %and3A_582 = arith.andi %scan3A_422#15, %and3A_581 : vector<16xi32>
      %or3A_583 = arith.ori %shift_left3A_579, %and3A_582 : vector<16xi32>
      tpu.vector_store_idx %arg6[%or3A_583], %broadcast_in_dim3A_353 {add = true} : memref<16384xi32, #tpu.memory_space<vmem>>[vector<16xi32>], vector<16xi32>,
      %scan3A_584 = arith.constant 0 : i32
      %scan3A_585 = arith.constant 0 : i32
      %scan3A_586 = arith.constant 32 : i32
      %scan3A_587 = arith.addi %scan3A_585, %scan3A_586 : i32
      %scan3A_588 = arith.constant 1 : i32
      %scan3A_589 = scf.for %scan3A_754 = %scan3A_585 to %scan3A_587 step %scan3A_588 iter_args(%scan3A_755 = %scan3A_584) -> (i32)  : i32 {
        %mul3A_756 = arith.constant 4 : i32
        %mul3A_757 = arith.muli %mul3A_756, %scan3A_754 : i32
        %mul3A_758 = arith.constant 4 : i32
        %mul3A_759 = arith.muli %mul3A_758, %scan3A_754 : i32
        %add3A_760 = arith.constant 1 : i32
        %add3A_761 = arith.addi %mul3A_759, %add3A_760 : i32
        %mul3A_762 = arith.constant 4 : i32
        %mul3A_763 = arith.muli %mul3A_762, %scan3A_754 : i32
        %add3A_764 = arith.constant 2 : i32
        %add3A_765 = arith.addi %mul3A_763, %add3A_764 : i32
        %mul3A_766 = arith.constant 4 : i32
        %mul3A_767 = arith.muli %mul3A_766, %scan3A_754 : i32
        %add3A_768 = arith.constant 3 : i32
        %add3A_769 = arith.addi %mul3A_767, %add3A_768 : i32
        %mul3A_770 = arith.constant 16 : i32
        %mul3A_771 = arith.muli %mul3A_757, %mul3A_770 : i32
        %mul3A_772 = arith.constant 16 : i32
        %mul3A_773 = arith.muli %mul3A_757, %mul3A_772 : i32
        %add3A_774 = arith.constant 0 : i32
        %add3A_775 = arith.addi %add3A_774, %mul3A_773 : i32
        %get3A_776 = arith.index_cast %add3A_775 : i32 to index
        %get3A_777 = tpu.vector_load %arg6[%get3A_776] {strides = array<i32>} : memref<16384xi32, #tpu.memory_space<vmem>>, vector<16xi32>,
        %mul3A_778 = arith.constant 16 : i32
        %mul3A_779 = arith.muli %mul3A_757, %mul3A_778 : i32
        %add3A_780 = arith.constant 2048 : i32
        %add3A_781 = arith.addi %add3A_780, %mul3A_779 : i32
        %get3A_782 = arith.index_cast %add3A_781 : i32 to index
        %get3A_783 = tpu.vector_load %arg6[%get3A_782] {strides = array<i32>} : memref<16384xi32, #tpu.memory_space<vmem>>, vector<16xi32>,
        %mul3A_784 = arith.constant 16 : i32
        %mul3A_785 = arith.muli %mul3A_757, %mul3A_784 : i32
        %add3A_786 = arith.constant 4096 : i32
        %add3A_787 = arith.addi %add3A_786, %mul3A_785 : i32
        %get3A_788 = arith.index_cast %add3A_787 : i32 to index
        %get3A_789 = tpu.vector_load %arg6[%get3A_788] {strides = array<i32>} : memref<16384xi32, #tpu.memory_space<vmem>>, vector<16xi32>,
        %mul3A_790 = arith.constant 16 : i32
        %mul3A_791 = arith.muli %mul3A_757, %mul3A_790 : i32
        %add3A_792 = arith.constant 6144 : i32
        %add3A_793 = arith.addi %add3A_792, %mul3A_791 : i32
        %get3A_794 = arith.index_cast %add3A_793 : i32 to index
        %get3A_795 = tpu.vector_load %arg6[%get3A_794] {strides = array<i32>} : memref<16384xi32, #tpu.memory_space<vmem>>, vector<16xi32>,
        %mul3A_796 = arith.constant 16 : i32
        %mul3A_797 = arith.muli %mul3A_757, %mul3A_796 : i32
        %add3A_798 = arith.constant 8192 : i32
        %add3A_799 = arith.addi %add3A_798, %mul3A_797 : i32
        %get3A_800 = arith.index_cast %add3A_799 : i32 to index
        %get3A_801 = tpu.vector_load %arg6[%get3A_800] {strides = array<i32>} : memref<16384xi32, #tpu.memory_space<vmem>>, vector<16xi32>,
        %mul3A_802 = arith.constant 16 : i32
        %mul3A_803 = arith.muli %mul3A_757, %mul3A_802 : i32
        %add3A_804 = arith.constant 10240 : i32
        %add3A_805 = arith.addi %add3A_804, %mul3A_803 : i32
        %get3A_806 = arith.index_cast %add3A_805 : i32 to index
        %get3A_807 = tpu.vector_load %arg6[%get3A_806] {strides = array<i32>} : memref<16384xi32, #tpu.memory_space<vmem>>, vector<16xi32>,
        %mul3A_808 = arith.constant 16 : i32
        %mul3A_809 = arith.muli %mul3A_757, %mul3A_808 : i32
        %add3A_810 = arith.constant 12288 : i32
        %add3A_811 = arith.addi %add3A_810, %mul3A_809 : i32
        %get3A_812 = arith.index_cast %add3A_811 : i32 to index
        %get3A_813 = tpu.vector_load %arg6[%get3A_812] {strides = array<i32>} : memref<16384xi32, #tpu.memory_space<vmem>>, vector<16xi32>,
        %mul3A_814 = arith.constant 16 : i32
        %mul3A_815 = arith.muli %mul3A_757, %mul3A_814 : i32
        %add3A_816 = arith.constant 14336 : i32
        %add3A_817 = arith.addi %add3A_816, %mul3A_815 : i32
        %get3A_818 = arith.index_cast %add3A_817 : i32 to index
        %get3A_819 = tpu.vector_load %arg6[%get3A_818] {strides = array<i32>} : memref<16384xi32, #tpu.memory_space<vmem>>, vector<16xi32>,
        %add3A_820 = arith.addi %get3A_777, %get3A_783 : vector<16xi32>
        %add3A_821 = arith.addi %get3A_789, %get3A_795 : vector<16xi32>
        %add3A_822 = arith.addi %get3A_801, %get3A_807 : vector<16xi32>
        %add3A_823 = arith.addi %get3A_813, %get3A_819 : vector<16xi32>
        %add3A_824 = arith.addi %add3A_820, %add3A_821 : vector<16xi32>
        %add3A_825 = arith.addi %add3A_822, %add3A_823 : vector<16xi32>
        %add3A_826 = arith.addi %add3A_820, %get3A_789 : vector<16xi32>
        %add3A_827 = arith.addi %add3A_824, %get3A_801 : vector<16xi32>
        %add3A_828 = arith.addi %add3A_824, %add3A_822 : vector<16xi32>
        %add3A_829 = arith.addi %add3A_824, %add3A_822 : vector<16xi32>
        %add3A_830 = arith.addi %add3A_829, %get3A_813 : vector<16xi32>
        %add3A_831 = arith.addi %add3A_824, %add3A_825 : vector<16xi32>
        %broadcast_in_dim3A_832 = arith.constant true
        %broadcast_in_dim3A_833 = vector.broadcast %broadcast_in_dim3A_832 : i1 to vector<16xi1>
        %masked_cumsum3A = tpu.scan <sum>, %add3A_831 masked %broadcast_in_dim3A_833 : vector<16xi32>, vector<16xi1> -> vector<16xi32>
        %sub3A_834 = arith.subi %masked_cumsum3A, %add3A_831 : vector<16xi32>
        %add3A_835 = vector.broadcast %scan3A_755 : i32 to vector<16xi32>
        %add3A_836 = arith.addi %sub3A_834, %add3A_835 : vector<16xi32>
        %swap3A = arith.index_cast %mul3A_771 : i32 to index
        %swap3A_837 = tpu.vector_load %arg9[%swap3A] {strides = array<i32>} : memref<2048xi32, #tpu.memory_space<vmem>>, vector<16xi32>,
        tpu.vector_store %arg9[%swap3A], %add3A_836 {strides = array<i32>} : memref<2048xi32, #tpu.memory_space<vmem>>, vector<16xi32>,
        %add3A_838 = arith.addi %add3A_836, %get3A_777 : vector<16xi32>
        %swap3A_839 = arith.index_cast %mul3A_771 : i32 to index
        %swap3A_840 = tpu.vector_load %arg10[%swap3A_839] {strides = array<i32>} : memref<2048xi32, #tpu.memory_space<vmem>>, vector<16xi32>,
        tpu.vector_store %arg10[%swap3A_839], %add3A_838 {strides = array<i32>} : memref<2048xi32, #tpu.memory_space<vmem>>, vector<16xi32>,
        %add3A_841 = arith.addi %add3A_836, %add3A_820 : vector<16xi32>
        %swap3A_842 = arith.index_cast %mul3A_771 : i32 to index
        %swap3A_843 = tpu.vector_load %arg11[%swap3A_842] {strides = array<i32>} : memref<2048xi32, #tpu.memory_space<vmem>>, vector<16xi32>,
        tpu.vector_store %arg11[%swap3A_842], %add3A_841 {strides = array<i32>} : memref<2048xi32, #tpu.memory_space<vmem>>, vector<16xi32>,
        %add3A_844 = arith.addi %add3A_836, %add3A_826 : vector<16xi32>
        %swap3A_845 = arith.index_cast %mul3A_771 : i32 to index
        %swap3A_846 = tpu.vector_load %arg12[%swap3A_845] {strides = array<i32>} : memref<2048xi32, #tpu.memory_space<vmem>>, vector<16xi32>,
        tpu.vector_store %arg12[%swap3A_845], %add3A_844 {strides = array<i32>} : memref<2048xi32, #tpu.memory_space<vmem>>, vector<16xi32>,
        %add3A_847 = arith.addi %add3A_836, %add3A_824 : vector<16xi32>
        %swap3A_848 = arith.index_cast %mul3A_771 : i32 to index
        %swap3A_849 = tpu.vector_load %arg13[%swap3A_848] {strides = array<i32>} : memref<2048xi32, #tpu.memory_space<vmem>>, vector<16xi32>,
        tpu.vector_store %arg13[%swap3A_848], %add3A_847 {strides = array<i32>} : memref<2048xi32, #tpu.memory_space<vmem>>, vector<16xi32>,
        %add3A_850 = arith.addi %add3A_836, %add3A_827 : vector<16xi32>
        %swap3A_851 = arith.index_cast %mul3A_771 : i32 to index
        %swap3A_852 = tpu.vector_load %arg14[%swap3A_851] {strides = array<i32>} : memref<2048xi32, #tpu.memory_space<vmem>>, vector<16xi32>,
        tpu.vector_store %arg14[%swap3A_851], %add3A_850 {strides = array<i32>} : memref<2048xi32, #tpu.memory_space<vmem>>, vector<16xi32>,
        %add3A_853 = arith.addi %add3A_836, %add3A_828 : vector<16xi32>
        %swap3A_854 = arith.index_cast %mul3A_771 : i32 to index
        %swap3A_855 = tpu.vector_load %arg15[%swap3A_854] {strides = array<i32>} : memref<2048xi32, #tpu.memory_space<vmem>>, vector<16xi32>,
        tpu.vector_store %arg15[%swap3A_854], %add3A_853 {strides = array<i32>} : memref<2048xi32, #tpu.memory_space<vmem>>, vector<16xi32>,
        %add3A_856 = arith.addi %add3A_836, %add3A_830 : vector<16xi32>
        %swap3A_857 = arith.index_cast %mul3A_771 : i32 to index
        %swap3A_858 = tpu.vector_load %arg16[%swap3A_857] {strides = array<i32>} : memref<2048xi32, #tpu.memory_space<vmem>>, vector<16xi32>,
        tpu.vector_store %arg16[%swap3A_857], %add3A_856 {strides = array<i32>} : memref<2048xi32, #tpu.memory_space<vmem>>, vector<16xi32>,
        %broadcast_in_dim3A_859 = arith.constant 0 : i32
        %broadcast_in_dim3A_860 = vector.broadcast %broadcast_in_dim3A_859 : i32 to vector<16xi32>
        %mul3A_861 = arith.constant 16 : i32
        %mul3A_862 = arith.muli %mul3A_757, %mul3A_861 : i32
        %add3A_863 = arith.constant 0 : i32
        %add3A_864 = arith.addi %add3A_863, %mul3A_862 : i32
        %swap3A_865 = arith.index_cast %add3A_864 : i32 to index
        %swap3A_866 = tpu.vector_load %arg6[%swap3A_865] {strides = array<i32>} : memref<16384xi32, #tpu.memory_space<vmem>>, vector<16xi32>,
        tpu.vector_store %arg6[%swap3A_865], %broadcast_in_dim3A_860 {strides = array<i32>} : memref<16384xi32, #tpu.memory_space<vmem>>, vector<16xi32>,
        %mul3A_867 = arith.constant 16 : i32
        %mul3A_868 = arith.muli %mul3A_757, %mul3A_867 : i32
        %add3A_869 = arith.constant 2048 : i32
        %add3A_870 = arith.addi %add3A_869, %mul3A_868 : i32
        %swap3A_871 = arith.index_cast %add3A_870 : i32 to index
        %swap3A_872 = tpu.vector_load %arg6[%swap3A_871] {strides = array<i32>} : memref<16384xi32, #tpu.memory_space<vmem>>, vector<16xi32>,
        tpu.vector_store %arg6[%swap3A_871], %broadcast_in_dim3A_860 {strides = array<i32>} : memref<16384xi32, #tpu.memory_space<vmem>>, vector<16xi32>,
        %mul3A_873 = arith.constant 16 : i32
        %mul3A_874 = arith.muli %mul3A_757, %mul3A_873 : i32
        %add3A_875 = arith.constant 4096 : i32
        %add3A_876 = arith.addi %add3A_875, %mul3A_874 : i32
        %swap3A_877 = arith.index_cast %add3A_876 : i32 to index
        %swap3A_878 = tpu.vector_load %arg6[%swap3A_877] {strides = array<i32>} : memref<16384xi32, #tpu.memory_space<vmem>>, vector<16xi32>,
        tpu.vector_store %arg6[%swap3A_877], %broadcast_in_dim3A_860 {strides = array<i32>} : memref<16384xi32, #tpu.memory_space<vmem>>, vector<16xi32>,
        %mul3A_879 = arith.constant 16 : i32
        %mul3A_880 = arith.muli %mul3A_757, %mul3A_879 : i32
        %add3A_881 = arith.constant 6144 : i32
        %add3A_882 = arith.addi %add3A_881, %mul3A_880 : i32
        %swap3A_883 = arith.index_cast %add3A_882 : i32 to index
        %swap3A_884 = tpu.vector_load %arg6[%swap3A_883] {strides = array<i32>} : memref<16384xi32, #tpu.memory_space<vmem>>, vector<16xi32>,
        tpu.vector_store %arg6[%swap3A_883], %broadcast_in_dim3A_860 {strides = array<i32>} : memref<16384xi32, #tpu.memory_space<vmem>>, vector<16xi32>,
        %mul3A_885 = arith.constant 16 : i32
        %mul3A_886 = arith.muli %mul3A_757, %mul3A_885 : i32
        %add3A_887 = arith.constant 8192 : i32
        %add3A_888 = arith.addi %add3A_887, %mul3A_886 : i32
        %swap3A_889 = arith.index_cast %add3A_888 : i32 to index
        %swap3A_890 = tpu.vector_load %arg6[%swap3A_889] {strides = array<i32>} : memref<16384xi32, #tpu.memory_space<vmem>>, vector<16xi32>,
        tpu.vector_store %arg6[%swap3A_889], %broadcast_in_dim3A_860 {strides = array<i32>} : memref<16384xi32, #tpu.memory_space<vmem>>, vector<16xi32>,
        %mul3A_891 = arith.constant 16 : i32
        %mul3A_892 = arith.muli %mul3A_757, %mul3A_891 : i32
        %add3A_893 = arith.constant 10240 : i32
        %add3A_894 = arith.addi %add3A_893, %mul3A_892 : i32
        %swap3A_895 = arith.index_cast %add3A_894 : i32 to index
        %swap3A_896 = tpu.vector_load %arg6[%swap3A_895] {strides = array<i32>} : memref<16384xi32, #tpu.memory_space<vmem>>, vector<16xi32>,
        tpu.vector_store %arg6[%swap3A_895], %broadcast_in_dim3A_860 {strides = array<i32>} : memref<16384xi32, #tpu.memory_space<vmem>>, vector<16xi32>,
        %mul3A_897 = arith.constant 16 : i32
        %mul3A_898 = arith.muli %mul3A_757, %mul3A_897 : i32
        %add3A_899 = arith.constant 12288 : i32
        %add3A_900 = arith.addi %add3A_899, %mul3A_898 : i32
        %swap3A_901 = arith.index_cast %add3A_900 : i32 to index
        %swap3A_902 = tpu.vector_load %arg6[%swap3A_901] {strides = array<i32>} : memref<16384xi32, #tpu.memory_space<vmem>>, vector<16xi32>,
        tpu.vector_store %arg6[%swap3A_901], %broadcast_in_dim3A_860 {strides = array<i32>} : memref<16384xi32, #tpu.memory_space<vmem>>, vector<16xi32>,
        %mul3A_903 = arith.constant 16 : i32
        %mul3A_904 = arith.muli %mul3A_757, %mul3A_903 : i32
        %add3A_905 = arith.constant 14336 : i32
        %add3A_906 = arith.addi %add3A_905, %mul3A_904 : i32
        %swap3A_907 = arith.index_cast %add3A_906 : i32 to index
        %swap3A_908 = tpu.vector_load %arg6[%swap3A_907] {strides = array<i32>} : memref<16384xi32, #tpu.memory_space<vmem>>, vector<16xi32>,
        tpu.vector_store %arg6[%swap3A_907], %broadcast_in_dim3A_860 {strides = array<i32>} : memref<16384xi32, #tpu.memory_space<vmem>>, vector<16xi32>,
        %reduce_sum3A = arith.constant true
        %reduce_sum3A_909 = vector.broadcast %reduce_sum3A : i1 to vector<16xi1>
        %reduce_sum3A_910 = tpu.scan <sum>, %add3A_831 masked %reduce_sum3A_909 : vector<16xi32>, vector<16xi1> -> vector<16xi32>
        %reduce_sum3A_911 = vector.extract %reduce_sum3A_910[15] : i32 from vector<16xi32>
        %add3A_912 = arith.addi %scan3A_755, %reduce_sum3A_911 : i32
        %mul3A_913 = arith.constant 16 : i32
        %mul3A_914 = arith.muli %add3A_761, %mul3A_913 : i32
        %mul3A_915 = arith.constant 16 : i32
        %mul3A_916 = arith.muli %add3A_761, %mul3A_915 : i32
        %add3A_917 = arith.constant 0 : i32
        %add3A_918 = arith.addi %add3A_917, %mul3A_916 : i32
        %get3A_919 = arith.index_cast %add3A_918 : i32 to index
        %get3A_920 = tpu.vector_load %arg6[%get3A_919] {strides = array<i32>} : memref<16384xi32, #tpu.memory_space<vmem>>, vector<16xi32>,
        %mul3A_921 = arith.constant 16 : i32
        %mul3A_922 = arith.muli %add3A_761, %mul3A_921 : i32
        %add3A_923 = arith.constant 2048 : i32
        %add3A_924 = arith.addi %add3A_923, %mul3A_922 : i32
        %get3A_925 = arith.index_cast %add3A_924 : i32 to index
        %get3A_926 = tpu.vector_load %arg6[%get3A_925] {strides = array<i32>} : memref<16384xi32, #tpu.memory_space<vmem>>, vector<16xi32>,
        %mul3A_927 = arith.constant 16 : i32
        %mul3A_928 = arith.muli %add3A_761, %mul3A_927 : i32
        %add3A_929 = arith.constant 4096 : i32
        %add3A_930 = arith.addi %add3A_929, %mul3A_928 : i32
        %get3A_931 = arith.index_cast %add3A_930 : i32 to index
        %get3A_932 = tpu.vector_load %arg6[%get3A_931] {strides = array<i32>} : memref<16384xi32, #tpu.memory_space<vmem>>, vector<16xi32>,
        %mul3A_933 = arith.constant 16 : i32
        %mul3A_934 = arith.muli %add3A_761, %mul3A_933 : i32
        %add3A_935 = arith.constant 6144 : i32
        %add3A_936 = arith.addi %add3A_935, %mul3A_934 : i32
        %get3A_937 = arith.index_cast %add3A_936 : i32 to index
        %get3A_938 = tpu.vector_load %arg6[%get3A_937] {strides = array<i32>} : memref<16384xi32, #tpu.memory_space<vmem>>, vector<16xi32>,
        %mul3A_939 = arith.constant 16 : i32
        %mul3A_940 = arith.muli %add3A_761, %mul3A_939 : i32
        %add3A_941 = arith.constant 8192 : i32
        %add3A_942 = arith.addi %add3A_941, %mul3A_940 : i32
        %get3A_943 = arith.index_cast %add3A_942 : i32 to index
        %get3A_944 = tpu.vector_load %arg6[%get3A_943] {strides = array<i32>} : memref<16384xi32, #tpu.memory_space<vmem>>, vector<16xi32>,
        %mul3A_945 = arith.constant 16 : i32
        %mul3A_946 = arith.muli %add3A_761, %mul3A_945 : i32
        %add3A_947 = arith.constant 10240 : i32
        %add3A_948 = arith.addi %add3A_947, %mul3A_946 : i32
        %get3A_949 = arith.index_cast %add3A_948 : i32 to index
        %get3A_950 = tpu.vector_load %arg6[%get3A_949] {strides = array<i32>} : memref<16384xi32, #tpu.memory_space<vmem>>, vector<16xi32>,
        %mul3A_951 = arith.constant 16 : i32
        %mul3A_952 = arith.muli %add3A_761, %mul3A_951 : i32
        %add3A_953 = arith.constant 12288 : i32
        %add3A_954 = arith.addi %add3A_953, %mul3A_952 : i32
        %get3A_955 = arith.index_cast %add3A_954 : i32 to index
        %get3A_956 = tpu.vector_load %arg6[%get3A_955] {strides = array<i32>} : memref<16384xi32, #tpu.memory_space<vmem>>, vector<16xi32>,
        %mul3A_957 = arith.constant 16 : i32
        %mul3A_958 = arith.muli %add3A_761, %mul3A_957 : i32
        %add3A_959 = arith.constant 14336 : i32
        %add3A_960 = arith.addi %add3A_959, %mul3A_958 : i32
        %get3A_961 = arith.index_cast %add3A_960 : i32 to index
        %get3A_962 = tpu.vector_load %arg6[%get3A_961] {strides = array<i32>} : memref<16384xi32, #tpu.memory_space<vmem>>, vector<16xi32>,
        %add3A_963 = arith.addi %get3A_920, %get3A_926 : vector<16xi32>
        %add3A_964 = arith.addi %get3A_932, %get3A_938 : vector<16xi32>
        %add3A_965 = arith.addi %get3A_944, %get3A_950 : vector<16xi32>
        %add3A_966 = arith.addi %get3A_956, %get3A_962 : vector<16xi32>
        %add3A_967 = arith.addi %add3A_963, %add3A_964 : vector<16xi32>
        %add3A_968 = arith.addi %add3A_965, %add3A_966 : vector<16xi32>
        %add3A_969 = arith.addi %add3A_963, %get3A_932 : vector<16xi32>
        %add3A_970 = arith.addi %add3A_967, %get3A_944 : vector<16xi32>
        %add3A_971 = arith.addi %add3A_967, %add3A_965 : vector<16xi32>
        %add3A_972 = arith.addi %add3A_967, %add3A_965 : vector<16xi32>
        %add3A_973 = arith.addi %add3A_972, %get3A_956 : vector<16xi32>
        %add3A_974 = arith.addi %add3A_967, %add3A_968 : vector<16xi32>
        %broadcast_in_dim3A_975 = arith.constant true
        %broadcast_in_dim3A_976 = vector.broadcast %broadcast_in_dim3A_975 : i1 to vector<16xi1>
        %masked_cumsum3A_977 = tpu.scan <sum>, %add3A_974 masked %broadcast_in_dim3A_976 : vector<16xi32>, vector<16xi1> -> vector<16xi32>
        %sub3A_978 = arith.subi %masked_cumsum3A_977, %add3A_974 : vector<16xi32>
        %add3A_979 = vector.broadcast %add3A_912 : i32 to vector<16xi32>
        %add3A_980 = arith.addi %sub3A_978, %add3A_979 : vector<16xi32>
        %swap3A_981 = arith.index_cast %mul3A_914 : i32 to index
        %swap3A_982 = tpu.vector_load %arg9[%swap3A_981] {strides = array<i32>} : memref<2048xi32, #tpu.memory_space<vmem>>, vector<16xi32>,
        tpu.vector_store %arg9[%swap3A_981], %add3A_980 {strides = array<i32>} : memref<2048xi32, #tpu.memory_space<vmem>>, vector<16xi32>,
        %add3A_983 = arith.addi %add3A_980, %get3A_920 : vector<16xi32>
        %swap3A_984 = arith.index_cast %mul3A_914 : i32 to index
        %swap3A_985 = tpu.vector_load %arg10[%swap3A_984] {strides = array<i32>} : memref<2048xi32, #tpu.memory_space<vmem>>, vector<16xi32>,
        tpu.vector_store %arg10[%swap3A_984], %add3A_983 {strides = array<i32>} : memref<2048xi32, #tpu.memory_space<vmem>>, vector<16xi32>,
        %add3A_986 = arith.addi %add3A_980, %add3A_963 : vector<16xi32>
        %swap3A_987 = arith.index_cast %mul3A_914 : i32 to index
        %swap3A_988 = tpu.vector_load %arg11[%swap3A_987] {strides = array<i32>} : memref<2048xi32, #tpu.memory_space<vmem>>, vector<16xi32>,
        tpu.vector_store %arg11[%swap3A_987], %add3A_986 {strides = array<i32>} : memref<2048xi32, #tpu.memory_space<vmem>>, vector<16xi32>,
        %add3A_989 = arith.addi %add3A_980, %add3A_969 : vector<16xi32>
        %swap3A_990 = arith.index_cast %mul3A_914 : i32 to index
        %swap3A_991 = tpu.vector_load %arg12[%swap3A_990] {strides = array<i32>} : memref<2048xi32, #tpu.memory_space<vmem>>, vector<16xi32>,
        tpu.vector_store %arg12[%swap3A_990], %add3A_989 {strides = array<i32>} : memref<2048xi32, #tpu.memory_space<vmem>>, vector<16xi32>,
        %add3A_992 = arith.addi %add3A_980, %add3A_967 : vector<16xi32>
        %swap3A_993 = arith.index_cast %mul3A_914 : i32 to index
        %swap3A_994 = tpu.vector_load %arg13[%swap3A_993] {strides = array<i32>} : memref<2048xi32, #tpu.memory_space<vmem>>, vector<16xi32>,
        tpu.vector_store %arg13[%swap3A_993], %add3A_992 {strides = array<i32>} : memref<2048xi32, #tpu.memory_space<vmem>>, vector<16xi32>,
        %add3A_995 = arith.addi %add3A_980, %add3A_970 : vector<16xi32>
        %swap3A_996 = arith.index_cast %mul3A_914 : i32 to index
        %swap3A_997 = tpu.vector_load %arg14[%swap3A_996] {strides = array<i32>} : memref<2048xi32, #tpu.memory_space<vmem>>, vector<16xi32>,
        tpu.vector_store %arg14[%swap3A_996], %add3A_995 {strides = array<i32>} : memref<2048xi32, #tpu.memory_space<vmem>>, vector<16xi32>,
        %add3A_998 = arith.addi %add3A_980, %add3A_971 : vector<16xi32>
        %swap3A_999 = arith.index_cast %mul3A_914 : i32 to index
        %swap3A_1000 = tpu.vector_load %arg15[%swap3A_999] {strides = array<i32>} : memref<2048xi32, #tpu.memory_space<vmem>>, vector<16xi32>,
        tpu.vector_store %arg15[%swap3A_999], %add3A_998 {strides = array<i32>} : memref<2048xi32, #tpu.memory_space<vmem>>, vector<16xi32>,
        %add3A_1001 = arith.addi %add3A_980, %add3A_973 : vector<16xi32>
        %swap3A_1002 = arith.index_cast %mul3A_914 : i32 to index
        %swap3A_1003 = tpu.vector_load %arg16[%swap3A_1002] {strides = array<i32>} : memref<2048xi32, #tpu.memory_space<vmem>>, vector<16xi32>,
        tpu.vector_store %arg16[%swap3A_1002], %add3A_1001 {strides = array<i32>} : memref<2048xi32, #tpu.memory_space<vmem>>, vector<16xi32>,
        %broadcast_in_dim3A_1004 = arith.constant 0 : i32
        %broadcast_in_dim3A_1005 = vector.broadcast %broadcast_in_dim3A_1004 : i32 to vector<16xi32>
        %mul3A_1006 = arith.constant 16 : i32
        %mul3A_1007 = arith.muli %add3A_761, %mul3A_1006 : i32
        %add3A_1008 = arith.constant 0 : i32
        %add3A_1009 = arith.addi %add3A_1008, %mul3A_1007 : i32
        %swap3A_1010 = arith.index_cast %add3A_1009 : i32 to index
        %swap3A_1011 = tpu.vector_load %arg6[%swap3A_1010] {strides = array<i32>} : memref<16384xi32, #tpu.memory_space<vmem>>, vector<16xi32>,
        tpu.vector_store %arg6[%swap3A_1010], %broadcast_in_dim3A_1005 {strides = array<i32>} : memref<16384xi32, #tpu.memory_space<vmem>>, vector<16xi32>,
        %mul3A_1012 = arith.constant 16 : i32
        %mul3A_1013 = arith.muli %add3A_761, %mul3A_1012 : i32
        %add3A_1014 = arith.constant 2048 : i32
        %add3A_1015 = arith.addi %add3A_1014, %mul3A_1013 : i32
        %swap3A_1016 = arith.index_cast %add3A_1015 : i32 to index
        %swap3A_1017 = tpu.vector_load %arg6[%swap3A_1016] {strides = array<i32>} : memref<16384xi32, #tpu.memory_space<vmem>>, vector<16xi32>,
        tpu.vector_store %arg6[%swap3A_1016], %broadcast_in_dim3A_1005 {strides = array<i32>} : memref<16384xi32, #tpu.memory_space<vmem>>, vector<16xi32>,
        %mul3A_1018 = arith.constant 16 : i32
        %mul3A_1019 = arith.muli %add3A_761, %mul3A_1018 : i32
        %add3A_1020 = arith.constant 4096 : i32
        %add3A_1021 = arith.addi %add3A_1020, %mul3A_1019 : i32
        %swap3A_1022 = arith.index_cast %add3A_1021 : i32 to index
        %swap3A_1023 = tpu.vector_load %arg6[%swap3A_1022] {strides = array<i32>} : memref<16384xi32, #tpu.memory_space<vmem>>, vector<16xi32>,
        tpu.vector_store %arg6[%swap3A_1022], %broadcast_in_dim3A_1005 {strides = array<i32>} : memref<16384xi32, #tpu.memory_space<vmem>>, vector<16xi32>,
        %mul3A_1024 = arith.constant 16 : i32
        %mul3A_1025 = arith.muli %add3A_761, %mul3A_1024 : i32
        %add3A_1026 = arith.constant 6144 : i32
        %add3A_1027 = arith.addi %add3A_1026, %mul3A_1025 : i32
        %swap3A_1028 = arith.index_cast %add3A_1027 : i32 to index
        %swap3A_1029 = tpu.vector_load %arg6[%swap3A_1028] {strides = array<i32>} : memref<16384xi32, #tpu.memory_space<vmem>>, vector<16xi32>,
        tpu.vector_store %arg6[%swap3A_1028], %broadcast_in_dim3A_1005 {strides = array<i32>} : memref<16384xi32, #tpu.memory_space<vmem>>, vector<16xi32>,
        %mul3A_1030 = arith.constant 16 : i32
        %mul3A_1031 = arith.muli %add3A_761, %mul3A_1030 : i32
        %add3A_1032 = arith.constant 8192 : i32
        %add3A_1033 = arith.addi %add3A_1032, %mul3A_1031 : i32
        %swap3A_1034 = arith.index_cast %add3A_1033 : i32 to index
        %swap3A_1035 = tpu.vector_load %arg6[%swap3A_1034] {strides = array<i32>} : memref<16384xi32, #tpu.memory_space<vmem>>, vector<16xi32>,
        tpu.vector_store %arg6[%swap3A_1034], %broadcast_in_dim3A_1005 {strides = array<i32>} : memref<16384xi32, #tpu.memory_space<vmem>>, vector<16xi32>,
        %mul3A_1036 = arith.constant 16 : i32
        %mul3A_1037 = arith.muli %add3A_761, %mul3A_1036 : i32
        %add3A_1038 = arith.constant 10240 : i32
        %add3A_1039 = arith.addi %add3A_1038, %mul3A_1037 : i32
        %swap3A_1040 = arith.index_cast %add3A_1039 : i32 to index
        %swap3A_1041 = tpu.vector_load %arg6[%swap3A_1040] {strides = array<i32>} : memref<16384xi32, #tpu.memory_space<vmem>>, vector<16xi32>,
        tpu.vector_store %arg6[%swap3A_1040], %broadcast_in_dim3A_1005 {strides = array<i32>} : memref<16384xi32, #tpu.memory_space<vmem>>, vector<16xi32>,
        %mul3A_1042 = arith.constant 16 : i32
        %mul3A_1043 = arith.muli %add3A_761, %mul3A_1042 : i32
        %add3A_1044 = arith.constant 12288 : i32
        %add3A_1045 = arith.addi %add3A_1044, %mul3A_1043 : i32
        %swap3A_1046 = arith.index_cast %add3A_1045 : i32 to index
        %swap3A_1047 = tpu.vector_load %arg6[%swap3A_1046] {strides = array<i32>} : memref<16384xi32, #tpu.memory_space<vmem>>, vector<16xi32>,
        tpu.vector_store %arg6[%swap3A_1046], %broadcast_in_dim3A_1005 {strides = array<i32>} : memref<16384xi32, #tpu.memory_space<vmem>>, vector<16xi32>,
        %mul3A_1048 = arith.constant 16 : i32
        %mul3A_1049 = arith.muli %add3A_761, %mul3A_1048 : i32
        %add3A_1050 = arith.constant 14336 : i32
        %add3A_1051 = arith.addi %add3A_1050, %mul3A_1049 : i32
        %swap3A_1052 = arith.index_cast %add3A_1051 : i32 to index
        %swap3A_1053 = tpu.vector_load %arg6[%swap3A_1052] {strides = array<i32>} : memref<16384xi32, #tpu.memory_space<vmem>>, vector<16xi32>,
        tpu.vector_store %arg6[%swap3A_1052], %broadcast_in_dim3A_1005 {strides = array<i32>} : memref<16384xi32, #tpu.memory_space<vmem>>, vector<16xi32>,
        %reduce_sum3A_1054 = arith.constant true
        %reduce_sum3A_1055 = vector.broadcast %reduce_sum3A_1054 : i1 to vector<16xi1>
        %reduce_sum3A_1056 = tpu.scan <sum>, %add3A_974 masked %reduce_sum3A_1055 : vector<16xi32>, vector<16xi1> -> vector<16xi32>
        %reduce_sum3A_1057 = vector.extract %reduce_sum3A_1056[15] : i32 from vector<16xi32>
        %add3A_1058 = arith.addi %add3A_912, %reduce_sum3A_1057 : i32
        %mul3A_1059 = arith.constant 16 : i32
        %mul3A_1060 = arith.muli %add3A_765, %mul3A_1059 : i32
        %mul3A_1061 = arith.constant 16 : i32
        %mul3A_1062 = arith.muli %add3A_765, %mul3A_1061 : i32
        %add3A_1063 = arith.constant 0 : i32
        %add3A_1064 = arith.addi %add3A_1063, %mul3A_1062 : i32
        %get3A_1065 = arith.index_cast %add3A_1064 : i32 to index
        %get3A_1066 = tpu.vector_load %arg6[%get3A_1065] {strides = array<i32>} : memref<16384xi32, #tpu.memory_space<vmem>>, vector<16xi32>,
        %mul3A_1067 = arith.constant 16 : i32
        %mul3A_1068 = arith.muli %add3A_765, %mul3A_1067 : i32
        %add3A_1069 = arith.constant 2048 : i32
        %add3A_1070 = arith.addi %add3A_1069, %mul3A_1068 : i32
        %get3A_1071 = arith.index_cast %add3A_1070 : i32 to index
        %get3A_1072 = tpu.vector_load %arg6[%get3A_1071] {strides = array<i32>} : memref<16384xi32, #tpu.memory_space<vmem>>, vector<16xi32>,
        %mul3A_1073 = arith.constant 16 : i32
        %mul3A_1074 = arith.muli %add3A_765, %mul3A_1073 : i32
        %add3A_1075 = arith.constant 4096 : i32
        %add3A_1076 = arith.addi %add3A_1075, %mul3A_1074 : i32
        %get3A_1077 = arith.index_cast %add3A_1076 : i32 to index
        %get3A_1078 = tpu.vector_load %arg6[%get3A_1077] {strides = array<i32>} : memref<16384xi32, #tpu.memory_space<vmem>>, vector<16xi32>,
        %mul3A_1079 = arith.constant 16 : i32
        %mul3A_1080 = arith.muli %add3A_765, %mul3A_1079 : i32
        %add3A_1081 = arith.constant 6144 : i32
        %add3A_1082 = arith.addi %add3A_1081, %mul3A_1080 : i32
        %get3A_1083 = arith.index_cast %add3A_1082 : i32 to index
        %get3A_1084 = tpu.vector_load %arg6[%get3A_1083] {strides = array<i32>} : memref<16384xi32, #tpu.memory_space<vmem>>, vector<16xi32>,
        %mul3A_1085 = arith.constant 16 : i32
        %mul3A_1086 = arith.muli %add3A_765, %mul3A_1085 : i32
        %add3A_1087 = arith.constant 8192 : i32
        %add3A_1088 = arith.addi %add3A_1087, %mul3A_1086 : i32
        %get3A_1089 = arith.index_cast %add3A_1088 : i32 to index
        %get3A_1090 = tpu.vector_load %arg6[%get3A_1089] {strides = array<i32>} : memref<16384xi32, #tpu.memory_space<vmem>>, vector<16xi32>,
        %mul3A_1091 = arith.constant 16 : i32
        %mul3A_1092 = arith.muli %add3A_765, %mul3A_1091 : i32
        %add3A_1093 = arith.constant 10240 : i32
        %add3A_1094 = arith.addi %add3A_1093, %mul3A_1092 : i32
        %get3A_1095 = arith.index_cast %add3A_1094 : i32 to index
        %get3A_1096 = tpu.vector_load %arg6[%get3A_1095] {strides = array<i32>} : memref<16384xi32, #tpu.memory_space<vmem>>, vector<16xi32>,
        %mul3A_1097 = arith.constant 16 : i32
        %mul3A_1098 = arith.muli %add3A_765, %mul3A_1097 : i32
        %add3A_1099 = arith.constant 12288 : i32
        %add3A_1100 = arith.addi %add3A_1099, %mul3A_1098 : i32
        %get3A_1101 = arith.index_cast %add3A_1100 : i32 to index
        %get3A_1102 = tpu.vector_load %arg6[%get3A_1101] {strides = array<i32>} : memref<16384xi32, #tpu.memory_space<vmem>>, vector<16xi32>,
        %mul3A_1103 = arith.constant 16 : i32
        %mul3A_1104 = arith.muli %add3A_765, %mul3A_1103 : i32
        %add3A_1105 = arith.constant 14336 : i32
        %add3A_1106 = arith.addi %add3A_1105, %mul3A_1104 : i32
        %get3A_1107 = arith.index_cast %add3A_1106 : i32 to index
        %get3A_1108 = tpu.vector_load %arg6[%get3A_1107] {strides = array<i32>} : memref<16384xi32, #tpu.memory_space<vmem>>, vector<16xi32>,
        %add3A_1109 = arith.addi %get3A_1066, %get3A_1072 : vector<16xi32>
        %add3A_1110 = arith.addi %get3A_1078, %get3A_1084 : vector<16xi32>
        %add3A_1111 = arith.addi %get3A_1090, %get3A_1096 : vector<16xi32>
        %add3A_1112 = arith.addi %get3A_1102, %get3A_1108 : vector<16xi32>
        %add3A_1113 = arith.addi %add3A_1109, %add3A_1110 : vector<16xi32>
        %add3A_1114 = arith.addi %add3A_1111, %add3A_1112 : vector<16xi32>
        %add3A_1115 = arith.addi %add3A_1109, %get3A_1078 : vector<16xi32>
        %add3A_1116 = arith.addi %add3A_1113, %get3A_1090 : vector<16xi32>
        %add3A_1117 = arith.addi %add3A_1113, %add3A_1111 : vector<16xi32>
        %add3A_1118 = arith.addi %add3A_1113, %add3A_1111 : vector<16xi32>
        %add3A_1119 = arith.addi %add3A_1118, %get3A_1102 : vector<16xi32>
        %add3A_1120 = arith.addi %add3A_1113, %add3A_1114 : vector<16xi32>
        %broadcast_in_dim3A_1121 = arith.constant true
        %broadcast_in_dim3A_1122 = vector.broadcast %broadcast_in_dim3A_1121 : i1 to vector<16xi1>
        %masked_cumsum3A_1123 = tpu.scan <sum>, %add3A_1120 masked %broadcast_in_dim3A_1122 : vector<16xi32>, vector<16xi1> -> vector<16xi32>
        %sub3A_1124 = arith.subi %masked_cumsum3A_1123, %add3A_1120 : vector<16xi32>
        %add3A_1125 = vector.broadcast %add3A_1058 : i32 to vector<16xi32>
        %add3A_1126 = arith.addi %sub3A_1124, %add3A_1125 : vector<16xi32>
        %swap3A_1127 = arith.index_cast %mul3A_1060 : i32 to index
        %swap3A_1128 = tpu.vector_load %arg9[%swap3A_1127] {strides = array<i32>} : memref<2048xi32, #tpu.memory_space<vmem>>, vector<16xi32>,
        tpu.vector_store %arg9[%swap3A_1127], %add3A_1126 {strides = array<i32>} : memref<2048xi32, #tpu.memory_space<vmem>>, vector<16xi32>,
        %add3A_1129 = arith.addi %add3A_1126, %get3A_1066 : vector<16xi32>
        %swap3A_1130 = arith.index_cast %mul3A_1060 : i32 to index
        %swap3A_1131 = tpu.vector_load %arg10[%swap3A_1130] {strides = array<i32>} : memref<2048xi32, #tpu.memory_space<vmem>>, vector<16xi32>,
        tpu.vector_store %arg10[%swap3A_1130], %add3A_1129 {strides = array<i32>} : memref<2048xi32, #tpu.memory_space<vmem>>, vector<16xi32>,
        %add3A_1132 = arith.addi %add3A_1126, %add3A_1109 : vector<16xi32>
        %swap3A_1133 = arith.index_cast %mul3A_1060 : i32 to index
        %swap3A_1134 = tpu.vector_load %arg11[%swap3A_1133] {strides = array<i32>} : memref<2048xi32, #tpu.memory_space<vmem>>, vector<16xi32>,
        tpu.vector_store %arg11[%swap3A_1133], %add3A_1132 {strides = array<i32>} : memref<2048xi32, #tpu.memory_space<vmem>>, vector<16xi32>,
        %add3A_1135 = arith.addi %add3A_1126, %add3A_1115 : vector<16xi32>
        %swap3A_1136 = arith.index_cast %mul3A_1060 : i32 to index
        %swap3A_1137 = tpu.vector_load %arg12[%swap3A_1136] {strides = array<i32>} : memref<2048xi32, #tpu.memory_space<vmem>>, vector<16xi32>,
        tpu.vector_store %arg12[%swap3A_1136], %add3A_1135 {strides = array<i32>} : memref<2048xi32, #tpu.memory_space<vmem>>, vector<16xi32>,
        %add3A_1138 = arith.addi %add3A_1126, %add3A_1113 : vector<16xi32>
        %swap3A_1139 = arith.index_cast %mul3A_1060 : i32 to index
        %swap3A_1140 = tpu.vector_load %arg13[%swap3A_1139] {strides = array<i32>} : memref<2048xi32, #tpu.memory_space<vmem>>, vector<16xi32>,
        tpu.vector_store %arg13[%swap3A_1139], %add3A_1138 {strides = array<i32>} : memref<2048xi32, #tpu.memory_space<vmem>>, vector<16xi32>,
        %add3A_1141 = arith.addi %add3A_1126, %add3A_1116 : vector<16xi32>
        %swap3A_1142 = arith.index_cast %mul3A_1060 : i32 to index
        %swap3A_1143 = tpu.vector_load %arg14[%swap3A_1142] {strides = array<i32>} : memref<2048xi32, #tpu.memory_space<vmem>>, vector<16xi32>,
        tpu.vector_store %arg14[%swap3A_1142], %add3A_1141 {strides = array<i32>} : memref<2048xi32, #tpu.memory_space<vmem>>, vector<16xi32>,
        %add3A_1144 = arith.addi %add3A_1126, %add3A_1117 : vector<16xi32>
        %swap3A_1145 = arith.index_cast %mul3A_1060 : i32 to index
        %swap3A_1146 = tpu.vector_load %arg15[%swap3A_1145] {strides = array<i32>} : memref<2048xi32, #tpu.memory_space<vmem>>, vector<16xi32>,
        tpu.vector_store %arg15[%swap3A_1145], %add3A_1144 {strides = array<i32>} : memref<2048xi32, #tpu.memory_space<vmem>>, vector<16xi32>,
        %add3A_1147 = arith.addi %add3A_1126, %add3A_1119 : vector<16xi32>
        %swap3A_1148 = arith.index_cast %mul3A_1060 : i32 to index
        %swap3A_1149 = tpu.vector_load %arg16[%swap3A_1148] {strides = array<i32>} : memref<2048xi32, #tpu.memory_space<vmem>>, vector<16xi32>,
        tpu.vector_store %arg16[%swap3A_1148], %add3A_1147 {strides = array<i32>} : memref<2048xi32, #tpu.memory_space<vmem>>, vector<16xi32>,
        %broadcast_in_dim3A_1150 = arith.constant 0 : i32
        %broadcast_in_dim3A_1151 = vector.broadcast %broadcast_in_dim3A_1150 : i32 to vector<16xi32>
        %mul3A_1152 = arith.constant 16 : i32
        %mul3A_1153 = arith.muli %add3A_765, %mul3A_1152 : i32
        %add3A_1154 = arith.constant 0 : i32
        %add3A_1155 = arith.addi %add3A_1154, %mul3A_1153 : i32
        %swap3A_1156 = arith.index_cast %add3A_1155 : i32 to index
        %swap3A_1157 = tpu.vector_load %arg6[%swap3A_1156] {strides = array<i32>} : memref<16384xi32, #tpu.memory_space<vmem>>, vector<16xi32>,
        tpu.vector_store %arg6[%swap3A_1156], %broadcast_in_dim3A_1151 {strides = array<i32>} : memref<16384xi32, #tpu.memory_space<vmem>>, vector<16xi32>,
        %mul3A_1158 = arith.constant 16 : i32
        %mul3A_1159 = arith.muli %add3A_765, %mul3A_1158 : i32
        %add3A_1160 = arith.constant 2048 : i32
        %add3A_1161 = arith.addi %add3A_1160, %mul3A_1159 : i32
        %swap3A_1162 = arith.index_cast %add3A_1161 : i32 to index
        %swap3A_1163 = tpu.vector_load %arg6[%swap3A_1162] {strides = array<i32>} : memref<16384xi32, #tpu.memory_space<vmem>>, vector<16xi32>,
        tpu.vector_store %arg6[%swap3A_1162], %broadcast_in_dim3A_1151 {strides = array<i32>} : memref<16384xi32, #tpu.memory_space<vmem>>, vector<16xi32>,
        %mul3A_1164 = arith.constant 16 : i32
        %mul3A_1165 = arith.muli %add3A_765, %mul3A_1164 : i32
        %add3A_1166 = arith.constant 4096 : i32
        %add3A_1167 = arith.addi %add3A_1166, %mul3A_1165 : i32
        %swap3A_1168 = arith.index_cast %add3A_1167 : i32 to index
        %swap3A_1169 = tpu.vector_load %arg6[%swap3A_1168] {strides = array<i32>} : memref<16384xi32, #tpu.memory_space<vmem>>, vector<16xi32>,
        tpu.vector_store %arg6[%swap3A_1168], %broadcast_in_dim3A_1151 {strides = array<i32>} : memref<16384xi32, #tpu.memory_space<vmem>>, vector<16xi32>,
        %mul3A_1170 = arith.constant 16 : i32
        %mul3A_1171 = arith.muli %add3A_765, %mul3A_1170 : i32
        %add3A_1172 = arith.constant 6144 : i32
        %add3A_1173 = arith.addi %add3A_1172, %mul3A_1171 : i32
        %swap3A_1174 = arith.index_cast %add3A_1173 : i32 to index
        %swap3A_1175 = tpu.vector_load %arg6[%swap3A_1174] {strides = array<i32>} : memref<16384xi32, #tpu.memory_space<vmem>>, vector<16xi32>,
        tpu.vector_store %arg6[%swap3A_1174], %broadcast_in_dim3A_1151 {strides = array<i32>} : memref<16384xi32, #tpu.memory_space<vmem>>, vector<16xi32>,
        %mul3A_1176 = arith.constant 16 : i32
        %mul3A_1177 = arith.muli %add3A_765, %mul3A_1176 : i32
        %add3A_1178 = arith.constant 8192 : i32
        %add3A_1179 = arith.addi %add3A_1178, %mul3A_1177 : i32
        %swap3A_1180 = arith.index_cast %add3A_1179 : i32 to index
        %swap3A_1181 = tpu.vector_load %arg6[%swap3A_1180] {strides = array<i32>} : memref<16384xi32, #tpu.memory_space<vmem>>, vector<16xi32>,
        tpu.vector_store %arg6[%swap3A_1180], %broadcast_in_dim3A_1151 {strides = array<i32>} : memref<16384xi32, #tpu.memory_space<vmem>>, vector<16xi32>,
        %mul3A_1182 = arith.constant 16 : i32
        %mul3A_1183 = arith.muli %add3A_765, %mul3A_1182 : i32
        %add3A_1184 = arith.constant 10240 : i32
        %add3A_1185 = arith.addi %add3A_1184, %mul3A_1183 : i32
        %swap3A_1186 = arith.index_cast %add3A_1185 : i32 to index
        %swap3A_1187 = tpu.vector_load %arg6[%swap3A_1186] {strides = array<i32>} : memref<16384xi32, #tpu.memory_space<vmem>>, vector<16xi32>,
        tpu.vector_store %arg6[%swap3A_1186], %broadcast_in_dim3A_1151 {strides = array<i32>} : memref<16384xi32, #tpu.memory_space<vmem>>, vector<16xi32>,
        %mul3A_1188 = arith.constant 16 : i32
        %mul3A_1189 = arith.muli %add3A_765, %mul3A_1188 : i32
        %add3A_1190 = arith.constant 12288 : i32
        %add3A_1191 = arith.addi %add3A_1190, %mul3A_1189 : i32
        %swap3A_1192 = arith.index_cast %add3A_1191 : i32 to index
        %swap3A_1193 = tpu.vector_load %arg6[%swap3A_1192] {strides = array<i32>} : memref<16384xi32, #tpu.memory_space<vmem>>, vector<16xi32>,
        tpu.vector_store %arg6[%swap3A_1192], %broadcast_in_dim3A_1151 {strides = array<i32>} : memref<16384xi32, #tpu.memory_space<vmem>>, vector<16xi32>,
        %mul3A_1194 = arith.constant 16 : i32
        %mul3A_1195 = arith.muli %add3A_765, %mul3A_1194 : i32
        %add3A_1196 = arith.constant 14336 : i32
        %add3A_1197 = arith.addi %add3A_1196, %mul3A_1195 : i32
        %swap3A_1198 = arith.index_cast %add3A_1197 : i32 to index
        %swap3A_1199 = tpu.vector_load %arg6[%swap3A_1198] {strides = array<i32>} : memref<16384xi32, #tpu.memory_space<vmem>>, vector<16xi32>,
        tpu.vector_store %arg6[%swap3A_1198], %broadcast_in_dim3A_1151 {strides = array<i32>} : memref<16384xi32, #tpu.memory_space<vmem>>, vector<16xi32>,
        %reduce_sum3A_1200 = arith.constant true
        %reduce_sum3A_1201 = vector.broadcast %reduce_sum3A_1200 : i1 to vector<16xi1>
        %reduce_sum3A_1202 = tpu.scan <sum>, %add3A_1120 masked %reduce_sum3A_1201 : vector<16xi32>, vector<16xi1> -> vector<16xi32>
        %reduce_sum3A_1203 = vector.extract %reduce_sum3A_1202[15] : i32 from vector<16xi32>
        %add3A_1204 = arith.addi %add3A_1058, %reduce_sum3A_1203 : i32
        %mul3A_1205 = arith.constant 16 : i32
        %mul3A_1206 = arith.muli %add3A_769, %mul3A_1205 : i32
        %mul3A_1207 = arith.constant 16 : i32
        %mul3A_1208 = arith.muli %add3A_769, %mul3A_1207 : i32
        %add3A_1209 = arith.constant 0 : i32
        %add3A_1210 = arith.addi %add3A_1209, %mul3A_1208 : i32
        %get3A_1211 = arith.index_cast %add3A_1210 : i32 to index
        %get3A_1212 = tpu.vector_load %arg6[%get3A_1211] {strides = array<i32>} : memref<16384xi32, #tpu.memory_space<vmem>>, vector<16xi32>,
        %mul3A_1213 = arith.constant 16 : i32
        %mul3A_1214 = arith.muli %add3A_769, %mul3A_1213 : i32
        %add3A_1215 = arith.constant 2048 : i32
        %add3A_1216 = arith.addi %add3A_1215, %mul3A_1214 : i32
        %get3A_1217 = arith.index_cast %add3A_1216 : i32 to index
        %get3A_1218 = tpu.vector_load %arg6[%get3A_1217] {strides = array<i32>} : memref<16384xi32, #tpu.memory_space<vmem>>, vector<16xi32>,
        %mul3A_1219 = arith.constant 16 : i32
        %mul3A_1220 = arith.muli %add3A_769, %mul3A_1219 : i32
        %add3A_1221 = arith.constant 4096 : i32
        %add3A_1222 = arith.addi %add3A_1221, %mul3A_1220 : i32
        %get3A_1223 = arith.index_cast %add3A_1222 : i32 to index
        %get3A_1224 = tpu.vector_load %arg6[%get3A_1223] {strides = array<i32>} : memref<16384xi32, #tpu.memory_space<vmem>>, vector<16xi32>,
        %mul3A_1225 = arith.constant 16 : i32
        %mul3A_1226 = arith.muli %add3A_769, %mul3A_1225 : i32
        %add3A_1227 = arith.constant 6144 : i32
        %add3A_1228 = arith.addi %add3A_1227, %mul3A_1226 : i32
        %get3A_1229 = arith.index_cast %add3A_1228 : i32 to index
        %get3A_1230 = tpu.vector_load %arg6[%get3A_1229] {strides = array<i32>} : memref<16384xi32, #tpu.memory_space<vmem>>, vector<16xi32>,
        %mul3A_1231 = arith.constant 16 : i32
        %mul3A_1232 = arith.muli %add3A_769, %mul3A_1231 : i32
        %add3A_1233 = arith.constant 8192 : i32
        %add3A_1234 = arith.addi %add3A_1233, %mul3A_1232 : i32
        %get3A_1235 = arith.index_cast %add3A_1234 : i32 to index
        %get3A_1236 = tpu.vector_load %arg6[%get3A_1235] {strides = array<i32>} : memref<16384xi32, #tpu.memory_space<vmem>>, vector<16xi32>,
        %mul3A_1237 = arith.constant 16 : i32
        %mul3A_1238 = arith.muli %add3A_769, %mul3A_1237 : i32
        %add3A_1239 = arith.constant 10240 : i32
        %add3A_1240 = arith.addi %add3A_1239, %mul3A_1238 : i32
        %get3A_1241 = arith.index_cast %add3A_1240 : i32 to index
        %get3A_1242 = tpu.vector_load %arg6[%get3A_1241] {strides = array<i32>} : memref<16384xi32, #tpu.memory_space<vmem>>, vector<16xi32>,
        %mul3A_1243 = arith.constant 16 : i32
        %mul3A_1244 = arith.muli %add3A_769, %mul3A_1243 : i32
        %add3A_1245 = arith.constant 12288 : i32
        %add3A_1246 = arith.addi %add3A_1245, %mul3A_1244 : i32
        %get3A_1247 = arith.index_cast %add3A_1246 : i32 to index
        %get3A_1248 = tpu.vector_load %arg6[%get3A_1247] {strides = array<i32>} : memref<16384xi32, #tpu.memory_space<vmem>>, vector<16xi32>,
        %mul3A_1249 = arith.constant 16 : i32
        %mul3A_1250 = arith.muli %add3A_769, %mul3A_1249 : i32
        %add3A_1251 = arith.constant 14336 : i32
        %add3A_1252 = arith.addi %add3A_1251, %mul3A_1250 : i32
        %get3A_1253 = arith.index_cast %add3A_1252 : i32 to index
        %get3A_1254 = tpu.vector_load %arg6[%get3A_1253] {strides = array<i32>} : memref<16384xi32, #tpu.memory_space<vmem>>, vector<16xi32>,
        %add3A_1255 = arith.addi %get3A_1212, %get3A_1218 : vector<16xi32>
        %add3A_1256 = arith.addi %get3A_1224, %get3A_1230 : vector<16xi32>
        %add3A_1257 = arith.addi %get3A_1236, %get3A_1242 : vector<16xi32>
        %add3A_1258 = arith.addi %get3A_1248, %get3A_1254 : vector<16xi32>
        %add3A_1259 = arith.addi %add3A_1255, %add3A_1256 : vector<16xi32>
        %add3A_1260 = arith.addi %add3A_1257, %add3A_1258 : vector<16xi32>
        %add3A_1261 = arith.addi %add3A_1255, %get3A_1224 : vector<16xi32>
        %add3A_1262 = arith.addi %add3A_1259, %get3A_1236 : vector<16xi32>
        %add3A_1263 = arith.addi %add3A_1259, %add3A_1257 : vector<16xi32>
        %add3A_1264 = arith.addi %add3A_1259, %add3A_1257 : vector<16xi32>
        %add3A_1265 = arith.addi %add3A_1264, %get3A_1248 : vector<16xi32>
        %add3A_1266 = arith.addi %add3A_1259, %add3A_1260 : vector<16xi32>
        %broadcast_in_dim3A_1267 = arith.constant true
        %broadcast_in_dim3A_1268 = vector.broadcast %broadcast_in_dim3A_1267 : i1 to vector<16xi1>
        %masked_cumsum3A_1269 = tpu.scan <sum>, %add3A_1266 masked %broadcast_in_dim3A_1268 : vector<16xi32>, vector<16xi1> -> vector<16xi32>
        %sub3A_1270 = arith.subi %masked_cumsum3A_1269, %add3A_1266 : vector<16xi32>
        %add3A_1271 = vector.broadcast %add3A_1204 : i32 to vector<16xi32>
        %add3A_1272 = arith.addi %sub3A_1270, %add3A_1271 : vector<16xi32>
        %swap3A_1273 = arith.index_cast %mul3A_1206 : i32 to index
        %swap3A_1274 = tpu.vector_load %arg9[%swap3A_1273] {strides = array<i32>} : memref<2048xi32, #tpu.memory_space<vmem>>, vector<16xi32>,
        tpu.vector_store %arg9[%swap3A_1273], %add3A_1272 {strides = array<i32>} : memref<2048xi32, #tpu.memory_space<vmem>>, vector<16xi32>,
        %add3A_1275 = arith.addi %add3A_1272, %get3A_1212 : vector<16xi32>
        %swap3A_1276 = arith.index_cast %mul3A_1206 : i32 to index
        %swap3A_1277 = tpu.vector_load %arg10[%swap3A_1276] {strides = array<i32>} : memref<2048xi32, #tpu.memory_space<vmem>>, vector<16xi32>,
        tpu.vector_store %arg10[%swap3A_1276], %add3A_1275 {strides = array<i32>} : memref<2048xi32, #tpu.memory_space<vmem>>, vector<16xi32>,
        %add3A_1278 = arith.addi %add3A_1272, %add3A_1255 : vector<16xi32>
        %swap3A_1279 = arith.index_cast %mul3A_1206 : i32 to index
        %swap3A_1280 = tpu.vector_load %arg11[%swap3A_1279] {strides = array<i32>} : memref<2048xi32, #tpu.memory_space<vmem>>, vector<16xi32>,
        tpu.vector_store %arg11[%swap3A_1279], %add3A_1278 {strides = array<i32>} : memref<2048xi32, #tpu.memory_space<vmem>>, vector<16xi32>,
        %add3A_1281 = arith.addi %add3A_1272, %add3A_1261 : vector<16xi32>
        %swap3A_1282 = arith.index_cast %mul3A_1206 : i32 to index
        %swap3A_1283 = tpu.vector_load %arg12[%swap3A_1282] {strides = array<i32>} : memref<2048xi32, #tpu.memory_space<vmem>>, vector<16xi32>,
        tpu.vector_store %arg12[%swap3A_1282], %add3A_1281 {strides = array<i32>} : memref<2048xi32, #tpu.memory_space<vmem>>, vector<16xi32>,
        %add3A_1284 = arith.addi %add3A_1272, %add3A_1259 : vector<16xi32>
        %swap3A_1285 = arith.index_cast %mul3A_1206 : i32 to index
        %swap3A_1286 = tpu.vector_load %arg13[%swap3A_1285] {strides = array<i32>} : memref<2048xi32, #tpu.memory_space<vmem>>, vector<16xi32>,
        tpu.vector_store %arg13[%swap3A_1285], %add3A_1284 {strides = array<i32>} : memref<2048xi32, #tpu.memory_space<vmem>>, vector<16xi32>,
        %add3A_1287 = arith.addi %add3A_1272, %add3A_1262 : vector<16xi32>
        %swap3A_1288 = arith.index_cast %mul3A_1206 : i32 to index
        %swap3A_1289 = tpu.vector_load %arg14[%swap3A_1288] {strides = array<i32>} : memref<2048xi32, #tpu.memory_space<vmem>>, vector<16xi32>,
        tpu.vector_store %arg14[%swap3A_1288], %add3A_1287 {strides = array<i32>} : memref<2048xi32, #tpu.memory_space<vmem>>, vector<16xi32>,
        %add3A_1290 = arith.addi %add3A_1272, %add3A_1263 : vector<16xi32>
        %swap3A_1291 = arith.index_cast %mul3A_1206 : i32 to index
        %swap3A_1292 = tpu.vector_load %arg15[%swap3A_1291] {strides = array<i32>} : memref<2048xi32, #tpu.memory_space<vmem>>, vector<16xi32>,
        tpu.vector_store %arg15[%swap3A_1291], %add3A_1290 {strides = array<i32>} : memref<2048xi32, #tpu.memory_space<vmem>>, vector<16xi32>,
        %add3A_1293 = arith.addi %add3A_1272, %add3A_1265 : vector<16xi32>
        %swap3A_1294 = arith.index_cast %mul3A_1206 : i32 to index
        %swap3A_1295 = tpu.vector_load %arg16[%swap3A_1294] {strides = array<i32>} : memref<2048xi32, #tpu.memory_space<vmem>>, vector<16xi32>,
        tpu.vector_store %arg16[%swap3A_1294], %add3A_1293 {strides = array<i32>} : memref<2048xi32, #tpu.memory_space<vmem>>, vector<16xi32>,
        %broadcast_in_dim3A_1296 = arith.constant 0 : i32
        %broadcast_in_dim3A_1297 = vector.broadcast %broadcast_in_dim3A_1296 : i32 to vector<16xi32>
        %mul3A_1298 = arith.constant 16 : i32
        %mul3A_1299 = arith.muli %add3A_769, %mul3A_1298 : i32
        %add3A_1300 = arith.constant 0 : i32
        %add3A_1301 = arith.addi %add3A_1300, %mul3A_1299 : i32
        %swap3A_1302 = arith.index_cast %add3A_1301 : i32 to index
        %swap3A_1303 = tpu.vector_load %arg6[%swap3A_1302] {strides = array<i32>} : memref<16384xi32, #tpu.memory_space<vmem>>, vector<16xi32>,
        tpu.vector_store %arg6[%swap3A_1302], %broadcast_in_dim3A_1297 {strides = array<i32>} : memref<16384xi32, #tpu.memory_space<vmem>>, vector<16xi32>,
        %mul3A_1304 = arith.constant 16 : i32
        %mul3A_1305 = arith.muli %add3A_769, %mul3A_1304 : i32
        %add3A_1306 = arith.constant 2048 : i32
        %add3A_1307 = arith.addi %add3A_1306, %mul3A_1305 : i32
        %swap3A_1308 = arith.index_cast %add3A_1307 : i32 to index
        %swap3A_1309 = tpu.vector_load %arg6[%swap3A_1308] {strides = array<i32>} : memref<16384xi32, #tpu.memory_space<vmem>>, vector<16xi32>,
        tpu.vector_store %arg6[%swap3A_1308], %broadcast_in_dim3A_1297 {strides = array<i32>} : memref<16384xi32, #tpu.memory_space<vmem>>, vector<16xi32>,
        %mul3A_1310 = arith.constant 16 : i32
        %mul3A_1311 = arith.muli %add3A_769, %mul3A_1310 : i32
        %add3A_1312 = arith.constant 4096 : i32
        %add3A_1313 = arith.addi %add3A_1312, %mul3A_1311 : i32
        %swap3A_1314 = arith.index_cast %add3A_1313 : i32 to index
        %swap3A_1315 = tpu.vector_load %arg6[%swap3A_1314] {strides = array<i32>} : memref<16384xi32, #tpu.memory_space<vmem>>, vector<16xi32>,
        tpu.vector_store %arg6[%swap3A_1314], %broadcast_in_dim3A_1297 {strides = array<i32>} : memref<16384xi32, #tpu.memory_space<vmem>>, vector<16xi32>,
        %mul3A_1316 = arith.constant 16 : i32
        %mul3A_1317 = arith.muli %add3A_769, %mul3A_1316 : i32
        %add3A_1318 = arith.constant 6144 : i32
        %add3A_1319 = arith.addi %add3A_1318, %mul3A_1317 : i32
        %swap3A_1320 = arith.index_cast %add3A_1319 : i32 to index
        %swap3A_1321 = tpu.vector_load %arg6[%swap3A_1320] {strides = array<i32>} : memref<16384xi32, #tpu.memory_space<vmem>>, vector<16xi32>,
        tpu.vector_store %arg6[%swap3A_1320], %broadcast_in_dim3A_1297 {strides = array<i32>} : memref<16384xi32, #tpu.memory_space<vmem>>, vector<16xi32>,
        %mul3A_1322 = arith.constant 16 : i32
        %mul3A_1323 = arith.muli %add3A_769, %mul3A_1322 : i32
        %add3A_1324 = arith.constant 8192 : i32
        %add3A_1325 = arith.addi %add3A_1324, %mul3A_1323 : i32
        %swap3A_1326 = arith.index_cast %add3A_1325 : i32 to index
        %swap3A_1327 = tpu.vector_load %arg6[%swap3A_1326] {strides = array<i32>} : memref<16384xi32, #tpu.memory_space<vmem>>, vector<16xi32>,
        tpu.vector_store %arg6[%swap3A_1326], %broadcast_in_dim3A_1297 {strides = array<i32>} : memref<16384xi32, #tpu.memory_space<vmem>>, vector<16xi32>,
        %mul3A_1328 = arith.constant 16 : i32
        %mul3A_1329 = arith.muli %add3A_769, %mul3A_1328 : i32
        %add3A_1330 = arith.constant 10240 : i32
        %add3A_1331 = arith.addi %add3A_1330, %mul3A_1329 : i32
        %swap3A_1332 = arith.index_cast %add3A_1331 : i32 to index
        %swap3A_1333 = tpu.vector_load %arg6[%swap3A_1332] {strides = array<i32>} : memref<16384xi32, #tpu.memory_space<vmem>>, vector<16xi32>,
        tpu.vector_store %arg6[%swap3A_1332], %broadcast_in_dim3A_1297 {strides = array<i32>} : memref<16384xi32, #tpu.memory_space<vmem>>, vector<16xi32>,
        %mul3A_1334 = arith.constant 16 : i32
        %mul3A_1335 = arith.muli %add3A_769, %mul3A_1334 : i32
        %add3A_1336 = arith.constant 12288 : i32
        %add3A_1337 = arith.addi %add3A_1336, %mul3A_1335 : i32
        %swap3A_1338 = arith.index_cast %add3A_1337 : i32 to index
        %swap3A_1339 = tpu.vector_load %arg6[%swap3A_1338] {strides = array<i32>} : memref<16384xi32, #tpu.memory_space<vmem>>, vector<16xi32>,
        tpu.vector_store %arg6[%swap3A_1338], %broadcast_in_dim3A_1297 {strides = array<i32>} : memref<16384xi32, #tpu.memory_space<vmem>>, vector<16xi32>,
        %mul3A_1340 = arith.constant 16 : i32
        %mul3A_1341 = arith.muli %add3A_769, %mul3A_1340 : i32
        %add3A_1342 = arith.constant 14336 : i32
        %add3A_1343 = arith.addi %add3A_1342, %mul3A_1341 : i32
        %swap3A_1344 = arith.index_cast %add3A_1343 : i32 to index
        %swap3A_1345 = tpu.vector_load %arg6[%swap3A_1344] {strides = array<i32>} : memref<16384xi32, #tpu.memory_space<vmem>>, vector<16xi32>,
        tpu.vector_store %arg6[%swap3A_1344], %broadcast_in_dim3A_1297 {strides = array<i32>} : memref<16384xi32, #tpu.memory_space<vmem>>, vector<16xi32>,
        %reduce_sum3A_1346 = arith.constant true
        %reduce_sum3A_1347 = vector.broadcast %reduce_sum3A_1346 : i1 to vector<16xi1>
        %reduce_sum3A_1348 = tpu.scan <sum>, %add3A_1266 masked %reduce_sum3A_1347 : vector<16xi32>, vector<16xi1> -> vector<16xi32>
        %reduce_sum3A_1349 = vector.extract %reduce_sum3A_1348[15] : i32 from vector<16xi32>
        %add3A_1350 = arith.addi %add3A_1204, %reduce_sum3A_1349 : i32
        scf.yield %add3A_1350 : i32
      }
      %scan3A_590 = arith.constant 32 : i32
      %broadcast_in_dim3A_591 = arith.constant 1 : i32
      %broadcast_in_dim3A_592 = vector.broadcast %broadcast_in_dim3A_591 : i32 to vector<16xi32>
      %get3A_593 = arith.constant 0 : index
      %get3A_594 = tpu.vector_load %arg4[%get3A_593] {strides = array<i32>} : memref<32768xf32, #tpu.memory_space<vmem>>, vector<16xf32>,
      %bitcast3A_595 = vector.bitcast %get3A_594 : vector<16xf32> to vector<16xi32>
      %and3A_596 = arith.constant 1023 : i32
      %and3A_597 = vector.broadcast %and3A_596 : i32 to vector<16xi32>
      %and3A_598 = arith.andi %bitcast3A_595, %and3A_597 : vector<16xi32>
      %shift_right_logical3A_599 = arith.constant 20 : i32
      %shift_right_logical3A_600 = vector.broadcast %shift_right_logical3A_599 : i32 to vector<16xi32>
      %shift_right_logical3A_601 = arith.shrui %bitcast3A_595, %shift_right_logical3A_600 : vector<16xi32>
      %get3A_602 = arith.constant 4096 : index
      %get3A_603 = tpu.vector_load %arg4[%get3A_602] {strides = array<i32>} : memref<32768xf32, #tpu.memory_space<vmem>>, vector<16xf32>,
      %bitcast3A_604 = vector.bitcast %get3A_603 : vector<16xf32> to vector<16xi32>
      %and3A_605 = arith.constant 1023 : i32
      %and3A_606 = vector.broadcast %and3A_605 : i32 to vector<16xi32>
      %and3A_607 = arith.andi %bitcast3A_604, %and3A_606 : vector<16xi32>
      %shift_right_logical3A_608 = arith.constant 20 : i32
      %shift_right_logical3A_609 = vector.broadcast %shift_right_logical3A_608 : i32 to vector<16xi32>
      %shift_right_logical3A_610 = arith.shrui %bitcast3A_604, %shift_right_logical3A_609 : vector<16xi32>
      %get3A_611 = arith.constant 8192 : index
      %get3A_612 = tpu.vector_load %arg4[%get3A_611] {strides = array<i32>} : memref<32768xf32, #tpu.memory_space<vmem>>, vector<16xf32>,
      %bitcast3A_613 = vector.bitcast %get3A_612 : vector<16xf32> to vector<16xi32>
      %and3A_614 = arith.constant 1023 : i32
      %and3A_615 = vector.broadcast %and3A_614 : i32 to vector<16xi32>
      %and3A_616 = arith.andi %bitcast3A_613, %and3A_615 : vector<16xi32>
      %shift_right_logical3A_617 = arith.constant 20 : i32
      %shift_right_logical3A_618 = vector.broadcast %shift_right_logical3A_617 : i32 to vector<16xi32>
      %shift_right_logical3A_619 = arith.shrui %bitcast3A_613, %shift_right_logical3A_618 : vector<16xi32>
      %get3A_620 = arith.constant 12288 : index
      %get3A_621 = tpu.vector_load %arg4[%get3A_620] {strides = array<i32>} : memref<32768xf32, #tpu.memory_space<vmem>>, vector<16xf32>,
      %bitcast3A_622 = vector.bitcast %get3A_621 : vector<16xf32> to vector<16xi32>
      %and3A_623 = arith.constant 1023 : i32
      %and3A_624 = vector.broadcast %and3A_623 : i32 to vector<16xi32>
      %and3A_625 = arith.andi %bitcast3A_622, %and3A_624 : vector<16xi32>
      %shift_right_logical3A_626 = arith.constant 20 : i32
      %shift_right_logical3A_627 = vector.broadcast %shift_right_logical3A_626 : i32 to vector<16xi32>
      %shift_right_logical3A_628 = arith.shrui %bitcast3A_622, %shift_right_logical3A_627 : vector<16xi32>
      %get3A_629 = arith.constant 16384 : index
      %get3A_630 = tpu.vector_load %arg4[%get3A_629] {strides = array<i32>} : memref<32768xf32, #tpu.memory_space<vmem>>, vector<16xf32>,
      %bitcast3A_631 = vector.bitcast %get3A_630 : vector<16xf32> to vector<16xi32>
      %and3A_632 = arith.constant 1023 : i32
      %and3A_633 = vector.broadcast %and3A_632 : i32 to vector<16xi32>
      %and3A_634 = arith.andi %bitcast3A_631, %and3A_633 : vector<16xi32>
      %shift_right_logical3A_635 = arith.constant 20 : i32
      %shift_right_logical3A_636 = vector.broadcast %shift_right_logical3A_635 : i32 to vector<16xi32>
      %shift_right_logical3A_637 = arith.shrui %bitcast3A_631, %shift_right_logical3A_636 : vector<16xi32>
      %get3A_638 = arith.constant 20480 : index
      %get3A_639 = tpu.vector_load %arg4[%get3A_638] {strides = array<i32>} : memref<32768xf32, #tpu.memory_space<vmem>>, vector<16xf32>,
      %bitcast3A_640 = vector.bitcast %get3A_639 : vector<16xf32> to vector<16xi32>
      %and3A_641 = arith.constant 1023 : i32
      %and3A_642 = vector.broadcast %and3A_641 : i32 to vector<16xi32>
      %and3A_643 = arith.andi %bitcast3A_640, %and3A_642 : vector<16xi32>
      %shift_right_logical3A_644 = arith.constant 20 : i32
      %shift_right_logical3A_645 = vector.broadcast %shift_right_logical3A_644 : i32 to vector<16xi32>
      %shift_right_logical3A_646 = arith.shrui %bitcast3A_640, %shift_right_logical3A_645 : vector<16xi32>
      %get3A_647 = arith.constant 24576 : index
      %get3A_648 = tpu.vector_load %arg4[%get3A_647] {strides = array<i32>} : memref<32768xf32, #tpu.memory_space<vmem>>, vector<16xf32>,
      %bitcast3A_649 = vector.bitcast %get3A_648 : vector<16xf32> to vector<16xi32>
      %and3A_650 = arith.constant 1023 : i32
      %and3A_651 = vector.broadcast %and3A_650 : i32 to vector<16xi32>
      %and3A_652 = arith.andi %bitcast3A_649, %and3A_651 : vector<16xi32>
      %shift_right_logical3A_653 = arith.constant 20 : i32
      %shift_right_logical3A_654 = vector.broadcast %shift_right_logical3A_653 : i32 to vector<16xi32>
      %shift_right_logical3A_655 = arith.shrui %bitcast3A_649, %shift_right_logical3A_654 : vector<16xi32>
      %get3A_656 = arith.constant 28672 : index
      %get3A_657 = tpu.vector_load %arg4[%get3A_656] {strides = array<i32>} : memref<32768xf32, #tpu.memory_space<vmem>>, vector<16xf32>,
      %bitcast3A_658 = vector.bitcast %get3A_657 : vector<16xf32> to vector<16xi32>
      %and3A_659 = arith.constant 1023 : i32
      %and3A_660 = vector.broadcast %and3A_659 : i32 to vector<16xi32>
      %and3A_661 = arith.andi %bitcast3A_658, %and3A_660 : vector<16xi32>
      %shift_right_logical3A_662 = arith.constant 20 : i32
      %shift_right_logical3A_663 = vector.broadcast %shift_right_logical3A_662 : i32 to vector<16xi32>
      %shift_right_logical3A_664 = arith.shrui %bitcast3A_658, %shift_right_logical3A_663 : vector<16xi32>
      %scan3A_665 = arith.constant 0 : i32
      %scan3A_666 = arith.constant 255 : i32
      %scan3A_667 = arith.addi %scan3A_665, %scan3A_666 : i32
      %scan3A_668 = arith.constant 1 : i32
      %scan3A_669:16 = scf.for %scan3A_754 = %scan3A_665 to %scan3A_667 step %scan3A_668 iter_args(%scan3A_755 = %and3A_598, %scan3A_756 = %and3A_607, %scan3A_757 = %and3A_616, %scan3A_758 = %and3A_625, %scan3A_759 = %and3A_634, %scan3A_760 = %and3A_643, %scan3A_761 = %and3A_652, %scan3A_762 = %and3A_661, %scan3A_763 = %shift_right_logical3A_601, %scan3A_764 = %shift_right_logical3A_610, %scan3A_765 = %shift_right_logical3A_619, %scan3A_766 = %shift_right_logical3A_628, %scan3A_767 = %shift_right_logical3A_637, %scan3A_768 = %shift_right_logical3A_646, %scan3A_769 = %shift_right_logical3A_655, %scan3A_770 = %shift_right_logical3A_664) -> (vector<16xi32>, vector<16xi32>, vector<16xi32>, vector<16xi32>, vector<16xi32>, vector<16xi32>, vector<16xi32>, vector<16xi32>, vector<16xi32>, vector<16xi32>, vector<16xi32>, vector<16xi32>, vector<16xi32>, vector<16xi32>, vector<16xi32>, vector<16xi32>)  : i32 {
        %add3A_771 = arith.constant 1 : i32
        %add3A_772 = arith.addi %scan3A_754, %add3A_771 : i32
        %mul3A_773 = arith.constant 16 : i32
        %mul3A_774 = arith.muli %add3A_772, %mul3A_773 : i32
        %add3A_775 = arith.constant 0 : i32
        %add3A_776 = arith.addi %add3A_775, %mul3A_774 : i32
        %get3A_777 = arith.index_cast %add3A_776 : i32 to index
        %get3A_778 = tpu.vector_load %arg4[%get3A_777] {strides = array<i32>} : memref<32768xf32, #tpu.memory_space<vmem>>, vector<16xf32>,
        %bitcast3A_779 = vector.bitcast %get3A_778 : vector<16xf32> to vector<16xi32>
        %and3A_780 = arith.constant 1023 : i32
        %and3A_781 = vector.broadcast %and3A_780 : i32 to vector<16xi32>
        %and3A_782 = arith.andi %bitcast3A_779, %and3A_781 : vector<16xi32>
        %shift_right_logical3A_783 = arith.constant 20 : i32
        %shift_right_logical3A_784 = vector.broadcast %shift_right_logical3A_783 : i32 to vector<16xi32>
        %shift_right_logical3A_785 = arith.shrui %bitcast3A_779, %shift_right_logical3A_784 : vector<16xi32>
        %mul3A_786 = arith.constant 16 : i32
        %mul3A_787 = arith.muli %add3A_772, %mul3A_786 : i32
        %add3A_788 = arith.constant 4096 : i32
        %add3A_789 = arith.addi %add3A_788, %mul3A_787 : i32
        %get3A_790 = arith.index_cast %add3A_789 : i32 to index
        %get3A_791 = tpu.vector_load %arg4[%get3A_790] {strides = array<i32>} : memref<32768xf32, #tpu.memory_space<vmem>>, vector<16xf32>,
        %bitcast3A_792 = vector.bitcast %get3A_791 : vector<16xf32> to vector<16xi32>
        %and3A_793 = arith.constant 1023 : i32
        %and3A_794 = vector.broadcast %and3A_793 : i32 to vector<16xi32>
        %and3A_795 = arith.andi %bitcast3A_792, %and3A_794 : vector<16xi32>
        %shift_right_logical3A_796 = arith.constant 20 : i32
        %shift_right_logical3A_797 = vector.broadcast %shift_right_logical3A_796 : i32 to vector<16xi32>
        %shift_right_logical3A_798 = arith.shrui %bitcast3A_792, %shift_right_logical3A_797 : vector<16xi32>
        %mul3A_799 = arith.constant 16 : i32
        %mul3A_800 = arith.muli %add3A_772, %mul3A_799 : i32
        %add3A_801 = arith.constant 8192 : i32
        %add3A_802 = arith.addi %add3A_801, %mul3A_800 : i32
        %get3A_803 = arith.index_cast %add3A_802 : i32 to index
        %get3A_804 = tpu.vector_load %arg4[%get3A_803] {strides = array<i32>} : memref<32768xf32, #tpu.memory_space<vmem>>, vector<16xf32>,
        %bitcast3A_805 = vector.bitcast %get3A_804 : vector<16xf32> to vector<16xi32>
        %and3A_806 = arith.constant 1023 : i32
        %and3A_807 = vector.broadcast %and3A_806 : i32 to vector<16xi32>
        %and3A_808 = arith.andi %bitcast3A_805, %and3A_807 : vector<16xi32>
        %shift_right_logical3A_809 = arith.constant 20 : i32
        %shift_right_logical3A_810 = vector.broadcast %shift_right_logical3A_809 : i32 to vector<16xi32>
        %shift_right_logical3A_811 = arith.shrui %bitcast3A_805, %shift_right_logical3A_810 : vector<16xi32>
        %mul3A_812 = arith.constant 16 : i32
        %mul3A_813 = arith.muli %add3A_772, %mul3A_812 : i32
        %add3A_814 = arith.constant 12288 : i32
        %add3A_815 = arith.addi %add3A_814, %mul3A_813 : i32
        %get3A_816 = arith.index_cast %add3A_815 : i32 to index
        %get3A_817 = tpu.vector_load %arg4[%get3A_816] {strides = array<i32>} : memref<32768xf32, #tpu.memory_space<vmem>>, vector<16xf32>,
        %bitcast3A_818 = vector.bitcast %get3A_817 : vector<16xf32> to vector<16xi32>
        %and3A_819 = arith.constant 1023 : i32
        %and3A_820 = vector.broadcast %and3A_819 : i32 to vector<16xi32>
        %and3A_821 = arith.andi %bitcast3A_818, %and3A_820 : vector<16xi32>
        %shift_right_logical3A_822 = arith.constant 20 : i32
        %shift_right_logical3A_823 = vector.broadcast %shift_right_logical3A_822 : i32 to vector<16xi32>
        %shift_right_logical3A_824 = arith.shrui %bitcast3A_818, %shift_right_logical3A_823 : vector<16xi32>
        %mul3A_825 = arith.constant 16 : i32
        %mul3A_826 = arith.muli %add3A_772, %mul3A_825 : i32
        %add3A_827 = arith.constant 16384 : i32
        %add3A_828 = arith.addi %add3A_827, %mul3A_826 : i32
        %get3A_829 = arith.index_cast %add3A_828 : i32 to index
        %get3A_830 = tpu.vector_load %arg4[%get3A_829] {strides = array<i32>} : memref<32768xf32, #tpu.memory_space<vmem>>, vector<16xf32>,
        %bitcast3A_831 = vector.bitcast %get3A_830 : vector<16xf32> to vector<16xi32>
        %and3A_832 = arith.constant 1023 : i32
        %and3A_833 = vector.broadcast %and3A_832 : i32 to vector<16xi32>
        %and3A_834 = arith.andi %bitcast3A_831, %and3A_833 : vector<16xi32>
        %shift_right_logical3A_835 = arith.constant 20 : i32
        %shift_right_logical3A_836 = vector.broadcast %shift_right_logical3A_835 : i32 to vector<16xi32>
        %shift_right_logical3A_837 = arith.shrui %bitcast3A_831, %shift_right_logical3A_836 : vector<16xi32>
        %mul3A_838 = arith.constant 16 : i32
        %mul3A_839 = arith.muli %add3A_772, %mul3A_838 : i32
        %add3A_840 = arith.constant 20480 : i32
        %add3A_841 = arith.addi %add3A_840, %mul3A_839 : i32
        %get3A_842 = arith.index_cast %add3A_841 : i32 to index
        %get3A_843 = tpu.vector_load %arg4[%get3A_842] {strides = array<i32>} : memref<32768xf32, #tpu.memory_space<vmem>>, vector<16xf32>,
        %bitcast3A_844 = vector.bitcast %get3A_843 : vector<16xf32> to vector<16xi32>
        %and3A_845 = arith.constant 1023 : i32
        %and3A_846 = vector.broadcast %and3A_845 : i32 to vector<16xi32>
        %and3A_847 = arith.andi %bitcast3A_844, %and3A_846 : vector<16xi32>
        %shift_right_logical3A_848 = arith.constant 20 : i32
        %shift_right_logical3A_849 = vector.broadcast %shift_right_logical3A_848 : i32 to vector<16xi32>
        %shift_right_logical3A_850 = arith.shrui %bitcast3A_844, %shift_right_logical3A_849 : vector<16xi32>
        %mul3A_851 = arith.constant 16 : i32
        %mul3A_852 = arith.muli %add3A_772, %mul3A_851 : i32
        %add3A_853 = arith.constant 24576 : i32
        %add3A_854 = arith.addi %add3A_853, %mul3A_852 : i32
        %get3A_855 = arith.index_cast %add3A_854 : i32 to index
        %get3A_856 = tpu.vector_load %arg4[%get3A_855] {strides = array<i32>} : memref<32768xf32, #tpu.memory_space<vmem>>, vector<16xf32>,
        %bitcast3A_857 = vector.bitcast %get3A_856 : vector<16xf32> to vector<16xi32>
        %and3A_858 = arith.constant 1023 : i32
        %and3A_859 = vector.broadcast %and3A_858 : i32 to vector<16xi32>
        %and3A_860 = arith.andi %bitcast3A_857, %and3A_859 : vector<16xi32>
        %shift_right_logical3A_861 = arith.constant 20 : i32
        %shift_right_logical3A_862 = vector.broadcast %shift_right_logical3A_861 : i32 to vector<16xi32>
        %shift_right_logical3A_863 = arith.shrui %bitcast3A_857, %shift_right_logical3A_862 : vector<16xi32>
        %mul3A_864 = arith.constant 16 : i32
        %mul3A_865 = arith.muli %add3A_772, %mul3A_864 : i32
        %add3A_866 = arith.constant 28672 : i32
        %add3A_867 = arith.addi %add3A_866, %mul3A_865 : i32
        %get3A_868 = arith.index_cast %add3A_867 : i32 to index
        %get3A_869 = tpu.vector_load %arg4[%get3A_868] {strides = array<i32>} : memref<32768xf32, #tpu.memory_space<vmem>>, vector<16xf32>,
        %bitcast3A_870 = vector.bitcast %get3A_869 : vector<16xf32> to vector<16xi32>
        %and3A_871 = arith.constant 1023 : i32
        %and3A_872 = vector.broadcast %and3A_871 : i32 to vector<16xi32>
        %and3A_873 = arith.andi %bitcast3A_870, %and3A_872 : vector<16xi32>
        %shift_right_logical3A_874 = arith.constant 20 : i32
        %shift_right_logical3A_875 = vector.broadcast %shift_right_logical3A_874 : i32 to vector<16xi32>
        %shift_right_logical3A_876 = arith.shrui %bitcast3A_870, %shift_right_logical3A_875 : vector<16xi32>
        %broadcast_in_dim3A_877 = arith.constant true
        %broadcast_in_dim3A_878 = vector.broadcast %broadcast_in_dim3A_877 : i1 to vector<16xi1>
        %unique3A_879, %unique3A_880 = tpu.scan_count mask(%broadcast_in_dim3A_878 : vector<16xi1>) value(%scan3A_755 : vector<16xi32>) : vector<16xi1>, vector<16xi32>
        %broadcast_in_dim3A_881 = arith.constant true
        %broadcast_in_dim3A_882 = vector.broadcast %broadcast_in_dim3A_881 : i1 to vector<16xi1>
        %unique3A_883, %unique3A_884 = tpu.scan_count mask(%broadcast_in_dim3A_882 : vector<16xi1>) value(%scan3A_756 : vector<16xi32>) : vector<16xi1>, vector<16xi32>
        %broadcast_in_dim3A_885 = arith.constant true
        %broadcast_in_dim3A_886 = vector.broadcast %broadcast_in_dim3A_885 : i1 to vector<16xi1>
        %unique3A_887, %unique3A_888 = tpu.scan_count mask(%broadcast_in_dim3A_886 : vector<16xi1>) value(%scan3A_757 : vector<16xi32>) : vector<16xi1>, vector<16xi32>
        %broadcast_in_dim3A_889 = arith.constant true
        %broadcast_in_dim3A_890 = vector.broadcast %broadcast_in_dim3A_889 : i1 to vector<16xi1>
        %unique3A_891, %unique3A_892 = tpu.scan_count mask(%broadcast_in_dim3A_890 : vector<16xi1>) value(%scan3A_758 : vector<16xi32>) : vector<16xi1>, vector<16xi32>
        %broadcast_in_dim3A_893 = arith.constant true
        %broadcast_in_dim3A_894 = vector.broadcast %broadcast_in_dim3A_893 : i1 to vector<16xi1>
        %unique3A_895, %unique3A_896 = tpu.scan_count mask(%broadcast_in_dim3A_894 : vector<16xi1>) value(%scan3A_759 : vector<16xi32>) : vector<16xi1>, vector<16xi32>
        %broadcast_in_dim3A_897 = arith.constant true
        %broadcast_in_dim3A_898 = vector.broadcast %broadcast_in_dim3A_897 : i1 to vector<16xi1>
        %unique3A_899, %unique3A_900 = tpu.scan_count mask(%broadcast_in_dim3A_898 : vector<16xi1>) value(%scan3A_760 : vector<16xi32>) : vector<16xi1>, vector<16xi32>
        %broadcast_in_dim3A_901 = arith.constant true
        %broadcast_in_dim3A_902 = vector.broadcast %broadcast_in_dim3A_901 : i1 to vector<16xi1>
        %unique3A_903, %unique3A_904 = tpu.scan_count mask(%broadcast_in_dim3A_902 : vector<16xi1>) value(%scan3A_761 : vector<16xi32>) : vector<16xi1>, vector<16xi32>
        %broadcast_in_dim3A_905 = arith.constant true
        %broadcast_in_dim3A_906 = vector.broadcast %broadcast_in_dim3A_905 : i1 to vector<16xi1>
        %unique3A_907, %unique3A_908 = tpu.scan_count mask(%broadcast_in_dim3A_906 : vector<16xi1>) value(%scan3A_762 : vector<16xi32>) : vector<16xi1>, vector<16xi32>
        %gather3A_909 = tpu.vector_load_idx %arg9[%scan3A_755] : memref<2048xi32, #tpu.memory_space<vmem>>[vector<16xi32>], vector<16xi32>,
        %gather3A_910 = tpu.vector_load_idx %arg10[%scan3A_756] : memref<2048xi32, #tpu.memory_space<vmem>>[vector<16xi32>], vector<16xi32>,
        %gather3A_911 = tpu.vector_load_idx %arg11[%scan3A_757] : memref<2048xi32, #tpu.memory_space<vmem>>[vector<16xi32>], vector<16xi32>,
        %gather3A_912 = tpu.vector_load_idx %arg12[%scan3A_758] : memref<2048xi32, #tpu.memory_space<vmem>>[vector<16xi32>], vector<16xi32>,
        %gather3A_913 = tpu.vector_load_idx %arg13[%scan3A_759] : memref<2048xi32, #tpu.memory_space<vmem>>[vector<16xi32>], vector<16xi32>,
        %gather3A_914 = tpu.vector_load_idx %arg14[%scan3A_760] : memref<2048xi32, #tpu.memory_space<vmem>>[vector<16xi32>], vector<16xi32>,
        %gather3A_915 = tpu.vector_load_idx %arg15[%scan3A_761] : memref<2048xi32, #tpu.memory_space<vmem>>[vector<16xi32>], vector<16xi32>,
        %gather3A_916 = tpu.vector_load_idx %arg16[%scan3A_762] : memref<2048xi32, #tpu.memory_space<vmem>>[vector<16xi32>], vector<16xi32>,
        %add3A_917 = arith.addi %gather3A_909, %unique3A_880 : vector<16xi32>
        %sub3A_918 = arith.constant 1 : i32
        %sub3A_919 = vector.broadcast %sub3A_918 : i32 to vector<16xi32>
        %sub3A_920 = arith.subi %add3A_917, %sub3A_919 : vector<16xi32>
        %add3A_921 = arith.addi %gather3A_910, %unique3A_884 : vector<16xi32>
        %sub3A_922 = arith.constant 1 : i32
        %sub3A_923 = vector.broadcast %sub3A_922 : i32 to vector<16xi32>
        %sub3A_924 = arith.subi %add3A_921, %sub3A_923 : vector<16xi32>
        %add3A_925 = arith.addi %gather3A_911, %unique3A_888 : vector<16xi32>
        %sub3A_926 = arith.constant 1 : i32
        %sub3A_927 = vector.broadcast %sub3A_926 : i32 to vector<16xi32>
        %sub3A_928 = arith.subi %add3A_925, %sub3A_927 : vector<16xi32>
        %add3A_929 = arith.addi %gather3A_912, %unique3A_892 : vector<16xi32>
        %sub3A_930 = arith.constant 1 : i32
        %sub3A_931 = vector.broadcast %sub3A_930 : i32 to vector<16xi32>
        %sub3A_932 = arith.subi %add3A_929, %sub3A_931 : vector<16xi32>
        %add3A_933 = arith.addi %gather3A_913, %unique3A_896 : vector<16xi32>
        %sub3A_934 = arith.constant 1 : i32
        %sub3A_935 = vector.broadcast %sub3A_934 : i32 to vector<16xi32>
        %sub3A_936 = arith.subi %add3A_933, %sub3A_935 : vector<16xi32>
        %add3A_937 = arith.addi %gather3A_914, %unique3A_900 : vector<16xi32>
        %sub3A_938 = arith.constant 1 : i32
        %sub3A_939 = vector.broadcast %sub3A_938 : i32 to vector<16xi32>
        %sub3A_940 = arith.subi %add3A_937, %sub3A_939 : vector<16xi32>
        %add3A_941 = arith.addi %gather3A_915, %unique3A_904 : vector<16xi32>
        %sub3A_942 = arith.constant 1 : i32
        %sub3A_943 = vector.broadcast %sub3A_942 : i32 to vector<16xi32>
        %sub3A_944 = arith.subi %add3A_941, %sub3A_943 : vector<16xi32>
        %add3A_945 = arith.addi %gather3A_916, %unique3A_908 : vector<16xi32>
        %sub3A_946 = arith.constant 1 : i32
        %sub3A_947 = vector.broadcast %sub3A_946 : i32 to vector<16xi32>
        %sub3A_948 = arith.subi %add3A_945, %sub3A_947 : vector<16xi32>
        tpu.vector_store_idx %arg5[%sub3A_920], %scan3A_763 : memref<32768xi32, #tpu.memory_space<vmem>>[vector<16xi32>], vector<16xi32>,
        tpu.vector_store_idx %arg9[%scan3A_755], %unique3A_880 masked %unique3A_879 {add = true} : memref<2048xi32, #tpu.memory_space<vmem>>[vector<16xi32>], vector<16xi32>, vector<16xi1>
        tpu.vector_store_idx %arg5[%sub3A_924], %scan3A_764 : memref<32768xi32, #tpu.memory_space<vmem>>[vector<16xi32>], vector<16xi32>,
        tpu.vector_store_idx %arg10[%scan3A_756], %unique3A_884 masked %unique3A_883 {add = true} : memref<2048xi32, #tpu.memory_space<vmem>>[vector<16xi32>], vector<16xi32>, vector<16xi1>
        tpu.vector_store_idx %arg5[%sub3A_928], %scan3A_765 : memref<32768xi32, #tpu.memory_space<vmem>>[vector<16xi32>], vector<16xi32>,
        tpu.vector_store_idx %arg11[%scan3A_757], %unique3A_888 masked %unique3A_887 {add = true} : memref<2048xi32, #tpu.memory_space<vmem>>[vector<16xi32>], vector<16xi32>, vector<16xi1>
        tpu.vector_store_idx %arg5[%sub3A_932], %scan3A_766 : memref<32768xi32, #tpu.memory_space<vmem>>[vector<16xi32>], vector<16xi32>,
        tpu.vector_store_idx %arg12[%scan3A_758], %unique3A_892 masked %unique3A_891 {add = true} : memref<2048xi32, #tpu.memory_space<vmem>>[vector<16xi32>], vector<16xi32>, vector<16xi1>
        tpu.vector_store_idx %arg5[%sub3A_936], %scan3A_767 : memref<32768xi32, #tpu.memory_space<vmem>>[vector<16xi32>], vector<16xi32>,
        tpu.vector_store_idx %arg13[%scan3A_759], %unique3A_896 masked %unique3A_895 {add = true} : memref<2048xi32, #tpu.memory_space<vmem>>[vector<16xi32>], vector<16xi32>, vector<16xi1>
        tpu.vector_store_idx %arg5[%sub3A_940], %scan3A_768 : memref<32768xi32, #tpu.memory_space<vmem>>[vector<16xi32>], vector<16xi32>,
        tpu.vector_store_idx %arg14[%scan3A_760], %unique3A_900 masked %unique3A_899 {add = true} : memref<2048xi32, #tpu.memory_space<vmem>>[vector<16xi32>], vector<16xi32>, vector<16xi1>
        tpu.vector_store_idx %arg5[%sub3A_944], %scan3A_769 : memref<32768xi32, #tpu.memory_space<vmem>>[vector<16xi32>], vector<16xi32>,
        tpu.vector_store_idx %arg15[%scan3A_761], %unique3A_904 masked %unique3A_903 {add = true} : memref<2048xi32, #tpu.memory_space<vmem>>[vector<16xi32>], vector<16xi32>, vector<16xi1>
        tpu.vector_store_idx %arg5[%sub3A_948], %scan3A_770 : memref<32768xi32, #tpu.memory_space<vmem>>[vector<16xi32>], vector<16xi32>,
        tpu.vector_store_idx %arg16[%scan3A_762], %unique3A_908 masked %unique3A_907 {add = true} : memref<2048xi32, #tpu.memory_space<vmem>>[vector<16xi32>], vector<16xi32>, vector<16xi1>
        scf.yield %and3A_782, %and3A_795, %and3A_808, %and3A_821, %and3A_834, %and3A_847, %and3A_860, %and3A_873, %shift_right_logical3A_785, %shift_right_logical3A_798, %shift_right_logical3A_811, %shift_right_logical3A_824, %shift_right_logical3A_837, %shift_right_logical3A_850, %shift_right_logical3A_863, %shift_right_logical3A_876 : vector<16xi32>, vector<16xi32>, vector<16xi32>, vector<16xi32>, vector<16xi32>, vector<16xi32>, vector<16xi32>, vector<16xi32>, vector<16xi32>, vector<16xi32>, vector<16xi32>, vector<16xi32>, vector<16xi32>, vector<16xi32>, vector<16xi32>, vector<16xi32>
      }
      %scan3A_670 = arith.constant 255 : i32
      %broadcast_in_dim3A_671 = arith.constant true
      %broadcast_in_dim3A_672 = vector.broadcast %broadcast_in_dim3A_671 : i1 to vector<16xi1>
      %unique3A_673, %unique3A_674 = tpu.scan_count mask(%broadcast_in_dim3A_672 : vector<16xi1>) value(%scan3A_669#0 : vector<16xi32>) : vector<16xi1>, vector<16xi32>
      %broadcast_in_dim3A_675 = arith.constant true
      %broadcast_in_dim3A_676 = vector.broadcast %broadcast_in_dim3A_675 : i1 to vector<16xi1>
      %unique3A_677, %unique3A_678 = tpu.scan_count mask(%broadcast_in_dim3A_676 : vector<16xi1>) value(%scan3A_669#1 : vector<16xi32>) : vector<16xi1>, vector<16xi32>
      %broadcast_in_dim3A_679 = arith.constant true
      %broadcast_in_dim3A_680 = vector.broadcast %broadcast_in_dim3A_679 : i1 to vector<16xi1>
      %unique3A_681, %unique3A_682 = tpu.scan_count mask(%broadcast_in_dim3A_680 : vector<16xi1>) value(%scan3A_669#2 : vector<16xi32>) : vector<16xi1>, vector<16xi32>
      %broadcast_in_dim3A_683 = arith.constant true
      %broadcast_in_dim3A_684 = vector.broadcast %broadcast_in_dim3A_683 : i1 to vector<16xi1>
      %unique3A_685, %unique3A_686 = tpu.scan_count mask(%broadcast_in_dim3A_684 : vector<16xi1>) value(%scan3A_669#3 : vector<16xi32>) : vector<16xi1>, vector<16xi32>
      %broadcast_in_dim3A_687 = arith.constant true
      %broadcast_in_dim3A_688 = vector.broadcast %broadcast_in_dim3A_687 : i1 to vector<16xi1>
      %unique3A_689, %unique3A_690 = tpu.scan_count mask(%broadcast_in_dim3A_688 : vector<16xi1>) value(%scan3A_669#4 : vector<16xi32>) : vector<16xi1>, vector<16xi32>
      %broadcast_in_dim3A_691 = arith.constant true
      %broadcast_in_dim3A_692 = vector.broadcast %broadcast_in_dim3A_691 : i1 to vector<16xi1>
      %unique3A_693, %unique3A_694 = tpu.scan_count mask(%broadcast_in_dim3A_692 : vector<16xi1>) value(%scan3A_669#5 : vector<16xi32>) : vector<16xi1>, vector<16xi32>
      %broadcast_in_dim3A_695 = arith.constant true
      %broadcast_in_dim3A_696 = vector.broadcast %broadcast_in_dim3A_695 : i1 to vector<16xi1>
      %unique3A_697, %unique3A_698 = tpu.scan_count mask(%broadcast_in_dim3A_696 : vector<16xi1>) value(%scan3A_669#6 : vector<16xi32>) : vector<16xi1>, vector<16xi32>
      %broadcast_in_dim3A_699 = arith.constant true
      %broadcast_in_dim3A_700 = vector.broadcast %broadcast_in_dim3A_699 : i1 to vector<16xi1>
      %unique3A_701, %unique3A_702 = tpu.scan_count mask(%broadcast_in_dim3A_700 : vector<16xi1>) value(%scan3A_669#7 : vector<16xi32>) : vector<16xi1>, vector<16xi32>
      %gather3A_703 = tpu.vector_load_idx %arg9[%scan3A_669#0] : memref<2048xi32, #tpu.memory_space<vmem>>[vector<16xi32>], vector<16xi32>,
      %gather3A_704 = tpu.vector_load_idx %arg10[%scan3A_669#1] : memref<2048xi32, #tpu.memory_space<vmem>>[vector<16xi32>], vector<16xi32>,
      %gather3A_705 = tpu.vector_load_idx %arg11[%scan3A_669#2] : memref<2048xi32, #tpu.memory_space<vmem>>[vector<16xi32>], vector<16xi32>,
      %gather3A_706 = tpu.vector_load_idx %arg12[%scan3A_669#3] : memref<2048xi32, #tpu.memory_space<vmem>>[vector<16xi32>], vector<16xi32>,
      %gather3A_707 = tpu.vector_load_idx %arg13[%scan3A_669#4] : memref<2048xi32, #tpu.memory_space<vmem>>[vector<16xi32>], vector<16xi32>,
      %gather3A_708 = tpu.vector_load_idx %arg14[%scan3A_669#5] : memref<2048xi32, #tpu.memory_space<vmem>>[vector<16xi32>], vector<16xi32>,
      %gather3A_709 = tpu.vector_load_idx %arg15[%scan3A_669#6] : memref<2048xi32, #tpu.memory_space<vmem>>[vector<16xi32>], vector<16xi32>,
      %gather3A_710 = tpu.vector_load_idx %arg16[%scan3A_669#7] : memref<2048xi32, #tpu.memory_space<vmem>>[vector<16xi32>], vector<16xi32>,
      %add3A_711 = arith.addi %gather3A_703, %unique3A_674 : vector<16xi32>
      %sub3A_712 = arith.constant 1 : i32
      %sub3A_713 = vector.broadcast %sub3A_712 : i32 to vector<16xi32>
      %sub3A_714 = arith.subi %add3A_711, %sub3A_713 : vector<16xi32>
      %add3A_715 = arith.addi %gather3A_704, %unique3A_678 : vector<16xi32>
      %sub3A_716 = arith.constant 1 : i32
      %sub3A_717 = vector.broadcast %sub3A_716 : i32 to vector<16xi32>
      %sub3A_718 = arith.subi %add3A_715, %sub3A_717 : vector<16xi32>
      %add3A_719 = arith.addi %gather3A_705, %unique3A_682 : vector<16xi32>
      %sub3A_720 = arith.constant 1 : i32
      %sub3A_721 = vector.broadcast %sub3A_720 : i32 to vector<16xi32>
      %sub3A_722 = arith.subi %add3A_719, %sub3A_721 : vector<16xi32>
      %add3A_723 = arith.addi %gather3A_706, %unique3A_686 : vector<16xi32>
      %sub3A_724 = arith.constant 1 : i32
      %sub3A_725 = vector.broadcast %sub3A_724 : i32 to vector<16xi32>
      %sub3A_726 = arith.subi %add3A_723, %sub3A_725 : vector<16xi32>
      %add3A_727 = arith.addi %gather3A_707, %unique3A_690 : vector<16xi32>
      %sub3A_728 = arith.constant 1 : i32
      %sub3A_729 = vector.broadcast %sub3A_728 : i32 to vector<16xi32>
      %sub3A_730 = arith.subi %add3A_727, %sub3A_729 : vector<16xi32>
      %add3A_731 = arith.addi %gather3A_708, %unique3A_694 : vector<16xi32>
      %sub3A_732 = arith.constant 1 : i32
      %sub3A_733 = vector.broadcast %sub3A_732 : i32 to vector<16xi32>
      %sub3A_734 = arith.subi %add3A_731, %sub3A_733 : vector<16xi32>
      %add3A_735 = arith.addi %gather3A_709, %unique3A_698 : vector<16xi32>
      %sub3A_736 = arith.constant 1 : i32
      %sub3A_737 = vector.broadcast %sub3A_736 : i32 to vector<16xi32>
      %sub3A_738 = arith.subi %add3A_735, %sub3A_737 : vector<16xi32>
      %add3A_739 = arith.addi %gather3A_710, %unique3A_702 : vector<16xi32>
      %sub3A_740 = arith.constant 1 : i32
      %sub3A_741 = vector.broadcast %sub3A_740 : i32 to vector<16xi32>
      %sub3A_742 = arith.subi %add3A_739, %sub3A_741 : vector<16xi32>
      tpu.vector_store_idx %arg5[%sub3A_714], %scan3A_669#8 : memref<32768xi32, #tpu.memory_space<vmem>>[vector<16xi32>], vector<16xi32>,
      tpu.vector_store_idx %arg9[%scan3A_669#0], %unique3A_674 masked %unique3A_673 {add = true} : memref<2048xi32, #tpu.memory_space<vmem>>[vector<16xi32>], vector<16xi32>, vector<16xi1>
      tpu.vector_store_idx %arg5[%sub3A_718], %scan3A_669#9 : memref<32768xi32, #tpu.memory_space<vmem>>[vector<16xi32>], vector<16xi32>,
      tpu.vector_store_idx %arg10[%scan3A_669#1], %unique3A_678 masked %unique3A_677 {add = true} : memref<2048xi32, #tpu.memory_space<vmem>>[vector<16xi32>], vector<16xi32>, vector<16xi1>
      tpu.vector_store_idx %arg5[%sub3A_722], %scan3A_669#10 : memref<32768xi32, #tpu.memory_space<vmem>>[vector<16xi32>], vector<16xi32>,
      tpu.vector_store_idx %arg11[%scan3A_669#2], %unique3A_682 masked %unique3A_681 {add = true} : memref<2048xi32, #tpu.memory_space<vmem>>[vector<16xi32>], vector<16xi32>, vector<16xi1>
      tpu.vector_store_idx %arg5[%sub3A_726], %scan3A_669#11 : memref<32768xi32, #tpu.memory_space<vmem>>[vector<16xi32>], vector<16xi32>,
      tpu.vector_store_idx %arg12[%scan3A_669#3], %unique3A_686 masked %unique3A_685 {add = true} : memref<2048xi32, #tpu.memory_space<vmem>>[vector<16xi32>], vector<16xi32>, vector<16xi1>
      tpu.vector_store_idx %arg5[%sub3A_730], %scan3A_669#12 : memref<32768xi32, #tpu.memory_space<vmem>>[vector<16xi32>], vector<16xi32>,
      tpu.vector_store_idx %arg13[%scan3A_669#4], %unique3A_690 masked %unique3A_689 {add = true} : memref<2048xi32, #tpu.memory_space<vmem>>[vector<16xi32>], vector<16xi32>, vector<16xi1>
      tpu.vector_store_idx %arg5[%sub3A_734], %scan3A_669#13 : memref<32768xi32, #tpu.memory_space<vmem>>[vector<16xi32>], vector<16xi32>,
      tpu.vector_store_idx %arg14[%scan3A_669#5], %unique3A_694 masked %unique3A_693 {add = true} : memref<2048xi32, #tpu.memory_space<vmem>>[vector<16xi32>], vector<16xi32>, vector<16xi1>
      tpu.vector_store_idx %arg5[%sub3A_738], %scan3A_669#14 : memref<32768xi32, #tpu.memory_space<vmem>>[vector<16xi32>], vector<16xi32>,
      tpu.vector_store_idx %arg15[%scan3A_669#6], %unique3A_698 masked %unique3A_697 {add = true} : memref<2048xi32, #tpu.memory_space<vmem>>[vector<16xi32>], vector<16xi32>, vector<16xi1>
      tpu.vector_store_idx %arg5[%sub3A_742], %scan3A_669#15 : memref<32768xi32, #tpu.memory_space<vmem>>[vector<16xi32>], vector<16xi32>,
      tpu.vector_store_idx %arg16[%scan3A_669#7], %unique3A_702 masked %unique3A_701 {add = true} : memref<2048xi32, #tpu.memory_space<vmem>>[vector<16xi32>], vector<16xi32>, vector<16xi1>
      %dma_start3A_743 = arith.constant 0 : i32
      %dma_start3A_744 = tpu.memref_slice %arg3[%add3A_31, %dma_start3A_743] : memref<128x32768xi32, #tpu.memory_space<hbm>> -> memref<1x32768xi32, #tpu.memory_space<hbm>>
      %dma_start3A_745 = tpu.memref_squeeze %dma_start3A_744 : memref<1x32768xi32, #tpu.memory_space<hbm>> -> memref<32768xi32, #tpu.memory_space<hbm>>
      %dma_start3A_746 = arith.constant 0 : i32
      %dma_start3A_747 = tpu.memref_slice %arg3[%add3A_31, %dma_start3A_746] : memref<128x32768xi32, #tpu.memory_space<hbm>> -> memref<1x32768xi32, #tpu.memory_space<hbm>>
      %dma_start3A_748 = tpu.memref_squeeze %dma_start3A_747 : memref<1x32768xi32, #tpu.memory_space<hbm>> -> memref<32768xi32, #tpu.memory_space<hbm>>
      tpu.enqueue_dma source(%arg5 : memref<32768xi32, #tpu.memory_space<vmem>>) target(%dma_start3A_748 : memref<32768xi32, #tpu.memory_space<hbm>>) target_semaphore(%arg8 : memref<!tpu.dma_semaphore, #tpu.memory_space<semaphore_mem>>)
      %lt3A = arith.constant 3 : i32
      %lt3A_749 = arith.cmpi slt, %scan3A_27, %lt3A : i32
      %convert_element_type3A_750 = arith.extui %lt3A_749 : i1 to i32
      %cond3A_751 = arith.constant 0 : i32
      %cond3A_752 = arith.cmpi ne, %convert_element_type3A_750, %cond3A_751 : i32
      scf.if %cond3A_752 {
        %add3A_754 = arith.constant 1 : i32
        %add3A_755 = arith.addi %add3A_31, %add3A_754 : i32
        %dma_start3A_756 = arith.constant 0 : i32
        %dma_start3A_757 = tpu.memref_slice %arg2[%add3A_755, %dma_start3A_756] : memref<128x32768xf32, #tpu.memory_space<hbm>> -> memref<1x32768xf32, #tpu.memory_space<hbm>>
        %dma_start3A_758 = tpu.memref_squeeze %dma_start3A_757 : memref<1x32768xf32, #tpu.memory_space<hbm>> -> memref<32768xf32, #tpu.memory_space<hbm>>
        %dma_start3A_759 = arith.constant 0 : i32
        %dma_start3A_760 = tpu.memref_slice %arg2[%add3A_755, %dma_start3A_759] : memref<128x32768xf32, #tpu.memory_space<hbm>> -> memref<1x32768xf32, #tpu.memory_space<hbm>>
        %dma_start3A_761 = tpu.memref_squeeze %dma_start3A_760 : memref<1x32768xf32, #tpu.memory_space<hbm>> -> memref<32768xf32, #tpu.memory_space<hbm>>
        tpu.enqueue_dma source(%dma_start3A_761 : memref<32768xf32, #tpu.memory_space<hbm>>) target(%arg4 : memref<32768xf32, #tpu.memory_space<vmem>>) target_semaphore(%arg7 : memref<!tpu.dma_semaphore, #tpu.memory_space<semaphore_mem>>)
      } else {
      }
      %scan3A_753 = arith.constant 0 : i32
      scf.yield %scan3A_753 : i32
    }
    %scan3A_16 = arith.constant 4 : i32
    %mul3A_17 = arith.constant 4 : i32
    %mul3A_18 = arith.muli %add3A, %mul3A_17 : i32
    %add3A_19 = arith.constant 4 : i32
    %add3A_20 = arith.addi %mul3A_18, %add3A_19 : i32
    %sub3A = arith.constant 1 : i32
    %sub3A_21 = arith.subi %add3A_20, %sub3A : i32
    %dma_wait3A = arith.constant 0 : i32
    %dma_wait3A_22 = tpu.memref_slice %arg3[%sub3A_21, %dma_wait3A] : memref<128x32768xi32, #tpu.memory_space<hbm>> -> memref<1x32768xi32, #tpu.memory_space<hbm>>
    %dma_wait3A_23 = tpu.memref_squeeze %dma_wait3A_22 : memref<1x32768xi32, #tpu.memory_space<hbm>> -> memref<32768xi32, #tpu.memory_space<hbm>>
    %dma_wait3A_24 = arith.constant 0 : i32
    %dma_wait3A_25 = tpu.memref_slice %arg3[%sub3A_21, %dma_wait3A_24] : memref<128x32768xi32, #tpu.memory_space<hbm>> -> memref<1x32768xi32, #tpu.memory_space<hbm>>
    %dma_wait3A_26 = tpu.memref_squeeze %dma_wait3A_25 : memref<1x32768xi32, #tpu.memory_space<hbm>> -> memref<32768xi32, #tpu.memory_space<hbm>>
    tpu.wait_dma2 semaphore(%arg8 : memref<!tpu.dma_semaphore, #tpu.memory_space<semaphore_mem>>) src(%arg5 : memref<32768xi32, #tpu.memory_space<vmem>>) dst(%dma_wait3A_26 : memref<32768xi32, #tpu.memory_space<hbm>>)
    return
  }
}

</mosaic_0001>

<sc_bundles>
// kernel: _feature_select.3.cloned.1.call-start
scs
__scs_entry_jumppad:
0x0: {  	(pc) =	sbr.rel $0x88, $3  }
0x1: {  	(tag) =	ssettag $0x0;
	lr =	simm.s32 $0x1  }
0x2: {  	[smem:$0x3FA0] =	sst lr;
	_ =	strace $0xD0000000  }
0x3: {  	_ = 	snop  }
0x4: {  	_ = 	snop  }
0x5: {  	_ = 	snop  }
0x6: {  	_ = 	snop  }
0x7: {  	_ = 	snop  }
__scs_overlays_trampoline_lowered:
0x8: {  	[smem:$0x3FAF] =	sst s0  }
0x9: {  	[smem:$0x3FB0] =	sst s1  }
0xa: {  	[smem:$0x3FB1] =	sst s2  }
0xb: {  	[smem:$0x3FB2] =	sst s3  }
0xc: {  	[smem:$0x3FB3] =	sst s4  }
0xd: {  	[smem:$0x3FB4] =	sst s5  }
0xe: {  	[smem:$0x3FB5] =	sst s6  }
0xf: {  	[smem:$0x3FB6] =	sst s7  }
0x10: {  	[smem:$0x3FB7] =	sst s8  }
0x11: {  	[smem:$0x3FB8] =	sst s9;
	s0 =	simm.s32 @!p0 $0x0  }
0x12: {  	s1 =	sld [smem:$0x3F9E];
	s0 =	simm.s32 @p0 $0x1  }
0x13: {  	[smem:$0x3FB9] =	sst s0;
	s0 =	simm.s32 @!p1 $0x0  }
0x14: {  	s2 =	sld [smem:$0x3F9D];
	s0 =	simm.s32 @p1 $0x1  }
0x15: {  	[smem:$0x3FBA] =	sst s0;
	s0 =	simm.s32 @!p2 $0x0  }
0x16: {  	s3 =	sld [smem:$0x3FDB];
	s0 =	simm.s32 @p2 $0x1  }
0x17: {  	s4 =	simm.s32 $0x1BF5;
	[smem:$0x3FBC] =	sst s0  }
0x18: {  	s0 =	sld [smem:$0x3F9F];
	_ =	swait.ge [sflag:s4], $0x0  }
0x19: {  	s7 =	sld [smem:$0x3FA0]  }
0x1a: {  	s8 =	sadd.s32 $0xFFFFE003, lr  }
0x1b: {  	s9 =	sadd.s32 $0xFFFFFEF7, lr;
	s5 =	simm.s32 $0xFFFFFFFF;
	p2 =	slt.u32 s8, $0xFFFFF086  }
0x1c: {  	p1 =	slt.u32 s9, $0xF7A;
	s5 =	simm.s32 @!p2 $0x0  }
0x1d: {  	s5 =	simm.s32 @p1 $0x1;
	p0 =	seq.s32 s7, s2  }
0x1e: {  	s7 =	smul.u32 @!p0 $0xF7A, s2;
	p2 =	seq.s32 @!p0 s5, $0x0  }
0x1f: {  	s9 =	smul.u32 $0xF7A, s1;
	s8 =	simm.s32 @!p0 $0x1BF5;
	p2 =	por !p2, p0  }
0x20: {  	[sflag:s8] =	ssyncset.s32 @!p0 $0xFFFFF086;
	s6 =	sadd.s32 @!p0 s3, s7;
	s7 =	simm.s32 @!p0 $0x108  }
0x21: {  	s3 =	sadd.s32 s3, s9;
	s6 =	sadd.s32 @!p0 $0x88, s6;
	s7 =	simm.s32 @p2 $0x1082  }
0x22: {  	[simem:s7], [sflag:s8] =	dma.local @!p0 [hbm:s6], $0xF7A  }
0x23: {  	s9 =	sor.u32 $0xD0000000, s2;
	s6 =	simm.s32 $0x108;
	_ =	swait.ge @!p0 [sflag:s8], $0x0  }
0x24: {  	s3 =	sadd.s32 $0x88, s3;
	s6 =	simm.s32 @!p1 $0x1082;
	[sflag:s4] =	ssyncset.s32 $0xFFFFF086  }
0x25: {  	[simem:s6], [sflag:s4] =	dma.local [hbm:s3], $0xF7A  }
0x26: {  	[smem:$0x3FA0] =	sst s1;
	(tag) =	ssettag s2;
	_ =	strace s9  }
0x27: {  	s1 =	sld [smem:$0x3FB0]  }
0x28: {  	s2 =	sld [smem:$0x3FB1]  }
0x29: {  	s4 =	sld [smem:$0x3FB3]  }
0x2a: {  	p0 =	seq.s32 s5, $0x0;
	s5 =	sld [smem:$0x3FB4]  }
0x2b: {  	s6 =	sld [smem:$0x3FB5]  }
0x2c: {  	s7 =	sld [smem:$0x3FB6]  }
0x2d: {  	s3 =	simm.s32 $0x108;
	s8 =	sld [smem:$0x3FB7]  }
0x2e: {  	s3 =	simm.s32 @!p0 $0x1082;
	s9 =	sld [smem:$0x3FB8]  }
0x2f: {  	lr =	sadd.s32 s0, s3;
	s0 =	sld [smem:$0x3FAF]  }
0x30: {  	s3 =	sld [smem:$0x3FB2]  }
0x31: {  	[smem:$0x3FBB] =	sst s10  }
0x32: {  	s10 =	sld [smem:$0x3FB9];
	_ =	sdelay $0x3  }
0x33: {  	p0 =	seq.s32 s10, $0x1;
	s10 =	sld [smem:$0x3FBB];
	_ =	sdelay $0x3  }
0x34: {  	[smem:$0x3FBB] =	sst s10  }
0x35: {  	s10 =	sld [smem:$0x3FBA];
	_ =	sdelay $0x3  }
0x36: {  	p1 =	seq.s32 s10, $0x1;
	s10 =	sld [smem:$0x3FBB];
	_ =	sdelay $0x3  }
0x37: {  	[smem:$0x3FBB] =	sst s10  }
0x38: {  	s10 =	sld [smem:$0x3FBC]  }
0x39: {  	_ = 	snop;
	(pc) =	sbr.ind lr, $3  }
0x3a: {  	_ = 	snop  }
0x3b: {  	_ = 	snop  }
0x3c: {  	p2 =	seq.s32 s10, $0x1;
	s10 =	sld [smem:$0x3FBB]  }
0x3d: {  	_ =	shalt  }
0x3e: {  	_ =	shalt  }
0x3f: {  	_ =	shalt  }
0x40: {  	_ =	shalt  }
0x41: {  	_ =	shalt  }
0x42: {  	_ =	shalt  }
0x43: {  	_ =	shalt  }
0x44: {  	_ =	shalt  }
0x45: {  	_ =	shalt  }
0x46: {  	_ =	shalt  }
0x47: {  	_ =	shalt  }
0x48: {  	_ =	shalt  }
0x49: {  	_ =	shalt  }
0x4a: {  	_ =	shalt  }
0x4b: {  	_ =	shalt  }
0x4c: {  	_ =	shalt  }
0x4d: {  	_ =	shalt  }
0x4e: {  	_ =	shalt  }
0x4f: {  	_ =	shalt  }
0x50: {  	_ =	shalt  }
0x51: {  	_ =	shalt  }
0x52: {  	_ =	shalt  }
0x53: {  	_ =	shalt  }
0x54: {  	_ =	shalt  }
0x55: {  	_ =	shalt  }
0x56: {  	_ =	shalt  }
0x57: {  	_ =	shalt  }
0x58: {  	_ =	shalt  }
0x59: {  	_ =	shalt  }
0x5a: {  	_ =	shalt  }
0x5b: {  	_ =	shalt  }
0x5c: {  	_ =	shalt  }
0x5d: {  	_ =	shalt  }
0x5e: {  	_ =	shalt  }
0x5f: {  	_ =	shalt  }
0x60: {  	_ =	shalt  }
0x61: {  	_ =	shalt  }
0x62: {  	_ =	shalt  }
0x63: {  	_ =	shalt  }
0x64: {  	_ =	shalt  }
0x65: {  	_ =	shalt  }
0x66: {  	_ =	shalt  }
0x67: {  	_ =	shalt  }
0x68: {  	_ =	shalt  }
0x69: {  	_ =	shalt  }
0x6a: {  	_ =	shalt  }
0x6b: {  	_ =	shalt  }
0x6c: {  	_ =	shalt  }
0x6d: {  	_ =	shalt  }
0x6e: {  	_ =	shalt  }
0x6f: {  	_ =	shalt  }
0x70: {  	_ =	shalt  }
0x71: {  	_ =	shalt  }
0x72: {  	_ =	shalt  }
0x73: {  	_ =	shalt  }
0x74: {  	_ =	shalt  }
0x75: {  	_ =	shalt  }
0x76: {  	_ =	shalt  }
0x77: {  	_ =	shalt  }
0x78: {  	_ =	shalt  }
0x79: {  	_ =	shalt  }
0x7a: {  	_ =	shalt  }
0x7b: {  	_ =	shalt  }
0x7c: {  	_ =	shalt  }
0x7d: {  	_ =	shalt  }
0x7e: {  	_ =	shalt  }
0x7f: {  	_ =	shalt  }
0x80: {  	_ =	shalt  }
0x81: {  	_ =	shalt  }
0x82: {  	_ =	shalt  }
0x83: {  	_ =	shalt  }
0x84: {  	_ =	shalt  }
0x85: {  	_ =	shalt  }
0x86: {  	_ =	shalt  }
0x87: {  	_ =	shalt  }
.Lfunc_end0:
.L_simem_size_0:
called_computation_lowered:
.L_overlay_start_0:
0x88: {  	s2 =	sld [smem:$0x3FD9]  }
0x89: {  	s3 =	sld [smem:$0x3FFE];
	_ =	sdelay $0x1  }
0x8a: {  	s1 =	srdreg.scid  }
0x8b: {  	s0 =	sand.u32 $0x1, s1  }
0x8c: {  	s18 =	sshll.u32 s0, $0xA;
	s2 =	sadd.s32 s3, s2  }
0x8d: {  	s2 =	sadd.s32 s2, s18  }
0x8e: {  	[smem:$0x3FC7] =	sst s2  }
0x8f: {  	_ = 	snop  }
0x90: {  	s2 =	sld [smem:$0x3FC9]  }
0x91: {  	s19 =	sld [smem:$0x3FD0];
	(tm) =	ssettm $0x1  }
0x92: {  	s4 =	sld [smem:$0x3FFB];
	_ =	sdelay $0x3  }
0x93: {  	_ =	strace s4  }
0x94: {  	s4 =	sld [smem:$0x3FFC];
	_ =	sdelay $0x3  }
0x95: {  	_ =	strace s4  }
0x96: {  	s4 =	sld [smem:$0x3FFD];
	_ =	sdelay $0x3  }
0x97: {  	_ =	strace s4  }
0x98: {  	_ =	strace $0x8FFFFFFF  }
0x99: {  	s20 =	sld [smem:$0x3FDB];
	_ =	sdelay $0x1  }
0x9a: {  	s5 =	simm.s32 $_scs_section_size  }
0x9b: {  	s6 =	simm.s32 $_size__tile_overlayer_lowered;
	s7 =	simm.s32 $_tile_overlayer_lowered  }
0x9c: {  	s23 =	simm.s32 $0x1BFF;
	s22 =	sshll.u32 s7, $0x1;
	s4 =	sadd.s32 s5, s20  }
0x9d: {  	s8 =	simm.s32 $0x0;
	s21 =	sshll.u32 s6, $0x1;
	s6 =	sadd.s32 s22, s4  }
0x9e: {  	[timem:s8], [sflag:s23] =	dma.local [hbm:s6], s21  }
0x9f: {  	_ =	swait.ge [sflag:s23], s21  }
0xa0: {  	s5 =	ssub.s32 $0x0, s21;
	[sflag:s23] =	ssyncset.done $0x0  }
0xa1: {  	[sflag:s23] =	ssyncadd.s32 s5;
	_ =	sdelay $0x1  }
0xa2: {  	s24 =	simm.s32 $0x1B8B  }
0xa3: {  	_ =	swait.ge [sflag:s24], $0x1  }
0xa4: {  	[sflag:s24] =	ssyncset.done $0x0  }
0xa5: {  	s25 =	simm.s32 $0x1B8E;
	[sflag:s24] =	ssyncadd.s32 $0xFFFFFFFF  }
0xa6: {  	s26 =	simm.s32 $execute0_lowered;
	[smem:$0x3FD2] =	sst s25  }
0xa7: {  	s5 =	sshll.u32 s26, $0x1;
	_ =	strace $0x80000046;
	[dreg:$0x1] =	wrdreg $0xFFFFFFFF  }
0xa8: {  	s28 =	simm.s32 $_size_execute0_lowered;
	s4 =	sadd.s32 s4, s5;
	[dreg:$0x0] =	wrdreg $0x0  }
0xa9: {  	s5 =	sshll.u32 s28, $0x1;
	[dreg:$0x2] =	wrdreg s4  }
0xaa: {  	[dreg:$0x3] =	wrdreg s5  }
0xab: {  	[dreg:$0x4] =	wrdreg $0xC0  }
0xac: {  	_ =	task [dreg:s8], $0x5FFFF  }
0xad: {  	[dreg:$0x1] =	wrdreg $0xFFFFFFFF  }
0xae: {  	[dreg:$0x0] =	wrdreg $0x60  }
0xaf: {  	[dreg:$0x2] =	wrdreg s2  }
0xb0: {  	[dreg:$0x3] =	wrdreg s19  }
0xb1: {  	[dreg:$0x4] =	wrdreg $0x9  }
0xb2: {  	_ =	task.clear_ibuf [dreg:s8], $0x5FFFF;
	_ =	strace $0x90000046  }
0xb3: {  	s29 =	simm.s32 $0x9;
	_ =	strace $0x80000048  }
0xb4: {  	_ =	swait.ge [sflag:s29], $0x1  }
0xb5: {  	[sflag:s29] =	ssyncadd.s32 $0xFFFFFFFF  }
0xb6: {  	_ =	strace $0x90000048  }
0xb7: {  	_ =	sfence  }
0xb8: {  	s30 =	sld [smem:$0x0];
	_ =	sdelay $0x2  }
0xb9: {  	s31 =	sshll.u32 s1, $0xD;
	s1 =	sshrl.u32 s1, $0x2  }
0xba: {  	s3 =	sand.u32 $0x4000, s31;
	s1 =	sadd.s32 s1, s30  }
0xbb: {  	s0 =	sor.u32 s3, s0;
	s1 =	sshll.u32 s1, $0x11  }
0xbc: {  	s0 =	sor.u32 s1, s0  }
0xbd: {  	s0 =	sadd.s32 $0x8F2B, s0  }
0xbe: {  	[sflag:s0] =	ssyncadd.remote.s32 $0x1  }
0xbf: {  	_ =	sfence.sel $0xFFFF  }
0xc0: {  	[dreg:$0x0] =	wrdreg $0xFFFFFFFF;
	(pc) =	sbr.abs _section_cstart, $3  }
0xc1: {  	[dreg:$0x1] =	wrdreg $0xFFFFFFFF  }
0xc2: {  	_ =	task.clear_ibuf [dreg:s8], $0x2FFFF;
	_ =	strace $0x9FFFFFFF  }
0xc3: {  	(tm) =	ssettm $0x7FFFFFFF  }
tec
execute0_lowered:
.L_overlay_start_1:
0x0: {  	(tag) =	ssettag $0x1  }
0x1: {  	s1 =	rddreg [dreg:$0x0]  }
0x2: {  	s0 =	srdreg.scid;
	s3 =	rddreg [dreg:$0x1]  }
0x3: {  	s2 =	simm.s32 $0x0;
	s6 =	stileid.u32;
	s8 =	simm.s32 $0x80  }
0x4: {  	s9 =	simm.s32 $0x400;
	s10 =	simm.s32 $0x1;
	s11 =	simm.s32 $0x14000  }
0x5: {  	s12 =	simm.s32 $0x14800;
	s13 =	simm.s32 $0x15000;
	s14 =	simm.s32 $0x15800  }
0x6: {  	s15 =	simm.s32 $0x16000;
	s16 =	simm.s32 $0x16800;
	s17 =	simm.s32 $0x17000  }
0x7: {  	s18 =	simm.s32 $0x17800;
	s19 =	simm.s32 $0x8000;
	s20 =	simm.s32 $0x10000  }
0x8: {  	s21 =	simm.s32 $0x2;
	s22 =	simm.s32 $0x0;
	s0 =	sand.u32 $0x1, s0  }
.Ltmp0:
0x9: {  	[smem:$0x7FF] =	sst s2;
	s30 =	sshll.u32 s6, $0x3;
	(pc) =	sbr.rel .LBB2_1-.Ltmp0, $4  }
0xa: {  	s6 =	sshll.u32 s6, $0xF;
	s4 =	ssub.s32 $0x2, s0;
	_ =	strace $0x80000047  }
0xb: {  	s31 =	sshll.u32 s0, $0x2;
	s0 =	sshll.u32 s0, $0x6;
	s5 =	sshrl.u32 s4, $0x1  }
0xc: {  	s0 =	sadd.s32 s1, s0;
	s7 =	ssub.s32 s4, s5;
	s4 =	sor.u32 s31, s30  }
0xd: {  	v0 =	vimm.s32 $0x0;
	v1 =	vimm.s32 $0x1;
	s5 =	sadd.s32 s6, s0;
	s6 =	sadd.s32 s3, s6;
	s7 =	smax.u32 s7, $0x1  }
.LBB2_25:
0xe: {  	s22 =	sadd.s32 $0x1, s22  }
0xf: {  	p0 =	sne.s32 s22, s7  }
.Ltmp1:
0x10: {  	_ = 	snop;
	(pc) =	sbr.rel @!p0 .LBB2_26-.Ltmp1, $4  }
0x11: {  	_ = 	snop  }
0x12: {  	_ =	swait.ge [sflag:s21], $0x8000  }
0x13: {  	[sflag:s21] =	ssyncset.done $0x0  }
0x14: {  	[sflag:s21] =	ssyncadd.s32 $0xFFFF8000  }
.LBB2_1:
0x15: {  	s0 =	simm.s32 $0x10040  }
0x16: {  	[tilespmem:s0+$0xFFFFFFC0] =	vst v0  }
0x17: {  	[tilespmem:s0+$0x30] =	vst v0  }
0x18: {  	[tilespmem:s0+$0x20] =	vst v0  }
0x19: {  	[tilespmem:s0+$0x10] =	vst v0  }
0x1a: {  	[tilespmem:s0+$0x0] =	vst v0  }
0x1b: {  	[tilespmem:s0+$0xFFFFFFF0] =	vst v0  }
0x1c: {  	s3 =	simm.s32 $0x0;
	[tilespmem:s0+$0xFFFFFFE0] =	vst v0  }
.LBB2_2:
0x1d: {  	s3 =	sadd.s32 $0x8, s3;
	[tilespmem:s0+$0xFFFFFFD0] =	vst v0;
	s0 =	sadd.s32 $0x80, s0  }
0x1e: {  	[tilespmem:s0+$0xFFFFFFC0] =	vst v0;
	p0 =	slt.u32 s3, $0x3F8  }
0x1f: {  	[tilespmem:s0+$0x30] =	vst v0  }
.Ltmp2:
0x20: {  	[tilespmem:s0+$0x20] =	vst v0;
	(pc) =	sbr.rel @p0 .LBB2_2-.Ltmp2, $4  }
0x21: {  	[tilespmem:s0+$0x10] =	vst v0  }
0x22: {  	[tilespmem:s0+$0x0] =	vst v0  }
0x23: {  	[tilespmem:s0+$0xFFFFFFF0] =	vst v0  }
0x24: {  	[tilespmem:s0+$0xFFFFFFE0] =	vst v0  }
0x25: {  	[tilespmem:s0+$0xFFFFFFD0] =	vst v0;
	s23 =	simm.s32 $0x0  }
0x26: {  	[tilespmem:s23], [sflag:$0x1] =	stream.strided.gather [hbm4b:s5+s8], $0x8000, s9, s8, $0x38;
	[tilespmem:$0x18000] =	vst v63  }
.LBB2_4:
0x27: {  	s0 =	simm.s32 $0x14020  }
0x28: {  	[tilespmem:s0+$0xFFFFFFF0] =	vst v0  }
0x29: {  	[tilespmem:s0+$0x0] =	vst v0  }
0x2a: {  	[tilespmem:s0+$0x10] =	vst v0  }
0x2b: {  	s24 =	simm.s32 $0x14820;
	[tilespmem:s0+$0xFFFFFFE0] =	vst v0  }
0x2c: {  	[tilespmem:s24+$0xFFFFFFF0] =	vst v0  }
0x2d: {  	[tilespmem:s24+$0x0] =	vst v0  }
0x2e: {  	[tilespmem:s24+$0x10] =	vst v0  }
0x2f: {  	s25 =	simm.s32 $0x15020;
	[tilespmem:s24+$0xFFFFFFE0] =	vst v0  }
0x30: {  	[tilespmem:s25+$0xFFFFFFF0] =	vst v0  }
0x31: {  	[tilespmem:s25+$0x0] =	vst v0  }
0x32: {  	[tilespmem:s25+$0x10] =	vst v0  }
0x33: {  	s26 =	simm.s32 $0x15820;
	[tilespmem:s25+$0xFFFFFFE0] =	vst v0  }
0x34: {  	[tilespmem:s26+$0xFFFFFFF0] =	vst v0  }
0x35: {  	[tilespmem:s26+$0x0] =	vst v0  }
0x36: {  	[tilespmem:s26+$0x10] =	vst v0  }
0x37: {  	s28 =	simm.s32 $0x16020;
	[tilespmem:s26+$0xFFFFFFE0] =	vst v0  }
0x38: {  	[tilespmem:s28+$0xFFFFFFF0] =	vst v0  }
0x39: {  	[tilespmem:s28+$0x0] =	vst v0  }
0x3a: {  	[tilespmem:s28+$0x10] =	vst v0  }
0x3b: {  	s29 =	simm.s32 $0x16820;
	[tilespmem:s28+$0xFFFFFFE0] =	vst v0  }
0x3c: {  	[tilespmem:s29+$0xFFFFFFF0] =	vst v0  }
0x3d: {  	[tilespmem:s29+$0x0] =	vst v0  }
0x3e: {  	[tilespmem:s29+$0x10] =	vst v0  }
0x3f: {  	s30 =	simm.s32 $0x17020;
	[tilespmem:s29+$0xFFFFFFE0] =	vst v0  }
0x40: {  	[tilespmem:s30+$0xFFFFFFF0] =	vst v0  }
0x41: {  	[tilespmem:s30+$0x0] =	vst v0  }
0x42: {  	[tilespmem:s30+$0x10] =	vst v0  }
0x43: {  	s31 =	simm.s32 $0x17820;
	[tilespmem:s30+$0xFFFFFFE0] =	vst v0  }
0x44: {  	[tilespmem:s31+$0xFFFFFFF0] =	vst v0  }
0x45: {  	[tilespmem:s31+$0x0] =	vst v0  }
0x46: {  	[tilespmem:s31+$0x10] =	vst v0  }
0x47: {  	s3 =	simm.s32 $0x14060;
	s0 =	simm.s32 $0x0;
	[tilespmem:s31+$0xFFFFFFE0] =	vst v0  }
.LBB2_5:
0x48: {  	[tilespmem:s3+$0xFFFFFFF0] =	vst v0;
	s24 =	sadd.s32 $0x40, s24  }
0x49: {  	s25 =	sadd.s32 $0x40, s25;
	[tilespmem:s24+$0xFFFFFFF0] =	vst v0  }
0x4a: {  	s26 =	sadd.s32 $0x40, s26;
	[tilespmem:s25+$0xFFFFFFF0] =	vst v0  }
0x4b: {  	s28 =	sadd.s32 $0x40, s28;
	[tilespmem:s26+$0xFFFFFFF0] =	vst v0  }
0x4c: {  	s29 =	sadd.s32 $0x40, s29;
	[tilespmem:s28+$0xFFFFFFF0] =	vst v0  }
0x4d: {  	s30 =	sadd.s32 $0x40, s30;
	[tilespmem:s29+$0xFFFFFFF0] =	vst v0  }
0x4e: {  	s31 =	sadd.s32 $0x40, s31;
	[tilespmem:s30+$0xFFFFFFF0] =	vst v0  }
0x4f: {  	[tilespmem:s31+$0xFFFFFFF0] =	vst v0  }
0x50: {  	[tilespmem:s3+$0x0] =	vst v0  }
0x51: {  	[tilespmem:s24+$0x0] =	vst v0  }
0x52: {  	[tilespmem:s25+$0x0] =	vst v0  }
0x53: {  	[tilespmem:s26+$0x0] =	vst v0  }
0x54: {  	[tilespmem:s28+$0x0] =	vst v0  }
0x55: {  	[tilespmem:s29+$0x0] =	vst v0  }
0x56: {  	[tilespmem:s30+$0x0] =	vst v0  }
0x57: {  	[tilespmem:s31+$0x0] =	vst v0  }
0x58: {  	[tilespmem:s3+$0x10] =	vst v0  }
0x59: {  	[tilespmem:s24+$0x10] =	vst v0  }
0x5a: {  	[tilespmem:s25+$0x10] =	vst v0  }
0x5b: {  	[tilespmem:s26+$0x10] =	vst v0  }
0x5c: {  	[tilespmem:s28+$0x10] =	vst v0  }
0x5d: {  	[tilespmem:s29+$0x10] =	vst v0  }
0x5e: {  	[tilespmem:s30+$0x10] =	vst v0  }
0x5f: {  	[tilespmem:s31+$0x10] =	vst v0  }
0x60: {  	[tilespmem:s3+$0xFFFFFFE0] =	vst v0  }
0x61: {  	s0 =	sadd.s32 $0x4, s0;
	[tilespmem:s24+$0xFFFFFFE0] =	vst v0  }
0x62: {  	p0 =	slt.u32 s0, $0x7C;
	[tilespmem:s25+$0xFFFFFFE0] =	vst v0  }
.Ltmp3:
0x63: {  	[tilespmem:s26+$0xFFFFFFE0] =	vst v0;
	(pc) =	sbr.rel @p0 .LBB2_5-.Ltmp3, $4  }
0x64: {  	[tilespmem:s28+$0xFFFFFFE0] =	vst v0  }
0x65: {  	[tilespmem:s29+$0xFFFFFFE0] =	vst v0  }
0x66: {  	[tilespmem:s30+$0xFFFFFFE0] =	vst v0  }
0x67: {  	s3 =	sadd.s32 $0x40, s3;
	[tilespmem:s31+$0xFFFFFFE0] =	vst v0  }
0x68: {  	_ =	swait.ge [sflag:s10], $0x8000  }
0x69: {  	[sflag:s10] =	ssyncset.done $0x0  }
0x6a: {  	s25 =	simm.s32 $0x7030;
	[sflag:s10] =	ssyncadd.s32 $0xFFFF8000  }
0x6b: {  	v2 =	vld [tilespmem:s25+$0xFFFFFFE0]  }
0x6c: {  	v3 =	vld [tilespmem:s25+$0xFFFFEFE0]  }
0x6d: {  	v4 =	vld [tilespmem:s25+$0xFFFFDFE0]  }
0x6e: {  	v5 =	vld [tilespmem:s25+$0xFFFFCFE0]  }
0x6f: {  	v6 =	vld [tilespmem:s25+$0xFFFFBFE0]  }
0x70: {  	v8 =	vld [tilespmem:s25+$0xFFFFAFE0]  }
0x71: {  	v10 =	vld [tilespmem:s25+$0xFFFF9FE0]  }
0x72: {  	v11 =	vld [tilespmem:s25+$0xFFFFFFF0]  }
0x73: {  	s24 =	simm.s32 $0x0;
	v13 =	vld [tilespmem:s25+$0xFFFFEFF0]  }
0x74: {  	s0 =	sand.u32 $0xFC0, s24;
	v14 =	vld [tilespmem:s25+$0xFFFFDFF0]  }
0x75: {  	v23 =	vld [tilespmem:s0+$0x2000]  }
0x76: {  	v24 =	vld [tilespmem:s0+$0x1000]  }
0x77: {  	v15 =	vld [tilespmem:s25+$0xFFFFCFF0]  }
0x78: {  	v27 =	vld [tilespmem:s25+$0xFFFF9000]  }
0x79: {  	v16 =	vld [tilespmem:s25+$0xFFFFBFF0]  }
0x7a: {  	v19 =	vld [tilespmem:s25+$0xFFFFE000];
	v7 =	vshra.s32 v2, $0x1F;
	v9 =	vshra.s32 v3, $0x1F;
	v12 =	vshra.s32 v6, $0x1F  }
0x7b: {  	v17 =	vld [tilespmem:s25+$0x0];
	v29 =	vshra.s32 v23, $0x1F;
	v30 =	vshra.s32 v24, $0x1F;
	v2 =	vxor.u32 v2, v7  }
0x7c: {  	v18 =	vld [tilespmem:s25+$0xFFFFF000];
	v7 =	vshra.s32 v4, $0x1F;
	v3 =	vxor.u32 v3, v9;
	v9 =	vshra.s32 v5, $0x1F  }
0x7d: {  	v20 =	vld [tilespmem:s25+$0xFFFFD000];
	v53 =	vshra.s32 v27, $0x1F;
	v4 =	vxor.u32 v4, v7;
	v7 =	vxor.u32 v5, v9  }
0x7e: {  	v21 =	vld [tilespmem:s25+$0xFFFFAFF0];
	v5 =	vshra.s32 v8, $0x1F;
	v9 =	vxor.u32 v6, v12;
	v6 =	vshra.s32 v10, $0x1F  }
0x7f: {  	v25 =	vld [tilespmem:s25+$0xFFFF8FD0];
	v58 =	vshra.s32 v19, $0x1F;
	v12 =	vxor.u32 v8, v5;
	v5 =	vxor.u32 v10, v6  }
0x80: {  	v31 =	vld [tilespmem:s25+$0xFFFF8FE0];
	v6 =	vshra.s32 v11, $0x1F;
	v8 =	vshra.s32 v13, $0x1F;
	v10 =	vand.u32 $0x7FF, v5  }
0x81: {  	v32 =	vld [tilespmem:s25+$0xFFFFB000];
	v5 =	vxor.u32 v11, v6;
	v11 =	vshra.s32 v14, $0x1F;
	v6 =	vxor.u32 v13, v8  }
0x82: {  	v22 =	vld [tilespmem:s25+$0xFFFFC000];
	v13 =	vshra.s32 v15, $0x1F;
	v8 =	vxor.u32 v14, v11;
	v14 =	vshra.s32 v16, $0x1F  }
0x83: {  	v11 =	vxor.u32 v15, v13;
	v15 =	vld [tilespmem:s25+$0xFFFF8FF0];
	v13 =	vshra.s32 v17, $0x1F;
	v28 =	vxor.u32 v16, v14  }
0x84: {  	v14 =	vshra.s32 v18, $0x1F;
	v16 =	vld [tilespmem:s0+$0x3000];
	v13 =	vxor.u32 v17, v13;
	v17 =	vshra.s32 v25, $0x1F  }
0x85: {  	v59 =	vshra.s32 v31, $0x1F;
	v14 =	vxor.u32 v18, v14;
	v18 =	vld [tilespmem:s0+$0x4000];
	v17 =	vxor.u32 v25, v17  }
0x86: {  	v26 =	vld [tilespmem:s25+$0xFFFFA000];
	v61 =	vshra.s32 v32, $0x1F;
	v24 =	vxor.u32 v24, v30;
	v17 =	vand.u32 $0x7FF, v17  }
0x87: {  	v52 =	vld [tilespmem:s0+$0x7000];
	v62 =	vshra.s32 v20, $0x1F;
	v23 =	vxor.u32 v23, v29;
	v24 =	vand.u32 $0x7FF, v24  }
0x88: {  	v33 =	vld [tilespmem:s25+$0xFFFF9FF0];
	v27 =	vxor.u32 v27, v53;
	v23 =	vand.u32 $0x7FF, v23;
	v55 =	vshra.s32 v15, $0x1F  }
0x89: {  	v54 =	vld [tilespmem:s0+$0x6000];
	v27 =	vand.u32 $0x7FF, v27;
	v15 =	vxor.u32 v15, v55;
	v56 =	vshra.s32 v16, $0x1F  }
0x8a: {  	v57 =	vld [tilespmem:s0+$0x5000];
	v34 =	vshra.s32 v18, $0x1F;
	v15 =	vand.u32 $0x7FF, v15;
	v16 =	vxor.u32 v16, v56  }
0x8b: {  	v18 =	vxor.u32 v18, v34;
	[tilespmem:v17+s11+$0x0] =	vst.idx.add.s32.msk $0xffff, v1;
	v17 =	vshra.s32 v26, $0x1F;
	v16 =	vand.u32 $0x7FF, v16  }
0x8c: {  	v60 =	vxor.u32 v31, v59;
	v17 =	vxor.u32 v26, v17;
	[tilespmem:v24+s12+$0x0] =	vst.idx.add.s32.msk $0xffff, v1;
	v18 =	vand.u32 $0x7FF, v18  }
0x8d: {  	v26 =	vxor.u32 v32, v61;
	v17 =	vand.u32 $0x7FF, v17;
	[tilespmem:v23+s13+$0x0] =	vst.idx.add.s32.msk $0xffff, v1;
	v23 =	vshra.s32 v33, $0x1F  }
0x8e: {  	[tilespmem:v27+s11+$0x0] =	vst.idx.add.s32.msk $0xffff, v1;
	v24 =	vand.u32 $0x7FF, v60;
	v26 =	vand.u32 $0x7FF, v26;
	v23 =	vxor.u32 v33, v23  }
0x8f: {  	[tilespmem:v15+s11+$0x0] =	vst.idx.add.s32.msk $0xffff, v1;
	v15 =	vxor.u32 v19, v58;
	v19 =	vshra.s32 v21, $0x1F;
	v23 =	vand.u32 $0x7FF, v23  }
0x90: {  	[tilespmem:v16+s14+$0x0] =	vst.idx.add.s32.msk $0xffff, v1;
	v16 =	vxor.u32 v20, v62;
	v19 =	vxor.u32 v21, v19;
	v20 =	vshra.s32 v22, $0x1F  }
0x91: {  	v21 =	vshra.s32 v54, $0x1F;
	[tilespmem:v18+s15+$0x0] =	vst.idx.add.s32.msk $0xffff, v1;
	v20 =	vxor.u32 v22, v20;
	v18 =	vshra.s32 v52, $0x1F  }
0x92: {  	[tilespmem:v17+s12+$0x0] =	vst.idx.add.s32.msk $0xffff, v1;
	v17 =	vxor.u32 v52, v18;
	v18 =	vshra.s32 v57, $0x1F;
	v22 =	vand.u32 $0x7FF, v20  }
0x93: {  	v63 =	vxor.u32 v54, v21;
	v21 =	vxor.u32 v57, v18;
	v18 =	vand.u32 $0x7FF, v19  }
0x94: {  	[tilespmem:v24+s11+$0x0] =	vst.idx.add.s32.msk $0xffff, v1;
	v21 =	vand.u32 $0x7FF, v21  }
0x95: {  	v20 =	vand.u32 $0x7FF, v63;
	[tilespmem:v26+s13+$0x0] =	vst.idx.add.s32.msk $0xffff, v1  }
0x96: {  	s26 =	simm.s32 $0x0;
	s28 =	simm.s32 $0x0;
	v19 =	vand.u32 $0x7FF, v28;
	[tilespmem:v23+s12+$0x0] =	vst.idx.add.s32.msk $0xffff, v1  }
.LBB2_7:
0x97: {  	s26 =	sadd.s32 $0x4, s26;
	[tilespmem:v22+s14+$0x0] =	vst.idx.add.s32.msk $0xffff, v1;
	s28 =	sadd.s32 $0x40, s28;
	s25 =	sadd.s32 $0x40, s25  }
0x98: {  	v12 =	vand.u32 $0x7FF, v12;
	p0 =	slt.u32 s26, $0xFC;
	[tilespmem:v18+s13+$0x0] =	vst.idx.add.s32.msk $0xffff, v1  }
0x99: {  	v9 =	vand.u32 $0x7FF, v9;
	[tilespmem:v21+s16+$0x0] =	vst.idx.add.s32.msk $0xffff, v1  }
0x9a: {  	v7 =	vand.u32 $0x7FF, v7;
	[tilespmem:v20+s17+$0x0] =	vst.idx.add.s32.msk $0xffff, v1  }
0x9b: {  	v17 =	vand.u32 $0x7FF, v17;
	[tilespmem:v19+s14+$0x0] =	vst.idx.add.s32.msk $0xffff, v1  }
0x9c: {  	[tilespmem:v10+s12+$0x0] =	vst.idx.add.s32.msk $0xffff, v1;
	v10 =	vand.u32 $0x7FF, v16  }
0x9d: {  	[tilespmem:v12+s13+$0x0] =	vst.idx.add.s32.msk $0xffff, v1;
	v12 =	vand.u32 $0x7FF, v15  }
0x9e: {  	[tilespmem:v9+s14+$0x0] =	vst.idx.add.s32.msk $0xffff, v1;
	v9 =	vand.u32 $0x7FF, v14  }
0x9f: {  	[tilespmem:v7+s15+$0x0] =	vst.idx.add.s32.msk $0xffff, v1;
	v7 =	vand.u32 $0x7FF, v11  }
0xa0: {  	v11 =	vand.u32 $0x7FF, v13;
	[tilespmem:v17+s18+$0x0] =	vst.idx.add.s32.msk $0xffff, v1  }
0xa1: {  	v8 =	vand.u32 $0x7FF, v8;
	[tilespmem:v10+s15+$0x0] =	vst.idx.add.s32.msk $0xffff, v1  }
0xa2: {  	v4 =	vand.u32 $0x7FF, v4;
	[tilespmem:v12+s16+$0x0] =	vst.idx.add.s32.msk $0xffff, v1  }
0xa3: {  	v3 =	vand.u32 $0x7FF, v3;
	[tilespmem:v9+s17+$0x0] =	vst.idx.add.s32.msk $0xffff, v1  }
0xa4: {  	v2 =	vand.u32 $0x7FF, v2;
	v6 =	vand.u32 $0x7FF, v6;
	[tilespmem:v7+s15+$0x0] =	vst.idx.add.s32.msk $0xffff, v1  }
0xa5: {  	v5 =	vand.u32 $0x7FF, v5;
	[tilespmem:v11+s18+$0x0] =	vst.idx.add.s32.msk $0xffff, v1  }
0xa6: {  	[tilespmem:v8+s16+$0x0] =	vst.idx.add.s32.msk $0xffff, v1  }
0xa7: {  	[tilespmem:v4+s16+$0x0] =	vst.idx.add.s32.msk $0xffff, v1  }
0xa8: {  	[tilespmem:v3+s17+$0x0] =	vst.idx.add.s32.msk $0xffff, v1  }
0xa9: {  	[tilespmem:v2+s18+$0x0] =	vst.idx.add.s32.msk $0xffff, v1  }
0xaa: {  	[tilespmem:v6+s17+$0x0] =	vst.idx.add.s32.msk $0xffff, v1  }
0xab: {  	[tilespmem:v5+s18+$0x0] =	vst.idx.add.s32.msk $0xffff, v1  }
0xac: {  	v2 =	vld [tilespmem:s25+$0xFFFFFFE0]  }
0xad: {  	v3 =	vld [tilespmem:s25+$0xFFFFEFE0]  }
0xae: {  	v4 =	vld [tilespmem:s25+$0xFFFFDFE0]  }
0xaf: {  	v5 =	vld [tilespmem:s25+$0xFFFFCFE0]  }
0xb0: {  	v6 =	vld [tilespmem:s25+$0xFFFFBFE0]  }
0xb1: {  	v8 =	vld [tilespmem:s25+$0xFFFFAFE0];
	v7 =	vshra.s32 v2, $0x1F  }
0xb2: {  	v10 =	vld [tilespmem:s25+$0xFFFF9FE0];
	v9 =	vshra.s32 v3, $0x1F;
	v2 =	vxor.u32 v2, v7  }
0xb3: {  	v7 =	vshra.s32 v4, $0x1F;
	v3 =	vxor.u32 v3, v9;
	v11 =	vld [tilespmem:s25+$0xFFFFFFF0]  }
0xb4: {  	v9 =	vshra.s32 v5, $0x1F;
	v4 =	vxor.u32 v4, v7;
	v13 =	vld [tilespmem:s25+$0xFFFFEFF0]  }
0xb5: {  	v12 =	vshra.s32 v6, $0x1F;
	v7 =	vxor.u32 v5, v9;
	v14 =	vld [tilespmem:s25+$0xFFFFDFF0]  }
0xb6: {  	v5 =	vshra.s32 v8, $0x1F;
	v9 =	vxor.u32 v6, v12;
	v15 =	vld [tilespmem:s25+$0xFFFFCFF0]  }
0xb7: {  	v6 =	vshra.s32 v10, $0x1F;
	v12 =	vxor.u32 v8, v5;
	v16 =	vld [tilespmem:s25+$0xFFFFBFF0]  }
0xb8: {  	v5 =	vxor.u32 v10, v6;
	v6 =	vshra.s32 v11, $0x1F;
	v17 =	vld [tilespmem:s25+$0x0]  }
0xb9: {  	v10 =	vand.u32 $0x7FF, v5;
	v8 =	vshra.s32 v13, $0x1F;
	v5 =	vxor.u32 v11, v6;
	v18 =	vld [tilespmem:s25+$0xFFFFF000]  }
0xba: {  	v11 =	vshra.s32 v14, $0x1F;
	v6 =	vxor.u32 v13, v8;
	v19 =	vld [tilespmem:s25+$0xFFFFE000]  }
0xbb: {  	v13 =	vshra.s32 v15, $0x1F;
	v8 =	vxor.u32 v14, v11;
	v20 =	vld [tilespmem:s25+$0xFFFFD000]  }
0xbc: {  	v21 =	vld [tilespmem:s25+$0xFFFFAFF0];
	v14 =	vshra.s32 v16, $0x1F;
	v11 =	vxor.u32 v15, v13  }
0xbd: {  	s0 =	sand.u32 $0xFC0, s28;
	v23 =	vxor.u32 v16, v14;
	v22 =	vld [tilespmem:s25+$0xFFFFC000];
	v13 =	vshra.s32 v17, $0x1F  }
0xbe: {  	v24 =	vld [tilespmem:s0+$0x2000];
	v14 =	vshra.s32 v18, $0x1F;
	v13 =	vxor.u32 v17, v13  }
0xbf: {  	v17 =	vld [tilespmem:s0+$0x1000];
	v15 =	vshra.s32 v19, $0x1F;
	v14 =	vxor.u32 v18, v14  }
0xc0: {  	v18 =	vld [tilespmem:s25+$0xFFFF8FD0];
	v16 =	vshra.s32 v20, $0x1F;
	v15 =	vxor.u32 v19, v15  }
0xc1: {  	v19 =	vshra.s32 v21, $0x1F;
	v25 =	vld [tilespmem:s25+$0xFFFFA000];
	v16 =	vxor.u32 v20, v16  }
0xc2: {  	v19 =	vxor.u32 v21, v19;
	v20 =	vld [tilespmem:s25+$0xFFFF9000];
	v21 =	vshra.s32 v22, $0x1F  }
0xc3: {  	v26 =	vshra.s32 v24, $0x1F;
	v27 =	vld [tilespmem:s25+$0xFFFF8FF0];
	v21 =	vxor.u32 v22, v21  }
0xc4: {  	v22 =	vshra.s32 v17, $0x1F;
	v24 =	vxor.u32 v24, v26;
	v26 =	vld [tilespmem:s25+$0xFFFF8FE0]  }
0xc5: {  	v28 =	vshra.s32 v18, $0x1F;
	v17 =	vxor.u32 v17, v22;
	v22 =	vld [tilespmem:s0+$0x3000]  }
0xc6: {  	v24 =	vand.u32 $0x7FF, v24;
	v18 =	vxor.u32 v18, v28;
	v28 =	vld [tilespmem:s0+$0x4000];
	v29 =	vshra.s32 v25, $0x1F  }
0xc7: {  	v30 =	vld [tilespmem:s0+$0x7000];
	v18 =	vand.u32 $0x7FF, v18;
	v31 =	vshra.s32 v20, $0x1F;
	v25 =	vxor.u32 v25, v29  }
0xc8: {  	v32 =	vand.u32 $0x7FF, v17;
	v29 =	vld [tilespmem:s0+$0x6000];
	v17 =	vshra.s32 v27, $0x1F;
	v20 =	vxor.u32 v20, v31  }
0xc9: {  	v31 =	vshra.s32 v26, $0x1F;
	v17 =	vxor.u32 v27, v17;
	v27 =	vld [tilespmem:s25+$0xFFFFB000];
	v20 =	vand.u32 $0x7FF, v20  }
0xca: {  	v33 =	vshra.s32 v22, $0x1F;
	v26 =	vxor.u32 v26, v31;
	v31 =	vld [tilespmem:s25+$0xFFFF9FF0];
	v34 =	vand.u32 $0x7FF, v17  }
0xcb: {  	v17 =	vxor.u32 v22, v33;
	v22 =	vshra.s32 v28, $0x1F;
	v33 =	vld [tilespmem:s0+$0x5000];
	v26 =	vand.u32 $0x7FF, v26  }
0xcc: {  	v22 =	vxor.u32 v28, v22;
	v28 =	vshra.s32 v30, $0x1F;
	[tilespmem:v18+s11+$0x0] =	vst.idx.add.s32.msk $0xffff, v1;
	v18 =	vand.u32 $0x7FF, v17  }
0xcd: {  	v35 =	vshra.s32 v29, $0x1F;
	v17 =	vxor.u32 v30, v28;
	[tilespmem:v32+s12+$0x0] =	vst.idx.add.s32.msk $0xffff, v1;
	v22 =	vand.u32 $0x7FF, v22  }
0xce: {  	v28 =	vxor.u32 v29, v35;
	v29 =	vshra.s32 v27, $0x1F;
	[tilespmem:v20+s11+$0x0] =	vst.idx.add.s32.msk $0xffff, v1;
	v20 =	vand.u32 $0x7FF, v25  }
0xcf: {  	[tilespmem:v24+s13+$0x0] =	vst.idx.add.s32.msk $0xffff, v1;
	v24 =	vshra.s32 v31, $0x1F;
	v25 =	vxor.u32 v27, v29  }
0xd0: {  	v27 =	vshra.s32 v33, $0x1F;
	v24 =	vxor.u32 v31, v24;
	[tilespmem:v34+s11+$0x0] =	vst.idx.add.s32.msk $0xffff, v1;
	v25 =	vand.u32 $0x7FF, v25  }
0xd1: {  	v27 =	vxor.u32 v33, v27;
	[tilespmem:v18+s14+$0x0] =	vst.idx.add.s32.msk $0xffff, v1;
	v24 =	vand.u32 $0x7FF, v24  }
.Ltmp4:
0xd2: {  	v18 =	vand.u32 $0x7FF, v19;
	[tilespmem:v22+s15+$0x0] =	vst.idx.add.s32.msk $0xffff, v1;
	v22 =	vand.u32 $0x7FF, v21;
	(pc) =	sbr.rel @p0 .LBB2_7-.Ltmp4, $4  }
0xd3: {  	[tilespmem:v20+s12+$0x0] =	vst.idx.add.s32.msk $0xffff, v1  }
0xd4: {  	v21 =	vand.u32 $0x7FF, v27;
	[tilespmem:v26+s11+$0x0] =	vst.idx.add.s32.msk $0xffff, v1  }
0xd5: {  	v20 =	vand.u32 $0x7FF, v28;
	[tilespmem:v25+s13+$0x0] =	vst.idx.add.s32.msk $0xffff, v1  }
0xd6: {  	v19 =	vand.u32 $0x7FF, v23;
	[tilespmem:v24+s12+$0x0] =	vst.idx.add.s32.msk $0xffff, v1  }
0xd7: {  	_ =	sdelay $0x3  }
0xd8: {  	[tilespmem:v22+s14+$0x0] =	vst.idx.add.s32.msk $0xffff, v1  }
0xd9: {  	v12 =	vand.u32 $0x7FF, v12;
	[tilespmem:v18+s13+$0x0] =	vst.idx.add.s32.msk $0xffff, v1  }
0xda: {  	[tilespmem:v21+s16+$0x0] =	vst.idx.add.s32.msk $0xffff, v1;
	v17 =	vand.u32 $0x7FF, v17  }
0xdb: {  	[tilespmem:v10+s12+$0x0] =	vst.idx.add.s32.msk $0xffff, v1;
	v10 =	vand.u32 $0x7FF, v16  }
0xdc: {  	v9 =	vand.u32 $0x7FF, v9;
	[tilespmem:v20+s17+$0x0] =	vst.idx.add.s32.msk $0xffff, v1  }
0xdd: {  	v7 =	vand.u32 $0x7FF, v7;
	[tilespmem:v19+s14+$0x0] =	vst.idx.add.s32.msk $0xffff, v1  }
0xde: {  	v4 =	vand.u32 $0x7FF, v4;
	[tilespmem:v12+s13+$0x0] =	vst.idx.add.s32.msk $0xffff, v1  }
0xdf: {  	v3 =	vand.u32 $0x7FF, v3;
	[tilespmem:v17+s18+$0x0] =	vst.idx.add.s32.msk $0xffff, v1  }
0xe0: {  	v12 =	vand.u32 $0x7FF, v15;
	[tilespmem:v10+s15+$0x0] =	vst.idx.add.s32.msk $0xffff, v1  }
0xe1: {  	v2 =	vand.u32 $0x7FF, v2;
	[tilespmem:v9+s14+$0x0] =	vst.idx.add.s32.msk $0xffff, v1  }
0xe2: {  	v9 =	vand.u32 $0x7FF, v14;
	[tilespmem:v7+s15+$0x0] =	vst.idx.add.s32.msk $0xffff, v1  }
0xe3: {  	v7 =	vand.u32 $0x7FF, v11;
	[tilespmem:v4+s16+$0x0] =	vst.idx.add.s32.msk $0xffff, v1  }
0xe4: {  	v11 =	vand.u32 $0x7FF, v13;
	[tilespmem:v3+s17+$0x0] =	vst.idx.add.s32.msk $0xffff, v1  }
0xe5: {  	v8 =	vand.u32 $0x7FF, v8;
	[tilespmem:v12+s16+$0x0] =	vst.idx.add.s32.msk $0xffff, v1  }
0xe6: {  	v6 =	vand.u32 $0x7FF, v6;
	[tilespmem:v2+s18+$0x0] =	vst.idx.add.s32.msk $0xffff, v1  }
0xe7: {  	v5 =	vand.u32 $0x7FF, v5;
	[tilespmem:v9+s17+$0x0] =	vst.idx.add.s32.msk $0xffff, v1  }
0xe8: {  	[tilespmem:v7+s15+$0x0] =	vst.idx.add.s32.msk $0xffff, v1  }
0xe9: {  	[tilespmem:v11+s18+$0x0] =	vst.idx.add.s32.msk $0xffff, v1  }
0xea: {  	[tilespmem:v8+s16+$0x0] =	vst.idx.add.s32.msk $0xffff, v1  }
0xeb: {  	[tilespmem:v6+s17+$0x0] =	vst.idx.add.s32.msk $0xffff, v1  }
0xec: {  	s25 =	simm.s32 $0x0;
	[tilespmem:v5+s18+$0x0] =	vst.idx.add.s32.msk $0xffff, v1  }
0xed: {  	v3 =	vld [tilespmem:s25+$0x14000]  }
0xee: {  	v2 =	vld [tilespmem:s25+$0x15000]  }
0xef: {  	v7 =	vld [tilespmem:s25+$0x16000]  }
0xf0: {  	v4 =	vld [tilespmem:s25+$0x14800]  }
0xf1: {  	v5 =	vld [tilespmem:s25+$0x16800]  }
0xf2: {  	v6 =	vld [tilespmem:s25+$0x15800];
	_ =	sdelay $0x1  }
0xf3: {  	v8 =	vld [tilespmem:s25+$0x17000]  }
0xf4: {  	v10 =	vld [tilespmem:s25+$0x17800];
	v4 =	vadd.s32 v3, v4  }
0xf5: {  	v18 =	vadd.s32 v2, v4  }
0xf6: {  	v2 =	vadd.s32 v7, v5;
	v19 =	vadd.s32 v6, v18  }
0xf7: {  	v9 =	vld [tilespmem:s25+$0x14010];
	v2 =	vadd.s32 v19, v2  }
0xf8: {  	v11 =	vld [tilespmem:s25+$0x14810];
	v5 =	vadd.s32 v8, v2  }
0xf9: {  	v12 =	vld [tilespmem:s25+$0x15810];
	v10 =	vadd.s32 v10, v5  }
0xfa: {  	v13 =	vld [tilespmem:s25+$0x16010];
	(xrf0) =	vadd.scan.msk.s32 $0xffff, v10  }
0xfb: {  	v14 =	vld [tilespmem:s25+$0x15010]  }
0xfc: {  	v15 =	vld [tilespmem:s25+$0x16810]  }
0xfd: {  	v16 =	vld [tilespmem:s25+$0x17810]  }
0xfe: {  	v17 =	vld [tilespmem:s25+$0x17010]  }
0xff: {  	v20 =	vld [tilespmem:s25+$0x14020]  }
0x100: {  	v21 =	vld [tilespmem:s25+$0x16820];
	v27, _, _ =	vpop (xrf0)  }
0x101: {  	v22 =	vld [tilespmem:s25+$0x14820];
	(v2sf) =	vpush v27, $0xF  }
0x102: {  	v23 =	vld [tilespmem:s25+$0x15020]  }
0x103: {  	v24 =	vld [tilespmem:s25+$0x16020];
	v11 =	vadd.s32 v9, v11;
	v10 =	vsub.s32 v27, v10  }
0x104: {  	v25 =	vld [tilespmem:s25+$0x15820];
	v14 =	vadd.s32 v14, v11;
	v27 =	vadd.s32 s24, v10  }
0x105: {  	v33 =	vld [tilespmem:s25+$0x17020];
	v15 =	vadd.s32 v13, v15;
	v12 =	vadd.s32 v12, v14;
	[tilespmem:s25+$0x14000] =	vst v27;
	v32 =	vadd.s32 v2, v27  }
0x106: {  	v26 =	vld [tilespmem:s25+$0x17820];
	v35 =	vadd.s32 v12, v15;
	s24 =	simm.s32 $0x40;
	v4 =	vadd.s32 v4, v27;
	[tilespmem:s25+$0x17000] =	vst v32  }
0x107: {  	v2 =	vld [tilespmem:s24+$0x14000];
	[tilespmem:s25+$0x15000] =	vst v4;
	v4 =	vadd.s32 v17, v35  }
0x108: {  	v28 =	vld [tilespmem:s25+$0x15830];
	v16 =	vadd.s32 v16, v4  }
0x109: {  	v29 =	vld [tilespmem:s25+$0x14830];
	v15 =	vadd.s32 v19, v27;
	(xrf0) =	vadd.scan.msk.s32 $0xffff, v16  }
0x10a: {  	v3 =	vadd.s32 v3, v27;
	v36 =	vld [tilespmem:s24+$0x15000];
	[tilespmem:s25+$0x16000] =	vst v15  }
0x10b: {  	v4 =	vld [tilespmem:s24+$0x16000];
	[tilespmem:s25+$0x14800] =	vst v3;
	v3 =	vadd.s32 v7, v15  }
0x10c: {  	v37 =	vld [tilespmem:s24+$0x14800];
	[tilespmem:s25+$0x16800] =	vst v3;
	v3 =	vadd.s32 v27, v18  }
0x10d: {  	v30 =	vld [tilespmem:s25+$0x15030]  }
0x10e: {  	v31 =	vld [tilespmem:s25+$0x16830]  }
0x10f: {  	v38 =	vld [tilespmem:s24+$0x16800];
	[tilespmem:s25+$0x15800] =	vst v3;
	v3, _, _ =	vpop (xrf0)  }
0x110: {  	v6 =	vld [tilespmem:s25+$0x16030];
	(v2sf) =	vpush v3, $0xF;
	s0 =	spop (v2sf)  }
0x111: {  	v5 =	vld [tilespmem:s25+$0x14030];
	v7 =	vadd.s32 v8, v32;
	v8 =	vsub.s32 v3, v16;
	s0 =	sadd.s32 $0x0, s0  }
0x112: {  	v22 =	vadd.s32 v20, v22;
	v61 =	vld [tilespmem:s24+$0x15800];
	[tilespmem:s25+$0x17800] =	vst v7;
	v16 =	vadd.s32 s0, v8  }
0x113: {  	v23 =	vadd.s32 v23, v22;
	v8 =	vld [tilespmem:s24+$0x17000];
	[tilespmem:s25+$0x14010] =	vst v16;
	v7 =	vadd.s32 v11, v16  }
0x114: {  	v25 =	vadd.s32 v25, v23;
	v3 =	vld [tilespmem:s24+$0x14010];
	[tilespmem:s25+$0x15010] =	vst v7;
	v7 =	vadd.s32 v24, v21  }
0x115: {  	v40 =	vadd.s32 v25, v7  }
0x116: {  	v10 =	vld [tilespmem:s25+$0x17030];
	v7 =	vadd.s32 v33, v40  }
0x117: {  	v34 =	vld [tilespmem:s25+$0x17830];
	v15 =	vadd.s32 v5, v29;
	v9 =	vadd.s32 v9, v16;
	v11 =	vadd.s32 v26, v7  }
0x118: {  	v18 =	vadd.s32 v30, v15;
	v39 =	vld [tilespmem:s24+$0x17800];
	[tilespmem:s25+$0x14810] =	vst v9;
	v9 =	vadd.s32 v16, v14;
	(xrf0) =	vadd.scan.msk.s32 $0xffff, v11  }
0x119: {  	v21 =	vadd.s32 v28, v18;
	v14 =	vld [tilespmem:s24+$0x14810];
	[tilespmem:s25+$0x15810] =	vst v9;
	v9 =	vadd.s32 v6, v31;
	v7 =	vadd.s32 v12, v16  }
0x11a: {  	v27 =	vld [tilespmem:s24+$0x15810];
	v19 =	vadd.s32 v21, v9;
	[tilespmem:s25+$0x16010] =	vst v7;
	v12 =	vadd.s32 v13, v7  }
0x11b: {  	v7 =	vld [tilespmem:s24+$0x16010];
	[tilespmem:s25+$0x16810] =	vst v12;
	v12 =	vadd.s32 v10, v19;
	_ =	sdelay $0x2  }
0x11c: {  	v34 =	vadd.s32 v34, v12;
	v12, _, _ =	vpop (xrf0)  }
0x11d: {  	s3 =	spop (v2sf);
	(v2sf) =	vpush v12, $0xF;
	_ =	sdelay $0x1  }
0x11e: {  	(xrf0) =	vadd.scan.msk.s32 $0xffff, v34  }
0x11f: {  	v9 =	vadd.s32 v35, v16  }
0x120: {  	v16 =	vadd.s32 v2, v37;
	v13 =	vadd.s32 v17, v9  }
0x121: {  	v62 =	vld [tilespmem:s24+$0x15010];
	[tilespmem:s25+$0x17810] =	vst v13;
	v13 =	vadd.s32 v36, v16;
	s28 =	sadd.s32 s0, s3;
	v11 =	vsub.s32 v12, v11  }
0x122: {  	v30 =	vld [tilespmem:s24+$0x16810];
	[tilespmem:s25+$0x17010] =	vst v9;
	v9 =	vadd.s32 v4, v38;
	v17 =	vadd.s32 v61, v13;
	v29 =	vadd.s32 s28, v11  }
0x123: {  	v26 =	vadd.s32 v20, v29;
	v20 =	vadd.s32 v17, v9  }
0x124: {  	v12 =	vadd.s32 v8, v20;
	v63, _, _ =	vpop (xrf0)  }
0x125: {  	v31 =	vadd.s32 v25, v29;
	v25 =	vadd.s32 v39, v12;
	(v2sf) =	vpush v63, $0xF  }
0x126: {  	v28 =	vld [tilespmem:s24+$0x17810];
	[tilespmem:s25+$0x14020] =	vst v29;
	(xrf0) =	vadd.scan.msk.s32 $0xffff, v25  }
0x127: {  	v22 =	vadd.s32 v22, v29;
	v11 =	vld [tilespmem:s24+$0x17010];
	[tilespmem:s25+$0x14820] =	vst v26;
	v24 =	vadd.s32 v24, v31  }
0x128: {  	v32 =	vadd.s32 v40, v29;
	v26 =	vadd.s32 v29, v23;
	v9 =	vld [tilespmem:s24+$0x14020];
	[tilespmem:s25+$0x16820] =	vst v24;
	v12 =	vadd.s32 v3, v14  }
0x129: {  	s26 =	simm.s32 $0x200;
	v23 =	vadd.s32 v33, v32;
	v29 =	vld [tilespmem:s24+$0x16820];
	v14 =	vadd.s32 v62, v12;
	[tilespmem:s25+$0x15020] =	vst v22;
	v24 =	vsub.s32 v63, v34  }
.LBB2_9:
0x12a: {  	s0 =	sshra.s32 s26, $0x2;
	p0 =	sne.s32 s26, $0x1F00;
	s26 =	sadd.s32 $0x100, s26;
	v22 =	vadd.s32 v7, v30;
	v27 =	vadd.s32 v27, v14;
	v30 =	vld [tilespmem:s24+$0x14820];
	[tilespmem:s25+$0x16020] =	vst v31  }
0x12b: {  	v31 =	vadd.s32 v27, v22;
	v33 =	vld [tilespmem:s24+$0x15020];
	[tilespmem:s25+$0x15820] =	vst v26;
	s3 =	spop (v2sf)  }
0x12c: {  	v26 =	vadd.s32 v11, v31;
	v22 =	vld [tilespmem:s24+$0x16020];
	v34, _, _ =	vpop (xrf0);
	[tilespmem:s25+$0x17020] =	vst v32;
	s3 =	sadd.s32 s28, s3  }
0x12d: {  	v28 =	vadd.s32 v28, v26;
	v32 =	vld [tilespmem:s24+$0x15820];
	(v2sf) =	vpush v34, $0xF;
	[tilespmem:s25+$0x17820] =	vst v23;
	v35 =	vadd.s32 s3, v24  }
0x12e: {  	v23 =	vld [tilespmem:s24+$0x17020];
	(xrf0) =	vadd.scan.msk.s32 $0xffff, v28;
	[tilespmem:s25+$0x14030] =	vst v35;
	v36 =	vadd.s32 v5, v35;
	v21 =	vadd.s32 v21, v35  }
0x12f: {  	v15 =	vadd.s32 v15, v35;
	v24 =	vadd.s32 v9, v30;
	v5 =	vld [tilespmem:s24+$0x14030];
	[tilespmem:s25+$0x16030] =	vst v21;
	v21 =	vadd.s32 v6, v21  }
0x130: {  	v6 =	vadd.s32 v35, v18;
	v18 =	vadd.s32 v19, v35;
	v30 =	vld [tilespmem:s24+$0x17820];
	v26 =	vadd.s32 v33, v24;
	[tilespmem:s25+$0x14830] =	vst v36  }
0x131: {  	v19 =	vsub.s32 v34, v25;
	v25 =	vadd.s32 v22, v29;
	[tilespmem:s25+$0x15830] =	vst v6  }
0x132: {  	v10 =	vadd.s32 v10, v18;
	v29 =	vadd.s32 v32, v26;
	v6 =	vld [tilespmem:s24+$0x16030];
	[tilespmem:s25+$0x16830] =	vst v21  }
0x133: {  	v32 =	vadd.s32 v29, v25;
	v21 =	vld [tilespmem:s24+$0x15830];
	[tilespmem:s25+$0x17830] =	vst v10  }
0x134: {  	v10 =	vadd.s32 v23, v32;
	v25 =	vld [tilespmem:s24+$0x14830];
	v33, _, _ =	vpop (xrf0);
	[tilespmem:s25+$0x15030] =	vst v15;
	s28 =	spop (v2sf)  }
0x135: {  	v28 =	vsub.s32 v33, v28;
	v30 =	vadd.s32 v30, v10;
	v34 =	vld [tilespmem:s24+$0x15030];
	(v2sf) =	vpush v33, $0xF;
	[tilespmem:s25+$0x17030] =	vst v18;
	s3 =	sadd.s32 s3, s28;
	s25 =	smov.u32 s24;
	s24 =	smov.u32 s0  }
0x136: {  	v10 =	vadd.s32 s3, v19;
	v19 =	vld [tilespmem:s25+$0x16830];
	(xrf0) =	vadd.scan.msk.s32 $0xffff, v30  }
0x137: {  	[tilespmem:s25+$0x14000] =	vst v10;
	v15 =	vadd.s32 v16, v10;
	v13 =	vadd.s32 v10, v13;
	v16 =	vadd.s32 v20, v10;
	v20 =	vld [tilespmem:s25+$0x17830]  }
0x138: {  	v33 =	vadd.s32 v2, v10;
	v17 =	vadd.s32 v17, v10;
	[tilespmem:s25+$0x17000] =	vst v16;
	v8 =	vadd.s32 v8, v16;
	v10 =	vld [tilespmem:s25+$0x17030]  }
0x139: {  	v16 =	vadd.s32 v4, v17;
	v2 =	vld [tilespmem:s24+$0x14000];
	[tilespmem:s25+$0x15000] =	vst v15;
	v15 =	vadd.s32 v5, v25  }
0x13a: {  	v25 =	vld [tilespmem:s24+$0x15000];
	[tilespmem:s25+$0x16000] =	vst v17;
	v18 =	vadd.s32 v34, v15  }
0x13b: {  	v4 =	vld [tilespmem:s24+$0x16000];
	[tilespmem:s25+$0x14800] =	vst v33;
	v17 =	vadd.s32 v6, v19;
	v21 =	vadd.s32 v21, v18  }
0x13c: {  	v33 =	vld [tilespmem:s24+$0x14800];
	[tilespmem:s25+$0x16800] =	vst v16;
	v19 =	vadd.s32 v21, v17;
	s0 =	spop (v2sf);
	v16, _, _ =	vpop (xrf0)  }
0x13d: {  	v17 =	vld [tilespmem:s24+$0x16800];
	[tilespmem:s25+$0x15800] =	vst v13;
	s0 =	sadd.s32 s3, s0;
	v34 =	vsub.s32 v16, v30;
	v13 =	vadd.s32 v10, v19;
	(v2sf) =	vpush v16, $0xF  }
0x13e: {  	v30 =	vld [tilespmem:s24+$0x15800];
	[tilespmem:s25+$0x17800] =	vst v8;
	v16 =	vadd.s32 s0, v28;
	v35 =	vadd.s32 v20, v13  }
0x13f: {  	v8 =	vld [tilespmem:s24+$0x17000];
	[tilespmem:s25+$0x14010] =	vst v16;
	v12 =	vadd.s32 v12, v16;
	v14 =	vadd.s32 v16, v14;
	(xrf0) =	vadd.scan.msk.s32 $0xffff, v35  }
0x140: {  	v13 =	vadd.s32 v3, v16;
	v28 =	vadd.s32 v31, v16;
	v3 =	vld [tilespmem:s24+$0x14010];
	[tilespmem:s25+$0x15010] =	vst v12;
	v12 =	vadd.s32 v27, v16  }
0x141: {  	v11 =	vadd.s32 v11, v28;
	v31 =	vld [tilespmem:s24+$0x17800];
	v16 =	vadd.s32 v2, v33;
	[tilespmem:s25+$0x14810] =	vst v13;
	v33 =	vadd.s32 v7, v12  }
0x142: {  	v7 =	vadd.s32 v4, v17;
	v13 =	vadd.s32 v25, v16;
	v36 =	vld [tilespmem:s24+$0x14810];
	[tilespmem:s25+$0x15810] =	vst v14  }
0x143: {  	v17 =	vadd.s32 v30, v13;
	v27 =	vld [tilespmem:s24+$0x15810];
	[tilespmem:s25+$0x16010] =	vst v12  }
0x144: {  	v20 =	vadd.s32 v17, v7;
	v7 =	vld [tilespmem:s24+$0x16010];
	[tilespmem:s25+$0x16810] =	vst v33;
	s3 =	spop (v2sf)  }
0x145: {  	v12 =	vadd.s32 v8, v20;
	v14 =	vld [tilespmem:s24+$0x15010];
	[tilespmem:s25+$0x17810] =	vst v11;
	s28 =	sadd.s32 s0, s3;
	v33, _, _ =	vpop (xrf0)  }
.Ltmp5:
0x146: {  	v25 =	vadd.s32 v31, v12;
	v30 =	vld [tilespmem:s24+$0x16810];
	[tilespmem:s25+$0x17010] =	vst v28;
	v34 =	vadd.s32 s28, v34;
	(v2sf) =	vpush v33, $0xF;
	(pc) =	sbr.rel @p0 .LBB2_9-.Ltmp5, $4  }
0x147: {  	v28 =	vld [tilespmem:s24+$0x17810];
	(xrf0) =	vadd.scan.msk.s32 $0xffff, v25;
	[tilespmem:s25+$0x14020] =	vst v34;
	v9 =	vadd.s32 v9, v34;
	v31 =	vadd.s32 v29, v34  }
0x148: {  	v37 =	vadd.s32 v24, v34;
	v26 =	vadd.s32 v34, v26;
	v11 =	vld [tilespmem:s24+$0x17010];
	[tilespmem:s25+$0x14820] =	vst v9;
	v22 =	vadd.s32 v22, v31  }
0x149: {  	v12 =	vadd.s32 v3, v36;
	v32 =	vadd.s32 v32, v34;
	v24 =	vsub.s32 v33, v35;
	v9 =	vld [tilespmem:s24+$0x14020];
	[tilespmem:s25+$0x16820] =	vst v22  }
0x14a: {  	v23 =	vadd.s32 v23, v32;
	v14 =	vadd.s32 v14, v12;
	v29 =	vld [tilespmem:s24+$0x16820];
	[tilespmem:s25+$0x15020] =	vst v37  }
0x14b: {  	v22 =	vld [tilespmem:s24+$0x14820];
	[tilespmem:s25+$0x16020] =	vst v31  }
0x14c: {  	v31 =	vld [tilespmem:s24+$0x15020];
	[tilespmem:s25+$0x15820] =	vst v26;
	s0 =	spop (v2sf)  }
0x14d: {  	v26 =	vld [tilespmem:s24+$0x16020];
	[tilespmem:s25+$0x17020] =	vst v32;
	s0 =	sadd.s32 s28, s0  }
0x14e: {  	v32 =	vld [tilespmem:s24+$0x15820];
	[tilespmem:s25+$0x17820] =	vst v23;
	v52 =	vadd.s32 s0, v24  }
0x14f: {  	v53 =	vld [tilespmem:s24+$0x17020];
	[tilespmem:s25+$0x14030] =	vst v52;
	v21 =	vadd.s32 v21, v52  }
0x150: {  	v30 =	vadd.s32 v7, v30;
	v27 =	vadd.s32 v27, v14;
	v5 =	vadd.s32 v5, v52;
	v33 =	vld [tilespmem:s24+$0x14030];
	[tilespmem:s25+$0x16030] =	vst v21  }
0x151: {  	v34 =	vld [tilespmem:s24+$0x17820];
	[tilespmem:s25+$0x14830] =	vst v5;
	v5 =	vadd.s32 v52, v18;
	v18 =	vadd.s32 v27, v30  }
0x152: {  	v54, _, _ =	vpop (xrf0);
	[tilespmem:s25+$0x15830] =	vst v5;
	v5 =	vadd.s32 v11, v18  }
0x153: {  	(v2sf) =	vpush v54, $0xF;
	v5 =	vadd.s32 v28, v5  }
0x154: {  	v19 =	vadd.s32 v19, v52;
	v6 =	vadd.s32 v6, v21;
	(xrf0) =	vadd.scan.msk.s32 $0xffff, v5  }
0x155: {  	v55 =	vld [tilespmem:s24+$0x16030];
	[tilespmem:s25+$0x16830] =	vst v6;
	v6 =	vadd.s32 v10, v19  }
0x156: {  	v10 =	vld [tilespmem:s24+$0x15830];
	[tilespmem:s25+$0x17830] =	vst v6;
	v6 =	vadd.s32 v9, v22  }
0x157: {  	v15 =	vadd.s32 v15, v52;
	v57 =	vadd.s32 v31, v6  }
0x158: {  	v56 =	vld [tilespmem:s24+$0x14830];
	[tilespmem:s25+$0x15030] =	vst v15;
	v15 =	vadd.s32 v26, v29;
	v58 =	vadd.s32 v32, v57  }
0x159: {  	v15 =	vadd.s32 v58, v15  }
0x15a: {  	s3 =	spop (v2sf);
	v59 =	vld [tilespmem:s24+$0x15030];
	[tilespmem:s25+$0x17030] =	vst v19;
	v19 =	vadd.s32 v53, v15;
	v60, _, _ =	vpop (xrf0)  }
0x15b: {  	v25 =	vsub.s32 v54, v25;
	s0 =	sadd.s32 s0, s3;
	v19 =	vadd.s32 v34, v19;
	(v2sf) =	vpush v60, $0xF  }
0x15c: {  	v25 =	vadd.s32 s0, v25;
	(xrf0) =	vadd.scan.msk.s32 $0xffff, v19  }
0x15d: {  	v61 =	vld [tilespmem:s24+$0x16830];
	[tilespmem:s24+$0x14000] =	vst v25;
	v20 =	vadd.s32 v20, v25  }
0x15e: {  	v16 =	vadd.s32 v16, v25;
	v17 =	vadd.s32 v17, v25;
	[tilespmem:s24+$0x17000] =	vst v20  }
0x15f: {  	v63 =	vld [tilespmem:s24+$0x17030];
	[tilespmem:s24+$0x15000] =	vst v16;
	v4 =	vadd.s32 v4, v17  }
0x160: {  	v62 =	vld [tilespmem:s24+$0x17830];
	v2 =	vadd.s32 v2, v25;
	[tilespmem:s24+$0x16000] =	vst v17;
	v16 =	vadd.s32 v33, v56  }
0x161: {  	[tilespmem:s24+$0x14800] =	vst v2;
	v2 =	vadd.s32 v25, v13;
	v17 =	vadd.s32 v59, v16  }
0x162: {  	v8 =	vadd.s32 v8, v20;
	[tilespmem:s24+$0x16800] =	vst v4;
	v13 =	vadd.s32 v55, v61;
	v10 =	vadd.s32 v10, v17;
	s25 =	spop (v2sf);
	v4, _, _ =	vpop (xrf0)  }
0x163: {  	[tilespmem:s24+$0x15800] =	vst v2;
	v5 =	vsub.s32 v60, v5;
	v13 =	vadd.s32 v10, v13;
	s0 =	sadd.s32 s0, s25;
	(v2sf) =	vpush v4, $0xF  }
0x164: {  	[tilespmem:s24+$0x17800] =	vst v8;
	v2 =	vadd.s32 v63, v13;
	v5 =	vadd.s32 s0, v5  }
0x165: {  	v2 =	vadd.s32 v62, v2;
	[tilespmem:s24+$0x14010] =	vst v5;
	v8 =	vadd.s32 v12, v5  }
0x166: {  	(xrf0) =	vadd.scan.msk.s32 $0xffff, v2;
	v3 =	vadd.s32 v3, v5;
	[tilespmem:s24+$0x15010] =	vst v8  }
0x167: {  	v8 =	vadd.s32 v5, v14;
	[tilespmem:s24+$0x14810] =	vst v3  }
0x168: {  	v3 =	vadd.s32 v27, v5;
	v5 =	vadd.s32 v18, v5;
	[tilespmem:s24+$0x15810] =	vst v8  }
0x169: {  	v7 =	vadd.s32 v7, v3;
	[tilespmem:s24+$0x16010] =	vst v3;
	v3 =	vadd.s32 v11, v5  }
0x16a: {  	[tilespmem:s24+$0x17010] =	vst v5;
	s26 =	spop (v2sf)  }
0x16b: {  	v4 =	vsub.s32 v4, v19;
	[tilespmem:s24+$0x16810] =	vst v7;
	s0 =	sadd.s32 s0, s26  }
0x16c: {  	[tilespmem:s24+$0x17810] =	vst v3;
	v3, _, _ =	vpop (xrf0);
	v4 =	vadd.s32 s0, v4  }
0x16d: {  	(v2sf) =	vpush v3, $0xF;
	[tilespmem:s24+$0x14020] =	vst v4;
	v5 =	vadd.s32 v9, v4  }
0x16e: {  	v6 =	vadd.s32 v6, v4;
	[tilespmem:s24+$0x14820] =	vst v5  }
0x16f: {  	v7 =	vadd.s32 v58, v4;
	[tilespmem:s24+$0x15020] =	vst v6  }
0x170: {  	v5 =	vadd.s32 v26, v7;
	[tilespmem:s24+$0x16020] =	vst v7  }
0x171: {  	[tilespmem:s24+$0x16820] =	vst v5;
	v5 =	vadd.s32 v4, v57  }
0x172: {  	v4 =	vadd.s32 v15, v4;
	[tilespmem:s24+$0x15820] =	vst v5;
	s29 =	spop (v2sf)  }
0x173: {  	v2 =	vsub.s32 v3, v2;
	v3 =	vadd.s32 v53, v4;
	[tilespmem:s24+$0x17020] =	vst v4;
	s0 =	sadd.s32 s0, s29  }
0x174: {  	[tilespmem:s24+$0x17820] =	vst v3;
	v2 =	vadd.s32 s0, v2  }
0x175: {  	[tilespmem:s24+$0x14030] =	vst v2;
	v3 =	vadd.s32 v10, v2  }
0x176: {  	v4 =	vadd.s32 v33, v2;
	[tilespmem:s24+$0x16030] =	vst v3  }
0x177: {  	v5 =	vadd.s32 v13, v2;
	[tilespmem:s24+$0x14830] =	vst v4  }
0x178: {  	v4 =	vadd.s32 v2, v17;
	[tilespmem:s24+$0x17030] =	vst v5  }
0x179: {  	v3 =	vadd.s32 v55, v3;
	[tilespmem:s24+$0x15830] =	vst v4  }
0x17a: {  	v2 =	vadd.s32 v16, v2;
	[tilespmem:s24+$0x16830] =	vst v3  }
0x17b: {  	p0 =	seq.s32 s23, $0x0;
	v3 =	vadd.s32 v63, v5;
	[tilespmem:s24+$0x15030] =	vst v2  }
0x17c: {  	s0 =	simm.s32 @!p0 $0x2;
	[tilespmem:s24+$0x17830] =	vst v3;
	s30 =	spop (v2sf)  }
0x17d: {  	_ =	swait.ge @!p0 [sflag:s0], $0x8000  }
0x17e: {  	[sflag:s0] =	ssyncset.done @!p0 $0x0  }
0x17f: {  	[sflag:s0] =	ssyncadd.s32 @!p0 $0xFFFF8000  }
0x180: {  	v2 =	vld [tilespmem:$0x0]  }
0x181: {  	v3 =	vld [tilespmem:$0x1000]  }
0x182: {  	v4 =	vld [tilespmem:$0x2000]  }
0x183: {  	v5 =	vld [tilespmem:$0x3000]  }
0x184: {  	v6 =	vld [tilespmem:$0x4000]  }
0x185: {  	v7 =	vld [tilespmem:$0x5000]  }
0x186: {  	v10 =	vld [tilespmem:$0x6000];
	v8 =	vshra.s32 v2, $0x1F;
	v9 =	vshra.s32 v3, $0x1F  }
0x187: {  	v12 =	vld [tilespmem:$0x7000];
	v8 =	vor.u32 $0x80000000, v8;
	v9 =	vor.u32 $0x80000000, v9  }
0x188: {  	v14 =	vxor.u32 v2, v8;
	v16 =	vxor.u32 v3, v9  }
0x189: {  	v2 =	vshra.s32 v4, $0x1F;
	v3 =	vshra.s32 v5, $0x1F;
	v8 =	vshra.s32 v6, $0x1F  }
0x18a: {  	v2 =	vor.u32 $0x80000000, v2;
	v3 =	vor.u32 $0x80000000, v3;
	v8 =	vor.u32 $0x80000000, v8  }
0x18b: {  	v19 =	vxor.u32 v4, v2;
	v17 =	vxor.u32 v5, v3;
	v13 =	vxor.u32 v6, v8  }
0x18c: {  	s24 =	sadd.s32 s4, s23;
	v2 =	vshra.s32 v7, $0x1F;
	v3 =	vshra.s32 v10, $0x1F;
	v4 =	vshra.s32 v12, $0x1F  }
0x18d: {  	s31 =	sshll.u32 s24, $0x4;
	v2 =	vor.u32 $0x80000000, v2;
	v3 =	vor.u32 $0x80000000, v3;
	v4 =	vor.u32 $0x80000000, v4  }
0x18e: {  	s28 =	simm.s32 $0x10;
	s26 =	simm.s32 $0x10;
	s25 =	sand.u32 $0x70, s31;
	v11 =	vxor.u32 v7, v2;
	v8 =	vxor.u32 v10, v3;
	v6 =	vxor.u32 v12, v4  }
.LBB2_11:
0x18f: {  	v2 =	vshrl.u32 v6, $0xB;
	v3 =	vshrl.u32 v8, $0xB  }
0x190: {  	v4 =	vshrl.u32 v11, $0xB;
	v5 =	vshrl.u32 v13, $0xB;
	v7 =	vshrl.u32 v17, $0xB;
	p0 =	seq.s32 s28, $0x1000  }
.Ltmp6:
0x191: {  	v9 =	vshrl.u32 v19, $0xB;
	v10 =	vshrl.u32 v16, $0xB;
	v12 =	vshrl.u32 v14, $0xB;
	(pc) =	sbr.rel @p0 .LBB2_13-.Ltmp6, $4  }
0x192: {  	v6 =	vand.u32 $0x7FF, v6;
	v8 =	vand.u32 $0x7FF, v8;
	v11 =	vand.u32 $0x7FF, v11  }
0x193: {  	v13 =	vand.u32 $0x7FF, v13;
	v17 =	vand.u32 $0x7FF, v17;
	v19 =	vand.u32 $0x7FF, v19  }
0x194: {  	v16 =	vand.u32 $0x7FF, v16;
	v14 =	vand.u32 $0x7FF, v14;
	v15 =	vor.u32 $0x80000000, v7  }
0x195: {  	v18 =	vor.u32 $0x80000000, v9;
	v20 =	vor.u32 $0x80000000, v10;
	v21 =	vor.u32 $0x80000000, v12  }
0x196: {  	(xrf1) =	vunique.msk.u32 $0xffff, v14;
	_ =	sdelay $0x1  }
0x197: {  	(xrf1) =	vunique.msk.u32 $0xffff, v16;
	_ =	sdelay $0x1  }
0x198: {  	(xrf1) =	vunique.msk.u32 $0xffff, v19;
	_ =	sdelay $0x1  }
0x199: {  	v22 =	vld [tilespmem:s26+$0x0];
	(xrf1) =	vunique.msk.u32 $0xffff, v17  }
0x19a: {  	v27 =	vld.idx.msk [tilespmem:v14+s11+$0x0], $0xffff  }
0x19b: {  	v29 =	vld.idx.msk [tilespmem:v16+s12+$0x0], $0xffff;
	(xrf1) =	vunique.msk.u32 $0xffff, v13  }
0x19c: {  	v32 =	vld.idx.msk [tilespmem:v19+s13+$0x0], $0xffff  }
0x19d: {  	v35 =	vld.idx.msk [tilespmem:v17+s14+$0x0], $0xffff;
	(xrf1) =	vunique.msk.u32 $0xffff, v11  }
0x19e: {  	v36 =	vld.idx.msk [tilespmem:v13+s15+$0x0], $0xffff  }
0x19f: {  	v38 =	vld.idx.msk [tilespmem:v11+s16+$0x0], $0xffff;
	(xrf1) =	vunique.msk.u32 $0xffff, v8  }
0x1a0: {  	v39 =	vld.idx.msk [tilespmem:v8+s17+$0x0], $0xffff  }
0x1a1: {  	s0 =	sand.u32 $0x1FF0, s28;
	v41 =	vld.idx.msk [tilespmem:v6+s18+$0x0], $0xffff;
	(xrf1) =	vunique.msk.u32 $0xffff, v6;
	_, v31, vm0 =	vpop (xrf1)  }
0x1a2: {  	v23 =	vld [tilespmem:s0+$0x1000];
	v27 =	vadd.s32 v27, v31  }
0x1a3: {  	v24 =	vld [tilespmem:s0+$0x2000];
	_, v34, vm1 =	vpop (xrf1);
	v27 =	vadd.s32 $0xFFFFFFFF, v27  }
0x1a4: {  	v25 =	vld [tilespmem:s0+$0x3000];
	v29 =	vadd.s32 v29, v34  }
0x1a5: {  	v26 =	vld [tilespmem:s0+$0x4000];
	_, v37, vm4 =	vpop (xrf1);
	v29 =	vadd.s32 $0xFFFFFFFF, v29  }
0x1a6: {  	v28 =	vld [tilespmem:s0+$0x5000];
	v32 =	vadd.s32 v32, v37  }
0x1a7: {  	v30 =	vld [tilespmem:s0+$0x6000];
	_, v40, vm5 =	vpop (xrf1);
	v32 =	vadd.s32 $0xFFFFFFFF, v32  }
0x1a8: {  	v33 =	vld [tilespmem:s0+$0x7000];
	v35 =	vadd.s32 v35, v40;
	[tilespmem:v27+s19+$0x0] =	vst.idx.msk $0xffff, v21  }
0x1a9: {  	_, v57, vm3 =	vpop (xrf1);
	v35 =	vadd.s32 $0xFFFFFFFF, v35;
	[tilespmem:v14+s11+$0x0] =	vst.idx.add.s32.msk vm0, v31  }
0x1aa: {  	v12 =	vand.u32 $0x7FF, v12;
	v58 =	vadd.s32 v36, v57;
	[tilespmem:v29+s19+$0x0] =	vst.idx.msk $0xffff, v20  }
0x1ab: {  	v10 =	vand.u32 $0x7FF, v10;
	v14 =	vshra.s32 v22, $0x1F;
	v31 =	vadd.s32 $0xFFFFFFFF, v58;
	_, v20, vm2 =	vpop (xrf1);
	[tilespmem:v16+s12+$0x0] =	vst.idx.add.s32.msk vm1, v34  }
0x1ac: {  	v9 =	vand.u32 $0x7FF, v9;
	v14 =	vor.u32 $0x80000000, v14;
	v60 =	vadd.s32 v38, v20;
	[tilespmem:v32+s19+$0x0] =	vst.idx.msk $0xffff, v18  }
0x1ad: {  	v59 =	vshra.s32 v23, $0x1F;
	_, v34, vm1 =	vpop (xrf1);
	v14 =	vxor.u32 v22, v14;
	v22 =	vadd.s32 $0xFFFFFFFF, v60;
	[tilespmem:v19+s13+$0x0] =	vst.idx.add.s32.msk vm4, v37  }
0x1ae: {  	v7 =	vand.u32 $0x7FF, v7;
	v16 =	vor.u32 $0x80000000, v59;
	v19 =	vadd.s32 v39, v34;
	[tilespmem:v35+s19+$0x0] =	vst.idx.msk $0xffff, v15  }
0x1af: {  	v63 =	vshrl.u32 v29, $0x1;
	v16 =	vxor.u32 v23, v16;
	_, v61, vm15 =	vpop (xrf1);
	v15 =	vadd.s32 $0xFFFFFFFF, v19;
	[tilespmem:v17+s14+$0x0] =	vst.idx.add.s32.msk vm5, v40  }
0x1b0: {  	v18 =	vshra.s32 v24, $0x1F;
	v62 =	vadd.s32 v41, v61;
	v17 =	vshrl.u32 v27, $0x1;
	[tilespmem:v31+s19+$0x0] =	vst.idx.msk $0xffff, v5  }
0x1b1: {  	v18 =	vor.u32 $0x80000000, v18;
	v19 =	vadd.s32 $0xFFFFFFFF, v62;
	v17 =	vand.u32 $0x7FFFF800, v17;
	[tilespmem:v13+s15+$0x0] =	vst.idx.add.s32.msk vm3, v57  }
0x1b2: {  	v12 =	vor.u32 v12, v17;
	v13 =	vand.u32 $0x7FFFF800, v63;
	v17 =	vshrl.u32 v32, $0x1;
	[tilespmem:v22+s19+$0x0] =	vst.idx.msk $0xffff, v4  }
0x1b3: {  	v5 =	vand.u32 $0x7FF, v5;
	v17 =	vand.u32 $0x7FFFF800, v17;
	v10 =	vor.u32 v10, v13;
	[tilespmem:v11+s16+$0x0] =	vst.idx.add.s32.msk vm2, v20  }
0x1b4: {  	v13 =	vshrl.u32 v31, $0x1;
	v4 =	vand.u32 $0x7FF, v4;
	v11 =	vshrl.u32 v35, $0x1;
	[tilespmem:v15+s19+$0x0] =	vst.idx.msk $0xffff, v3  }
0x1b5: {  	v9 =	vor.u32 v9, v17;
	v11 =	vand.u32 $0x7FFFF800, v11;
	v3 =	vand.u32 $0x7FF, v3;
	[tilespmem:v8+s17+$0x0] =	vst.idx.add.s32.msk vm1, v34  }
0x1b6: {  	v7 =	vor.u32 v7, v11;
	v8 =	vand.u32 $0x7FFFF800, v13;
	v11 =	vshrl.u32 v22, $0x1;
	[tilespmem:v19+s19+$0x0] =	vst.idx.msk $0xffff, v2  }
0x1b7: {  	v11 =	vand.u32 $0x7FFFF800, v11;
	v5 =	vor.u32 v5, v8;
	[tilespmem:v6+s18+$0x0] =	vst.idx.add.s32.msk vm15, v61;
	v6 =	vshrl.u32 v15, $0x1  }
0x1b8: {  	v8 =	vshrl.u32 v19, $0x1;
	v4 =	vor.u32 v4, v11;
	[tilespmem:v12+s20+$0x0] =	vst.idx.add.s32.msk $0xffff, v1;
	v6 =	vand.u32 $0x7FFFF800, v6  }
0x1b9: {  	v2 =	vand.u32 $0x7FF, v2;
	[tilespmem:v10+s20+$0x0] =	vst.idx.add.s32.msk $0xffff, v1;
	v3 =	vor.u32 v3, v6;
	v6 =	vand.u32 $0x7FFFF800, v8  }
0x1ba: {  	v8 =	vshra.s32 v25, $0x1F;
	v10 =	vshra.s32 v26, $0x1F;
	[tilespmem:v9+s20+$0x0] =	vst.idx.add.s32.msk $0xffff, v1;
	v2 =	vor.u32 v2, v6  }
.Ltmp7:
0x1bb: {  	v19 =	vxor.u32 v24, v18;
	v6 =	vor.u32 $0x80000000, v8;
	v8 =	vor.u32 $0x80000000, v10;
	[tilespmem:v7+s20+$0x0] =	vst.idx.add.s32.msk $0xffff, v1;
	(pc) =	sbr.rel .LBB2_11-.Ltmp7, $4  }
0x1bc: {  	v17 =	vxor.u32 v25, v6;
	v13 =	vxor.u32 v26, v8;
	v6 =	vshra.s32 v28, $0x1F;
	[tilespmem:v5+s20+$0x0] =	vst.idx.add.s32.msk $0xffff, v1  }
0x1bd: {  	v7 =	vshra.s32 v33, $0x1F;
	v5 =	vor.u32 $0x80000000, v6;
	v6 =	vshra.s32 v30, $0x1F;
	[tilespmem:v4+s20+$0x0] =	vst.idx.add.s32.msk $0xffff, v1  }
0x1be: {  	v11 =	vxor.u32 v28, v5;
	v4 =	vor.u32 $0x80000000, v6;
	v5 =	vor.u32 $0x80000000, v7;
	[tilespmem:v3+s20+$0x0] =	vst.idx.add.s32.msk $0xffff, v1  }
0x1bf: {  	s28 =	sadd.s32 $0x10, s28;
	s26 =	sadd.s32 $0x10, s26;
	v8 =	vxor.u32 v30, v4;
	v6 =	vxor.u32 v33, v5;
	[tilespmem:v2+s20+$0x0] =	vst.idx.add.s32.msk $0xffff, v1  }
.LBB2_13:
0x1c0: {  	(xrf1) =	vunique.msk.u32 $0xffff, v14;
	_ =	sdelay $0x1  }
0x1c1: {  	(xrf1) =	vunique.msk.u32 $0xffff, v16;
	_ =	sdelay $0x1  }
0x1c2: {  	(xrf1) =	vunique.msk.u32 $0xffff, v19;
	_ =	sdelay $0x1  }
0x1c3: {  	(xrf1) =	vunique.msk.u32 $0xffff, v17;
	_ =	sdelay $0x1  }
0x1c4: {  	(xrf1) =	vunique.msk.u32 $0xffff, v13;
	_ =	sdelay $0x1  }
0x1c5: {  	v22 =	vld.idx.msk [tilespmem:v14+s11+$0x0], $0xffff;
	(xrf1) =	vunique.msk.u32 $0xffff, v11;
	_ =	sdelay $0x1  }
0x1c6: {  	v23 =	vld.idx.msk [tilespmem:v16+s12+$0x0], $0xffff;
	(xrf1) =	vunique.msk.u32 $0xffff, v8;
	_ =	sdelay $0x1  }
0x1c7: {  	v25 =	vld.idx.msk [tilespmem:v19+s13+$0x0], $0xffff;
	(xrf1) =	vunique.msk.u32 $0xffff, v6;
	_, v24, vm0 =	vpop (xrf1)  }
0x1c8: {  	v22 =	vadd.s32 v22, v24  }
0x1c9: {  	v27 =	vld.idx.msk [tilespmem:v17+s14+$0x0], $0xffff;
	_, v26, vm1 =	vpop (xrf1);
	v22 =	vadd.s32 $0xFFFFFFFF, v22  }
0x1ca: {  	v23 =	vadd.s32 v23, v26  }
0x1cb: {  	v28 =	vld.idx.msk [tilespmem:v13+s15+$0x0], $0xffff;
	_, v29, vm2 =	vpop (xrf1);
	v23 =	vadd.s32 $0xFFFFFFFF, v23  }
0x1cc: {  	v30 =	vld.idx.msk [tilespmem:v11+s16+$0x0], $0xffff;
	v25 =	vadd.s32 v25, v29  }
0x1cd: {  	v31 =	vld.idx.msk [tilespmem:v8+s17+$0x0], $0xffff;
	_, v32, vm3 =	vpop (xrf1);
	v25 =	vadd.s32 $0xFFFFFFFF, v25  }
0x1ce: {  	v33 =	vld.idx.msk [tilespmem:v6+s18+$0x0], $0xffff;
	v27 =	vadd.s32 v27, v32;
	[tilespmem:v22+s19+$0x0] =	vst.idx.msk $0xffff, v21  }
0x1cf: {  	_, v42, vm4 =	vpop (xrf1);
	v27 =	vadd.s32 $0xFFFFFFFF, v27;
	[tilespmem:v14+s11+$0x0] =	vst.idx.add.s32.msk vm0, v24  }
0x1d0: {  	v43 =	vadd.s32 v28, v42;
	[tilespmem:v23+s19+$0x0] =	vst.idx.msk $0xffff, v20  }
0x1d1: {  	_, v44, vm5 =	vpop (xrf1);
	v14 =	vadd.s32 $0xFFFFFFFF, v43;
	[tilespmem:v16+s12+$0x0] =	vst.idx.add.s32.msk vm1, v26  }
0x1d2: {  	v45 =	vadd.s32 v30, v44;
	[tilespmem:v25+s19+$0x0] =	vst.idx.msk $0xffff, v18  }
0x1d3: {  	v24 =	vadd.s32 $0xFFFFFFFF, v45;
	_, v16, vm1 =	vpop (xrf1);
	[tilespmem:v19+s13+$0x0] =	vst.idx.add.s32.msk vm2, v29  }
0x1d4: {  	v12 =	vand.u32 $0x7FF, v12;
	v47 =	vadd.s32 v31, v16;
	[tilespmem:v27+s19+$0x0] =	vst.idx.msk $0xffff, v15  }
0x1d5: {  	v10 =	vand.u32 $0x7FF, v10;
	v9 =	vand.u32 $0x7FF, v9;
	_, v46, vm15 =	vpop (xrf1);
	v49 =	vadd.s32 $0xFFFFFFFF, v47;
	[tilespmem:v17+s14+$0x0] =	vst.idx.add.s32.msk vm3, v32  }
0x1d6: {  	v7 =	vand.u32 $0x7FF, v7;
	v59 =	vand.u32 $0x7FF, v5;
	v48 =	vadd.s32 v33, v46;
	[tilespmem:v14+s19+$0x0] =	vst.idx.msk $0xffff, v5  }
0x1d7: {  	v51 =	vshrl.u32 v22, $0x1;
	v52 =	vshrl.u32 v23, $0x1;
	v50 =	vadd.s32 $0xFFFFFFFF, v48;
	[tilespmem:v13+s15+$0x0] =	vst.idx.add.s32.msk vm4, v42  }
0x1d8: {  	v60 =	vand.u32 $0x7FF, v4;
	v53 =	vand.u32 $0x7FFFF800, v52;
	v17 =	vand.u32 $0x7FFFF800, v51;
	[tilespmem:v24+s19+$0x0] =	vst.idx.msk $0xffff, v4  }
0x1d9: {  	v54 =	vshrl.u32 v25, $0x1;
	v10 =	vor.u32 v10, v53;
	v12 =	vor.u32 v12, v17;
	[tilespmem:v11+s16+$0x0] =	vst.idx.add.s32.msk vm5, v44  }
0x1da: {  	v55 =	vshrl.u32 v27, $0x1;
	v56 =	vshrl.u32 v14, $0x1;
	v17 =	vand.u32 $0x7FFFF800, v54;
	[tilespmem:v49+s19+$0x0] =	vst.idx.msk $0xffff, v3  }
0x1db: {  	v58 =	vshrl.u32 v24, $0x1;
	v9 =	vor.u32 v9, v17;
	v11 =	vand.u32 $0x7FFFF800, v55;
	[tilespmem:v8+s17+$0x0] =	vst.idx.add.s32.msk vm1, v16  }
0x1dc: {  	v57 =	vand.u32 $0x7FFFF800, v56;
	v61 =	vshrl.u32 v49, $0x1;
	v7 =	vor.u32 v7, v11;
	[tilespmem:v50+s19+$0x0] =	vst.idx.msk $0xffff, v2  }
0x1dd: {  	v62 =	vshrl.u32 v50, $0x1;
	v5 =	vor.u32 v59, v57;
	v11 =	vand.u32 $0x7FFFF800, v58;
	[tilespmem:v6+s18+$0x0] =	vst.idx.add.s32.msk vm15, v46  }
0x1de: {  	v3 =	vand.u32 $0x7FF, v3;
	v4 =	vor.u32 v60, v11;
	v6 =	vand.u32 $0x7FFFF800, v61;
	[tilespmem:v12+s20+$0x0] =	vst.idx.add.s32.msk $0xffff, v1  }
0x1df: {  	v63 =	vand.u32 $0x7FFFF800, v62;
	v2 =	vand.u32 $0x7FF, v2;
	v3 =	vor.u32 v3, v6;
	[tilespmem:v10+s20+$0x0] =	vst.idx.add.s32.msk $0xffff, v1  }
0x1e0: {  	v2 =	vor.u32 v2, v63;
	[tilespmem:v9+s20+$0x0] =	vst.idx.add.s32.msk $0xffff, v1  }
0x1e1: {  	[tilespmem:v7+s20+$0x0] =	vst.idx.add.s32.msk $0xffff, v1  }
0x1e2: {  	[tilespmem:v5+s20+$0x0] =	vst.idx.add.s32.msk $0xffff, v1  }
0x1e3: {  	[tilespmem:v4+s20+$0x0] =	vst.idx.add.s32.msk $0xffff, v1  }
0x1e4: {  	[tilespmem:v3+s20+$0x0] =	vst.idx.add.s32.msk $0xffff, v1  }
0x1e5: {  	s26 =	simm.s32 $0x0;
	s28 =	simm.s32 $0x0;
	s30 =	simm.s32 $0x0;
	[tilespmem:v2+s20+$0x0] =	vst.idx.add.s32.msk $0xffff, v1  }
.LBB2_14:
0x1e6: {  	s29 =	sshra.s32 s28, $0x2  }
0x1e7: {  	s0 =	sand.u32 $0x7C0, s26;
	v2 =	vld [tilespmem:s29+$0x10000]  }
0x1e8: {  	v3 =	vld [tilespmem:s0+$0x10800]  }
0x1e9: {  	v4 =	vld [tilespmem:s0+$0x11000]  }
0x1ea: {  	v5 =	vld [tilespmem:s0+$0x11800]  }
0x1eb: {  	v6 =	vld [tilespmem:s0+$0x12000]  }
0x1ec: {  	v7 =	vld [tilespmem:s0+$0x12800];
	_ =	sdelay $0x1  }
0x1ed: {  	v8 =	vld [tilespmem:s0+$0x13000]  }
0x1ee: {  	v9 =	vld [tilespmem:s0+$0x13800];
	v3 =	vadd.s32 v2, v3  }
0x1ef: {  	v4 =	vadd.s32 v4, v3  }
0x1f0: {  	v7 =	vadd.s32 v6, v7;
	v5 =	vadd.s32 v5, v4  }
0x1f1: {  	v7 =	vadd.s32 v5, v7  }
0x1f2: {  	v10 =	vadd.s32 v8, v7  }
0x1f3: {  	v9 =	vadd.s32 v9, v10  }
0x1f4: {  	(xrf0) =	vadd.scan.msk.s32 $0xffff, v9;
	_ =	sdelay $0x5  }
0x1f5: {  	v41, _, _ =	vpop (xrf0)  }
0x1f6: {  	v9 =	vsub.s32 v41, v9  }
0x1f7: {  	[tilespmem:s29+$0x10000] =	vst v0;
	v9 =	vadd.s32 s30, v9  }
0x1f8: {  	[tilespmem:s29+$0x14000] =	vst v9;
	v2 =	vadd.s32 v2, v9  }
0x1f9: {  	[tilespmem:s29+$0x14800] =	vst v2;
	v2 =	vadd.s32 v3, v9  }
0x1fa: {  	[tilespmem:s29+$0x15000] =	vst v2;
	v2 =	vadd.s32 v9, v4  }
0x1fb: {  	[tilespmem:s29+$0x15800] =	vst v2;
	v2 =	vadd.s32 v5, v9  }
0x1fc: {  	[tilespmem:s29+$0x16000] =	vst v2;
	v2 =	vadd.s32 v6, v2  }
0x1fd: {  	[tilespmem:s29+$0x16800] =	vst v2;
	v2 =	vadd.s32 v7, v9  }
0x1fe: {  	[tilespmem:s29+$0x17000] =	vst v2;
	v2 =	vadd.s32 v8, v2  }
0x1ff: {  	[tilespmem:s29+$0x17800] =	vst v2  }
0x200: {  	[tilespmem:s0+$0x10800] =	vst v0  }
0x201: {  	[tilespmem:s0+$0x11000] =	vst v0  }
0x202: {  	[tilespmem:s0+$0x11800] =	vst v0  }
0x203: {  	[tilespmem:s0+$0x12000] =	vst v0  }
0x204: {  	[tilespmem:s0+$0x12800] =	vst v0  }
0x205: {  	[tilespmem:s0+$0x13000] =	vst v0  }
0x206: {  	[tilespmem:s0+$0x13800] =	vst v0  }
0x207: {  	v2 =	vld [tilespmem:s29+$0x10010]  }
0x208: {  	v3 =	vld [tilespmem:s29+$0x10810]  }
0x209: {  	v42 =	vld [tilespmem:s29+$0x11010]  }
0x20a: {  	v43 =	vld [tilespmem:s29+$0x11810]  }
0x20b: {  	v44 =	vld [tilespmem:s29+$0x12010]  }
0x20c: {  	(v2sf) =	vpush v41, $0xF;
	v45 =	vld [tilespmem:s29+$0x12810];
	_ =	sdelay $0x1  }
0x20d: {  	v46 =	vld [tilespmem:s29+$0x13010]  }
0x20e: {  	v47 =	vld [tilespmem:s29+$0x13810];
	v3 =	vadd.s32 v2, v3  }
0x20f: {  	v4 =	vadd.s32 v42, v3  }
0x210: {  	v7 =	vadd.s32 v44, v45;
	v5 =	vadd.s32 v43, v4  }
0x211: {  	v7 =	vadd.s32 v5, v7  }
0x212: {  	v49 =	vld [tilespmem:s29+$0x10020];
	v48 =	vadd.s32 v46, v7  }
0x213: {  	v11 =	vld [tilespmem:s29+$0x10820];
	v9 =	vadd.s32 v47, v48  }
0x214: {  	v12 =	vld [tilespmem:s29+$0x11020];
	(xrf0) =	vadd.scan.msk.s32 $0xffff, v9  }
0x215: {  	v13 =	vld [tilespmem:s29+$0x11820]  }
0x216: {  	v15 =	vld [tilespmem:s29+$0x12020]  }
0x217: {  	v16 =	vld [tilespmem:s29+$0x12820]  }
0x218: {  	[tilespmem:s29+$0x10010] =	vst v0  }
0x219: {  	v17 =	vld [tilespmem:s29+$0x13020];
	[tilespmem:s29+$0x10810] =	vst v0  }
0x21a: {  	v18 =	vld [tilespmem:s29+$0x13820];
	[tilespmem:s29+$0x11010] =	vst v0;
	s3 =	spop (v2sf);
	v11 =	vadd.s32 v49, v11;
	v14, _, _ =	vpop (xrf0)  }
0x21b: {  	[tilespmem:s29+$0x11810] =	vst v0;
	s0 =	sadd.s32 s30, s3;
	v12 =	vadd.s32 v12, v11;
	(v2sf) =	vpush v14, $0xF;
	v9 =	vsub.s32 v14, v9  }
0x21c: {  	[tilespmem:s29+$0x12010] =	vst v0;
	v50 =	vadd.s32 v15, v16;
	v13 =	vadd.s32 v13, v12;
	v9 =	vadd.s32 s0, v9  }
0x21d: {  	[tilespmem:s29+$0x12810] =	vst v0;
	v14 =	vadd.s32 v13, v50;
	v2 =	vadd.s32 v2, v9  }
0x21e: {  	v51 =	vadd.s32 v17, v14;
	v3 =	vadd.s32 v3, v9;
	[tilespmem:s29+$0x14810] =	vst v2  }
0x21f: {  	v2 =	vadd.s32 v18, v51;
	[tilespmem:s29+$0x15010] =	vst v3;
	v3 =	vadd.s32 v9, v4  }
0x220: {  	(xrf0) =	vadd.scan.msk.s32 $0xffff, v2;
	[tilespmem:s29+$0x15810] =	vst v3;
	v3 =	vadd.s32 v5, v9  }
0x221: {  	[tilespmem:s29+$0x16010] =	vst v3;
	v3 =	vadd.s32 v44, v3  }
0x222: {  	v52 =	vld [tilespmem:s29+$0x10030];
	[tilespmem:s29+$0x16810] =	vst v3;
	v3 =	vadd.s32 v7, v9  }
0x223: {  	v54 =	vld [tilespmem:s29+$0x10830];
	[tilespmem:s29+$0x17010] =	vst v3;
	v3 =	vadd.s32 v46, v3  }
0x224: {  	v56 =	vld [tilespmem:s29+$0x11030];
	[tilespmem:s29+$0x13010] =	vst v0  }
0x225: {  	v58 =	vld [tilespmem:s29+$0x11830];
	[tilespmem:s29+$0x13810] =	vst v0  }
0x226: {  	v59 =	vld [tilespmem:s29+$0x12030];
	[tilespmem:s29+$0x17810] =	vst v3;
	v3, _, _ =	vpop (xrf0)  }
0x227: {  	[tilespmem:s29+$0x10020] =	vst v0;
	v2 =	vsub.s32 v3, v2;
	(v2sf) =	vpush v3, $0xF;
	v3 =	vld [tilespmem:s29+$0x12830]  }
0x228: {  	[tilespmem:s29+$0x10820] =	vst v0  }
0x229: {  	v61 =	vld [tilespmem:s29+$0x13030];
	[tilespmem:s29+$0x11020] =	vst v0  }
0x22a: {  	v62 =	vld [tilespmem:s29+$0x13830];
	[tilespmem:s29+$0x11820] =	vst v0;
	v6 =	vadd.s32 v52, v54;
	s3 =	spop (v2sf)  }
0x22b: {  	[tilespmem:s29+$0x12020] =	vst v0;
	v7 =	vadd.s32 v56, v6;
	s0 =	sadd.s32 s0, s3  }
0x22c: {  	[tilespmem:s29+$0x12820] =	vst v0;
	v8 =	vadd.s32 v58, v7;
	v3 =	vadd.s32 v59, v3;
	v2 =	vadd.s32 s0, v2  }
0x22d: {  	[tilespmem:s29+$0x13020] =	vst v0;
	v3 =	vadd.s32 v8, v3;
	v60 =	vadd.s32 v13, v2  }
0x22e: {  	[tilespmem:s29+$0x14010] =	vst v9;
	v63 =	vadd.s32 v61, v3;
	v9 =	vadd.s32 v15, v60  }
0x22f: {  	[tilespmem:s29+$0x16820] =	vst v9;
	v9 =	vadd.s32 v62, v63  }
0x230: {  	[tilespmem:s29+$0x13820] =	vst v0;
	(xrf0) =	vadd.scan.msk.s32 $0xffff, v9  }
0x231: {  	[tilespmem:s29+$0x10030] =	vst v0;
	v53 =	vadd.s32 v49, v2  }
0x232: {  	v55 =	vadd.s32 v11, v2;
	v57 =	vadd.s32 v2, v12;
	[tilespmem:s29+$0x14020] =	vst v2;
	v2 =	vadd.s32 v14, v2  }
0x233: {  	[tilespmem:s29+$0x17020] =	vst v2;
	v2 =	vadd.s32 v17, v2  }
0x234: {  	[tilespmem:s29+$0x10830] =	vst v0  }
0x235: {  	[tilespmem:s29+$0x11030] =	vst v0  }
0x236: {  	[tilespmem:s29+$0x17820] =	vst v2;
	v2, _, _ =	vpop (xrf0)  }
0x237: {  	[tilespmem:s29+$0x11830] =	vst v0;
	s31 =	spop (v2sf);
	(v2sf) =	vpush v2, $0xF  }
0x238: {  	[tilespmem:s29+$0x12030] =	vst v0  }
0x239: {  	[tilespmem:s29+$0x13030] =	vst v0  }
0x23a: {  	[tilespmem:s29+$0x13830] =	vst v0  }
0x23b: {  	[tilespmem:s29+$0x12830] =	vst v0  }
0x23c: {  	[tilespmem:s29+$0x14820] =	vst v53  }
0x23d: {  	[tilespmem:s29+$0x15020] =	vst v55  }
0x23e: {  	[tilespmem:s29+$0x15820] =	vst v57;
	s0 =	sadd.s32 s0, s31;
	v9 =	vsub.s32 v2, v9  }
0x23f: {  	[tilespmem:s29+$0x16020] =	vst v60;
	v9 =	vadd.s32 s0, v9  }
0x240: {  	[tilespmem:s29+$0x14030] =	vst v9;
	v2 =	vadd.s32 v52, v9  }
0x241: {  	[tilespmem:s29+$0x14830] =	vst v2;
	v2 =	vadd.s32 v6, v9  }
0x242: {  	p0 =	sne.s32 s28, $0x1F00;
	[tilespmem:s29+$0x15030] =	vst v2;
	v2 =	vadd.s32 v9, v7  }
.Ltmp8:
0x243: {  	[tilespmem:s29+$0x15830] =	vst v2;
	v2 =	vadd.s32 v8, v9;
	(pc) =	sbr.rel @p0 .LBB2_14-.Ltmp8, $4  }
0x244: {  	[tilespmem:s29+$0x16030] =	vst v2;
	v2 =	vadd.s32 v59, v2  }
0x245: {  	[tilespmem:s29+$0x16830] =	vst v2;
	v2 =	vadd.s32 v3, v9  }
0x246: {  	[tilespmem:s29+$0x17030] =	vst v2;
	v2 =	vadd.s32 v61, v2;
	s31 =	spop (v2sf)  }
0x247: {  	s26 =	sadd.s32 $0x40, s26;
	s28 =	sadd.s32 $0x100, s28;
	[tilespmem:s29+$0x17830] =	vst v2;
	s30 =	sadd.s32 s0, s31  }
0x248: {  	v12 =	vld [tilespmem:$0x8000]  }
0x249: {  	v13 =	vld [tilespmem:$0x9000]  }
0x24a: {  	v16 =	vld [tilespmem:$0xA000]  }
0x24b: {  	v17 =	vld [tilespmem:$0xB000]  }
0x24c: {  	v18 =	vld [tilespmem:$0xC000]  }
0x24d: {  	v20 =	vld [tilespmem:$0xD000]  }
0x24e: {  	v21 =	vld [tilespmem:$0xE000]  }
0x24f: {  	s26 =	simm.s32 $0x10;
	s28 =	simm.s32 $0x8010;
	v23 =	vld [tilespmem:$0xF000]  }
.LBB2_16:
0x250: {  	v7 =	vshrl.u32 v17, $0xB;
	p0 =	seq.s32 s26, $0x1000  }
.Ltmp9:
0x251: {  	v9 =	vshrl.u32 v16, $0xB;
	v11 =	vshrl.u32 v13, $0xB;
	v14 =	vshrl.u32 v12, $0xB;
	(pc) =	sbr.rel @p0 .LBB2_18-.Ltmp9, $4  }
0x252: {  	v19 =	vand.u32 $0x7FF, v17;
	v22 =	vand.u32 $0x7FF, v16;
	v24 =	vand.u32 $0x7FF, v13  }
0x253: {  	v25 =	vand.u32 $0x7FF, v12;
	v6 =	vshrl.u32 v18, $0xB;
	v15 =	vand.u32 $0x7FF, v18  }
0x254: {  	v4 =	vshrl.u32 v20, $0xB;
	v10 =	vand.u32 $0x7FF, v20;
	v3 =	vshrl.u32 v21, $0xB  }
0x255: {  	v8 =	vand.u32 $0x7FF, v21;
	v2 =	vshrl.u32 v23, $0xB;
	v5 =	vand.u32 $0x7FF, v23  }
0x256: {  	(xrf1) =	vunique.msk.u32 $0xffff, v25;
	_ =	sdelay $0x1  }
0x257: {  	(xrf1) =	vunique.msk.u32 $0xffff, v24;
	_ =	sdelay $0x1  }
0x258: {  	(xrf1) =	vunique.msk.u32 $0xffff, v22;
	_ =	sdelay $0x1  }
0x259: {  	v12 =	vld [tilespmem:s28+$0x0];
	(xrf1) =	vunique.msk.u32 $0xffff, v19  }
0x25a: {  	v26 =	vld.idx.msk [tilespmem:v25+s11+$0x0], $0xffff  }
0x25b: {  	v27 =	vld.idx.msk [tilespmem:v24+s12+$0x0], $0xffff;
	(xrf1) =	vunique.msk.u32 $0xffff, v15  }
0x25c: {  	v29 =	vld.idx.msk [tilespmem:v22+s13+$0x0], $0xffff  }
0x25d: {  	v31 =	vld.idx.msk [tilespmem:v19+s14+$0x0], $0xffff;
	(xrf1) =	vunique.msk.u32 $0xffff, v10  }
0x25e: {  	v32 =	vld.idx.msk [tilespmem:v15+s15+$0x0], $0xffff  }
0x25f: {  	v34 =	vld.idx.msk [tilespmem:v10+s16+$0x0], $0xffff;
	(xrf1) =	vunique.msk.u32 $0xffff, v8  }
0x260: {  	v35 =	vld.idx.msk [tilespmem:v8+s17+$0x0], $0xffff  }
0x261: {  	s0 =	sand.u32 $0x1FF0, s26;
	v37 =	vld.idx.msk [tilespmem:v5+s18+$0x0], $0xffff;
	(xrf1) =	vunique.msk.u32 $0xffff, v5;
	_, v28, vm0 =	vpop (xrf1)  }
0x262: {  	v13 =	vld [tilespmem:s0+$0x9000];
	v26 =	vadd.s32 v26, v28  }
0x263: {  	v16 =	vld [tilespmem:s0+$0xA000];
	_, v30, vm1 =	vpop (xrf1);
	v26 =	vadd.s32 $0xFFFFFFFF, v26  }
0x264: {  	v17 =	vld [tilespmem:s0+$0xB000];
	v27 =	vadd.s32 v27, v30  }
0x265: {  	v18 =	vld [tilespmem:s0+$0xC000];
	_, v33, vm2 =	vpop (xrf1);
	v27 =	vadd.s32 $0xFFFFFFFF, v27  }
0x266: {  	v20 =	vld [tilespmem:s0+$0xD000];
	v29 =	vadd.s32 v29, v33  }
0x267: {  	v21 =	vld [tilespmem:s0+$0xE000];
	_, v36, vm3 =	vpop (xrf1);
	v29 =	vadd.s32 $0xFFFFFFFF, v29  }
0x268: {  	v23 =	vld [tilespmem:s0+$0xF000];
	v31 =	vadd.s32 v31, v36;
	[tilespmem:v26+s2+$0x0] =	vst.idx.msk $0xffff, v14  }
0x269: {  	_, v38, vm4 =	vpop (xrf1);
	v31 =	vadd.s32 $0xFFFFFFFF, v31;
	[tilespmem:v25+s11+$0x0] =	vst.idx.add.s32.msk vm0, v28  }
0x26a: {  	v45 =	vadd.s32 v32, v38;
	[tilespmem:v27+s2+$0x0] =	vst.idx.msk $0xffff, v11  }
0x26b: {  	_, v46, vm5 =	vpop (xrf1);
	v25 =	vadd.s32 $0xFFFFFFFF, v45;
	[tilespmem:v24+s12+$0x0] =	vst.idx.add.s32.msk vm1, v30  }
0x26c: {  	v47 =	vadd.s32 v34, v46;
	[tilespmem:v29+s2+$0x0] =	vst.idx.msk $0xffff, v9  }
0x26d: {  	_, v24, vm1 =	vpop (xrf1);
	v30 =	vadd.s32 $0xFFFFFFFF, v47;
	[tilespmem:v22+s13+$0x0] =	vst.idx.add.s32.msk vm2, v33  }
0x26e: {  	v51 =	vand.u32 $0x3FF, v11;
	v22 =	vadd.s32 v35, v24;
	[tilespmem:v31+s2+$0x0] =	vst.idx.msk $0xffff, v7  }
0x26f: {  	v52 =	vand.u32 $0x3FF, v9;
	v55 =	vand.u32 $0x3FF, v7;
	_, v48, vm15 =	vpop (xrf1);
	v22 =	vadd.s32 $0xFFFFFFFF, v22;
	[tilespmem:v19+s14+$0x0] =	vst.idx.add.s32.msk vm3, v36  }
0x270: {  	v58 =	vand.u32 $0x3FF, v6;
	v59 =	vand.u32 $0x3FF, v4;
	v49 =	vadd.s32 v37, v48;
	[tilespmem:v25+s2+$0x0] =	vst.idx.msk $0xffff, v6  }
0x271: {  	v50 =	vshrl.u32 v27, $0x1;
	v33 =	vadd.s32 $0xFFFFFFFF, v49;
	v19 =	vshrl.u32 v26, $0x1;
	[tilespmem:v15+s15+$0x0] =	vst.idx.add.s32.msk vm4, v38  }
0x272: {  	v54 =	vshrl.u32 v31, $0x1;
	v14 =	vand.u32 $0x3FF, v14;
	v19 =	vand.u32 $0x7FFFF800, v19;
	[tilespmem:v30+s2+$0x0] =	vst.idx.msk $0xffff, v4  }
0x273: {  	v14 =	vor.u32 v14, v19;
	v15 =	vand.u32 $0x7FFFF800, v50;
	v19 =	vshrl.u32 v29, $0x1;
	[tilespmem:v10+s16+$0x0] =	vst.idx.add.s32.msk vm5, v46  }
0x274: {  	v11 =	vand.u32 $0x7FFFF800, v54;
	v19 =	vand.u32 $0x7FFFF800, v19;
	v53 =	vor.u32 v51, v15;
	[tilespmem:v22+s2+$0x0] =	vst.idx.msk $0xffff, v3  }
0x275: {  	v57 =	vshrl.u32 v30, $0x1;
	v15 =	vshrl.u32 v25, $0x1;
	v9 =	vor.u32 v52, v19;
	[tilespmem:v8+s17+$0x0] =	vst.idx.add.s32.msk vm1, v24  }
0x276: {  	v7 =	vor.u32 v55, v11;
	v11 =	vand.u32 $0x7FFFF800, v57;
	v56 =	vand.u32 $0x7FFFF800, v15;
	[tilespmem:v33+s2+$0x0] =	vst.idx.msk $0xffff, v2  }
0x277: {  	v61 =	vshrl.u32 v22, $0x1;
	v62 =	vshrl.u32 v33, $0x1;
	v60 =	vor.u32 v58, v56;
	[tilespmem:v5+s18+$0x0] =	vst.idx.add.s32.msk vm15, v48  }
0x278: {  	v6 =	vand.u32 $0x7FFFF800, v61;
	v4 =	vor.u32 v59, v11;
	v3 =	vand.u32 $0x3FF, v3;
	[tilespmem:v14+s20+$0x0] =	vst.idx.add.s32.msk $0xffff, v1  }
0x279: {  	v63 =	vand.u32 $0x7FFFF800, v62;
	v3 =	vor.u32 v3, v6;
	v2 =	vand.u32 $0x3FF, v2;
	[tilespmem:v53+s20+$0x0] =	vst.idx.add.s32.msk $0xffff, v1  }
0x27a: {  	v2 =	vor.u32 v2, v63;
	[tilespmem:v9+s20+$0x0] =	vst.idx.add.s32.msk $0xffff, v1  }
.Ltmp10:
0x27b: {  	[tilespmem:v7+s20+$0x0] =	vst.idx.add.s32.msk $0xffff, v1;
	(pc) =	sbr.rel .LBB2_16-.Ltmp10, $4  }
0x27c: {  	[tilespmem:v60+s20+$0x0] =	vst.idx.add.s32.msk $0xffff, v1  }
0x27d: {  	[tilespmem:v4+s20+$0x0] =	vst.idx.add.s32.msk $0xffff, v1  }
0x27e: {  	[tilespmem:v3+s20+$0x0] =	vst.idx.add.s32.msk $0xffff, v1  }
0x27f: {  	s26 =	sadd.s32 $0x10, s26;
	s28 =	sadd.s32 $0x10, s28;
	[tilespmem:v2+s20+$0x0] =	vst.idx.add.s32.msk $0xffff, v1  }
.LBB2_18:
0x280: {  	(xrf1) =	vunique.msk.u32 $0xffff, v25;
	_ =	sdelay $0x1  }
0x281: {  	(xrf1) =	vunique.msk.u32 $0xffff, v24;
	_ =	sdelay $0x1  }
0x282: {  	(xrf1) =	vunique.msk.u32 $0xffff, v22;
	_ =	sdelay $0x1  }
0x283: {  	(xrf1) =	vunique.msk.u32 $0xffff, v19;
	_ =	sdelay $0x1  }
0x284: {  	(xrf1) =	vunique.msk.u32 $0xffff, v15;
	_ =	sdelay $0x1  }
0x285: {  	v12 =	vld.idx.msk [tilespmem:v25+s11+$0x0], $0xffff;
	(xrf1) =	vunique.msk.u32 $0xffff, v10;
	_ =	sdelay $0x1  }
0x286: {  	v13 =	vld.idx.msk [tilespmem:v24+s12+$0x0], $0xffff;
	(xrf1) =	vunique.msk.u32 $0xffff, v8;
	_ =	sdelay $0x1  }
0x287: {  	v17 =	vld.idx.msk [tilespmem:v22+s13+$0x0], $0xffff;
	(xrf1) =	vunique.msk.u32 $0xffff, v5;
	_, v16, vm0 =	vpop (xrf1)  }
0x288: {  	v12 =	vadd.s32 v12, v16  }
0x289: {  	v20 =	vld.idx.msk [tilespmem:v19+s14+$0x0], $0xffff;
	_, v18, vm1 =	vpop (xrf1);
	v12 =	vadd.s32 $0xFFFFFFFF, v12  }
0x28a: {  	v13 =	vadd.s32 v13, v18  }
0x28b: {  	v21 =	vld.idx.msk [tilespmem:v15+s15+$0x0], $0xffff;
	_, v23, vm2 =	vpop (xrf1);
	v13 =	vadd.s32 $0xFFFFFFFF, v13  }
0x28c: {  	v26 =	vld.idx.msk [tilespmem:v10+s16+$0x0], $0xffff;
	v17 =	vadd.s32 v17, v23  }
0x28d: {  	v27 =	vld.idx.msk [tilespmem:v8+s17+$0x0], $0xffff;
	s26 =	simm.s32 $0x0;
	_, v28, vm3 =	vpop (xrf1);
	v17 =	vadd.s32 $0xFFFFFFFF, v17  }
0x28e: {  	v29 =	vld.idx.msk [tilespmem:v5+s18+$0x0], $0xffff;
	v20 =	vadd.s32 v20, v28;
	[tilespmem:v12+s26+$0x0] =	vst.idx.msk $0xffff, v14  }
0x28f: {  	_, v30, vm4 =	vpop (xrf1);
	v20 =	vadd.s32 $0xFFFFFFFF, v20;
	[tilespmem:v25+s11+$0x0] =	vst.idx.add.s32.msk vm0, v16  }
0x290: {  	v43 =	vadd.s32 v21, v30;
	[tilespmem:v13+s26+$0x0] =	vst.idx.msk $0xffff, v11  }
0x291: {  	_, v44, vm5 =	vpop (xrf1);
	v16 =	vadd.s32 $0xFFFFFFFF, v43;
	[tilespmem:v24+s12+$0x0] =	vst.idx.add.s32.msk vm1, v18  }
0x292: {  	v45 =	vadd.s32 v26, v44;
	[tilespmem:v17+s26+$0x0] =	vst.idx.msk $0xffff, v9  }
0x293: {  	_, v18, vm1 =	vpop (xrf1);
	v24 =	vadd.s32 $0xFFFFFFFF, v45;
	[tilespmem:v22+s13+$0x0] =	vst.idx.add.s32.msk vm2, v23  }
0x294: {  	v48 =	vand.u32 $0x3FF, v14;
	v46 =	vadd.s32 v27, v18;
	[tilespmem:v20+s26+$0x0] =	vst.idx.msk $0xffff, v7  }
0x295: {  	v50 =	vand.u32 $0x3FF, v11;
	v51 =	vand.u32 $0x3FF, v9;
	_, v25, vm0 =	vpop (xrf1);
	v22 =	vadd.s32 $0xFFFFFFFF, v46;
	[tilespmem:v19+s14+$0x0] =	vst.idx.add.s32.msk vm3, v28  }
0x296: {  	v54 =	vand.u32 $0x3FF, v7;
	v58 =	vand.u32 $0x3FF, v6;
	v47 =	vadd.s32 v29, v25;
	[tilespmem:v16+s26+$0x0] =	vst.idx.msk $0xffff, v6  }
0x297: {  	v59 =	vand.u32 $0x3FF, v4;
	v12 =	vshrl.u32 v12, $0x1;
	v23 =	vadd.s32 $0xFFFFFFFF, v47;
	[tilespmem:v15+s15+$0x0] =	vst.idx.add.s32.msk vm4, v30  }
0x298: {  	v49 =	vshrl.u32 v17, $0x1;
	v12 =	vand.u32 $0x7FFFF800, v12;
	v13 =	vshrl.u32 v13, $0x1;
	[tilespmem:v24+s26+$0x0] =	vst.idx.msk $0xffff, v4  }
0x299: {  	v53 =	vshrl.u32 v20, $0x1;
	v12 =	vor.u32 v48, v12;
	v13 =	vand.u32 $0x7FFFF800, v13;
	[tilespmem:v10+s16+$0x0] =	vst.idx.add.s32.msk vm5, v44  }
0x29a: {  	v14 =	vand.u32 $0x7FFFF800, v49;
	v55 =	vshrl.u32 v16, $0x1;
	v52 =	vor.u32 v50, v13;
	[tilespmem:v22+s26+$0x0] =	vst.idx.msk $0xffff, v3  }
0x29b: {  	v11 =	vand.u32 $0x7FFFF800, v53;
	v56 =	vand.u32 $0x7FFFF800, v55;
	v9 =	vor.u32 v51, v14;
	[tilespmem:v8+s17+$0x0] =	vst.idx.add.s32.msk vm1, v18  }
0x29c: {  	v57 =	vshrl.u32 v24, $0x1;
	v60 =	vor.u32 v58, v56;
	v7 =	vor.u32 v54, v11;
	[tilespmem:v23+s26+$0x0] =	vst.idx.msk $0xffff, v2  }
0x29d: {  	v11 =	vand.u32 $0x7FFFF800, v57;
	v61 =	vshrl.u32 v22, $0x1;
	v62 =	vshrl.u32 v23, $0x1;
	[tilespmem:v5+s18+$0x0] =	vst.idx.add.s32.msk vm0, v25  }
0x29e: {  	v6 =	vand.u32 $0x7FFFF800, v61;
	v4 =	vor.u32 v59, v11;
	v3 =	vand.u32 $0x3FF, v3;
	[tilespmem:v12+s20+$0x0] =	vst.idx.add.s32.msk $0xffff, v1  }
0x29f: {  	v63 =	vand.u32 $0x7FFFF800, v62;
	v3 =	vor.u32 v3, v6;
	v2 =	vand.u32 $0x3FF, v2;
	[tilespmem:v52+s20+$0x0] =	vst.idx.add.s32.msk $0xffff, v1  }
0x2a0: {  	v2 =	vor.u32 v2, v63;
	[tilespmem:v9+s20+$0x0] =	vst.idx.add.s32.msk $0xffff, v1  }
0x2a1: {  	[tilespmem:v7+s20+$0x0] =	vst.idx.add.s32.msk $0xffff, v1  }
0x2a2: {  	[tilespmem:v60+s20+$0x0] =	vst.idx.add.s32.msk $0xffff, v1  }
0x2a3: {  	[tilespmem:v4+s20+$0x0] =	vst.idx.add.s32.msk $0xffff, v1  }
0x2a4: {  	[tilespmem:v3+s20+$0x0] =	vst.idx.add.s32.msk $0xffff, v1  }
0x2a5: {  	s28 =	simm.s32 $0x0;
	s30 =	simm.s32 $0x0;
	[tilespmem:v2+s20+$0x0] =	vst.idx.add.s32.msk $0xffff, v1  }
.LBB2_19:
0x2a6: {  	s29 =	sshra.s32 s28, $0x2  }
0x2a7: {  	s0 =	sand.u32 $0x7C0, s26;
	v2 =	vld [tilespmem:s29+$0x10000]  }
0x2a8: {  	v3 =	vld [tilespmem:s0+$0x10800]  }
0x2a9: {  	v4 =	vld [tilespmem:s0+$0x11000]  }
0x2aa: {  	v5 =	vld [tilespmem:s0+$0x11800]  }
0x2ab: {  	v6 =	vld [tilespmem:s0+$0x12000]  }
0x2ac: {  	v7 =	vld [tilespmem:s0+$0x12800];
	_ =	sdelay $0x1  }
0x2ad: {  	v8 =	vld [tilespmem:s0+$0x13000]  }
0x2ae: {  	v9 =	vld [tilespmem:s0+$0x13800];
	v3 =	vadd.s32 v2, v3  }
0x2af: {  	v4 =	vadd.s32 v4, v3  }
0x2b0: {  	v7 =	vadd.s32 v6, v7;
	v5 =	vadd.s32 v5, v4  }
0x2b1: {  	v7 =	vadd.s32 v5, v7  }
0x2b2: {  	v10 =	vadd.s32 v8, v7  }
0x2b3: {  	v9 =	vadd.s32 v9, v10  }
0x2b4: {  	(xrf0) =	vadd.scan.msk.s32 $0xffff, v9;
	_ =	sdelay $0x5  }
0x2b5: {  	v41, _, _ =	vpop (xrf0)  }
0x2b6: {  	v9 =	vsub.s32 v41, v9  }
0x2b7: {  	[tilespmem:s29+$0x10000] =	vst v0;
	v9 =	vadd.s32 s30, v9  }
0x2b8: {  	[tilespmem:s29+$0x14000] =	vst v9;
	v2 =	vadd.s32 v2, v9  }
0x2b9: {  	[tilespmem:s29+$0x14800] =	vst v2;
	v2 =	vadd.s32 v3, v9  }
0x2ba: {  	[tilespmem:s29+$0x15000] =	vst v2;
	v2 =	vadd.s32 v9, v4  }
0x2bb: {  	[tilespmem:s29+$0x15800] =	vst v2;
	v2 =	vadd.s32 v5, v9  }
0x2bc: {  	[tilespmem:s29+$0x16000] =	vst v2;
	v2 =	vadd.s32 v6, v2  }
0x2bd: {  	[tilespmem:s29+$0x16800] =	vst v2;
	v2 =	vadd.s32 v7, v9  }
0x2be: {  	[tilespmem:s29+$0x17000] =	vst v2;
	v2 =	vadd.s32 v8, v2  }
0x2bf: {  	[tilespmem:s29+$0x17800] =	vst v2  }
0x2c0: {  	[tilespmem:s0+$0x10800] =	vst v0  }
0x2c1: {  	[tilespmem:s0+$0x11000] =	vst v0  }
0x2c2: {  	[tilespmem:s0+$0x11800] =	vst v0  }
0x2c3: {  	[tilespmem:s0+$0x12000] =	vst v0  }
0x2c4: {  	[tilespmem:s0+$0x12800] =	vst v0  }
0x2c5: {  	[tilespmem:s0+$0x13000] =	vst v0  }
0x2c6: {  	[tilespmem:s0+$0x13800] =	vst v0  }
0x2c7: {  	v2 =	vld [tilespmem:s29+$0x10010]  }
0x2c8: {  	v3 =	vld [tilespmem:s29+$0x10810]  }
0x2c9: {  	v42 =	vld [tilespmem:s29+$0x11010]  }
0x2ca: {  	v43 =	vld [tilespmem:s29+$0x11810]  }
0x2cb: {  	v44 =	vld [tilespmem:s29+$0x12010]  }
0x2cc: {  	(v2sf) =	vpush v41, $0xF;
	v45 =	vld [tilespmem:s29+$0x12810];
	_ =	sdelay $0x1  }
0x2cd: {  	v46 =	vld [tilespmem:s29+$0x13010]  }
0x2ce: {  	v47 =	vld [tilespmem:s29+$0x13810];
	v3 =	vadd.s32 v2, v3  }
0x2cf: {  	v4 =	vadd.s32 v42, v3  }
0x2d0: {  	v7 =	vadd.s32 v44, v45;
	v5 =	vadd.s32 v43, v4  }
0x2d1: {  	v7 =	vadd.s32 v5, v7  }
0x2d2: {  	v49 =	vld [tilespmem:s29+$0x10020];
	v48 =	vadd.s32 v46, v7  }
0x2d3: {  	v11 =	vld [tilespmem:s29+$0x10820];
	v9 =	vadd.s32 v47, v48  }
0x2d4: {  	v12 =	vld [tilespmem:s29+$0x11020];
	(xrf0) =	vadd.scan.msk.s32 $0xffff, v9  }
0x2d5: {  	v13 =	vld [tilespmem:s29+$0x11820]  }
0x2d6: {  	v15 =	vld [tilespmem:s29+$0x12020]  }
0x2d7: {  	v16 =	vld [tilespmem:s29+$0x12820]  }
0x2d8: {  	[tilespmem:s29+$0x10010] =	vst v0  }
0x2d9: {  	v17 =	vld [tilespmem:s29+$0x13020];
	[tilespmem:s29+$0x10810] =	vst v0  }
0x2da: {  	v18 =	vld [tilespmem:s29+$0x13820];
	[tilespmem:s29+$0x11010] =	vst v0;
	s3 =	spop (v2sf);
	v11 =	vadd.s32 v49, v11;
	v14, _, _ =	vpop (xrf0)  }
0x2db: {  	[tilespmem:s29+$0x11810] =	vst v0;
	s0 =	sadd.s32 s30, s3;
	v12 =	vadd.s32 v12, v11;
	(v2sf) =	vpush v14, $0xF;
	v9 =	vsub.s32 v14, v9  }
0x2dc: {  	[tilespmem:s29+$0x12010] =	vst v0;
	v50 =	vadd.s32 v15, v16;
	v13 =	vadd.s32 v13, v12;
	v9 =	vadd.s32 s0, v9  }
0x2dd: {  	[tilespmem:s29+$0x12810] =	vst v0;
	v14 =	vadd.s32 v13, v50;
	v2 =	vadd.s32 v2, v9  }
0x2de: {  	v51 =	vadd.s32 v17, v14;
	v3 =	vadd.s32 v3, v9;
	[tilespmem:s29+$0x14810] =	vst v2  }
0x2df: {  	v2 =	vadd.s32 v18, v51;
	[tilespmem:s29+$0x15010] =	vst v3;
	v3 =	vadd.s32 v9, v4  }
0x2e0: {  	(xrf0) =	vadd.scan.msk.s32 $0xffff, v2;
	[tilespmem:s29+$0x15810] =	vst v3;
	v3 =	vadd.s32 v5, v9  }
0x2e1: {  	[tilespmem:s29+$0x16010] =	vst v3;
	v3 =	vadd.s32 v44, v3  }
0x2e2: {  	v52 =	vld [tilespmem:s29+$0x10030];
	[tilespmem:s29+$0x16810] =	vst v3;
	v3 =	vadd.s32 v7, v9  }
0x2e3: {  	v54 =	vld [tilespmem:s29+$0x10830];
	[tilespmem:s29+$0x17010] =	vst v3;
	v3 =	vadd.s32 v46, v3  }
0x2e4: {  	v56 =	vld [tilespmem:s29+$0x11030];
	[tilespmem:s29+$0x13010] =	vst v0  }
0x2e5: {  	v58 =	vld [tilespmem:s29+$0x11830];
	[tilespmem:s29+$0x13810] =	vst v0  }
0x2e6: {  	v59 =	vld [tilespmem:s29+$0x12030];
	[tilespmem:s29+$0x17810] =	vst v3;
	v3, _, _ =	vpop (xrf0)  }
0x2e7: {  	[tilespmem:s29+$0x10020] =	vst v0;
	v2 =	vsub.s32 v3, v2;
	(v2sf) =	vpush v3, $0xF;
	v3 =	vld [tilespmem:s29+$0x12830]  }
0x2e8: {  	[tilespmem:s29+$0x10820] =	vst v0  }
0x2e9: {  	v61 =	vld [tilespmem:s29+$0x13030];
	[tilespmem:s29+$0x11020] =	vst v0  }
0x2ea: {  	v62 =	vld [tilespmem:s29+$0x13830];
	[tilespmem:s29+$0x11820] =	vst v0;
	v6 =	vadd.s32 v52, v54;
	s3 =	spop (v2sf)  }
0x2eb: {  	[tilespmem:s29+$0x12020] =	vst v0;
	v7 =	vadd.s32 v56, v6;
	s0 =	sadd.s32 s0, s3  }
0x2ec: {  	[tilespmem:s29+$0x12820] =	vst v0;
	v8 =	vadd.s32 v58, v7;
	v3 =	vadd.s32 v59, v3;
	v2 =	vadd.s32 s0, v2  }
0x2ed: {  	[tilespmem:s29+$0x13020] =	vst v0;
	v3 =	vadd.s32 v8, v3;
	v60 =	vadd.s32 v13, v2  }
0x2ee: {  	[tilespmem:s29+$0x14010] =	vst v9;
	v63 =	vadd.s32 v61, v3;
	v9 =	vadd.s32 v15, v60  }
0x2ef: {  	[tilespmem:s29+$0x16820] =	vst v9;
	v9 =	vadd.s32 v62, v63  }
0x2f0: {  	[tilespmem:s29+$0x13820] =	vst v0;
	(xrf0) =	vadd.scan.msk.s32 $0xffff, v9  }
0x2f1: {  	[tilespmem:s29+$0x10030] =	vst v0;
	v53 =	vadd.s32 v49, v2  }
0x2f2: {  	v55 =	vadd.s32 v11, v2;
	v57 =	vadd.s32 v2, v12;
	[tilespmem:s29+$0x14020] =	vst v2;
	v2 =	vadd.s32 v14, v2  }
0x2f3: {  	[tilespmem:s29+$0x17020] =	vst v2;
	v2 =	vadd.s32 v17, v2  }
0x2f4: {  	[tilespmem:s29+$0x10830] =	vst v0  }
0x2f5: {  	[tilespmem:s29+$0x11030] =	vst v0  }
0x2f6: {  	[tilespmem:s29+$0x17820] =	vst v2;
	v2, _, _ =	vpop (xrf0)  }
0x2f7: {  	[tilespmem:s29+$0x11830] =	vst v0;
	s31 =	spop (v2sf);
	(v2sf) =	vpush v2, $0xF  }
0x2f8: {  	[tilespmem:s29+$0x12030] =	vst v0  }
0x2f9: {  	[tilespmem:s29+$0x13030] =	vst v0  }
0x2fa: {  	[tilespmem:s29+$0x13830] =	vst v0  }
0x2fb: {  	[tilespmem:s29+$0x12830] =	vst v0  }
0x2fc: {  	[tilespmem:s29+$0x14820] =	vst v53  }
0x2fd: {  	[tilespmem:s29+$0x15020] =	vst v55  }
0x2fe: {  	[tilespmem:s29+$0x15820] =	vst v57;
	s0 =	sadd.s32 s0, s31;
	v9 =	vsub.s32 v2, v9  }
0x2ff: {  	[tilespmem:s29+$0x16020] =	vst v60;
	v9 =	vadd.s32 s0, v9  }
0x300: {  	[tilespmem:s29+$0x14030] =	vst v9;
	v2 =	vadd.s32 v52, v9  }
0x301: {  	[tilespmem:s29+$0x14830] =	vst v2;
	v2 =	vadd.s32 v6, v9  }
0x302: {  	p0 =	sne.s32 s28, $0x1F00;
	[tilespmem:s29+$0x15030] =	vst v2;
	v2 =	vadd.s32 v9, v7  }
.Ltmp11:
0x303: {  	[tilespmem:s29+$0x15830] =	vst v2;
	v2 =	vadd.s32 v8, v9;
	(pc) =	sbr.rel @p0 .LBB2_19-.Ltmp11, $4  }
0x304: {  	[tilespmem:s29+$0x16030] =	vst v2;
	v2 =	vadd.s32 v59, v2  }
0x305: {  	[tilespmem:s29+$0x16830] =	vst v2;
	v2 =	vadd.s32 v3, v9  }
0x306: {  	[tilespmem:s29+$0x17030] =	vst v2;
	v2 =	vadd.s32 v61, v2;
	s31 =	spop (v2sf)  }
0x307: {  	s26 =	sadd.s32 $0x40, s26;
	s28 =	sadd.s32 $0x100, s28;
	[tilespmem:s29+$0x17830] =	vst v2;
	s30 =	sadd.s32 s0, s31  }
0x308: {  	v14 =	vld [tilespmem:$0x0]  }
0x309: {  	v16 =	vld [tilespmem:$0x1000]  }
0x30a: {  	v18 =	vld [tilespmem:$0x2000]  }
0x30b: {  	v19 =	vld [tilespmem:$0x3000]  }
0x30c: {  	v21 =	vld [tilespmem:$0x4000]  }
0x30d: {  	v23 =	vld [tilespmem:$0x5000]  }
0x30e: {  	v24 =	vld [tilespmem:$0x6000]  }
0x30f: {  	s26 =	simm.s32 $0x10;
	v25 =	vld [tilespmem:$0x7000];
	s28 =	simm.s32 $0x10  }
.LBB2_21:
0x310: {  	v10 =	vshrl.u32 v19, $0x14;
	p0 =	seq.s32 s28, $0x1000  }
.Ltmp12:
0x311: {  	v12 =	vshrl.u32 v18, $0x14;
	v15 =	vshrl.u32 v16, $0x14;
	v20 =	vshrl.u32 v14, $0x14;
	(pc) =	sbr.rel @p0 .LBB2_23-.Ltmp12, $4  }
0x312: {  	v11 =	vand.u32 $0x3FF, v19;
	v13 =	vand.u32 $0x3FF, v18;
	v17 =	vand.u32 $0x3FF, v16  }
0x313: {  	v22 =	vand.u32 $0x3FF, v14;
	v8 =	vshrl.u32 v21, $0x14;
	v9 =	vand.u32 $0x3FF, v21  }
0x314: {  	v5 =	vshrl.u32 v23, $0x14;
	v7 =	vand.u32 $0x3FF, v23;
	v3 =	vshrl.u32 v24, $0x14  }
0x315: {  	v6 =	vand.u32 $0x3FF, v24;
	v2 =	vshrl.u32 v25, $0x14;
	v4 =	vand.u32 $0x3FF, v25  }
0x316: {  	(xrf1) =	vunique.msk.u32 $0xffff, v22;
	_ =	sdelay $0x1  }
0x317: {  	(xrf1) =	vunique.msk.u32 $0xffff, v17;
	_ =	sdelay $0x1  }
0x318: {  	(xrf1) =	vunique.msk.u32 $0xffff, v13;
	_ =	sdelay $0x1  }
0x319: {  	v14 =	vld [tilespmem:s26+$0x0];
	(xrf1) =	vunique.msk.u32 $0xffff, v11  }
0x31a: {  	v26 =	vld.idx.msk [tilespmem:v22+s11+$0x0], $0xffff  }
0x31b: {  	v27 =	vld.idx.msk [tilespmem:v17+s12+$0x0], $0xffff;
	(xrf1) =	vunique.msk.u32 $0xffff, v9  }
0x31c: {  	v29 =	vld.idx.msk [tilespmem:v13+s13+$0x0], $0xffff  }
0x31d: {  	v31 =	vld.idx.msk [tilespmem:v11+s14+$0x0], $0xffff;
	(xrf1) =	vunique.msk.u32 $0xffff, v7  }
0x31e: {  	v32 =	vld.idx.msk [tilespmem:v9+s15+$0x0], $0xffff  }
0x31f: {  	v34 =	vld.idx.msk [tilespmem:v7+s16+$0x0], $0xffff;
	(xrf1) =	vunique.msk.u32 $0xffff, v6  }
0x320: {  	v35 =	vld.idx.msk [tilespmem:v6+s17+$0x0], $0xffff  }
0x321: {  	s0 =	sand.u32 $0x1FF0, s28;
	v37 =	vld.idx.msk [tilespmem:v4+s18+$0x0], $0xffff;
	_, v28, vm0 =	vpop (xrf1);
	(xrf1) =	vunique.msk.u32 $0xffff, v4  }
0x322: {  	v16 =	vld [tilespmem:s0+$0x1000];
	v26 =	vadd.s32 v26, v28  }
0x323: {  	v18 =	vld [tilespmem:s0+$0x2000];
	_, v30, vm1 =	vpop (xrf1);
	v26 =	vadd.s32 $0xFFFFFFFF, v26  }
0x324: {  	v19 =	vld [tilespmem:s0+$0x3000];
	v27 =	vadd.s32 v27, v30  }
0x325: {  	v21 =	vld [tilespmem:s0+$0x4000];
	_, v33, vm2 =	vpop (xrf1);
	v27 =	vadd.s32 $0xFFFFFFFF, v27  }
0x326: {  	v23 =	vld [tilespmem:s0+$0x5000];
	v29 =	vadd.s32 v29, v33  }
0x327: {  	v24 =	vld [tilespmem:s0+$0x6000];
	_, v36, vm3 =	vpop (xrf1);
	v29 =	vadd.s32 $0xFFFFFFFF, v29  }
0x328: {  	v25 =	vld [tilespmem:s0+$0x7000];
	v31 =	vadd.s32 v31, v36;
	[tilespmem:v26+s19+$0x0] =	vst.idx.msk $0xffff, v20  }
0x329: {  	_, v20, vm4 =	vpop (xrf1);
	v26 =	vadd.s32 $0xFFFFFFFF, v31;
	[tilespmem:v22+s11+$0x0] =	vst.idx.add.s32.msk vm0, v28  }
0x32a: {  	v22 =	vadd.s32 v32, v20;
	[tilespmem:v27+s19+$0x0] =	vst.idx.msk $0xffff, v15  }
0x32b: {  	_, v15, vm13 =	vpop (xrf1);
	v22 =	vadd.s32 $0xFFFFFFFF, v22;
	[tilespmem:v17+s12+$0x0] =	vst.idx.add.s32.msk vm1, v30  }
0x32c: {  	v17 =	vadd.s32 v34, v15;
	[tilespmem:v29+s19+$0x0] =	vst.idx.msk $0xffff, v12  }
0x32d: {  	_, v12, vm14 =	vpop (xrf1);
	v17 =	vadd.s32 $0xFFFFFFFF, v17;
	[tilespmem:v13+s13+$0x0] =	vst.idx.add.s32.msk vm2, v33  }
0x32e: {  	v13 =	vadd.s32 v35, v12;
	[tilespmem:v26+s19+$0x0] =	vst.idx.msk $0xffff, v10  }
0x32f: {  	v13 =	vadd.s32 $0xFFFFFFFF, v13;
	_, v61, vm15 =	vpop (xrf1);
	[tilespmem:v11+s14+$0x0] =	vst.idx.add.s32.msk vm3, v36  }
0x330: {  	v62 =	vadd.s32 v37, v61;
	[tilespmem:v22+s19+$0x0] =	vst.idx.msk $0xffff, v8  }
0x331: {  	v63 =	vadd.s32 $0xFFFFFFFF, v62;
	[tilespmem:v9+s15+$0x0] =	vst.idx.add.s32.msk vm4, v20  }
0x332: {  	[tilespmem:v17+s19+$0x0] =	vst.idx.msk $0xffff, v5  }
.Ltmp13:
0x333: {  	[tilespmem:v7+s16+$0x0] =	vst.idx.add.s32.msk vm13, v15;
	(pc) =	sbr.rel .LBB2_21-.Ltmp13, $4  }
0x334: {  	[tilespmem:v13+s19+$0x0] =	vst.idx.msk $0xffff, v3  }
0x335: {  	[tilespmem:v6+s17+$0x0] =	vst.idx.add.s32.msk vm14, v12  }
0x336: {  	[tilespmem:v63+s19+$0x0] =	vst.idx.msk $0xffff, v2  }
0x337: {  	s28 =	sadd.s32 $0x10, s28;
	s26 =	sadd.s32 $0x10, s26;
	[tilespmem:v4+s18+$0x0] =	vst.idx.add.s32.msk vm15, v61  }
.LBB2_23:
0x338: {  	(xrf1) =	vunique.msk.u32 $0xffff, v22;
	_ =	sdelay $0x1  }
0x339: {  	(xrf1) =	vunique.msk.u32 $0xffff, v17;
	_ =	sdelay $0x1  }
0x33a: {  	(xrf1) =	vunique.msk.u32 $0xffff, v13;
	_ =	sdelay $0x1  }
0x33b: {  	(xrf1) =	vunique.msk.u32 $0xffff, v11;
	_ =	sdelay $0x1  }
0x33c: {  	(xrf1) =	vunique.msk.u32 $0xffff, v9;
	_ =	sdelay $0x1  }
0x33d: {  	v14 =	vld.idx.msk [tilespmem:v22+s11+$0x0], $0xffff;
	(xrf1) =	vunique.msk.u32 $0xffff, v7;
	_ =	sdelay $0x1  }
0x33e: {  	v16 =	vld.idx.msk [tilespmem:v17+s12+$0x0], $0xffff;
	(xrf1) =	vunique.msk.u32 $0xffff, v6;
	_ =	sdelay $0x1  }
0x33f: {  	v19 =	vld.idx.msk [tilespmem:v13+s13+$0x0], $0xffff;
	_, v18, vm0 =	vpop (xrf1);
	(xrf1) =	vunique.msk.u32 $0xffff, v4  }
0x340: {  	v14 =	vadd.s32 v14, v18  }
0x341: {  	v23 =	vld.idx.msk [tilespmem:v11+s14+$0x0], $0xffff;
	_, v21, vm1 =	vpop (xrf1);
	v14 =	vadd.s32 $0xFFFFFFFF, v14  }
0x342: {  	v16 =	vadd.s32 v16, v21  }
0x343: {  	v24 =	vld.idx.msk [tilespmem:v9+s15+$0x0], $0xffff;
	_, v25, vm2 =	vpop (xrf1);
	v16 =	vadd.s32 $0xFFFFFFFF, v16  }
0x344: {  	v26 =	vld.idx.msk [tilespmem:v7+s16+$0x0], $0xffff;
	v19 =	vadd.s32 v19, v25  }
0x345: {  	v27 =	vld.idx.msk [tilespmem:v6+s17+$0x0], $0xffff;
	_, v28, vm3 =	vpop (xrf1);
	v19 =	vadd.s32 $0xFFFFFFFF, v19  }
0x346: {  	v29 =	vld.idx.msk [tilespmem:v4+s18+$0x0], $0xffff;
	v23 =	vadd.s32 v23, v28;
	[tilespmem:v14+s19+$0x0] =	vst.idx.msk $0xffff, v20  }
0x347: {  	_, v53, vm4 =	vpop (xrf1);
	v54 =	vadd.s32 $0xFFFFFFFF, v23;
	[tilespmem:v22+s11+$0x0] =	vst.idx.add.s32.msk vm0, v18  }
0x348: {  	v55 =	vadd.s32 v24, v53;
	[tilespmem:v16+s19+$0x0] =	vst.idx.msk $0xffff, v15  }
0x349: {  	_, v56, vm13 =	vpop (xrf1);
	v57 =	vadd.s32 $0xFFFFFFFF, v55;
	[tilespmem:v17+s12+$0x0] =	vst.idx.add.s32.msk vm1, v21  }
0x34a: {  	v58 =	vadd.s32 v26, v56;
	[tilespmem:v19+s19+$0x0] =	vst.idx.msk $0xffff, v12  }
0x34b: {  	_, v59, vm14 =	vpop (xrf1);
	v17 =	vadd.s32 $0xFFFFFFFF, v58;
	[tilespmem:v13+s13+$0x0] =	vst.idx.add.s32.msk vm2, v25  }
0x34c: {  	v60 =	vadd.s32 v27, v59;
	[tilespmem:v54+s19+$0x0] =	vst.idx.msk $0xffff, v10  }
0x34d: {  	v13 =	vadd.s32 $0xFFFFFFFF, v60;
	_, v61, vm15 =	vpop (xrf1);
	[tilespmem:v11+s14+$0x0] =	vst.idx.add.s32.msk vm3, v28  }
0x34e: {  	v62 =	vadd.s32 v29, v61;
	[tilespmem:v57+s19+$0x0] =	vst.idx.msk $0xffff, v8  }
0x34f: {  	v63 =	vadd.s32 $0xFFFFFFFF, v62;
	[tilespmem:v9+s15+$0x0] =	vst.idx.add.s32.msk vm4, v53  }
0x350: {  	[tilespmem:v17+s19+$0x0] =	vst.idx.msk $0xffff, v5  }
0x351: {  	p0 =	seq.s32 s23, $0x3;
	[tilespmem:v7+s16+$0x0] =	vst.idx.add.s32.msk vm13, v56  }
.Ltmp14:
0x352: {  	[tilespmem:v13+s19+$0x0] =	vst.idx.msk $0xffff, v3;
	(pc) =	sbr.rel @p0 .LBB2_25-.Ltmp14, $4  }
0x353: {  	[tilespmem:v6+s17+$0x0] =	vst.idx.add.s32.msk vm14, v59  }
0x354: {  	[tilespmem:v63+s19+$0x0] =	vst.idx.msk $0xffff, v2  }
0x355: {  	s0 =	sadd.s32 s25, s6;
	[tilespmem:v4+s18+$0x0] =	vst.idx.add.s32.msk vm15, v61  }
0x356: {  	[hbm4b:s0+s8] =	stream.strided.scatter [tilespmem:s19], [sflag:$0x2], $0x8000, s9, s8, $0x38;
	[tilespmem:$0x18000] =	vst v63  }
0x357: {  	s0 =	sadd.s32 $0x1, s24  }
.Ltmp15:
0x358: {  	s3 =	sshll.u32 s0, $0x4;
	(pc) =	sbr.rel .LBB2_4-.Ltmp15, $4  }
0x359: {  	s0 =	sshll.u32 s0, $0xC;
	s3 =	sand.u32 $0x70, s3  }
0x35a: {  	s0 =	sand.u32 $0xFFF8000, s0;
	s3 =	sadd.s32 s1, s3  }
0x35b: {  	s23 =	sadd.s32 $0x1, s23;
	s0 =	sadd.s32 s0, s3  }
0x35c: {  	[tilespmem:s2], [sflag:$0x1] =	stream.strided.gather [hbm4b:s0+s8], $0x8000, s9, s8, $0x38;
	[tilespmem:$0x18000] =	vst v63  }
.LBB2_26:
0x35d: {  	_ =	sfence.sel $0x180000  }
0x35e: {  	[bflag:$0x0] =	sbarrier.arrive $0xFFFF  }
0x35f: {  	_ =	strace $0x90000047  }
0x360: {  	s0 =	stileid.u32;
	[bflag:$0x2] =	sbarrier.arrive $0xFFFF  }
0x361: {  	p0 =	sne.s32 s0, $0x0;
	s0 =	rddreg [dreg:$0x2]  }
0x362: {  	s0 =	sadd.s32 @!p0 $0x100000, s0  }
0x363: {  	[sflag:s0] =	ssyncadd.tile.s32 @!p0 $0x1;
	_ =	shalt  }
.Lfunc_end2:
_tile_overlayer_lowered:
.L_overlay_start_2:
0x364: {  	(tag) =	ssettag $0x2  }
0x365: {  	s0 =	rddreg [dreg:$0x0];
	s2 =	stileid.u32  }
0x366: {  	s1 =	rddreg [dreg:$0x1];
	p0 =	sne.s32 s2, $0x0  }
0x367: {  	s3 =	rddreg [dreg:$0x2];
	[bflag:$0x3] =	sbarrier.arrive $0xFFFF;
	s2 =	simm.s32 @!p0 $0x1C03  }
0x368: {  	[timem:s3], [sflag:s2] =	dma.local @!p0 [hbm:s0], s1  }
0x369: {  	s0 =	simm.s32 @!p0 $0x3  }
0x36a: {  	_ =	swait.ge @!p0 [sflag:s0], s1  }
0x36b: {  	s1 =	ssub.s32 @!p0 $0x0, s1;
	[sflag:s0] =	ssyncset.done @!p0 $0x0  }
0x36c: {  	[sflag:s0] =	ssyncadd.s32 @!p0 s1  }
0x36d: {  	[bflag:$0x3] =	sbarrier.arrive $0xFFFF  }
0x36e: {  	_ =	shalt  }

</sc_bundles>
